<compile_context>
chip_gen: v7x
topology: tpu7x:2x2x1
jax: 0.10.2.dev20260603
libtpu: 0.0.44.dev20260713+nightly
codegen_flags: <defaults>
</compile_context>

<pallas_src>
import functools

import jax
import jax.numpy as jnp
from jax import lax
from jax.experimental import pallas as pl
from jax.experimental.pallas import tpu as pltpu
from jax.experimental.pallas import tpu_sc as plsc


def _make_sc_dots(B, NEG, D, V):
    info = plsc.get_sparse_core_info()
    NC, NS, L = info.num_cores, info.num_subcores, info.num_lanes
    NW = NC * NS
    bpw = B // NW
    RW = bpw * L // 128

    mesh = plsc.VectorSubcoreMesh(core_axis_name="c", subcore_axis_name="s")

    @functools.partial(
        pl.kernel,
        mesh=mesh,
        out_type=(
            jax.ShapeDtypeStruct((B, L), jnp.float32),
            jax.ShapeDtypeStruct((NEG, B * L // 128, 128), jnp.float32),
        ),
        scratch_types=[
            pltpu.VMEM((bpw,), jnp.int32),
            pltpu.VMEM((bpw,), jnp.int32),
            pltpu.VMEM((NEG, bpw), jnp.int32),
            pltpu.VMEM((bpw, 128), jnp.float32),
            pltpu.VMEM((bpw, 128), jnp.float32),
            pltpu.VMEM((bpw, 128), jnp.float32),
            pltpu.VMEM((bpw, 128), jnp.float32),
            pltpu.VMEM((bpw, L), jnp.float32),
            pltpu.VMEM((NEG, RW, 128), jnp.float32),
            pltpu.SemaphoreType.DMA,
            pltpu.SemaphoreType.DMA,
            pltpu.SemaphoreType.DMA,
            pltpu.SemaphoreType.DMA,
        ],
    )
    def sc_dots(cw, ctw, negT, tab, corr_out, negd_out,
                idx_v, idx_v2, idxn_v, rows_c, rows_x, rows_n0, rows_n1,
                corr_v, negd_v, semA, semB, sem0, sem1):
        wid = lax.axis_index("s") * NC + lax.axis_index("c")
        base = wid * bpw

        pltpu.sync_copy(cw.at[pl.ds(base, bpw)], idx_v)
        cpc = pltpu.async_copy(tab.at[idx_v], rows_c, semA)
        pltpu.sync_copy(ctw.at[pl.ds(base, bpw)], idx_v2)
        cpx = pltpu.async_copy(tab.at[idx_v2], rows_x, semB)
        pltpu.sync_copy(negT.at[:, pl.ds(base, bpw)], idxn_v)

        nbufs = (rows_n0, rows_n1)
        nsems = (sem0, sem1)
        pltpu.async_copy(tab.at[idxn_v.at[0]], rows_n0, sem0)
        pltpu.async_copy(tab.at[idxn_v.at[1]], rows_n1, sem1)

        def sample_partial(ra, oa, ia, rb, ob, ib):
            acc = None
            for j in range(D // L):
                pa = (ra[ia, pl.ds(oa + j * L, L)] *
                      rb[ib, pl.ds(ob + j * L, L)])
                acc = pa if acc is None else acc + pa
            return acc

        cpc.wait()
        cpx.wait()

        def corr_body(g, carry):
            for u in range(L):
                i = g * L + u
                corr_v[i, :] = sample_partial(rows_c, 0, i, rows_x, D, i)
            return carry

        lax.fori_loop(0, bpw // L, corr_body, 0)

        def kk_body(kk, carry):
            for b in range(2):
                k = 2 * kk + b
                buf = nbufs[b]
                pltpu.make_async_copy(tab.at[idxn_v.at[0]], buf,
                                      nsems[b]).wait()

                def gbody(g, c2, k=k, buf=buf):
                    for u in range(L):
                        i = g * L + u
                        p = sample_partial(buf, D, i, rows_c, 0, i)
                        negd_v[k, i // 8, pl.ds((i % 8) * L, L)] = p
                    return c2

                lax.fori_loop(0, bpw // L, gbody, 0)

                @pl.when(k + 2 < NEG)
                def _(k=k, b=b, buf=buf):
                    pltpu.async_copy(tab.at[idxn_v.at[k + 2]], buf, nsems[b])

            return carry

        lax.fori_loop(0, NEG // 2, kk_body, 0)

        pltpu.sync_copy(corr_v, corr_out.at[pl.ds(base, bpw), :])
        pltpu.sync_copy(negd_v, negd_out.at[:, pl.ds(wid * RW, RW), :])

    return sc_dots


def _make_tc_pack(V, D, VB=12800):
    grid = pl.cdiv(V, VB)

    def body(ct_ref, xt_ref, out_ref):
        eye = (lax.broadcasted_iota(jnp.int32, (D, D), 0) ==
               lax.broadcasted_iota(jnp.int32, (D, D), 1)).astype(jnp.float32)
        dn = (((0,), (0,)), ((), ()))
        ct = lax.dot_general(ct_ref[:, :], eye, dn,
                             preferred_element_type=jnp.float32)
        xt = lax.dot_general(xt_ref[:, :], eye, dn,
                             preferred_element_type=jnp.float32)
        out_ref[:, 0:D] = ct
        out_ref[:, D:2 * D] = xt

    return pl.pallas_call(
        body,
        grid=(grid,),
        in_specs=[
            pl.BlockSpec((D, VB), lambda i: (0, i)),
            pl.BlockSpec((D, VB), lambda i: (0, i)),
        ],
        out_specs=pl.BlockSpec((VB, 2 * D), lambda i: (i, 0)),
        out_shape=jax.ShapeDtypeStruct((V, 2 * D), jnp.float32),
    )


def _logsig(x):
    return jnp.minimum(x, 0.0) - jnp.log1p(jnp.exp(-jnp.abs(x)))


def _make_tc_broadcast(B, NEG, L, TIL=512):
    grid = B // TIL
    R = B * L // 128

    def body(corr_hbm, negd_hbm, out_ref, corr_v, negd_v, a_s, b_s, sem):
        t = pl.program_id(0)

        @pl.when(t == 0)
        def _():
            cp1 = pltpu.make_async_copy(corr_hbm, corr_v, sem)
            cp1.start()
            cp1.wait()
            cp2 = pltpu.make_async_copy(negd_hbm, negd_v, sem)
            cp2.start()
            cp2.wait()

            ones_l = jnp.ones((L, 1), jnp.float32)
            cd = jnp.dot(corr_v[:, :], ones_l,
                         preferred_element_type=jnp.float32)
            a_s[:, :] = _logsig(cd)

            fold = (lax.broadcasted_iota(jnp.int32, (128, 8), 0) // L ==
                    lax.broadcasted_iota(jnp.int32, (128, 8), 1)
                    ).astype(jnp.float32)
            nd = jnp.dot(jnp.reshape(negd_v[:, :, :], (NEG * R, 128)), fold,
                         preferred_element_type=jnp.float32)
            nl = _logsig(nd)
            b8 = nl[0:R, :]
            for k in range(1, NEG):
                b8 = b8 + nl[k * R:(k + 1) * R, :]
            e8 = (lax.broadcasted_iota(jnp.int32, (8, 128), 1) % 8 ==
                  lax.broadcasted_iota(jnp.int32, (8, 128), 0)
                  ).astype(jnp.float32)
            bex = jnp.dot(b8, e8,
                          preferred_element_type=jnp.float32)
            lmask = (lax.broadcasted_iota(jnp.int32, (R, 128), 1) // 8 ==
                     lax.broadcasted_iota(jnp.int32, (R, 128), 0) % L
                     ).astype(jnp.float32)
            mq = (lax.broadcasted_iota(jnp.int32, (32, R), 1) // L ==
                  lax.broadcasted_iota(jnp.int32, (32, R), 0)
                  ).astype(jnp.float32)
            b32 = jnp.dot(mq, bex * lmask,
                          preferred_element_type=jnp.float32)
            b_s[:, :, :] = b32[None, :, :]

        a_blk = a_s[pl.ds(t * TIL, TIL), :]
        out_ref[:, :, :] = -(a_blk[:, :, None] + b_s[:, :, :])

    return pl.pallas_call(
        body,
        grid=(grid,),
        in_specs=[
            pl.BlockSpec(memory_space=pl.ANY),
            pl.BlockSpec(memory_space=pl.ANY),
        ],
        out_specs=pl.BlockSpec((TIL, 32, 128), lambda i: (i, 0, 0)),
        out_shape=jax.ShapeDtypeStruct((B, 32, 128), jnp.float32),
        scratch_shapes=[
            pltpu.VMEM((B, L), jnp.float32),
            pltpu.VMEM((NEG, R, 128), jnp.float32),
            pltpu.VMEM((B, 1), jnp.float32),
            pltpu.VMEM((1, 32, 128), jnp.float32),
            pltpu.SemaphoreType.DMA,
        ],
    )


def kernel(center_word, context_word, neg_samples, center_table, context_table):
    B = center_word.shape[0]
    NEG = neg_samples.shape[1]
    V, D = center_table.shape
    L = 16

    tab = _make_tc_pack(V, D)(center_table.T, context_table.T)

    cw = center_word.astype(jnp.int32)
    ctw = context_word.astype(jnp.int32)
    neg_t = neg_samples.T.astype(jnp.int32)

    sc = _make_sc_dots(B, NEG, D, V)
    corr_p, negd_p = sc(cw, ctw, neg_t, tab)

    tc = _make_tc_broadcast(B, NEG, L)
    out = tc(corr_p, negd_p)
    return jnp.reshape(out, (B, B, 1))

# --- scband reference (transcript-rebuilt; emitter-appended) ---
"""Pipeline reference for scband-skip-gram-model-73632919323222 (READ-ONLY COPY).

The authoritative reference and input builder live on the scoring server;
editing this copy changes nothing except your own understanding.
"""

import jax, jax.numpy as jnp
import numpy as np

VOCAB = 100000
EMBED_DIM = 64
BATCH = 4096
NEG = 20


def setup_inputs(seed: int = 0) -> dict:
    key = jax.random.key(seed)
    k1, k2, k3, k4, k5 = jax.random.split(key, 5)
    center_word = jax.random.randint(k1, (BATCH,), 0, VOCAB, dtype=jnp.int64 if jax.config.jax_enable_x64 else jnp.int32)
    context_word = jax.random.randint(k2, (BATCH,), 0, VOCAB, dtype=jnp.int64 if jax.config.jax_enable_x64 else jnp.int32)
    neg_samples = jax.random.randint(k3, (BATCH, NEG), 0, VOCAB, dtype=jnp.int64 if jax.config.jax_enable_x64 else jnp.int32)
    center_table = jax.random.normal(k4, (VOCAB, EMBED_DIM), dtype=jnp.float32)
    context_table = jax.random.normal(k5, (VOCAB, EMBED_DIM), dtype=jnp.float32)
    return {
        "center_word": center_word,
        "context_word": context_word,
        "neg_samples": neg_samples,
        "center_table": center_table,
        "context_table": context_table,
    }


def reference(center_word, context_word, neg_samples, center_table, context_table):
    B = center_word.shape[0]
    # nn.Embedding lookups -> gathers
    center_embed = jnp.take(center_table, center_word, axis=0)      # [B, D]
    context_embed = jnp.take(context_table, context_word, axis=0)   # [B, D]
    # torch.bmm(center.view(B,1,-1), context.view(B,-1,1)) -> [B,1,1]
    correct_log_bdot = jnp.log(jax.nn.sigmoid(
        jnp.matmul(center_embed.reshape(B, 1, -1), context_embed.reshape(B, -1, 1))
    ))                                                               # [B,1,1]
    neg_embed = jnp.take(context_table, neg_samples, axis=0)        # [B, K, D]
    # torch.bmm(neg_embed, center_embed.unsqueeze(2)) -> [B, K, 1]
    incorrect_bdot = jnp.log(jax.nn.sigmoid(
        jnp.matmul(neg_embed, center_embed[:, :, None])
    ))                                                               # [B,K,1]
    # Faithful to torch broadcasting: [B,1,1] + [B,1] -> [B,B,1]
    return -(correct_log_bdot + incorrect_bdot.sum(axis=1))

if __name__ == "__main__":
    import jax
    _d = setup_inputs()
    print(jax.jit(kernel)(*tuple(_d.values())))

</pallas_src>

<mosaic_0001>
#map = affine_map<(d0, d1) -> (0)>
#map1 = affine_map<(d0, d1) -> (0, 0)>
#map2 = affine_map<(d0, d1) -> (0, 0, 0)>
module attributes {stable_mosaic.version = 14 : i64} {
  func.func @sc_dots(%arg0: i32, %arg1: i32, %arg2: memref<4096xi32, #tpu.memory_space<hbm>>, %arg3: memref<4096xi32, #tpu.memory_space<hbm>>, %arg4: memref<20x4096xi32, #tpu.memory_space<hbm>>, %arg5: memref<100000x128xf32, #tpu.memory_space<hbm>>, %arg6: memref<4096x16xf32, #tpu.memory_space<hbm>>, %arg7: memref<20x512x128xf32, #tpu.memory_space<hbm>>, %arg8: memref<128xi32, #tpu.memory_space<vmem>>, %arg9: memref<128xi32, #tpu.memory_space<vmem>>, %arg10: memref<20x128xi32, #tpu.memory_space<vmem>>, %arg11: memref<128x128xf32, #tpu.memory_space<vmem>>, %arg12: memref<128x128xf32, #tpu.memory_space<vmem>>, %arg13: memref<128x128xf32, #tpu.memory_space<vmem>>, %arg14: memref<128x128xf32, #tpu.memory_space<vmem>>, %arg15: memref<128x16xf32, #tpu.memory_space<vmem>>, %arg16: memref<20x16x128xf32, #tpu.memory_space<vmem>>, %arg17: memref<!tpu.dma_semaphore, #tpu.memory_space<semaphore_mem>>, %arg18: memref<!tpu.dma_semaphore, #tpu.memory_space<semaphore_mem>>, %arg19: memref<!tpu.dma_semaphore, #tpu.memory_space<semaphore_mem>>, %arg20: memref<!tpu.dma_semaphore, #tpu.memory_space<semaphore_mem>>) attributes {dimension_semantics = [#tpu.dimension_semantics<core_parallel>, #tpu.dimension_semantics<subcore_parallel>], iteration_bounds = array<i64: 2, 16>, scalar_prefetch = 0 : i64, scratch_operands = 13 : i64, tpu.core_type = #tpu.core_type<sc_vector_subcore>, window_params = [{transform_indices = #map}, {transform_indices = #map}, {transform_indices = #map1}, {transform_indices = #map1}, {transform_indices = #map1}, {transform_indices = #map2}]} {
    %mul3A = arith.constant 2 : i32
    %mul3A_0 = arith.muli %arg1, %mul3A : i32
    %add3A = arith.addi %mul3A_0, %arg0 : i32
    %mul3A_1 = arith.constant 128 : i32
    %mul3A_2 = arith.muli %add3A, %mul3A_1 : i32
    "tpu.region"() ({
      %run_scoped3A = tpu.sem_alloc : memref<!tpu.dma_semaphore, #tpu.memory_space<semaphore_mem>>
      %dma_start3A_40 = tpu.memref_slice %arg2[%mul3A_2] : memref<4096xi32, #tpu.memory_space<hbm>> -> memref<128xi32, #tpu.memory_space<hbm>>
      %dma_start3A_41 = tpu.memref_slice %arg2[%mul3A_2] : memref<4096xi32, #tpu.memory_space<hbm>> -> memref<128xi32, #tpu.memory_space<hbm>>
      tpu.enqueue_dma source(%dma_start3A_41 : memref<128xi32, #tpu.memory_space<hbm>>) target(%arg8 : memref<128xi32, #tpu.memory_space<vmem>>) target_semaphore(%run_scoped3A : memref<!tpu.dma_semaphore, #tpu.memory_space<semaphore_mem>>)
      %dma_wait3A_42 = tpu.memref_slice %arg2[%mul3A_2] : memref<4096xi32, #tpu.memory_space<hbm>> -> memref<128xi32, #tpu.memory_space<hbm>>
      %dma_wait3A_43 = tpu.memref_slice %arg2[%mul3A_2] : memref<4096xi32, #tpu.memory_space<hbm>> -> memref<128xi32, #tpu.memory_space<hbm>>
      tpu.wait_dma2 semaphore(%run_scoped3A : memref<!tpu.dma_semaphore, #tpu.memory_space<semaphore_mem>>) src(%dma_wait3A_43 : memref<128xi32, #tpu.memory_space<hbm>>) dst(%arg8 : memref<128xi32, #tpu.memory_space<vmem>>)
      tpu.yield
    }) : () -> ()
    %dma_start3A = arith.constant 0 : i32
    %dma_start3A_3 = arith.constant 0 : i32
    %dma_start3A_4 = tpu.memref_slice %arg5[%dma_start3A, %dma_start3A_3] : memref<100000x128xf32, #tpu.memory_space<hbm>> -> memref<100000x128xf32, #tpu.memory_space<hbm>>
    tpu.enqueue_indirect_dma source(%dma_start3A_4 : memref<100000x128xf32, #tpu.memory_space<hbm>>) target(%arg11 : memref<128x128xf32, #tpu.memory_space<vmem>>) offsets(%arg8 : memref<128xi32, #tpu.memory_space<vmem>>) semaphore(%arg17 : memref<!tpu.dma_semaphore, #tpu.memory_space<semaphore_mem>>)
    "tpu.region"() ({
      %run_scoped3A = tpu.sem_alloc : memref<!tpu.dma_semaphore, #tpu.memory_space<semaphore_mem>>
      %dma_start3A_40 = tpu.memref_slice %arg3[%mul3A_2] : memref<4096xi32, #tpu.memory_space<hbm>> -> memref<128xi32, #tpu.memory_space<hbm>>
      %dma_start3A_41 = tpu.memref_slice %arg3[%mul3A_2] : memref<4096xi32, #tpu.memory_space<hbm>> -> memref<128xi32, #tpu.memory_space<hbm>>
      tpu.enqueue_dma source(%dma_start3A_41 : memref<128xi32, #tpu.memory_space<hbm>>) target(%arg9 : memref<128xi32, #tpu.memory_space<vmem>>) target_semaphore(%run_scoped3A : memref<!tpu.dma_semaphore, #tpu.memory_space<semaphore_mem>>)
      %dma_wait3A_42 = tpu.memref_slice %arg3[%mul3A_2] : memref<4096xi32, #tpu.memory_space<hbm>> -> memref<128xi32, #tpu.memory_space<hbm>>
      %dma_wait3A_43 = tpu.memref_slice %arg3[%mul3A_2] : memref<4096xi32, #tpu.memory_space<hbm>> -> memref<128xi32, #tpu.memory_space<hbm>>
      tpu.wait_dma2 semaphore(%run_scoped3A : memref<!tpu.dma_semaphore, #tpu.memory_space<semaphore_mem>>) src(%dma_wait3A_43 : memref<128xi32, #tpu.memory_space<hbm>>) dst(%arg9 : memref<128xi32, #tpu.memory_space<vmem>>)
      tpu.yield
    }) : () -> ()
    %dma_start3A_5 = arith.constant 0 : i32
    %dma_start3A_6 = arith.constant 0 : i32
    %dma_start3A_7 = tpu.memref_slice %arg5[%dma_start3A_5, %dma_start3A_6] : memref<100000x128xf32, #tpu.memory_space<hbm>> -> memref<100000x128xf32, #tpu.memory_space<hbm>>
    tpu.enqueue_indirect_dma source(%dma_start3A_7 : memref<100000x128xf32, #tpu.memory_space<hbm>>) target(%arg12 : memref<128x128xf32, #tpu.memory_space<vmem>>) offsets(%arg9 : memref<128xi32, #tpu.memory_space<vmem>>) semaphore(%arg18 : memref<!tpu.dma_semaphore, #tpu.memory_space<semaphore_mem>>)
    "tpu.region"() ({
      %run_scoped3A = tpu.sem_alloc : memref<!tpu.dma_semaphore, #tpu.memory_space<semaphore_mem>>
      %dma_start3A_40 = arith.constant 0 : i32
      %dma_start3A_41 = tpu.memref_slice %arg4[%dma_start3A_40, %mul3A_2] : memref<20x4096xi32, #tpu.memory_space<hbm>> -> memref<20x128xi32, #tpu.memory_space<hbm>>
      %dma_start3A_42 = arith.constant 0 : i32
      %dma_start3A_43 = tpu.memref_slice %arg4[%dma_start3A_42, %mul3A_2] : memref<20x4096xi32, #tpu.memory_space<hbm>> -> memref<20x128xi32, #tpu.memory_space<hbm>>
      tpu.enqueue_dma source(%dma_start3A_43 : memref<20x128xi32, #tpu.memory_space<hbm>>) target(%arg10 : memref<20x128xi32, #tpu.memory_space<vmem>>) target_semaphore(%run_scoped3A : memref<!tpu.dma_semaphore, #tpu.memory_space<semaphore_mem>>)
      %dma_wait3A_44 = arith.constant 0 : i32
      %dma_wait3A_45 = tpu.memref_slice %arg4[%dma_wait3A_44, %mul3A_2] : memref<20x4096xi32, #tpu.memory_space<hbm>> -> memref<20x128xi32, #tpu.memory_space<hbm>>
      %dma_wait3A_46 = arith.constant 0 : i32
      %dma_wait3A_47 = tpu.memref_slice %arg4[%dma_wait3A_46, %mul3A_2] : memref<20x4096xi32, #tpu.memory_space<hbm>> -> memref<20x128xi32, #tpu.memory_space<hbm>>
      tpu.wait_dma2 semaphore(%run_scoped3A : memref<!tpu.dma_semaphore, #tpu.memory_space<semaphore_mem>>) src(%dma_wait3A_47 : memref<20x128xi32, #tpu.memory_space<hbm>>) dst(%arg10 : memref<20x128xi32, #tpu.memory_space<vmem>>)
      tpu.yield
    }) : () -> ()
    %dma_start3A_8 = arith.constant 0 : i32
    %dma_start3A_9 = arith.constant 0 : i32
    %dma_start3A_10 = tpu.memref_slice %arg10[%dma_start3A_8, %dma_start3A_9] : memref<20x128xi32, #tpu.memory_space<vmem>> -> memref<1x128xi32, #tpu.memory_space<vmem>>
    %dma_start3A_11 = tpu.memref_squeeze %dma_start3A_10 : memref<1x128xi32, #tpu.memory_space<vmem>> -> memref<128xi32, #tpu.memory_space<vmem>>
    %dma_start3A_12 = arith.constant 0 : i32
    %dma_start3A_13 = arith.constant 0 : i32
    %dma_start3A_14 = tpu.memref_slice %arg5[%dma_start3A_12, %dma_start3A_13] : memref<100000x128xf32, #tpu.memory_space<hbm>> -> memref<100000x128xf32, #tpu.memory_space<hbm>>
    tpu.enqueue_indirect_dma source(%dma_start3A_14 : memref<100000x128xf32, #tpu.memory_space<hbm>>) target(%arg13 : memref<128x128xf32, #tpu.memory_space<vmem>>) offsets(%dma_start3A_11 : memref<128xi32, #tpu.memory_space<vmem>>) semaphore(%arg19 : memref<!tpu.dma_semaphore, #tpu.memory_space<semaphore_mem>>)
    %dma_start3A_15 = arith.constant 1 : i32
    %dma_start3A_16 = arith.constant 0 : i32
    %dma_start3A_17 = tpu.memref_slice %arg10[%dma_start3A_15, %dma_start3A_16] : memref<20x128xi32, #tpu.memory_space<vmem>> -> memref<1x128xi32, #tpu.memory_space<vmem>>
    %dma_start3A_18 = tpu.memref_squeeze %dma_start3A_17 : memref<1x128xi32, #tpu.memory_space<vmem>> -> memref<128xi32, #tpu.memory_space<vmem>>
    %dma_start3A_19 = arith.constant 0 : i32
    %dma_start3A_20 = arith.constant 0 : i32
    %dma_start3A_21 = tpu.memref_slice %arg5[%dma_start3A_19, %dma_start3A_20] : memref<100000x128xf32, #tpu.memory_space<hbm>> -> memref<100000x128xf32, #tpu.memory_space<hbm>>
    tpu.enqueue_indirect_dma source(%dma_start3A_21 : memref<100000x128xf32, #tpu.memory_space<hbm>>) target(%arg14 : memref<128x128xf32, #tpu.memory_space<vmem>>) offsets(%dma_start3A_18 : memref<128xi32, #tpu.memory_space<vmem>>) semaphore(%arg20 : memref<!tpu.dma_semaphore, #tpu.memory_space<semaphore_mem>>)
    %dma_wait3A = arith.constant 0 : i32
    %dma_wait3A_22 = arith.constant 0 : i32
    %dma_wait3A_23 = tpu.memref_slice %arg5[%dma_wait3A, %dma_wait3A_22] : memref<100000x128xf32, #tpu.memory_space<hbm>> -> memref<100000x128xf32, #tpu.memory_space<hbm>>
    tpu.wait_indirect_dma semaphore(%arg17 : memref<!tpu.dma_semaphore, #tpu.memory_space<semaphore_mem>>) src(%dma_wait3A_23 : memref<100000x128xf32, #tpu.memory_space<hbm>>) dst(%arg11 : memref<128x128xf32, #tpu.memory_space<vmem>>)
    %dma_wait3A_24 = arith.constant 0 : i32
    %dma_wait3A_25 = arith.constant 0 : i32
    %dma_wait3A_26 = tpu.memref_slice %arg5[%dma_wait3A_24, %dma_wait3A_25] : memref<100000x128xf32, #tpu.memory_space<hbm>> -> memref<100000x128xf32, #tpu.memory_space<hbm>>
    tpu.wait_indirect_dma semaphore(%arg18 : memref<!tpu.dma_semaphore, #tpu.memory_space<semaphore_mem>>) src(%dma_wait3A_26 : memref<100000x128xf32, #tpu.memory_space<hbm>>) dst(%arg12 : memref<128x128xf32, #tpu.memory_space<vmem>>)
    %scan3A = arith.constant 0 : i32
    %scan3A_27 = arith.constant 0 : i32
    %scan3A_28 = arith.constant 8 : i32
    %scan3A_29 = arith.addi %scan3A_27, %scan3A_28 : i32
    %scan3A_30 = arith.constant 1 : i32
    scf.for %scan3A_40 = %scan3A_27 to %scan3A_29 step %scan3A_30  : i32 {
      %mul3A_41 = arith.constant 16 : i32
      %mul3A_42 = arith.muli %scan3A_40, %mul3A_41 : i32
      %add3A_43 = arith.constant 0 : i32
      %add3A_44 = arith.addi %mul3A_42, %add3A_43 : i32
      %get3A = arith.index_cast %add3A_44 : i32 to index
      %get3A_45 = arith.constant 0 : index
      %get3A_46 = tpu.vector_load %arg11[%get3A, %get3A_45] {strides = array<i32>} : memref<128x128xf32, #tpu.memory_space<vmem>>, vector<1x16xf32>,
      %get3A_47 = vector.shape_cast %get3A_46 : vector<1x16xf32> to vector<16xf32>
      %get3A_48 = arith.index_cast %add3A_44 : i32 to index
      %get3A_49 = arith.constant 64 : index
      %get3A_50 = tpu.vector_load %arg12[%get3A_48, %get3A_49] {strides = array<i32>} : memref<128x128xf32, #tpu.memory_space<vmem>>, vector<1x16xf32>,
      %get3A_51 = vector.shape_cast %get3A_50 : vector<1x16xf32> to vector<16xf32>
      %mul3A_52 = arith.mulf %get3A_47, %get3A_51 : vector<16xf32>
      %get3A_53 = arith.index_cast %add3A_44 : i32 to index
      %get3A_54 = arith.constant 16 : index
      %get3A_55 = tpu.vector_load %arg11[%get3A_53, %get3A_54] {strides = array<i32>} : memref<128x128xf32, #tpu.memory_space<vmem>>, vector<1x16xf32>,
      %get3A_56 = vector.shape_cast %get3A_55 : vector<1x16xf32> to vector<16xf32>
      %get3A_57 = arith.index_cast %add3A_44 : i32 to index
      %get3A_58 = arith.constant 80 : index
      %get3A_59 = tpu.vector_load %arg12[%get3A_57, %get3A_58] {strides = array<i32>} : memref<128x128xf32, #tpu.memory_space<vmem>>, vector<1x16xf32>,
      %get3A_60 = vector.shape_cast %get3A_59 : vector<1x16xf32> to vector<16xf32>
      %mul3A_61 = arith.mulf %get3A_56, %get3A_60 : vector<16xf32>
      %add3A_62 = arith.addf %mul3A_52, %mul3A_61 : vector<16xf32>
      %get3A_63 = arith.index_cast %add3A_44 : i32 to index
      %get3A_64 = arith.constant 32 : index
      %get3A_65 = tpu.vector_load %arg11[%get3A_63, %get3A_64] {strides = array<i32>} : memref<128x128xf32, #tpu.memory_space<vmem>>, vector<1x16xf32>,
      %get3A_66 = vector.shape_cast %get3A_65 : vector<1x16xf32> to vector<16xf32>
      %get3A_67 = arith.index_cast %add3A_44 : i32 to index
      %get3A_68 = arith.constant 96 : index
      %get3A_69 = tpu.vector_load %arg12[%get3A_67, %get3A_68] {strides = array<i32>} : memref<128x128xf32, #tpu.memory_space<vmem>>, vector<1x16xf32>,
      %get3A_70 = vector.shape_cast %get3A_69 : vector<1x16xf32> to vector<16xf32>
      %mul3A_71 = arith.mulf %get3A_66, %get3A_70 : vector<16xf32>
      %add3A_72 = arith.addf %add3A_62, %mul3A_71 : vector<16xf32>
      %get3A_73 = arith.index_cast %add3A_44 : i32 to index
      %get3A_74 = arith.constant 48 : index
      %get3A_75 = tpu.vector_load %arg11[%get3A_73, %get3A_74] {strides = array<i32>} : memref<128x128xf32, #tpu.memory_space<vmem>>, vector<1x16xf32>,
      %get3A_76 = vector.shape_cast %get3A_75 : vector<1x16xf32> to vector<16xf32>
      %get3A_77 = arith.index_cast %add3A_44 : i32 to index
      %get3A_78 = arith.constant 112 : index
      %get3A_79 = tpu.vector_load %arg12[%get3A_77, %get3A_78] {strides = array<i32>} : memref<128x128xf32, #tpu.memory_space<vmem>>, vector<1x16xf32>,
      %get3A_80 = vector.shape_cast %get3A_79 : vector<1x16xf32> to vector<16xf32>
      %mul3A_81 = arith.mulf %get3A_76, %get3A_80 : vector<16xf32>
      %add3A_82 = arith.addf %add3A_72, %mul3A_81 : vector<16xf32>
      %swap3A = arith.index_cast %add3A_44 : i32 to index
      %swap3A_83 = arith.constant 0 : index
      %swap3A_84 = tpu.vector_load %arg15[%swap3A, %swap3A_83] {strides = array<i32>} : memref<128x16xf32, #tpu.memory_space<vmem>>, vector<1x16xf32>,
      %swap3A_85 = vector.shape_cast %swap3A_84 : vector<1x16xf32> to vector<16xf32>
      %swap3A_86 = vector.shape_cast %add3A_82 : vector<16xf32> to vector<1x16xf32>
      tpu.vector_store %arg15[%swap3A, %swap3A_83], %swap3A_86 {strides = array<i32>} : memref<128x16xf32, #tpu.memory_space<vmem>>, vector<1x16xf32>,
      %mul3A_87 = arith.constant 16 : i32
      %mul3A_88 = arith.muli %scan3A_40, %mul3A_87 : i32
      %add3A_89 = arith.constant 1 : i32
      %add3A_90 = arith.addi %mul3A_88, %add3A_89 : i32
      %get3A_91 = arith.index_cast %add3A_90 : i32 to index
      %get3A_92 = arith.constant 0 : index
      %get3A_93 = tpu.vector_load %arg11[%get3A_91, %get3A_92] {strides = array<i32>} : memref<128x128xf32, #tpu.memory_space<vmem>>, vector<1x16xf32>,
      %get3A_94 = vector.shape_cast %get3A_93 : vector<1x16xf32> to vector<16xf32>
      %get3A_95 = arith.index_cast %add3A_90 : i32 to index
      %get3A_96 = arith.constant 64 : index
      %get3A_97 = tpu.vector_load %arg12[%get3A_95, %get3A_96] {strides = array<i32>} : memref<128x128xf32, #tpu.memory_space<vmem>>, vector<1x16xf32>,
      %get3A_98 = vector.shape_cast %get3A_97 : vector<1x16xf32> to vector<16xf32>
      %mul3A_99 = arith.mulf %get3A_94, %get3A_98 : vector<16xf32>
      %get3A_100 = arith.index_cast %add3A_90 : i32 to index
      %get3A_101 = arith.constant 16 : index
      %get3A_102 = tpu.vector_load %arg11[%get3A_100, %get3A_101] {strides = array<i32>} : memref<128x128xf32, #tpu.memory_space<vmem>>, vector<1x16xf32>,
      %get3A_103 = vector.shape_cast %get3A_102 : vector<1x16xf32> to vector<16xf32>
      %get3A_104 = arith.index_cast %add3A_90 : i32 to index
      %get3A_105 = arith.constant 80 : index
      %get3A_106 = tpu.vector_load %arg12[%get3A_104, %get3A_105] {strides = array<i32>} : memref<128x128xf32, #tpu.memory_space<vmem>>, vector<1x16xf32>,
      %get3A_107 = vector.shape_cast %get3A_106 : vector<1x16xf32> to vector<16xf32>
      %mul3A_108 = arith.mulf %get3A_103, %get3A_107 : vector<16xf32>
      %add3A_109 = arith.addf %mul3A_99, %mul3A_108 : vector<16xf32>
      %get3A_110 = arith.index_cast %add3A_90 : i32 to index
      %get3A_111 = arith.constant 32 : index
      %get3A_112 = tpu.vector_load %arg11[%get3A_110, %get3A_111] {strides = array<i32>} : memref<128x128xf32, #tpu.memory_space<vmem>>, vector<1x16xf32>,
      %get3A_113 = vector.shape_cast %get3A_112 : vector<1x16xf32> to vector<16xf32>
      %get3A_114 = arith.index_cast %add3A_90 : i32 to index
      %get3A_115 = arith.constant 96 : index
      %get3A_116 = tpu.vector_load %arg12[%get3A_114, %get3A_115] {strides = array<i32>} : memref<128x128xf32, #tpu.memory_space<vmem>>, vector<1x16xf32>,
      %get3A_117 = vector.shape_cast %get3A_116 : vector<1x16xf32> to vector<16xf32>
      %mul3A_118 = arith.mulf %get3A_113, %get3A_117 : vector<16xf32>
      %add3A_119 = arith.addf %add3A_109, %mul3A_118 : vector<16xf32>
      %get3A_120 = arith.index_cast %add3A_90 : i32 to index
      %get3A_121 = arith.constant 48 : index
      %get3A_122 = tpu.vector_load %arg11[%get3A_120, %get3A_121] {strides = array<i32>} : memref<128x128xf32, #tpu.memory_space<vmem>>, vector<1x16xf32>,
      %get3A_123 = vector.shape_cast %get3A_122 : vector<1x16xf32> to vector<16xf32>
      %get3A_124 = arith.index_cast %add3A_90 : i32 to index
      %get3A_125 = arith.constant 112 : index
      %get3A_126 = tpu.vector_load %arg12[%get3A_124, %get3A_125] {strides = array<i32>} : memref<128x128xf32, #tpu.memory_space<vmem>>, vector<1x16xf32>,
      %get3A_127 = vector.shape_cast %get3A_126 : vector<1x16xf32> to vector<16xf32>
      %mul3A_128 = arith.mulf %get3A_123, %get3A_127 : vector<16xf32>
      %add3A_129 = arith.addf %add3A_119, %mul3A_128 : vector<16xf32>
      %swap3A_130 = arith.index_cast %add3A_90 : i32 to index
      %swap3A_131 = arith.constant 0 : index
      %swap3A_132 = tpu.vector_load %arg15[%swap3A_130, %swap3A_131] {strides = array<i32>} : memref<128x16xf32, #tpu.memory_space<vmem>>, vector<1x16xf32>,
      %swap3A_133 = vector.shape_cast %swap3A_132 : vector<1x16xf32> to vector<16xf32>
      %swap3A_134 = vector.shape_cast %add3A_129 : vector<16xf32> to vector<1x16xf32>
      tpu.vector_store %arg15[%swap3A_130, %swap3A_131], %swap3A_134 {strides = array<i32>} : memref<128x16xf32, #tpu.memory_space<vmem>>, vector<1x16xf32>,
      %mul3A_135 = arith.constant 16 : i32
      %mul3A_136 = arith.muli %scan3A_40, %mul3A_135 : i32
      %add3A_137 = arith.constant 2 : i32
      %add3A_138 = arith.addi %mul3A_136, %add3A_137 : i32
      %get3A_139 = arith.index_cast %add3A_138 : i32 to index
      %get3A_140 = arith.constant 0 : index
      %get3A_141 = tpu.vector_load %arg11[%get3A_139, %get3A_140] {strides = array<i32>} : memref<128x128xf32, #tpu.memory_space<vmem>>, vector<1x16xf32>,
      %get3A_142 = vector.shape_cast %get3A_141 : vector<1x16xf32> to vector<16xf32>
      %get3A_143 = arith.index_cast %add3A_138 : i32 to index
      %get3A_144 = arith.constant 64 : index
      %get3A_145 = tpu.vector_load %arg12[%get3A_143, %get3A_144] {strides = array<i32>} : memref<128x128xf32, #tpu.memory_space<vmem>>, vector<1x16xf32>,
      %get3A_146 = vector.shape_cast %get3A_145 : vector<1x16xf32> to vector<16xf32>
      %mul3A_147 = arith.mulf %get3A_142, %get3A_146 : vector<16xf32>
      %get3A_148 = arith.index_cast %add3A_138 : i32 to index
      %get3A_149 = arith.constant 16 : index
      %get3A_150 = tpu.vector_load %arg11[%get3A_148, %get3A_149] {strides = array<i32>} : memref<128x128xf32, #tpu.memory_space<vmem>>, vector<1x16xf32>,
      %get3A_151 = vector.shape_cast %get3A_150 : vector<1x16xf32> to vector<16xf32>
      %get3A_152 = arith.index_cast %add3A_138 : i32 to index
      %get3A_153 = arith.constant 80 : index
      %get3A_154 = tpu.vector_load %arg12[%get3A_152, %get3A_153] {strides = array<i32>} : memref<128x128xf32, #tpu.memory_space<vmem>>, vector<1x16xf32>,
      %get3A_155 = vector.shape_cast %get3A_154 : vector<1x16xf32> to vector<16xf32>
      %mul3A_156 = arith.mulf %get3A_151, %get3A_155 : vector<16xf32>
      %add3A_157 = arith.addf %mul3A_147, %mul3A_156 : vector<16xf32>
      %get3A_158 = arith.index_cast %add3A_138 : i32 to index
      %get3A_159 = arith.constant 32 : index
      %get3A_160 = tpu.vector_load %arg11[%get3A_158, %get3A_159] {strides = array<i32>} : memref<128x128xf32, #tpu.memory_space<vmem>>, vector<1x16xf32>,
      %get3A_161 = vector.shape_cast %get3A_160 : vector<1x16xf32> to vector<16xf32>
      %get3A_162 = arith.index_cast %add3A_138 : i32 to index
      %get3A_163 = arith.constant 96 : index
      %get3A_164 = tpu.vector_load %arg12[%get3A_162, %get3A_163] {strides = array<i32>} : memref<128x128xf32, #tpu.memory_space<vmem>>, vector<1x16xf32>,
      %get3A_165 = vector.shape_cast %get3A_164 : vector<1x16xf32> to vector<16xf32>
      %mul3A_166 = arith.mulf %get3A_161, %get3A_165 : vector<16xf32>
      %add3A_167 = arith.addf %add3A_157, %mul3A_166 : vector<16xf32>
      %get3A_168 = arith.index_cast %add3A_138 : i32 to index
      %get3A_169 = arith.constant 48 : index
      %get3A_170 = tpu.vector_load %arg11[%get3A_168, %get3A_169] {strides = array<i32>} : memref<128x128xf32, #tpu.memory_space<vmem>>, vector<1x16xf32>,
      %get3A_171 = vector.shape_cast %get3A_170 : vector<1x16xf32> to vector<16xf32>
      %get3A_172 = arith.index_cast %add3A_138 : i32 to index
      %get3A_173 = arith.constant 112 : index
      %get3A_174 = tpu.vector_load %arg12[%get3A_172, %get3A_173] {strides = array<i32>} : memref<128x128xf32, #tpu.memory_space<vmem>>, vector<1x16xf32>,
      %get3A_175 = vector.shape_cast %get3A_174 : vector<1x16xf32> to vector<16xf32>
      %mul3A_176 = arith.mulf %get3A_171, %get3A_175 : vector<16xf32>
      %add3A_177 = arith.addf %add3A_167, %mul3A_176 : vector<16xf32>
      %swap3A_178 = arith.index_cast %add3A_138 : i32 to index
      %swap3A_179 = arith.constant 0 : index
      %swap3A_180 = tpu.vector_load %arg15[%swap3A_178, %swap3A_179] {strides = array<i32>} : memref<128x16xf32, #tpu.memory_space<vmem>>, vector<1x16xf32>,
      %swap3A_181 = vector.shape_cast %swap3A_180 : vector<1x16xf32> to vector<16xf32>
      %swap3A_182 = vector.shape_cast %add3A_177 : vector<16xf32> to vector<1x16xf32>
      tpu.vector_store %arg15[%swap3A_178, %swap3A_179], %swap3A_182 {strides = array<i32>} : memref<128x16xf32, #tpu.memory_space<vmem>>, vector<1x16xf32>,
      %mul3A_183 = arith.constant 16 : i32
      %mul3A_184 = arith.muli %scan3A_40, %mul3A_183 : i32
      %add3A_185 = arith.constant 3 : i32
      %add3A_186 = arith.addi %mul3A_184, %add3A_185 : i32
      %get3A_187 = arith.index_cast %add3A_186 : i32 to index
      %get3A_188 = arith.constant 0 : index
      %get3A_189 = tpu.vector_load %arg11[%get3A_187, %get3A_188] {strides = array<i32>} : memref<128x128xf32, #tpu.memory_space<vmem>>, vector<1x16xf32>,
      %get3A_190 = vector.shape_cast %get3A_189 : vector<1x16xf32> to vector<16xf32>
      %get3A_191 = arith.index_cast %add3A_186 : i32 to index
      %get3A_192 = arith.constant 64 : index
      %get3A_193 = tpu.vector_load %arg12[%get3A_191, %get3A_192] {strides = array<i32>} : memref<128x128xf32, #tpu.memory_space<vmem>>, vector<1x16xf32>,
      %get3A_194 = vector.shape_cast %get3A_193 : vector<1x16xf32> to vector<16xf32>
      %mul3A_195 = arith.mulf %get3A_190, %get3A_194 : vector<16xf32>
      %get3A_196 = arith.index_cast %add3A_186 : i32 to index
      %get3A_197 = arith.constant 16 : index
      %get3A_198 = tpu.vector_load %arg11[%get3A_196, %get3A_197] {strides = array<i32>} : memref<128x128xf32, #tpu.memory_space<vmem>>, vector<1x16xf32>,
      %get3A_199 = vector.shape_cast %get3A_198 : vector<1x16xf32> to vector<16xf32>
      %get3A_200 = arith.index_cast %add3A_186 : i32 to index
      %get3A_201 = arith.constant 80 : index
      %get3A_202 = tpu.vector_load %arg12[%get3A_200, %get3A_201] {strides = array<i32>} : memref<128x128xf32, #tpu.memory_space<vmem>>, vector<1x16xf32>,
      %get3A_203 = vector.shape_cast %get3A_202 : vector<1x16xf32> to vector<16xf32>
      %mul3A_204 = arith.mulf %get3A_199, %get3A_203 : vector<16xf32>
      %add3A_205 = arith.addf %mul3A_195, %mul3A_204 : vector<16xf32>
      %get3A_206 = arith.index_cast %add3A_186 : i32 to index
      %get3A_207 = arith.constant 32 : index
      %get3A_208 = tpu.vector_load %arg11[%get3A_206, %get3A_207] {strides = array<i32>} : memref<128x128xf32, #tpu.memory_space<vmem>>, vector<1x16xf32>,
      %get3A_209 = vector.shape_cast %get3A_208 : vector<1x16xf32> to vector<16xf32>
      %get3A_210 = arith.index_cast %add3A_186 : i32 to index
      %get3A_211 = arith.constant 96 : index
      %get3A_212 = tpu.vector_load %arg12[%get3A_210, %get3A_211] {strides = array<i32>} : memref<128x128xf32, #tpu.memory_space<vmem>>, vector<1x16xf32>,
      %get3A_213 = vector.shape_cast %get3A_212 : vector<1x16xf32> to vector<16xf32>
      %mul3A_214 = arith.mulf %get3A_209, %get3A_213 : vector<16xf32>
      %add3A_215 = arith.addf %add3A_205, %mul3A_214 : vector<16xf32>
      %get3A_216 = arith.index_cast %add3A_186 : i32 to index
      %get3A_217 = arith.constant 48 : index
      %get3A_218 = tpu.vector_load %arg11[%get3A_216, %get3A_217] {strides = array<i32>} : memref<128x128xf32, #tpu.memory_space<vmem>>, vector<1x16xf32>,
      %get3A_219 = vector.shape_cast %get3A_218 : vector<1x16xf32> to vector<16xf32>
      %get3A_220 = arith.index_cast %add3A_186 : i32 to index
      %get3A_221 = arith.constant 112 : index
      %get3A_222 = tpu.vector_load %arg12[%get3A_220, %get3A_221] {strides = array<i32>} : memref<128x128xf32, #tpu.memory_space<vmem>>, vector<1x16xf32>,
      %get3A_223 = vector.shape_cast %get3A_222 : vector<1x16xf32> to vector<16xf32>
      %mul3A_224 = arith.mulf %get3A_219, %get3A_223 : vector<16xf32>
      %add3A_225 = arith.addf %add3A_215, %mul3A_224 : vector<16xf32>
      %swap3A_226 = arith.index_cast %add3A_186 : i32 to index
      %swap3A_227 = arith.constant 0 : index
      %swap3A_228 = tpu.vector_load %arg15[%swap3A_226, %swap3A_227] {strides = array<i32>} : memref<128x16xf32, #tpu.memory_space<vmem>>, vector<1x16xf32>,
      %swap3A_229 = vector.shape_cast %swap3A_228 : vector<1x16xf32> to vector<16xf32>
      %swap3A_230 = vector.shape_cast %add3A_225 : vector<16xf32> to vector<1x16xf32>
      tpu.vector_store %arg15[%swap3A_226, %swap3A_227], %swap3A_230 {strides = array<i32>} : memref<128x16xf32, #tpu.memory_space<vmem>>, vector<1x16xf32>,
      %mul3A_231 = arith.constant 16 : i32
      %mul3A_232 = arith.muli %scan3A_40, %mul3A_231 : i32
      %add3A_233 = arith.constant 4 : i32
      %add3A_234 = arith.addi %mul3A_232, %add3A_233 : i32
      %get3A_235 = arith.index_cast %add3A_234 : i32 to index
      %get3A_236 = arith.constant 0 : index
      %get3A_237 = tpu.vector_load %arg11[%get3A_235, %get3A_236] {strides = array<i32>} : memref<128x128xf32, #tpu.memory_space<vmem>>, vector<1x16xf32>,
      %get3A_238 = vector.shape_cast %get3A_237 : vector<1x16xf32> to vector<16xf32>
      %get3A_239 = arith.index_cast %add3A_234 : i32 to index
      %get3A_240 = arith.constant 64 : index
      %get3A_241 = tpu.vector_load %arg12[%get3A_239, %get3A_240] {strides = array<i32>} : memref<128x128xf32, #tpu.memory_space<vmem>>, vector<1x16xf32>,
      %get3A_242 = vector.shape_cast %get3A_241 : vector<1x16xf32> to vector<16xf32>
      %mul3A_243 = arith.mulf %get3A_238, %get3A_242 : vector<16xf32>
      %get3A_244 = arith.index_cast %add3A_234 : i32 to index
      %get3A_245 = arith.constant 16 : index
      %get3A_246 = tpu.vector_load %arg11[%get3A_244, %get3A_245] {strides = array<i32>} : memref<128x128xf32, #tpu.memory_space<vmem>>, vector<1x16xf32>,
      %get3A_247 = vector.shape_cast %get3A_246 : vector<1x16xf32> to vector<16xf32>
      %get3A_248 = arith.index_cast %add3A_234 : i32 to index
      %get3A_249 = arith.constant 80 : index
      %get3A_250 = tpu.vector_load %arg12[%get3A_248, %get3A_249] {strides = array<i32>} : memref<128x128xf32, #tpu.memory_space<vmem>>, vector<1x16xf32>,
      %get3A_251 = vector.shape_cast %get3A_250 : vector<1x16xf32> to vector<16xf32>
      %mul3A_252 = arith.mulf %get3A_247, %get3A_251 : vector<16xf32>
      %add3A_253 = arith.addf %mul3A_243, %mul3A_252 : vector<16xf32>
      %get3A_254 = arith.index_cast %add3A_234 : i32 to index
      %get3A_255 = arith.constant 32 : index
      %get3A_256 = tpu.vector_load %arg11[%get3A_254, %get3A_255] {strides = array<i32>} : memref<128x128xf32, #tpu.memory_space<vmem>>, vector<1x16xf32>,
      %get3A_257 = vector.shape_cast %get3A_256 : vector<1x16xf32> to vector<16xf32>
      %get3A_258 = arith.index_cast %add3A_234 : i32 to index
      %get3A_259 = arith.constant 96 : index
      %get3A_260 = tpu.vector_load %arg12[%get3A_258, %get3A_259] {strides = array<i32>} : memref<128x128xf32, #tpu.memory_space<vmem>>, vector<1x16xf32>,
      %get3A_261 = vector.shape_cast %get3A_260 : vector<1x16xf32> to vector<16xf32>
      %mul3A_262 = arith.mulf %get3A_257, %get3A_261 : vector<16xf32>
      %add3A_263 = arith.addf %add3A_253, %mul3A_262 : vector<16xf32>
      %get3A_264 = arith.index_cast %add3A_234 : i32 to index
      %get3A_265 = arith.constant 48 : index
      %get3A_266 = tpu.vector_load %arg11[%get3A_264, %get3A_265] {strides = array<i32>} : memref<128x128xf32, #tpu.memory_space<vmem>>, vector<1x16xf32>,
      %get3A_267 = vector.shape_cast %get3A_266 : vector<1x16xf32> to vector<16xf32>
      %get3A_268 = arith.index_cast %add3A_234 : i32 to index
      %get3A_269 = arith.constant 112 : index
      %get3A_270 = tpu.vector_load %arg12[%get3A_268, %get3A_269] {strides = array<i32>} : memref<128x128xf32, #tpu.memory_space<vmem>>, vector<1x16xf32>,
      %get3A_271 = vector.shape_cast %get3A_270 : vector<1x16xf32> to vector<16xf32>
      %mul3A_272 = arith.mulf %get3A_267, %get3A_271 : vector<16xf32>
      %add3A_273 = arith.addf %add3A_263, %mul3A_272 : vector<16xf32>
      %swap3A_274 = arith.index_cast %add3A_234 : i32 to index
      %swap3A_275 = arith.constant 0 : index
      %swap3A_276 = tpu.vector_load %arg15[%swap3A_274, %swap3A_275] {strides = array<i32>} : memref<128x16xf32, #tpu.memory_space<vmem>>, vector<1x16xf32>,
      %swap3A_277 = vector.shape_cast %swap3A_276 : vector<1x16xf32> to vector<16xf32>
      %swap3A_278 = vector.shape_cast %add3A_273 : vector<16xf32> to vector<1x16xf32>
      tpu.vector_store %arg15[%swap3A_274, %swap3A_275], %swap3A_278 {strides = array<i32>} : memref<128x16xf32, #tpu.memory_space<vmem>>, vector<1x16xf32>,
      %mul3A_279 = arith.constant 16 : i32
      %mul3A_280 = arith.muli %scan3A_40, %mul3A_279 : i32
      %add3A_281 = arith.constant 5 : i32
      %add3A_282 = arith.addi %mul3A_280, %add3A_281 : i32
      %get3A_283 = arith.index_cast %add3A_282 : i32 to index
      %get3A_284 = arith.constant 0 : index
      %get3A_285 = tpu.vector_load %arg11[%get3A_283, %get3A_284] {strides = array<i32>} : memref<128x128xf32, #tpu.memory_space<vmem>>, vector<1x16xf32>,
      %get3A_286 = vector.shape_cast %get3A_285 : vector<1x16xf32> to vector<16xf32>
      %get3A_287 = arith.index_cast %add3A_282 : i32 to index
      %get3A_288 = arith.constant 64 : index
      %get3A_289 = tpu.vector_load %arg12[%get3A_287, %get3A_288] {strides = array<i32>} : memref<128x128xf32, #tpu.memory_space<vmem>>, vector<1x16xf32>,
      %get3A_290 = vector.shape_cast %get3A_289 : vector<1x16xf32> to vector<16xf32>
      %mul3A_291 = arith.mulf %get3A_286, %get3A_290 : vector<16xf32>
      %get3A_292 = arith.index_cast %add3A_282 : i32 to index
      %get3A_293 = arith.constant 16 : index
      %get3A_294 = tpu.vector_load %arg11[%get3A_292, %get3A_293] {strides = array<i32>} : memref<128x128xf32, #tpu.memory_space<vmem>>, vector<1x16xf32>,
      %get3A_295 = vector.shape_cast %get3A_294 : vector<1x16xf32> to vector<16xf32>
      %get3A_296 = arith.index_cast %add3A_282 : i32 to index
      %get3A_297 = arith.constant 80 : index
      %get3A_298 = tpu.vector_load %arg12[%get3A_296, %get3A_297] {strides = array<i32>} : memref<128x128xf32, #tpu.memory_space<vmem>>, vector<1x16xf32>,
      %get3A_299 = vector.shape_cast %get3A_298 : vector<1x16xf32> to vector<16xf32>
      %mul3A_300 = arith.mulf %get3A_295, %get3A_299 : vector<16xf32>
      %add3A_301 = arith.addf %mul3A_291, %mul3A_300 : vector<16xf32>
      %get3A_302 = arith.index_cast %add3A_282 : i32 to index
      %get3A_303 = arith.constant 32 : index
      %get3A_304 = tpu.vector_load %arg11[%get3A_302, %get3A_303] {strides = array<i32>} : memref<128x128xf32, #tpu.memory_space<vmem>>, vector<1x16xf32>,
      %get3A_305 = vector.shape_cast %get3A_304 : vector<1x16xf32> to vector<16xf32>
      %get3A_306 = arith.index_cast %add3A_282 : i32 to index
      %get3A_307 = arith.constant 96 : index
      %get3A_308 = tpu.vector_load %arg12[%get3A_306, %get3A_307] {strides = array<i32>} : memref<128x128xf32, #tpu.memory_space<vmem>>, vector<1x16xf32>,
      %get3A_309 = vector.shape_cast %get3A_308 : vector<1x16xf32> to vector<16xf32>
      %mul3A_310 = arith.mulf %get3A_305, %get3A_309 : vector<16xf32>
      %add3A_311 = arith.addf %add3A_301, %mul3A_310 : vector<16xf32>
      %get3A_312 = arith.index_cast %add3A_282 : i32 to index
      %get3A_313 = arith.constant 48 : index
      %get3A_314 = tpu.vector_load %arg11[%get3A_312, %get3A_313] {strides = array<i32>} : memref<128x128xf32, #tpu.memory_space<vmem>>, vector<1x16xf32>,
      %get3A_315 = vector.shape_cast %get3A_314 : vector<1x16xf32> to vector<16xf32>
      %get3A_316 = arith.index_cast %add3A_282 : i32 to index
      %get3A_317 = arith.constant 112 : index
      %get3A_318 = tpu.vector_load %arg12[%get3A_316, %get3A_317] {strides = array<i32>} : memref<128x128xf32, #tpu.memory_space<vmem>>, vector<1x16xf32>,
      %get3A_319 = vector.shape_cast %get3A_318 : vector<1x16xf32> to vector<16xf32>
      %mul3A_320 = arith.mulf %get3A_315, %get3A_319 : vector<16xf32>
      %add3A_321 = arith.addf %add3A_311, %mul3A_320 : vector<16xf32>
      %swap3A_322 = arith.index_cast %add3A_282 : i32 to index
      %swap3A_323 = arith.constant 0 : index
      %swap3A_324 = tpu.vector_load %arg15[%swap3A_322, %swap3A_323] {strides = array<i32>} : memref<128x16xf32, #tpu.memory_space<vmem>>, vector<1x16xf32>,
      %swap3A_325 = vector.shape_cast %swap3A_324 : vector<1x16xf32> to vector<16xf32>
      %swap3A_326 = vector.shape_cast %add3A_321 : vector<16xf32> to vector<1x16xf32>
      tpu.vector_store %arg15[%swap3A_322, %swap3A_323], %swap3A_326 {strides = array<i32>} : memref<128x16xf32, #tpu.memory_space<vmem>>, vector<1x16xf32>,
      %mul3A_327 = arith.constant 16 : i32
      %mul3A_328 = arith.muli %scan3A_40, %mul3A_327 : i32
      %add3A_329 = arith.constant 6 : i32
      %add3A_330 = arith.addi %mul3A_328, %add3A_329 : i32
      %get3A_331 = arith.index_cast %add3A_330 : i32 to index
      %get3A_332 = arith.constant 0 : index
      %get3A_333 = tpu.vector_load %arg11[%get3A_331, %get3A_332] {strides = array<i32>} : memref<128x128xf32, #tpu.memory_space<vmem>>, vector<1x16xf32>,
      %get3A_334 = vector.shape_cast %get3A_333 : vector<1x16xf32> to vector<16xf32>
      %get3A_335 = arith.index_cast %add3A_330 : i32 to index
      %get3A_336 = arith.constant 64 : index
      %get3A_337 = tpu.vector_load %arg12[%get3A_335, %get3A_336] {strides = array<i32>} : memref<128x128xf32, #tpu.memory_space<vmem>>, vector<1x16xf32>,
      %get3A_338 = vector.shape_cast %get3A_337 : vector<1x16xf32> to vector<16xf32>
      %mul3A_339 = arith.mulf %get3A_334, %get3A_338 : vector<16xf32>
      %get3A_340 = arith.index_cast %add3A_330 : i32 to index
      %get3A_341 = arith.constant 16 : index
      %get3A_342 = tpu.vector_load %arg11[%get3A_340, %get3A_341] {strides = array<i32>} : memref<128x128xf32, #tpu.memory_space<vmem>>, vector<1x16xf32>,
      %get3A_343 = vector.shape_cast %get3A_342 : vector<1x16xf32> to vector<16xf32>
      %get3A_344 = arith.index_cast %add3A_330 : i32 to index
      %get3A_345 = arith.constant 80 : index
      %get3A_346 = tpu.vector_load %arg12[%get3A_344, %get3A_345] {strides = array<i32>} : memref<128x128xf32, #tpu.memory_space<vmem>>, vector<1x16xf32>,
      %get3A_347 = vector.shape_cast %get3A_346 : vector<1x16xf32> to vector<16xf32>
      %mul3A_348 = arith.mulf %get3A_343, %get3A_347 : vector<16xf32>
      %add3A_349 = arith.addf %mul3A_339, %mul3A_348 : vector<16xf32>
      %get3A_350 = arith.index_cast %add3A_330 : i32 to index
      %get3A_351 = arith.constant 32 : index
      %get3A_352 = tpu.vector_load %arg11[%get3A_350, %get3A_351] {strides = array<i32>} : memref<128x128xf32, #tpu.memory_space<vmem>>, vector<1x16xf32>,
      %get3A_353 = vector.shape_cast %get3A_352 : vector<1x16xf32> to vector<16xf32>
      %get3A_354 = arith.index_cast %add3A_330 : i32 to index
      %get3A_355 = arith.constant 96 : index
      %get3A_356 = tpu.vector_load %arg12[%get3A_354, %get3A_355] {strides = array<i32>} : memref<128x128xf32, #tpu.memory_space<vmem>>, vector<1x16xf32>,
      %get3A_357 = vector.shape_cast %get3A_356 : vector<1x16xf32> to vector<16xf32>
      %mul3A_358 = arith.mulf %get3A_353, %get3A_357 : vector<16xf32>
      %add3A_359 = arith.addf %add3A_349, %mul3A_358 : vector<16xf32>
      %get3A_360 = arith.index_cast %add3A_330 : i32 to index
      %get3A_361 = arith.constant 48 : index
      %get3A_362 = tpu.vector_load %arg11[%get3A_360, %get3A_361] {strides = array<i32>} : memref<128x128xf32, #tpu.memory_space<vmem>>, vector<1x16xf32>,
      %get3A_363 = vector.shape_cast %get3A_362 : vector<1x16xf32> to vector<16xf32>
      %get3A_364 = arith.index_cast %add3A_330 : i32 to index
      %get3A_365 = arith.constant 112 : index
      %get3A_366 = tpu.vector_load %arg12[%get3A_364, %get3A_365] {strides = array<i32>} : memref<128x128xf32, #tpu.memory_space<vmem>>, vector<1x16xf32>,
      %get3A_367 = vector.shape_cast %get3A_366 : vector<1x16xf32> to vector<16xf32>
      %mul3A_368 = arith.mulf %get3A_363, %get3A_367 : vector<16xf32>
      %add3A_369 = arith.addf %add3A_359, %mul3A_368 : vector<16xf32>
      %swap3A_370 = arith.index_cast %add3A_330 : i32 to index
      %swap3A_371 = arith.constant 0 : index
      %swap3A_372 = tpu.vector_load %arg15[%swap3A_370, %swap3A_371] {strides = array<i32>} : memref<128x16xf32, #tpu.memory_space<vmem>>, vector<1x16xf32>,
      %swap3A_373 = vector.shape_cast %swap3A_372 : vector<1x16xf32> to vector<16xf32>
      %swap3A_374 = vector.shape_cast %add3A_369 : vector<16xf32> to vector<1x16xf32>
      tpu.vector_store %arg15[%swap3A_370, %swap3A_371], %swap3A_374 {strides = array<i32>} : memref<128x16xf32, #tpu.memory_space<vmem>>, vector<1x16xf32>,
      %mul3A_375 = arith.constant 16 : i32
      %mul3A_376 = arith.muli %scan3A_40, %mul3A_375 : i32
      %add3A_377 = arith.constant 7 : i32
      %add3A_378 = arith.addi %mul3A_376, %add3A_377 : i32
      %get3A_379 = arith.index_cast %add3A_378 : i32 to index
      %get3A_380 = arith.constant 0 : index
      %get3A_381 = tpu.vector_load %arg11[%get3A_379, %get3A_380] {strides = array<i32>} : memref<128x128xf32, #tpu.memory_space<vmem>>, vector<1x16xf32>,
      %get3A_382 = vector.shape_cast %get3A_381 : vector<1x16xf32> to vector<16xf32>
      %get3A_383 = arith.index_cast %add3A_378 : i32 to index
      %get3A_384 = arith.constant 64 : index
      %get3A_385 = tpu.vector_load %arg12[%get3A_383, %get3A_384] {strides = array<i32>} : memref<128x128xf32, #tpu.memory_space<vmem>>, vector<1x16xf32>,
      %get3A_386 = vector.shape_cast %get3A_385 : vector<1x16xf32> to vector<16xf32>
      %mul3A_387 = arith.mulf %get3A_382, %get3A_386 : vector<16xf32>
      %get3A_388 = arith.index_cast %add3A_378 : i32 to index
      %get3A_389 = arith.constant 16 : index
      %get3A_390 = tpu.vector_load %arg11[%get3A_388, %get3A_389] {strides = array<i32>} : memref<128x128xf32, #tpu.memory_space<vmem>>, vector<1x16xf32>,
      %get3A_391 = vector.shape_cast %get3A_390 : vector<1x16xf32> to vector<16xf32>
      %get3A_392 = arith.index_cast %add3A_378 : i32 to index
      %get3A_393 = arith.constant 80 : index
      %get3A_394 = tpu.vector_load %arg12[%get3A_392, %get3A_393] {strides = array<i32>} : memref<128x128xf32, #tpu.memory_space<vmem>>, vector<1x16xf32>,
      %get3A_395 = vector.shape_cast %get3A_394 : vector<1x16xf32> to vector<16xf32>
      %mul3A_396 = arith.mulf %get3A_391, %get3A_395 : vector<16xf32>
      %add3A_397 = arith.addf %mul3A_387, %mul3A_396 : vector<16xf32>
      %get3A_398 = arith.index_cast %add3A_378 : i32 to index
      %get3A_399 = arith.constant 32 : index
      %get3A_400 = tpu.vector_load %arg11[%get3A_398, %get3A_399] {strides = array<i32>} : memref<128x128xf32, #tpu.memory_space<vmem>>, vector<1x16xf32>,
      %get3A_401 = vector.shape_cast %get3A_400 : vector<1x16xf32> to vector<16xf32>
      %get3A_402 = arith.index_cast %add3A_378 : i32 to index
      %get3A_403 = arith.constant 96 : index
      %get3A_404 = tpu.vector_load %arg12[%get3A_402, %get3A_403] {strides = array<i32>} : memref<128x128xf32, #tpu.memory_space<vmem>>, vector<1x16xf32>,
      %get3A_405 = vector.shape_cast %get3A_404 : vector<1x16xf32> to vector<16xf32>
      %mul3A_406 = arith.mulf %get3A_401, %get3A_405 : vector<16xf32>
      %add3A_407 = arith.addf %add3A_397, %mul3A_406 : vector<16xf32>
      %get3A_408 = arith.index_cast %add3A_378 : i32 to index
      %get3A_409 = arith.constant 48 : index
      %get3A_410 = tpu.vector_load %arg11[%get3A_408, %get3A_409] {strides = array<i32>} : memref<128x128xf32, #tpu.memory_space<vmem>>, vector<1x16xf32>,
      %get3A_411 = vector.shape_cast %get3A_410 : vector<1x16xf32> to vector<16xf32>
      %get3A_412 = arith.index_cast %add3A_378 : i32 to index
      %get3A_413 = arith.constant 112 : index
      %get3A_414 = tpu.vector_load %arg12[%get3A_412, %get3A_413] {strides = array<i32>} : memref<128x128xf32, #tpu.memory_space<vmem>>, vector<1x16xf32>,
      %get3A_415 = vector.shape_cast %get3A_414 : vector<1x16xf32> to vector<16xf32>
      %mul3A_416 = arith.mulf %get3A_411, %get3A_415 : vector<16xf32>
      %add3A_417 = arith.addf %add3A_407, %mul3A_416 : vector<16xf32>
      %swap3A_418 = arith.index_cast %add3A_378 : i32 to index
      %swap3A_419 = arith.constant 0 : index
      %swap3A_420 = tpu.vector_load %arg15[%swap3A_418, %swap3A_419] {strides = array<i32>} : memref<128x16xf32, #tpu.memory_space<vmem>>, vector<1x16xf32>,
      %swap3A_421 = vector.shape_cast %swap3A_420 : vector<1x16xf32> to vector<16xf32>
      %swap3A_422 = vector.shape_cast %add3A_417 : vector<16xf32> to vector<1x16xf32>
      tpu.vector_store %arg15[%swap3A_418, %swap3A_419], %swap3A_422 {strides = array<i32>} : memref<128x16xf32, #tpu.memory_space<vmem>>, vector<1x16xf32>,
      %mul3A_423 = arith.constant 16 : i32
      %mul3A_424 = arith.muli %scan3A_40, %mul3A_423 : i32
      %add3A_425 = arith.constant 8 : i32
      %add3A_426 = arith.addi %mul3A_424, %add3A_425 : i32
      %get3A_427 = arith.index_cast %add3A_426 : i32 to index
      %get3A_428 = arith.constant 0 : index
      %get3A_429 = tpu.vector_load %arg11[%get3A_427, %get3A_428] {strides = array<i32>} : memref<128x128xf32, #tpu.memory_space<vmem>>, vector<1x16xf32>,
      %get3A_430 = vector.shape_cast %get3A_429 : vector<1x16xf32> to vector<16xf32>
      %get3A_431 = arith.index_cast %add3A_426 : i32 to index
      %get3A_432 = arith.constant 64 : index
      %get3A_433 = tpu.vector_load %arg12[%get3A_431, %get3A_432] {strides = array<i32>} : memref<128x128xf32, #tpu.memory_space<vmem>>, vector<1x16xf32>,
      %get3A_434 = vector.shape_cast %get3A_433 : vector<1x16xf32> to vector<16xf32>
      %mul3A_435 = arith.mulf %get3A_430, %get3A_434 : vector<16xf32>
      %get3A_436 = arith.index_cast %add3A_426 : i32 to index
      %get3A_437 = arith.constant 16 : index
      %get3A_438 = tpu.vector_load %arg11[%get3A_436, %get3A_437] {strides = array<i32>} : memref<128x128xf32, #tpu.memory_space<vmem>>, vector<1x16xf32>,
      %get3A_439 = vector.shape_cast %get3A_438 : vector<1x16xf32> to vector<16xf32>
      %get3A_440 = arith.index_cast %add3A_426 : i32 to index
      %get3A_441 = arith.constant 80 : index
      %get3A_442 = tpu.vector_load %arg12[%get3A_440, %get3A_441] {strides = array<i32>} : memref<128x128xf32, #tpu.memory_space<vmem>>, vector<1x16xf32>,
      %get3A_443 = vector.shape_cast %get3A_442 : vector<1x16xf32> to vector<16xf32>
      %mul3A_444 = arith.mulf %get3A_439, %get3A_443 : vector<16xf32>
      %add3A_445 = arith.addf %mul3A_435, %mul3A_444 : vector<16xf32>
      %get3A_446 = arith.index_cast %add3A_426 : i32 to index
      %get3A_447 = arith.constant 32 : index
      %get3A_448 = tpu.vector_load %arg11[%get3A_446, %get3A_447] {strides = array<i32>} : memref<128x128xf32, #tpu.memory_space<vmem>>, vector<1x16xf32>,
      %get3A_449 = vector.shape_cast %get3A_448 : vector<1x16xf32> to vector<16xf32>
      %get3A_450 = arith.index_cast %add3A_426 : i32 to index
      %get3A_451 = arith.constant 96 : index
      %get3A_452 = tpu.vector_load %arg12[%get3A_450, %get3A_451] {strides = array<i32>} : memref<128x128xf32, #tpu.memory_space<vmem>>, vector<1x16xf32>,
      %get3A_453 = vector.shape_cast %get3A_452 : vector<1x16xf32> to vector<16xf32>
      %mul3A_454 = arith.mulf %get3A_449, %get3A_453 : vector<16xf32>
      %add3A_455 = arith.addf %add3A_445, %mul3A_454 : vector<16xf32>
      %get3A_456 = arith.index_cast %add3A_426 : i32 to index
      %get3A_457 = arith.constant 48 : index
      %get3A_458 = tpu.vector_load %arg11[%get3A_456, %get3A_457] {strides = array<i32>} : memref<128x128xf32, #tpu.memory_space<vmem>>, vector<1x16xf32>,
      %get3A_459 = vector.shape_cast %get3A_458 : vector<1x16xf32> to vector<16xf32>
      %get3A_460 = arith.index_cast %add3A_426 : i32 to index
      %get3A_461 = arith.constant 112 : index
      %get3A_462 = tpu.vector_load %arg12[%get3A_460, %get3A_461] {strides = array<i32>} : memref<128x128xf32, #tpu.memory_space<vmem>>, vector<1x16xf32>,
      %get3A_463 = vector.shape_cast %get3A_462 : vector<1x16xf32> to vector<16xf32>
      %mul3A_464 = arith.mulf %get3A_459, %get3A_463 : vector<16xf32>
      %add3A_465 = arith.addf %add3A_455, %mul3A_464 : vector<16xf32>
      %swap3A_466 = arith.index_cast %add3A_426 : i32 to index
      %swap3A_467 = arith.constant 0 : index
      %swap3A_468 = tpu.vector_load %arg15[%swap3A_466, %swap3A_467] {strides = array<i32>} : memref<128x16xf32, #tpu.memory_space<vmem>>, vector<1x16xf32>,
      %swap3A_469 = vector.shape_cast %swap3A_468 : vector<1x16xf32> to vector<16xf32>
      %swap3A_470 = vector.shape_cast %add3A_465 : vector<16xf32> to vector<1x16xf32>
      tpu.vector_store %arg15[%swap3A_466, %swap3A_467], %swap3A_470 {strides = array<i32>} : memref<128x16xf32, #tpu.memory_space<vmem>>, vector<1x16xf32>,
      %mul3A_471 = arith.constant 16 : i32
      %mul3A_472 = arith.muli %scan3A_40, %mul3A_471 : i32
      %add3A_473 = arith.constant 9 : i32
      %add3A_474 = arith.addi %mul3A_472, %add3A_473 : i32
      %get3A_475 = arith.index_cast %add3A_474 : i32 to index
      %get3A_476 = arith.constant 0 : index
      %get3A_477 = tpu.vector_load %arg11[%get3A_475, %get3A_476] {strides = array<i32>} : memref<128x128xf32, #tpu.memory_space<vmem>>, vector<1x16xf32>,
      %get3A_478 = vector.shape_cast %get3A_477 : vector<1x16xf32> to vector<16xf32>
      %get3A_479 = arith.index_cast %add3A_474 : i32 to index
      %get3A_480 = arith.constant 64 : index
      %get3A_481 = tpu.vector_load %arg12[%get3A_479, %get3A_480] {strides = array<i32>} : memref<128x128xf32, #tpu.memory_space<vmem>>, vector<1x16xf32>,
      %get3A_482 = vector.shape_cast %get3A_481 : vector<1x16xf32> to vector<16xf32>
      %mul3A_483 = arith.mulf %get3A_478, %get3A_482 : vector<16xf32>
      %get3A_484 = arith.index_cast %add3A_474 : i32 to index
      %get3A_485 = arith.constant 16 : index
      %get3A_486 = tpu.vector_load %arg11[%get3A_484, %get3A_485] {strides = array<i32>} : memref<128x128xf32, #tpu.memory_space<vmem>>, vector<1x16xf32>,
      %get3A_487 = vector.shape_cast %get3A_486 : vector<1x16xf32> to vector<16xf32>
      %get3A_488 = arith.index_cast %add3A_474 : i32 to index
      %get3A_489 = arith.constant 80 : index
      %get3A_490 = tpu.vector_load %arg12[%get3A_488, %get3A_489] {strides = array<i32>} : memref<128x128xf32, #tpu.memory_space<vmem>>, vector<1x16xf32>,
      %get3A_491 = vector.shape_cast %get3A_490 : vector<1x16xf32> to vector<16xf32>
      %mul3A_492 = arith.mulf %get3A_487, %get3A_491 : vector<16xf32>
      %add3A_493 = arith.addf %mul3A_483, %mul3A_492 : vector<16xf32>
      %get3A_494 = arith.index_cast %add3A_474 : i32 to index
      %get3A_495 = arith.constant 32 : index
      %get3A_496 = tpu.vector_load %arg11[%get3A_494, %get3A_495] {strides = array<i32>} : memref<128x128xf32, #tpu.memory_space<vmem>>, vector<1x16xf32>,
      %get3A_497 = vector.shape_cast %get3A_496 : vector<1x16xf32> to vector<16xf32>
      %get3A_498 = arith.index_cast %add3A_474 : i32 to index
      %get3A_499 = arith.constant 96 : index
      %get3A_500 = tpu.vector_load %arg12[%get3A_498, %get3A_499] {strides = array<i32>} : memref<128x128xf32, #tpu.memory_space<vmem>>, vector<1x16xf32>,
      %get3A_501 = vector.shape_cast %get3A_500 : vector<1x16xf32> to vector<16xf32>
      %mul3A_502 = arith.mulf %get3A_497, %get3A_501 : vector<16xf32>
      %add3A_503 = arith.addf %add3A_493, %mul3A_502 : vector<16xf32>
      %get3A_504 = arith.index_cast %add3A_474 : i32 to index
      %get3A_505 = arith.constant 48 : index
      %get3A_506 = tpu.vector_load %arg11[%get3A_504, %get3A_505] {strides = array<i32>} : memref<128x128xf32, #tpu.memory_space<vmem>>, vector<1x16xf32>,
      %get3A_507 = vector.shape_cast %get3A_506 : vector<1x16xf32> to vector<16xf32>
      %get3A_508 = arith.index_cast %add3A_474 : i32 to index
      %get3A_509 = arith.constant 112 : index
      %get3A_510 = tpu.vector_load %arg12[%get3A_508, %get3A_509] {strides = array<i32>} : memref<128x128xf32, #tpu.memory_space<vmem>>, vector<1x16xf32>,
      %get3A_511 = vector.shape_cast %get3A_510 : vector<1x16xf32> to vector<16xf32>
      %mul3A_512 = arith.mulf %get3A_507, %get3A_511 : vector<16xf32>
      %add3A_513 = arith.addf %add3A_503, %mul3A_512 : vector<16xf32>
      %swap3A_514 = arith.index_cast %add3A_474 : i32 to index
      %swap3A_515 = arith.constant 0 : index
      %swap3A_516 = tpu.vector_load %arg15[%swap3A_514, %swap3A_515] {strides = array<i32>} : memref<128x16xf32, #tpu.memory_space<vmem>>, vector<1x16xf32>,
      %swap3A_517 = vector.shape_cast %swap3A_516 : vector<1x16xf32> to vector<16xf32>
      %swap3A_518 = vector.shape_cast %add3A_513 : vector<16xf32> to vector<1x16xf32>
      tpu.vector_store %arg15[%swap3A_514, %swap3A_515], %swap3A_518 {strides = array<i32>} : memref<128x16xf32, #tpu.memory_space<vmem>>, vector<1x16xf32>,
      %mul3A_519 = arith.constant 16 : i32
      %mul3A_520 = arith.muli %scan3A_40, %mul3A_519 : i32
      %add3A_521 = arith.constant 10 : i32
      %add3A_522 = arith.addi %mul3A_520, %add3A_521 : i32
      %get3A_523 = arith.index_cast %add3A_522 : i32 to index
      %get3A_524 = arith.constant 0 : index
      %get3A_525 = tpu.vector_load %arg11[%get3A_523, %get3A_524] {strides = array<i32>} : memref<128x128xf32, #tpu.memory_space<vmem>>, vector<1x16xf32>,
      %get3A_526 = vector.shape_cast %get3A_525 : vector<1x16xf32> to vector<16xf32>
      %get3A_527 = arith.index_cast %add3A_522 : i32 to index
      %get3A_528 = arith.constant 64 : index
      %get3A_529 = tpu.vector_load %arg12[%get3A_527, %get3A_528] {strides = array<i32>} : memref<128x128xf32, #tpu.memory_space<vmem>>, vector<1x16xf32>,
      %get3A_530 = vector.shape_cast %get3A_529 : vector<1x16xf32> to vector<16xf32>
      %mul3A_531 = arith.mulf %get3A_526, %get3A_530 : vector<16xf32>
      %get3A_532 = arith.index_cast %add3A_522 : i32 to index
      %get3A_533 = arith.constant 16 : index
      %get3A_534 = tpu.vector_load %arg11[%get3A_532, %get3A_533] {strides = array<i32>} : memref<128x128xf32, #tpu.memory_space<vmem>>, vector<1x16xf32>,
      %get3A_535 = vector.shape_cast %get3A_534 : vector<1x16xf32> to vector<16xf32>
      %get3A_536 = arith.index_cast %add3A_522 : i32 to index
      %get3A_537 = arith.constant 80 : index
      %get3A_538 = tpu.vector_load %arg12[%get3A_536, %get3A_537] {strides = array<i32>} : memref<128x128xf32, #tpu.memory_space<vmem>>, vector<1x16xf32>,
      %get3A_539 = vector.shape_cast %get3A_538 : vector<1x16xf32> to vector<16xf32>
      %mul3A_540 = arith.mulf %get3A_535, %get3A_539 : vector<16xf32>
      %add3A_541 = arith.addf %mul3A_531, %mul3A_540 : vector<16xf32>
      %get3A_542 = arith.index_cast %add3A_522 : i32 to index
      %get3A_543 = arith.constant 32 : index
      %get3A_544 = tpu.vector_load %arg11[%get3A_542, %get3A_543] {strides = array<i32>} : memref<128x128xf32, #tpu.memory_space<vmem>>, vector<1x16xf32>,
      %get3A_545 = vector.shape_cast %get3A_544 : vector<1x16xf32> to vector<16xf32>
      %get3A_546 = arith.index_cast %add3A_522 : i32 to index
      %get3A_547 = arith.constant 96 : index
      %get3A_548 = tpu.vector_load %arg12[%get3A_546, %get3A_547] {strides = array<i32>} : memref<128x128xf32, #tpu.memory_space<vmem>>, vector<1x16xf32>,
      %get3A_549 = vector.shape_cast %get3A_548 : vector<1x16xf32> to vector<16xf32>
      %mul3A_550 = arith.mulf %get3A_545, %get3A_549 : vector<16xf32>
      %add3A_551 = arith.addf %add3A_541, %mul3A_550 : vector<16xf32>
      %get3A_552 = arith.index_cast %add3A_522 : i32 to index
      %get3A_553 = arith.constant 48 : index
      %get3A_554 = tpu.vector_load %arg11[%get3A_552, %get3A_553] {strides = array<i32>} : memref<128x128xf32, #tpu.memory_space<vmem>>, vector<1x16xf32>,
      %get3A_555 = vector.shape_cast %get3A_554 : vector<1x16xf32> to vector<16xf32>
      %get3A_556 = arith.index_cast %add3A_522 : i32 to index
      %get3A_557 = arith.constant 112 : index
      %get3A_558 = tpu.vector_load %arg12[%get3A_556, %get3A_557] {strides = array<i32>} : memref<128x128xf32, #tpu.memory_space<vmem>>, vector<1x16xf32>,
      %get3A_559 = vector.shape_cast %get3A_558 : vector<1x16xf32> to vector<16xf32>
      %mul3A_560 = arith.mulf %get3A_555, %get3A_559 : vector<16xf32>
      %add3A_561 = arith.addf %add3A_551, %mul3A_560 : vector<16xf32>
      %swap3A_562 = arith.index_cast %add3A_522 : i32 to index
      %swap3A_563 = arith.constant 0 : index
      %swap3A_564 = tpu.vector_load %arg15[%swap3A_562, %swap3A_563] {strides = array<i32>} : memref<128x16xf32, #tpu.memory_space<vmem>>, vector<1x16xf32>,
      %swap3A_565 = vector.shape_cast %swap3A_564 : vector<1x16xf32> to vector<16xf32>
      %swap3A_566 = vector.shape_cast %add3A_561 : vector<16xf32> to vector<1x16xf32>
      tpu.vector_store %arg15[%swap3A_562, %swap3A_563], %swap3A_566 {strides = array<i32>} : memref<128x16xf32, #tpu.memory_space<vmem>>, vector<1x16xf32>,
      %mul3A_567 = arith.constant 16 : i32
      %mul3A_568 = arith.muli %scan3A_40, %mul3A_567 : i32
      %add3A_569 = arith.constant 11 : i32
      %add3A_570 = arith.addi %mul3A_568, %add3A_569 : i32
      %get3A_571 = arith.index_cast %add3A_570 : i32 to index
      %get3A_572 = arith.constant 0 : index
      %get3A_573 = tpu.vector_load %arg11[%get3A_571, %get3A_572] {strides = array<i32>} : memref<128x128xf32, #tpu.memory_space<vmem>>, vector<1x16xf32>,
      %get3A_574 = vector.shape_cast %get3A_573 : vector<1x16xf32> to vector<16xf32>
      %get3A_575 = arith.index_cast %add3A_570 : i32 to index
      %get3A_576 = arith.constant 64 : index
      %get3A_577 = tpu.vector_load %arg12[%get3A_575, %get3A_576] {strides = array<i32>} : memref<128x128xf32, #tpu.memory_space<vmem>>, vector<1x16xf32>,
      %get3A_578 = vector.shape_cast %get3A_577 : vector<1x16xf32> to vector<16xf32>
      %mul3A_579 = arith.mulf %get3A_574, %get3A_578 : vector<16xf32>
      %get3A_580 = arith.index_cast %add3A_570 : i32 to index
      %get3A_581 = arith.constant 16 : index
      %get3A_582 = tpu.vector_load %arg11[%get3A_580, %get3A_581] {strides = array<i32>} : memref<128x128xf32, #tpu.memory_space<vmem>>, vector<1x16xf32>,
      %get3A_583 = vector.shape_cast %get3A_582 : vector<1x16xf32> to vector<16xf32>
      %get3A_584 = arith.index_cast %add3A_570 : i32 to index
      %get3A_585 = arith.constant 80 : index
      %get3A_586 = tpu.vector_load %arg12[%get3A_584, %get3A_585] {strides = array<i32>} : memref<128x128xf32, #tpu.memory_space<vmem>>, vector<1x16xf32>,
      %get3A_587 = vector.shape_cast %get3A_586 : vector<1x16xf32> to vector<16xf32>
      %mul3A_588 = arith.mulf %get3A_583, %get3A_587 : vector<16xf32>
      %add3A_589 = arith.addf %mul3A_579, %mul3A_588 : vector<16xf32>
      %get3A_590 = arith.index_cast %add3A_570 : i32 to index
      %get3A_591 = arith.constant 32 : index
      %get3A_592 = tpu.vector_load %arg11[%get3A_590, %get3A_591] {strides = array<i32>} : memref<128x128xf32, #tpu.memory_space<vmem>>, vector<1x16xf32>,
      %get3A_593 = vector.shape_cast %get3A_592 : vector<1x16xf32> to vector<16xf32>
      %get3A_594 = arith.index_cast %add3A_570 : i32 to index
      %get3A_595 = arith.constant 96 : index
      %get3A_596 = tpu.vector_load %arg12[%get3A_594, %get3A_595] {strides = array<i32>} : memref<128x128xf32, #tpu.memory_space<vmem>>, vector<1x16xf32>,
      %get3A_597 = vector.shape_cast %get3A_596 : vector<1x16xf32> to vector<16xf32>
      %mul3A_598 = arith.mulf %get3A_593, %get3A_597 : vector<16xf32>
      %add3A_599 = arith.addf %add3A_589, %mul3A_598 : vector<16xf32>
      %get3A_600 = arith.index_cast %add3A_570 : i32 to index
      %get3A_601 = arith.constant 48 : index
      %get3A_602 = tpu.vector_load %arg11[%get3A_600, %get3A_601] {strides = array<i32>} : memref<128x128xf32, #tpu.memory_space<vmem>>, vector<1x16xf32>,
      %get3A_603 = vector.shape_cast %get3A_602 : vector<1x16xf32> to vector<16xf32>
      %get3A_604 = arith.index_cast %add3A_570 : i32 to index
      %get3A_605 = arith.constant 112 : index
      %get3A_606 = tpu.vector_load %arg12[%get3A_604, %get3A_605] {strides = array<i32>} : memref<128x128xf32, #tpu.memory_space<vmem>>, vector<1x16xf32>,
      %get3A_607 = vector.shape_cast %get3A_606 : vector<1x16xf32> to vector<16xf32>
      %mul3A_608 = arith.mulf %get3A_603, %get3A_607 : vector<16xf32>
      %add3A_609 = arith.addf %add3A_599, %mul3A_608 : vector<16xf32>
      %swap3A_610 = arith.index_cast %add3A_570 : i32 to index
      %swap3A_611 = arith.constant 0 : index
      %swap3A_612 = tpu.vector_load %arg15[%swap3A_610, %swap3A_611] {strides = array<i32>} : memref<128x16xf32, #tpu.memory_space<vmem>>, vector<1x16xf32>,
      %swap3A_613 = vector.shape_cast %swap3A_612 : vector<1x16xf32> to vector<16xf32>
      %swap3A_614 = vector.shape_cast %add3A_609 : vector<16xf32> to vector<1x16xf32>
      tpu.vector_store %arg15[%swap3A_610, %swap3A_611], %swap3A_614 {strides = array<i32>} : memref<128x16xf32, #tpu.memory_space<vmem>>, vector<1x16xf32>,
      %mul3A_615 = arith.constant 16 : i32
      %mul3A_616 = arith.muli %scan3A_40, %mul3A_615 : i32
      %add3A_617 = arith.constant 12 : i32
      %add3A_618 = arith.addi %mul3A_616, %add3A_617 : i32
      %get3A_619 = arith.index_cast %add3A_618 : i32 to index
      %get3A_620 = arith.constant 0 : index
      %get3A_621 = tpu.vector_load %arg11[%get3A_619, %get3A_620] {strides = array<i32>} : memref<128x128xf32, #tpu.memory_space<vmem>>, vector<1x16xf32>,
      %get3A_622 = vector.shape_cast %get3A_621 : vector<1x16xf32> to vector<16xf32>
      %get3A_623 = arith.index_cast %add3A_618 : i32 to index
      %get3A_624 = arith.constant 64 : index
      %get3A_625 = tpu.vector_load %arg12[%get3A_623, %get3A_624] {strides = array<i32>} : memref<128x128xf32, #tpu.memory_space<vmem>>, vector<1x16xf32>,
      %get3A_626 = vector.shape_cast %get3A_625 : vector<1x16xf32> to vector<16xf32>
      %mul3A_627 = arith.mulf %get3A_622, %get3A_626 : vector<16xf32>
      %get3A_628 = arith.index_cast %add3A_618 : i32 to index
      %get3A_629 = arith.constant 16 : index
      %get3A_630 = tpu.vector_load %arg11[%get3A_628, %get3A_629] {strides = array<i32>} : memref<128x128xf32, #tpu.memory_space<vmem>>, vector<1x16xf32>,
      %get3A_631 = vector.shape_cast %get3A_630 : vector<1x16xf32> to vector<16xf32>
      %get3A_632 = arith.index_cast %add3A_618 : i32 to index
      %get3A_633 = arith.constant 80 : index
      %get3A_634 = tpu.vector_load %arg12[%get3A_632, %get3A_633] {strides = array<i32>} : memref<128x128xf32, #tpu.memory_space<vmem>>, vector<1x16xf32>,
      %get3A_635 = vector.shape_cast %get3A_634 : vector<1x16xf32> to vector<16xf32>
      %mul3A_636 = arith.mulf %get3A_631, %get3A_635 : vector<16xf32>
      %add3A_637 = arith.addf %mul3A_627, %mul3A_636 : vector<16xf32>
      %get3A_638 = arith.index_cast %add3A_618 : i32 to index
      %get3A_639 = arith.constant 32 : index
      %get3A_640 = tpu.vector_load %arg11[%get3A_638, %get3A_639] {strides = array<i32>} : memref<128x128xf32, #tpu.memory_space<vmem>>, vector<1x16xf32>,
      %get3A_641 = vector.shape_cast %get3A_640 : vector<1x16xf32> to vector<16xf32>
      %get3A_642 = arith.index_cast %add3A_618 : i32 to index
      %get3A_643 = arith.constant 96 : index
      %get3A_644 = tpu.vector_load %arg12[%get3A_642, %get3A_643] {strides = array<i32>} : memref<128x128xf32, #tpu.memory_space<vmem>>, vector<1x16xf32>,
      %get3A_645 = vector.shape_cast %get3A_644 : vector<1x16xf32> to vector<16xf32>
      %mul3A_646 = arith.mulf %get3A_641, %get3A_645 : vector<16xf32>
      %add3A_647 = arith.addf %add3A_637, %mul3A_646 : vector<16xf32>
      %get3A_648 = arith.index_cast %add3A_618 : i32 to index
      %get3A_649 = arith.constant 48 : index
      %get3A_650 = tpu.vector_load %arg11[%get3A_648, %get3A_649] {strides = array<i32>} : memref<128x128xf32, #tpu.memory_space<vmem>>, vector<1x16xf32>,
      %get3A_651 = vector.shape_cast %get3A_650 : vector<1x16xf32> to vector<16xf32>
      %get3A_652 = arith.index_cast %add3A_618 : i32 to index
      %get3A_653 = arith.constant 112 : index
      %get3A_654 = tpu.vector_load %arg12[%get3A_652, %get3A_653] {strides = array<i32>} : memref<128x128xf32, #tpu.memory_space<vmem>>, vector<1x16xf32>,
      %get3A_655 = vector.shape_cast %get3A_654 : vector<1x16xf32> to vector<16xf32>
      %mul3A_656 = arith.mulf %get3A_651, %get3A_655 : vector<16xf32>
      %add3A_657 = arith.addf %add3A_647, %mul3A_656 : vector<16xf32>
      %swap3A_658 = arith.index_cast %add3A_618 : i32 to index
      %swap3A_659 = arith.constant 0 : index
      %swap3A_660 = tpu.vector_load %arg15[%swap3A_658, %swap3A_659] {strides = array<i32>} : memref<128x16xf32, #tpu.memory_space<vmem>>, vector<1x16xf32>,
      %swap3A_661 = vector.shape_cast %swap3A_660 : vector<1x16xf32> to vector<16xf32>
      %swap3A_662 = vector.shape_cast %add3A_657 : vector<16xf32> to vector<1x16xf32>
      tpu.vector_store %arg15[%swap3A_658, %swap3A_659], %swap3A_662 {strides = array<i32>} : memref<128x16xf32, #tpu.memory_space<vmem>>, vector<1x16xf32>,
      %mul3A_663 = arith.constant 16 : i32
      %mul3A_664 = arith.muli %scan3A_40, %mul3A_663 : i32
      %add3A_665 = arith.constant 13 : i32
      %add3A_666 = arith.addi %mul3A_664, %add3A_665 : i32
      %get3A_667 = arith.index_cast %add3A_666 : i32 to index
      %get3A_668 = arith.constant 0 : index
      %get3A_669 = tpu.vector_load %arg11[%get3A_667, %get3A_668] {strides = array<i32>} : memref<128x128xf32, #tpu.memory_space<vmem>>, vector<1x16xf32>,
      %get3A_670 = vector.shape_cast %get3A_669 : vector<1x16xf32> to vector<16xf32>
      %get3A_671 = arith.index_cast %add3A_666 : i32 to index
      %get3A_672 = arith.constant 64 : index
      %get3A_673 = tpu.vector_load %arg12[%get3A_671, %get3A_672] {strides = array<i32>} : memref<128x128xf32, #tpu.memory_space<vmem>>, vector<1x16xf32>,
      %get3A_674 = vector.shape_cast %get3A_673 : vector<1x16xf32> to vector<16xf32>
      %mul3A_675 = arith.mulf %get3A_670, %get3A_674 : vector<16xf32>
      %get3A_676 = arith.index_cast %add3A_666 : i32 to index
      %get3A_677 = arith.constant 16 : index
      %get3A_678 = tpu.vector_load %arg11[%get3A_676, %get3A_677] {strides = array<i32>} : memref<128x128xf32, #tpu.memory_space<vmem>>, vector<1x16xf32>,
      %get3A_679 = vector.shape_cast %get3A_678 : vector<1x16xf32> to vector<16xf32>
      %get3A_680 = arith.index_cast %add3A_666 : i32 to index
      %get3A_681 = arith.constant 80 : index
      %get3A_682 = tpu.vector_load %arg12[%get3A_680, %get3A_681] {strides = array<i32>} : memref<128x128xf32, #tpu.memory_space<vmem>>, vector<1x16xf32>,
      %get3A_683 = vector.shape_cast %get3A_682 : vector<1x16xf32> to vector<16xf32>
      %mul3A_684 = arith.mulf %get3A_679, %get3A_683 : vector<16xf32>
      %add3A_685 = arith.addf %mul3A_675, %mul3A_684 : vector<16xf32>
      %get3A_686 = arith.index_cast %add3A_666 : i32 to index
      %get3A_687 = arith.constant 32 : index
      %get3A_688 = tpu.vector_load %arg11[%get3A_686, %get3A_687] {strides = array<i32>} : memref<128x128xf32, #tpu.memory_space<vmem>>, vector<1x16xf32>,
      %get3A_689 = vector.shape_cast %get3A_688 : vector<1x16xf32> to vector<16xf32>
      %get3A_690 = arith.index_cast %add3A_666 : i32 to index
      %get3A_691 = arith.constant 96 : index
      %get3A_692 = tpu.vector_load %arg12[%get3A_690, %get3A_691] {strides = array<i32>} : memref<128x128xf32, #tpu.memory_space<vmem>>, vector<1x16xf32>,
      %get3A_693 = vector.shape_cast %get3A_692 : vector<1x16xf32> to vector<16xf32>
      %mul3A_694 = arith.mulf %get3A_689, %get3A_693 : vector<16xf32>
      %add3A_695 = arith.addf %add3A_685, %mul3A_694 : vector<16xf32>
      %get3A_696 = arith.index_cast %add3A_666 : i32 to index
      %get3A_697 = arith.constant 48 : index
      %get3A_698 = tpu.vector_load %arg11[%get3A_696, %get3A_697] {strides = array<i32>} : memref<128x128xf32, #tpu.memory_space<vmem>>, vector<1x16xf32>,
      %get3A_699 = vector.shape_cast %get3A_698 : vector<1x16xf32> to vector<16xf32>
      %get3A_700 = arith.index_cast %add3A_666 : i32 to index
      %get3A_701 = arith.constant 112 : index
      %get3A_702 = tpu.vector_load %arg12[%get3A_700, %get3A_701] {strides = array<i32>} : memref<128x128xf32, #tpu.memory_space<vmem>>, vector<1x16xf32>,
      %get3A_703 = vector.shape_cast %get3A_702 : vector<1x16xf32> to vector<16xf32>
      %mul3A_704 = arith.mulf %get3A_699, %get3A_703 : vector<16xf32>
      %add3A_705 = arith.addf %add3A_695, %mul3A_704 : vector<16xf32>
      %swap3A_706 = arith.index_cast %add3A_666 : i32 to index
      %swap3A_707 = arith.constant 0 : index
      %swap3A_708 = tpu.vector_load %arg15[%swap3A_706, %swap3A_707] {strides = array<i32>} : memref<128x16xf32, #tpu.memory_space<vmem>>, vector<1x16xf32>,
      %swap3A_709 = vector.shape_cast %swap3A_708 : vector<1x16xf32> to vector<16xf32>
      %swap3A_710 = vector.shape_cast %add3A_705 : vector<16xf32> to vector<1x16xf32>
      tpu.vector_store %arg15[%swap3A_706, %swap3A_707], %swap3A_710 {strides = array<i32>} : memref<128x16xf32, #tpu.memory_space<vmem>>, vector<1x16xf32>,
      %mul3A_711 = arith.constant 16 : i32
      %mul3A_712 = arith.muli %scan3A_40, %mul3A_711 : i32
      %add3A_713 = arith.constant 14 : i32
      %add3A_714 = arith.addi %mul3A_712, %add3A_713 : i32
      %get3A_715 = arith.index_cast %add3A_714 : i32 to index
      %get3A_716 = arith.constant 0 : index
      %get3A_717 = tpu.vector_load %arg11[%get3A_715, %get3A_716] {strides = array<i32>} : memref<128x128xf32, #tpu.memory_space<vmem>>, vector<1x16xf32>,
      %get3A_718 = vector.shape_cast %get3A_717 : vector<1x16xf32> to vector<16xf32>
      %get3A_719 = arith.index_cast %add3A_714 : i32 to index
      %get3A_720 = arith.constant 64 : index
      %get3A_721 = tpu.vector_load %arg12[%get3A_719, %get3A_720] {strides = array<i32>} : memref<128x128xf32, #tpu.memory_space<vmem>>, vector<1x16xf32>,
      %get3A_722 = vector.shape_cast %get3A_721 : vector<1x16xf32> to vector<16xf32>
      %mul3A_723 = arith.mulf %get3A_718, %get3A_722 : vector<16xf32>
      %get3A_724 = arith.index_cast %add3A_714 : i32 to index
      %get3A_725 = arith.constant 16 : index
      %get3A_726 = tpu.vector_load %arg11[%get3A_724, %get3A_725] {strides = array<i32>} : memref<128x128xf32, #tpu.memory_space<vmem>>, vector<1x16xf32>,
      %get3A_727 = vector.shape_cast %get3A_726 : vector<1x16xf32> to vector<16xf32>
      %get3A_728 = arith.index_cast %add3A_714 : i32 to index
      %get3A_729 = arith.constant 80 : index
      %get3A_730 = tpu.vector_load %arg12[%get3A_728, %get3A_729] {strides = array<i32>} : memref<128x128xf32, #tpu.memory_space<vmem>>, vector<1x16xf32>,
      %get3A_731 = vector.shape_cast %get3A_730 : vector<1x16xf32> to vector<16xf32>
      %mul3A_732 = arith.mulf %get3A_727, %get3A_731 : vector<16xf32>
      %add3A_733 = arith.addf %mul3A_723, %mul3A_732 : vector<16xf32>
      %get3A_734 = arith.index_cast %add3A_714 : i32 to index
      %get3A_735 = arith.constant 32 : index
      %get3A_736 = tpu.vector_load %arg11[%get3A_734, %get3A_735] {strides = array<i32>} : memref<128x128xf32, #tpu.memory_space<vmem>>, vector<1x16xf32>,
      %get3A_737 = vector.shape_cast %get3A_736 : vector<1x16xf32> to vector<16xf32>
      %get3A_738 = arith.index_cast %add3A_714 : i32 to index
      %get3A_739 = arith.constant 96 : index
      %get3A_740 = tpu.vector_load %arg12[%get3A_738, %get3A_739] {strides = array<i32>} : memref<128x128xf32, #tpu.memory_space<vmem>>, vector<1x16xf32>,
      %get3A_741 = vector.shape_cast %get3A_740 : vector<1x16xf32> to vector<16xf32>
      %mul3A_742 = arith.mulf %get3A_737, %get3A_741 : vector<16xf32>
      %add3A_743 = arith.addf %add3A_733, %mul3A_742 : vector<16xf32>
      %get3A_744 = arith.index_cast %add3A_714 : i32 to index
      %get3A_745 = arith.constant 48 : index
      %get3A_746 = tpu.vector_load %arg11[%get3A_744, %get3A_745] {strides = array<i32>} : memref<128x128xf32, #tpu.memory_space<vmem>>, vector<1x16xf32>,
      %get3A_747 = vector.shape_cast %get3A_746 : vector<1x16xf32> to vector<16xf32>
      %get3A_748 = arith.index_cast %add3A_714 : i32 to index
      %get3A_749 = arith.constant 112 : index
      %get3A_750 = tpu.vector_load %arg12[%get3A_748, %get3A_749] {strides = array<i32>} : memref<128x128xf32, #tpu.memory_space<vmem>>, vector<1x16xf32>,
      %get3A_751 = vector.shape_cast %get3A_750 : vector<1x16xf32> to vector<16xf32>
      %mul3A_752 = arith.mulf %get3A_747, %get3A_751 : vector<16xf32>
      %add3A_753 = arith.addf %add3A_743, %mul3A_752 : vector<16xf32>
      %swap3A_754 = arith.index_cast %add3A_714 : i32 to index
      %swap3A_755 = arith.constant 0 : index
      %swap3A_756 = tpu.vector_load %arg15[%swap3A_754, %swap3A_755] {strides = array<i32>} : memref<128x16xf32, #tpu.memory_space<vmem>>, vector<1x16xf32>,
      %swap3A_757 = vector.shape_cast %swap3A_756 : vector<1x16xf32> to vector<16xf32>
      %swap3A_758 = vector.shape_cast %add3A_753 : vector<16xf32> to vector<1x16xf32>
      tpu.vector_store %arg15[%swap3A_754, %swap3A_755], %swap3A_758 {strides = array<i32>} : memref<128x16xf32, #tpu.memory_space<vmem>>, vector<1x16xf32>,
      %mul3A_759 = arith.constant 16 : i32
      %mul3A_760 = arith.muli %scan3A_40, %mul3A_759 : i32
      %add3A_761 = arith.constant 15 : i32
      %add3A_762 = arith.addi %mul3A_760, %add3A_761 : i32
      %get3A_763 = arith.index_cast %add3A_762 : i32 to index
      %get3A_764 = arith.constant 0 : index
      %get3A_765 = tpu.vector_load %arg11[%get3A_763, %get3A_764] {strides = array<i32>} : memref<128x128xf32, #tpu.memory_space<vmem>>, vector<1x16xf32>,
      %get3A_766 = vector.shape_cast %get3A_765 : vector<1x16xf32> to vector<16xf32>
      %get3A_767 = arith.index_cast %add3A_762 : i32 to index
      %get3A_768 = arith.constant 64 : index
      %get3A_769 = tpu.vector_load %arg12[%get3A_767, %get3A_768] {strides = array<i32>} : memref<128x128xf32, #tpu.memory_space<vmem>>, vector<1x16xf32>,
      %get3A_770 = vector.shape_cast %get3A_769 : vector<1x16xf32> to vector<16xf32>
      %mul3A_771 = arith.mulf %get3A_766, %get3A_770 : vector<16xf32>
      %get3A_772 = arith.index_cast %add3A_762 : i32 to index
      %get3A_773 = arith.constant 16 : index
      %get3A_774 = tpu.vector_load %arg11[%get3A_772, %get3A_773] {strides = array<i32>} : memref<128x128xf32, #tpu.memory_space<vmem>>, vector<1x16xf32>,
      %get3A_775 = vector.shape_cast %get3A_774 : vector<1x16xf32> to vector<16xf32>
      %get3A_776 = arith.index_cast %add3A_762 : i32 to index
      %get3A_777 = arith.constant 80 : index
      %get3A_778 = tpu.vector_load %arg12[%get3A_776, %get3A_777] {strides = array<i32>} : memref<128x128xf32, #tpu.memory_space<vmem>>, vector<1x16xf32>,
      %get3A_779 = vector.shape_cast %get3A_778 : vector<1x16xf32> to vector<16xf32>
      %mul3A_780 = arith.mulf %get3A_775, %get3A_779 : vector<16xf32>
      %add3A_781 = arith.addf %mul3A_771, %mul3A_780 : vector<16xf32>
      %get3A_782 = arith.index_cast %add3A_762 : i32 to index
      %get3A_783 = arith.constant 32 : index
      %get3A_784 = tpu.vector_load %arg11[%get3A_782, %get3A_783] {strides = array<i32>} : memref<128x128xf32, #tpu.memory_space<vmem>>, vector<1x16xf32>,
      %get3A_785 = vector.shape_cast %get3A_784 : vector<1x16xf32> to vector<16xf32>
      %get3A_786 = arith.index_cast %add3A_762 : i32 to index
      %get3A_787 = arith.constant 96 : index
      %get3A_788 = tpu.vector_load %arg12[%get3A_786, %get3A_787] {strides = array<i32>} : memref<128x128xf32, #tpu.memory_space<vmem>>, vector<1x16xf32>,
      %get3A_789 = vector.shape_cast %get3A_788 : vector<1x16xf32> to vector<16xf32>
      %mul3A_790 = arith.mulf %get3A_785, %get3A_789 : vector<16xf32>
      %add3A_791 = arith.addf %add3A_781, %mul3A_790 : vector<16xf32>
      %get3A_792 = arith.index_cast %add3A_762 : i32 to index
      %get3A_793 = arith.constant 48 : index
      %get3A_794 = tpu.vector_load %arg11[%get3A_792, %get3A_793] {strides = array<i32>} : memref<128x128xf32, #tpu.memory_space<vmem>>, vector<1x16xf32>,
      %get3A_795 = vector.shape_cast %get3A_794 : vector<1x16xf32> to vector<16xf32>
      %get3A_796 = arith.index_cast %add3A_762 : i32 to index
      %get3A_797 = arith.constant 112 : index
      %get3A_798 = tpu.vector_load %arg12[%get3A_796, %get3A_797] {strides = array<i32>} : memref<128x128xf32, #tpu.memory_space<vmem>>, vector<1x16xf32>,
      %get3A_799 = vector.shape_cast %get3A_798 : vector<1x16xf32> to vector<16xf32>
      %mul3A_800 = arith.mulf %get3A_795, %get3A_799 : vector<16xf32>
      %add3A_801 = arith.addf %add3A_791, %mul3A_800 : vector<16xf32>
      %swap3A_802 = arith.index_cast %add3A_762 : i32 to index
      %swap3A_803 = arith.constant 0 : index
      %swap3A_804 = tpu.vector_load %arg15[%swap3A_802, %swap3A_803] {strides = array<i32>} : memref<128x16xf32, #tpu.memory_space<vmem>>, vector<1x16xf32>,
      %swap3A_805 = vector.shape_cast %swap3A_804 : vector<1x16xf32> to vector<16xf32>
      %swap3A_806 = vector.shape_cast %add3A_801 : vector<16xf32> to vector<1x16xf32>
      tpu.vector_store %arg15[%swap3A_802, %swap3A_803], %swap3A_806 {strides = array<i32>} : memref<128x16xf32, #tpu.memory_space<vmem>>, vector<1x16xf32>,
    }
    %scan3A_31 = arith.constant 8 : i32
    %scan3A_32 = arith.constant 0 : i32
    %scan3A_33 = arith.constant 0 : i32
    %scan3A_34 = arith.constant 10 : i32
    %scan3A_35 = arith.addi %scan3A_33, %scan3A_34 : i32
    %scan3A_36 = arith.constant 1 : i32
    scf.for %scan3A_40 = %scan3A_33 to %scan3A_35 step %scan3A_36  : i32 {
      %mul3A_41 = arith.constant 2 : i32
      %mul3A_42 = arith.muli %mul3A_41, %scan3A_40 : i32
      %add3A_43 = arith.constant 0 : i32
      %add3A_44 = arith.addi %mul3A_42, %add3A_43 : i32
      %dma_wait3A_45 = arith.constant 0 : i32
      %dma_wait3A_46 = arith.constant 0 : i32
      %dma_wait3A_47 = tpu.memref_slice %arg10[%dma_wait3A_45, %dma_wait3A_46] : memref<20x128xi32, #tpu.memory_space<vmem>> -> memref<1x128xi32, #tpu.memory_space<vmem>>
      %dma_wait3A_48 = tpu.memref_squeeze %dma_wait3A_47 : memref<1x128xi32, #tpu.memory_space<vmem>> -> memref<128xi32, #tpu.memory_space<vmem>>
      %dma_wait3A_49 = arith.constant 0 : i32
      %dma_wait3A_50 = arith.constant 0 : i32
      %dma_wait3A_51 = tpu.memref_slice %arg5[%dma_wait3A_49, %dma_wait3A_50] : memref<100000x128xf32, #tpu.memory_space<hbm>> -> memref<100000x128xf32, #tpu.memory_space<hbm>>
      tpu.wait_indirect_dma semaphore(%arg19 : memref<!tpu.dma_semaphore, #tpu.memory_space<semaphore_mem>>) src(%dma_wait3A_51 : memref<100000x128xf32, #tpu.memory_space<hbm>>) dst(%arg13 : memref<128x128xf32, #tpu.memory_space<vmem>>)
      %scan3A_52 = arith.constant 0 : i32
      %scan3A_53 = arith.constant 0 : i32
      %scan3A_54 = arith.constant 8 : i32
      %scan3A_55 = arith.addi %scan3A_53, %scan3A_54 : i32
      %scan3A_56 = arith.constant 1 : i32
      scf.for %scan3A_86 = %scan3A_53 to %scan3A_55 step %scan3A_56  : i32 {
        %mul3A_87 = arith.constant 16 : i32
        %mul3A_88 = arith.muli %scan3A_86, %mul3A_87 : i32
        %add3A_89 = arith.constant 0 : i32
        %add3A_90 = arith.addi %mul3A_88, %add3A_89 : i32
        %get3A = arith.index_cast %add3A_90 : i32 to index
        %get3A_91 = arith.constant 64 : index
        %get3A_92 = tpu.vector_load %arg13[%get3A, %get3A_91] {strides = array<i32>} : memref<128x128xf32, #tpu.memory_space<vmem>>, vector<1x16xf32>,
        %get3A_93 = vector.shape_cast %get3A_92 : vector<1x16xf32> to vector<16xf32>
        %get3A_94 = arith.index_cast %add3A_90 : i32 to index
        %get3A_95 = arith.constant 0 : index
        %get3A_96 = tpu.vector_load %arg11[%get3A_94, %get3A_95] {strides = array<i32>} : memref<128x128xf32, #tpu.memory_space<vmem>>, vector<1x16xf32>,
        %get3A_97 = vector.shape_cast %get3A_96 : vector<1x16xf32> to vector<16xf32>
        %mul3A_98 = arith.mulf %get3A_93, %get3A_97 : vector<16xf32>
        %get3A_99 = arith.index_cast %add3A_90 : i32 to index
        %get3A_100 = arith.constant 80 : index
        %get3A_101 = tpu.vector_load %arg13[%get3A_99, %get3A_100] {strides = array<i32>} : memref<128x128xf32, #tpu.memory_space<vmem>>, vector<1x16xf32>,
        %get3A_102 = vector.shape_cast %get3A_101 : vector<1x16xf32> to vector<16xf32>
        %get3A_103 = arith.index_cast %add3A_90 : i32 to index
        %get3A_104 = arith.constant 16 : index
        %get3A_105 = tpu.vector_load %arg11[%get3A_103, %get3A_104] {strides = array<i32>} : memref<128x128xf32, #tpu.memory_space<vmem>>, vector<1x16xf32>,
        %get3A_106 = vector.shape_cast %get3A_105 : vector<1x16xf32> to vector<16xf32>
        %mul3A_107 = arith.mulf %get3A_102, %get3A_106 : vector<16xf32>
        %add3A_108 = arith.addf %mul3A_98, %mul3A_107 : vector<16xf32>
        %get3A_109 = arith.index_cast %add3A_90 : i32 to index
        %get3A_110 = arith.constant 96 : index
        %get3A_111 = tpu.vector_load %arg13[%get3A_109, %get3A_110] {strides = array<i32>} : memref<128x128xf32, #tpu.memory_space<vmem>>, vector<1x16xf32>,
        %get3A_112 = vector.shape_cast %get3A_111 : vector<1x16xf32> to vector<16xf32>
        %get3A_113 = arith.index_cast %add3A_90 : i32 to index
        %get3A_114 = arith.constant 32 : index
        %get3A_115 = tpu.vector_load %arg11[%get3A_113, %get3A_114] {strides = array<i32>} : memref<128x128xf32, #tpu.memory_space<vmem>>, vector<1x16xf32>,
        %get3A_116 = vector.shape_cast %get3A_115 : vector<1x16xf32> to vector<16xf32>
        %mul3A_117 = arith.mulf %get3A_112, %get3A_116 : vector<16xf32>
        %add3A_118 = arith.addf %add3A_108, %mul3A_117 : vector<16xf32>
        %get3A_119 = arith.index_cast %add3A_90 : i32 to index
        %get3A_120 = arith.constant 112 : index
        %get3A_121 = tpu.vector_load %arg13[%get3A_119, %get3A_120] {strides = array<i32>} : memref<128x128xf32, #tpu.memory_space<vmem>>, vector<1x16xf32>,
        %get3A_122 = vector.shape_cast %get3A_121 : vector<1x16xf32> to vector<16xf32>
        %get3A_123 = arith.index_cast %add3A_90 : i32 to index
        %get3A_124 = arith.constant 48 : index
        %get3A_125 = tpu.vector_load %arg11[%get3A_123, %get3A_124] {strides = array<i32>} : memref<128x128xf32, #tpu.memory_space<vmem>>, vector<1x16xf32>,
        %get3A_126 = vector.shape_cast %get3A_125 : vector<1x16xf32> to vector<16xf32>
        %mul3A_127 = arith.mulf %get3A_122, %get3A_126 : vector<16xf32>
        %add3A_128 = arith.addf %add3A_118, %mul3A_127 : vector<16xf32>
        %jit3A = arith.constant 8 : i32
        %div3A = arith.divsi %add3A_90, %jit3A : i32
        %sign3A = arith.constant 0 : i32
        %sign3A_129 = arith.cmpi sgt, %add3A_90, %sign3A : i32
        %sign3A_130 = arith.extui %sign3A_129 : i1 to i32
        %sign3A_131 = arith.constant 0 : i32
        %sign3A_132 = arith.cmpi slt, %add3A_90, %sign3A_131 : i32
        %sign3A_133 = arith.extui %sign3A_132 : i1 to i32
        %sign3A_134 = arith.subi %sign3A_130, %sign3A_133 : i32
        %sign3A_135 = arith.constant 0 : i32
        %sign3A_136 = arith.cmpi sgt, %jit3A, %sign3A_135 : i32
        %sign3A_137 = arith.extui %sign3A_136 : i1 to i32
        %sign3A_138 = arith.constant 0 : i32
        %sign3A_139 = arith.cmpi slt, %jit3A, %sign3A_138 : i32
        %sign3A_140 = arith.extui %sign3A_139 : i1 to i32
        %sign3A_141 = arith.subi %sign3A_137, %sign3A_140 : i32
        %ne3A = arith.cmpi ne, %sign3A_134, %sign3A_141 : i32
        %rem3A = arith.remsi %add3A_90, %jit3A : i32
        %ne3A_142 = arith.constant 0 : i32
        %ne3A_143 = arith.cmpi ne, %rem3A, %ne3A_142 : i32
        %and3A = arith.andi %ne3A, %ne3A_143 : i1
        %sub3A = arith.constant 1 : i32
        %sub3A_144 = arith.subi %div3A, %sub3A : i32
        %select_n3A = arith.select %and3A, %sub3A_144, %div3A : i32
        %jit3A_145 = arith.constant 8 : i32
        %eq3A = arith.constant 0 : i32
        %eq3A_146 = arith.cmpi eq, %jit3A_145, %eq3A : i32
        %jit3A_147 = arith.constant 1 : i32
        %select_n3A_148 = arith.select %eq3A_146, %jit3A_147, %jit3A_145 : i32
        %rem3A_149 = arith.remsi %add3A_90, %select_n3A_148 : i32
        %ne3A_150 = arith.constant 0 : i32
        %ne3A_151 = arith.cmpi ne, %rem3A_149, %ne3A_150 : i32
        %lt3A_152 = arith.constant 0 : i32
        %lt3A_153 = arith.cmpi slt, %rem3A_149, %lt3A_152 : i32
        %lt3A_154 = arith.constant 0 : i32
        %lt3A_155 = arith.cmpi slt, %select_n3A_148, %lt3A_154 : i32
        %ne3A_156 = arith.xori %lt3A_153, %lt3A_155 : i1
        %and3A_157 = arith.andi %ne3A_156, %ne3A_151 : i1
        %add3A_158 = arith.addi %rem3A_149, %select_n3A_148 : i32
        %select_n3A_159 = arith.select %and3A_157, %add3A_158, %rem3A_149 : i32
        %mul3A_160 = arith.constant 16 : i32
        %mul3A_161 = arith.muli %select_n3A_159, %mul3A_160 : i32
        %swap3A = arith.index_cast %add3A_44 : i32 to index
        %swap3A_162 = arith.index_cast %select_n3A : i32 to index
        %swap3A_163 = arith.index_cast %mul3A_161 : i32 to index
        %swap3A_164 = tpu.vector_load %arg16[%swap3A, %swap3A_162, %swap3A_163] {strides = array<i32>} : memref<20x16x128xf32, #tpu.memory_space<vmem>>, vector<1x1x16xf32>,
        %swap3A_165 = vector.shape_cast %swap3A_164 : vector<1x1x16xf32> to vector<16xf32>
        %swap3A_166 = vector.shape_cast %add3A_128 : vector<16xf32> to vector<1x1x16xf32>
        tpu.vector_store %arg16[%swap3A, %swap3A_162, %swap3A_163], %swap3A_166 {strides = array<i32>} : memref<20x16x128xf32, #tpu.memory_space<vmem>>, vector<1x1x16xf32>,
        %mul3A_167 = arith.constant 16 : i32
        %mul3A_168 = arith.muli %scan3A_86, %mul3A_167 : i32
        %add3A_169 = arith.constant 1 : i32
        %add3A_170 = arith.addi %mul3A_168, %add3A_169 : i32
        %get3A_171 = arith.index_cast %add3A_170 : i32 to index
        %get3A_172 = arith.constant 64 : index
        %get3A_173 = tpu.vector_load %arg13[%get3A_171, %get3A_172] {strides = array<i32>} : memref<128x128xf32, #tpu.memory_space<vmem>>, vector<1x16xf32>,
        %get3A_174 = vector.shape_cast %get3A_173 : vector<1x16xf32> to vector<16xf32>
        %get3A_175 = arith.index_cast %add3A_170 : i32 to index
        %get3A_176 = arith.constant 0 : index
        %get3A_177 = tpu.vector_load %arg11[%get3A_175, %get3A_176] {strides = array<i32>} : memref<128x128xf32, #tpu.memory_space<vmem>>, vector<1x16xf32>,
        %get3A_178 = vector.shape_cast %get3A_177 : vector<1x16xf32> to vector<16xf32>
        %mul3A_179 = arith.mulf %get3A_174, %get3A_178 : vector<16xf32>
        %get3A_180 = arith.index_cast %add3A_170 : i32 to index
        %get3A_181 = arith.constant 80 : index
        %get3A_182 = tpu.vector_load %arg13[%get3A_180, %get3A_181] {strides = array<i32>} : memref<128x128xf32, #tpu.memory_space<vmem>>, vector<1x16xf32>,
        %get3A_183 = vector.shape_cast %get3A_182 : vector<1x16xf32> to vector<16xf32>
        %get3A_184 = arith.index_cast %add3A_170 : i32 to index
        %get3A_185 = arith.constant 16 : index
        %get3A_186 = tpu.vector_load %arg11[%get3A_184, %get3A_185] {strides = array<i32>} : memref<128x128xf32, #tpu.memory_space<vmem>>, vector<1x16xf32>,
        %get3A_187 = vector.shape_cast %get3A_186 : vector<1x16xf32> to vector<16xf32>
        %mul3A_188 = arith.mulf %get3A_183, %get3A_187 : vector<16xf32>
        %add3A_189 = arith.addf %mul3A_179, %mul3A_188 : vector<16xf32>
        %get3A_190 = arith.index_cast %add3A_170 : i32 to index
        %get3A_191 = arith.constant 96 : index
        %get3A_192 = tpu.vector_load %arg13[%get3A_190, %get3A_191] {strides = array<i32>} : memref<128x128xf32, #tpu.memory_space<vmem>>, vector<1x16xf32>,
        %get3A_193 = vector.shape_cast %get3A_192 : vector<1x16xf32> to vector<16xf32>
        %get3A_194 = arith.index_cast %add3A_170 : i32 to index
        %get3A_195 = arith.constant 32 : index
        %get3A_196 = tpu.vector_load %arg11[%get3A_194, %get3A_195] {strides = array<i32>} : memref<128x128xf32, #tpu.memory_space<vmem>>, vector<1x16xf32>,
        %get3A_197 = vector.shape_cast %get3A_196 : vector<1x16xf32> to vector<16xf32>
        %mul3A_198 = arith.mulf %get3A_193, %get3A_197 : vector<16xf32>
        %add3A_199 = arith.addf %add3A_189, %mul3A_198 : vector<16xf32>
        %get3A_200 = arith.index_cast %add3A_170 : i32 to index
        %get3A_201 = arith.constant 112 : index
        %get3A_202 = tpu.vector_load %arg13[%get3A_200, %get3A_201] {strides = array<i32>} : memref<128x128xf32, #tpu.memory_space<vmem>>, vector<1x16xf32>,
        %get3A_203 = vector.shape_cast %get3A_202 : vector<1x16xf32> to vector<16xf32>
        %get3A_204 = arith.index_cast %add3A_170 : i32 to index
        %get3A_205 = arith.constant 48 : index
        %get3A_206 = tpu.vector_load %arg11[%get3A_204, %get3A_205] {strides = array<i32>} : memref<128x128xf32, #tpu.memory_space<vmem>>, vector<1x16xf32>,
        %get3A_207 = vector.shape_cast %get3A_206 : vector<1x16xf32> to vector<16xf32>
        %mul3A_208 = arith.mulf %get3A_203, %get3A_207 : vector<16xf32>
        %add3A_209 = arith.addf %add3A_199, %mul3A_208 : vector<16xf32>
        %jit3A_210 = arith.constant 8 : i32
        %div3A_211 = arith.divsi %add3A_170, %jit3A_210 : i32
        %sign3A_212 = arith.constant 0 : i32
        %sign3A_213 = arith.cmpi sgt, %add3A_170, %sign3A_212 : i32
        %sign3A_214 = arith.extui %sign3A_213 : i1 to i32
        %sign3A_215 = arith.constant 0 : i32
        %sign3A_216 = arith.cmpi slt, %add3A_170, %sign3A_215 : i32
        %sign3A_217 = arith.extui %sign3A_216 : i1 to i32
        %sign3A_218 = arith.subi %sign3A_214, %sign3A_217 : i32
        %sign3A_219 = arith.constant 0 : i32
        %sign3A_220 = arith.cmpi sgt, %jit3A_210, %sign3A_219 : i32
        %sign3A_221 = arith.extui %sign3A_220 : i1 to i32
        %sign3A_222 = arith.constant 0 : i32
        %sign3A_223 = arith.cmpi slt, %jit3A_210, %sign3A_222 : i32
        %sign3A_224 = arith.extui %sign3A_223 : i1 to i32
        %sign3A_225 = arith.subi %sign3A_221, %sign3A_224 : i32
        %ne3A_226 = arith.cmpi ne, %sign3A_218, %sign3A_225 : i32
        %rem3A_227 = arith.remsi %add3A_170, %jit3A_210 : i32
        %ne3A_228 = arith.constant 0 : i32
        %ne3A_229 = arith.cmpi ne, %rem3A_227, %ne3A_228 : i32
        %and3A_230 = arith.andi %ne3A_226, %ne3A_229 : i1
        %sub3A_231 = arith.constant 1 : i32
        %sub3A_232 = arith.subi %div3A_211, %sub3A_231 : i32
        %select_n3A_233 = arith.select %and3A_230, %sub3A_232, %div3A_211 : i32
        %jit3A_234 = arith.constant 8 : i32
        %eq3A_235 = arith.constant 0 : i32
        %eq3A_236 = arith.cmpi eq, %jit3A_234, %eq3A_235 : i32
        %jit3A_237 = arith.constant 1 : i32
        %select_n3A_238 = arith.select %eq3A_236, %jit3A_237, %jit3A_234 : i32
        %rem3A_239 = arith.remsi %add3A_170, %select_n3A_238 : i32
        %ne3A_240 = arith.constant 0 : i32
        %ne3A_241 = arith.cmpi ne, %rem3A_239, %ne3A_240 : i32
        %lt3A_242 = arith.constant 0 : i32
        %lt3A_243 = arith.cmpi slt, %rem3A_239, %lt3A_242 : i32
        %lt3A_244 = arith.constant 0 : i32
        %lt3A_245 = arith.cmpi slt, %select_n3A_238, %lt3A_244 : i32
        %ne3A_246 = arith.xori %lt3A_243, %lt3A_245 : i1
        %and3A_247 = arith.andi %ne3A_246, %ne3A_241 : i1
        %add3A_248 = arith.addi %rem3A_239, %select_n3A_238 : i32
        %select_n3A_249 = arith.select %and3A_247, %add3A_248, %rem3A_239 : i32
        %mul3A_250 = arith.constant 16 : i32
        %mul3A_251 = arith.muli %select_n3A_249, %mul3A_250 : i32
        %swap3A_252 = arith.index_cast %add3A_44 : i32 to index
        %swap3A_253 = arith.index_cast %select_n3A_233 : i32 to index
        %swap3A_254 = arith.index_cast %mul3A_251 : i32 to index
        %swap3A_255 = tpu.vector_load %arg16[%swap3A_252, %swap3A_253, %swap3A_254] {strides = array<i32>} : memref<20x16x128xf32, #tpu.memory_space<vmem>>, vector<1x1x16xf32>,
        %swap3A_256 = vector.shape_cast %swap3A_255 : vector<1x1x16xf32> to vector<16xf32>
        %swap3A_257 = vector.shape_cast %add3A_209 : vector<16xf32> to vector<1x1x16xf32>
        tpu.vector_store %arg16[%swap3A_252, %swap3A_253, %swap3A_254], %swap3A_257 {strides = array<i32>} : memref<20x16x128xf32, #tpu.memory_space<vmem>>, vector<1x1x16xf32>,
        %mul3A_258 = arith.constant 16 : i32
        %mul3A_259 = arith.muli %scan3A_86, %mul3A_258 : i32
        %add3A_260 = arith.constant 2 : i32
        %add3A_261 = arith.addi %mul3A_259, %add3A_260 : i32
        %get3A_262 = arith.index_cast %add3A_261 : i32 to index
        %get3A_263 = arith.constant 64 : index
        %get3A_264 = tpu.vector_load %arg13[%get3A_262, %get3A_263] {strides = array<i32>} : memref<128x128xf32, #tpu.memory_space<vmem>>, vector<1x16xf32>,
        %get3A_265 = vector.shape_cast %get3A_264 : vector<1x16xf32> to vector<16xf32>
        %get3A_266 = arith.index_cast %add3A_261 : i32 to index
        %get3A_267 = arith.constant 0 : index
        %get3A_268 = tpu.vector_load %arg11[%get3A_266, %get3A_267] {strides = array<i32>} : memref<128x128xf32, #tpu.memory_space<vmem>>, vector<1x16xf32>,
        %get3A_269 = vector.shape_cast %get3A_268 : vector<1x16xf32> to vector<16xf32>
        %mul3A_270 = arith.mulf %get3A_265, %get3A_269 : vector<16xf32>
        %get3A_271 = arith.index_cast %add3A_261 : i32 to index
        %get3A_272 = arith.constant 80 : index
        %get3A_273 = tpu.vector_load %arg13[%get3A_271, %get3A_272] {strides = array<i32>} : memref<128x128xf32, #tpu.memory_space<vmem>>, vector<1x16xf32>,
        %get3A_274 = vector.shape_cast %get3A_273 : vector<1x16xf32> to vector<16xf32>
        %get3A_275 = arith.index_cast %add3A_261 : i32 to index
        %get3A_276 = arith.constant 16 : index
        %get3A_277 = tpu.vector_load %arg11[%get3A_275, %get3A_276] {strides = array<i32>} : memref<128x128xf32, #tpu.memory_space<vmem>>, vector<1x16xf32>,
        %get3A_278 = vector.shape_cast %get3A_277 : vector<1x16xf32> to vector<16xf32>
        %mul3A_279 = arith.mulf %get3A_274, %get3A_278 : vector<16xf32>
        %add3A_280 = arith.addf %mul3A_270, %mul3A_279 : vector<16xf32>
        %get3A_281 = arith.index_cast %add3A_261 : i32 to index
        %get3A_282 = arith.constant 96 : index
        %get3A_283 = tpu.vector_load %arg13[%get3A_281, %get3A_282] {strides = array<i32>} : memref<128x128xf32, #tpu.memory_space<vmem>>, vector<1x16xf32>,
        %get3A_284 = vector.shape_cast %get3A_283 : vector<1x16xf32> to vector<16xf32>
        %get3A_285 = arith.index_cast %add3A_261 : i32 to index
        %get3A_286 = arith.constant 32 : index
        %get3A_287 = tpu.vector_load %arg11[%get3A_285, %get3A_286] {strides = array<i32>} : memref<128x128xf32, #tpu.memory_space<vmem>>, vector<1x16xf32>,
        %get3A_288 = vector.shape_cast %get3A_287 : vector<1x16xf32> to vector<16xf32>
        %mul3A_289 = arith.mulf %get3A_284, %get3A_288 : vector<16xf32>
        %add3A_290 = arith.addf %add3A_280, %mul3A_289 : vector<16xf32>
        %get3A_291 = arith.index_cast %add3A_261 : i32 to index
        %get3A_292 = arith.constant 112 : index
        %get3A_293 = tpu.vector_load %arg13[%get3A_291, %get3A_292] {strides = array<i32>} : memref<128x128xf32, #tpu.memory_space<vmem>>, vector<1x16xf32>,
        %get3A_294 = vector.shape_cast %get3A_293 : vector<1x16xf32> to vector<16xf32>
        %get3A_295 = arith.index_cast %add3A_261 : i32 to index
        %get3A_296 = arith.constant 48 : index
        %get3A_297 = tpu.vector_load %arg11[%get3A_295, %get3A_296] {strides = array<i32>} : memref<128x128xf32, #tpu.memory_space<vmem>>, vector<1x16xf32>,
        %get3A_298 = vector.shape_cast %get3A_297 : vector<1x16xf32> to vector<16xf32>
        %mul3A_299 = arith.mulf %get3A_294, %get3A_298 : vector<16xf32>
        %add3A_300 = arith.addf %add3A_290, %mul3A_299 : vector<16xf32>
        %jit3A_301 = arith.constant 8 : i32
        %div3A_302 = arith.divsi %add3A_261, %jit3A_301 : i32
        %sign3A_303 = arith.constant 0 : i32
        %sign3A_304 = arith.cmpi sgt, %add3A_261, %sign3A_303 : i32
        %sign3A_305 = arith.extui %sign3A_304 : i1 to i32
        %sign3A_306 = arith.constant 0 : i32
        %sign3A_307 = arith.cmpi slt, %add3A_261, %sign3A_306 : i32
        %sign3A_308 = arith.extui %sign3A_307 : i1 to i32
        %sign3A_309 = arith.subi %sign3A_305, %sign3A_308 : i32
        %sign3A_310 = arith.constant 0 : i32
        %sign3A_311 = arith.cmpi sgt, %jit3A_301, %sign3A_310 : i32
        %sign3A_312 = arith.extui %sign3A_311 : i1 to i32
        %sign3A_313 = arith.constant 0 : i32
        %sign3A_314 = arith.cmpi slt, %jit3A_301, %sign3A_313 : i32
        %sign3A_315 = arith.extui %sign3A_314 : i1 to i32
        %sign3A_316 = arith.subi %sign3A_312, %sign3A_315 : i32
        %ne3A_317 = arith.cmpi ne, %sign3A_309, %sign3A_316 : i32
        %rem3A_318 = arith.remsi %add3A_261, %jit3A_301 : i32
        %ne3A_319 = arith.constant 0 : i32
        %ne3A_320 = arith.cmpi ne, %rem3A_318, %ne3A_319 : i32
        %and3A_321 = arith.andi %ne3A_317, %ne3A_320 : i1
        %sub3A_322 = arith.constant 1 : i32
        %sub3A_323 = arith.subi %div3A_302, %sub3A_322 : i32
        %select_n3A_324 = arith.select %and3A_321, %sub3A_323, %div3A_302 : i32
        %jit3A_325 = arith.constant 8 : i32
        %eq3A_326 = arith.constant 0 : i32
        %eq3A_327 = arith.cmpi eq, %jit3A_325, %eq3A_326 : i32
        %jit3A_328 = arith.constant 1 : i32
        %select_n3A_329 = arith.select %eq3A_327, %jit3A_328, %jit3A_325 : i32
        %rem3A_330 = arith.remsi %add3A_261, %select_n3A_329 : i32
        %ne3A_331 = arith.constant 0 : i32
        %ne3A_332 = arith.cmpi ne, %rem3A_330, %ne3A_331 : i32
        %lt3A_333 = arith.constant 0 : i32
        %lt3A_334 = arith.cmpi slt, %rem3A_330, %lt3A_333 : i32
        %lt3A_335 = arith.constant 0 : i32
        %lt3A_336 = arith.cmpi slt, %select_n3A_329, %lt3A_335 : i32
        %ne3A_337 = arith.xori %lt3A_334, %lt3A_336 : i1
        %and3A_338 = arith.andi %ne3A_337, %ne3A_332 : i1
        %add3A_339 = arith.addi %rem3A_330, %select_n3A_329 : i32
        %select_n3A_340 = arith.select %and3A_338, %add3A_339, %rem3A_330 : i32
        %mul3A_341 = arith.constant 16 : i32
        %mul3A_342 = arith.muli %select_n3A_340, %mul3A_341 : i32
        %swap3A_343 = arith.index_cast %add3A_44 : i32 to index
        %swap3A_344 = arith.index_cast %select_n3A_324 : i32 to index
        %swap3A_345 = arith.index_cast %mul3A_342 : i32 to index
        %swap3A_346 = tpu.vector_load %arg16[%swap3A_343, %swap3A_344, %swap3A_345] {strides = array<i32>} : memref<20x16x128xf32, #tpu.memory_space<vmem>>, vector<1x1x16xf32>,
        %swap3A_347 = vector.shape_cast %swap3A_346 : vector<1x1x16xf32> to vector<16xf32>
        %swap3A_348 = vector.shape_cast %add3A_300 : vector<16xf32> to vector<1x1x16xf32>
        tpu.vector_store %arg16[%swap3A_343, %swap3A_344, %swap3A_345], %swap3A_348 {strides = array<i32>} : memref<20x16x128xf32, #tpu.memory_space<vmem>>, vector<1x1x16xf32>,
        %mul3A_349 = arith.constant 16 : i32
        %mul3A_350 = arith.muli %scan3A_86, %mul3A_349 : i32
        %add3A_351 = arith.constant 3 : i32
        %add3A_352 = arith.addi %mul3A_350, %add3A_351 : i32
        %get3A_353 = arith.index_cast %add3A_352 : i32 to index
        %get3A_354 = arith.constant 64 : index
        %get3A_355 = tpu.vector_load %arg13[%get3A_353, %get3A_354] {strides = array<i32>} : memref<128x128xf32, #tpu.memory_space<vmem>>, vector<1x16xf32>,
        %get3A_356 = vector.shape_cast %get3A_355 : vector<1x16xf32> to vector<16xf32>
        %get3A_357 = arith.index_cast %add3A_352 : i32 to index
        %get3A_358 = arith.constant 0 : index
        %get3A_359 = tpu.vector_load %arg11[%get3A_357, %get3A_358] {strides = array<i32>} : memref<128x128xf32, #tpu.memory_space<vmem>>, vector<1x16xf32>,
        %get3A_360 = vector.shape_cast %get3A_359 : vector<1x16xf32> to vector<16xf32>
        %mul3A_361 = arith.mulf %get3A_356, %get3A_360 : vector<16xf32>
        %get3A_362 = arith.index_cast %add3A_352 : i32 to index
        %get3A_363 = arith.constant 80 : index
        %get3A_364 = tpu.vector_load %arg13[%get3A_362, %get3A_363] {strides = array<i32>} : memref<128x128xf32, #tpu.memory_space<vmem>>, vector<1x16xf32>,
        %get3A_365 = vector.shape_cast %get3A_364 : vector<1x16xf32> to vector<16xf32>
        %get3A_366 = arith.index_cast %add3A_352 : i32 to index
        %get3A_367 = arith.constant 16 : index
        %get3A_368 = tpu.vector_load %arg11[%get3A_366, %get3A_367] {strides = array<i32>} : memref<128x128xf32, #tpu.memory_space<vmem>>, vector<1x16xf32>,
        %get3A_369 = vector.shape_cast %get3A_368 : vector<1x16xf32> to vector<16xf32>
        %mul3A_370 = arith.mulf %get3A_365, %get3A_369 : vector<16xf32>
        %add3A_371 = arith.addf %mul3A_361, %mul3A_370 : vector<16xf32>
        %get3A_372 = arith.index_cast %add3A_352 : i32 to index
        %get3A_373 = arith.constant 96 : index
        %get3A_374 = tpu.vector_load %arg13[%get3A_372, %get3A_373] {strides = array<i32>} : memref<128x128xf32, #tpu.memory_space<vmem>>, vector<1x16xf32>,
        %get3A_375 = vector.shape_cast %get3A_374 : vector<1x16xf32> to vector<16xf32>
        %get3A_376 = arith.index_cast %add3A_352 : i32 to index
        %get3A_377 = arith.constant 32 : index
        %get3A_378 = tpu.vector_load %arg11[%get3A_376, %get3A_377] {strides = array<i32>} : memref<128x128xf32, #tpu.memory_space<vmem>>, vector<1x16xf32>,
        %get3A_379 = vector.shape_cast %get3A_378 : vector<1x16xf32> to vector<16xf32>
        %mul3A_380 = arith.mulf %get3A_375, %get3A_379 : vector<16xf32>
        %add3A_381 = arith.addf %add3A_371, %mul3A_380 : vector<16xf32>
        %get3A_382 = arith.index_cast %add3A_352 : i32 to index
        %get3A_383 = arith.constant 112 : index
        %get3A_384 = tpu.vector_load %arg13[%get3A_382, %get3A_383] {strides = array<i32>} : memref<128x128xf32, #tpu.memory_space<vmem>>, vector<1x16xf32>,
        %get3A_385 = vector.shape_cast %get3A_384 : vector<1x16xf32> to vector<16xf32>
        %get3A_386 = arith.index_cast %add3A_352 : i32 to index
        %get3A_387 = arith.constant 48 : index
        %get3A_388 = tpu.vector_load %arg11[%get3A_386, %get3A_387] {strides = array<i32>} : memref<128x128xf32, #tpu.memory_space<vmem>>, vector<1x16xf32>,
        %get3A_389 = vector.shape_cast %get3A_388 : vector<1x16xf32> to vector<16xf32>
        %mul3A_390 = arith.mulf %get3A_385, %get3A_389 : vector<16xf32>
        %add3A_391 = arith.addf %add3A_381, %mul3A_390 : vector<16xf32>
        %jit3A_392 = arith.constant 8 : i32
        %div3A_393 = arith.divsi %add3A_352, %jit3A_392 : i32
        %sign3A_394 = arith.constant 0 : i32
        %sign3A_395 = arith.cmpi sgt, %add3A_352, %sign3A_394 : i32
        %sign3A_396 = arith.extui %sign3A_395 : i1 to i32
        %sign3A_397 = arith.constant 0 : i32
        %sign3A_398 = arith.cmpi slt, %add3A_352, %sign3A_397 : i32
        %sign3A_399 = arith.extui %sign3A_398 : i1 to i32
        %sign3A_400 = arith.subi %sign3A_396, %sign3A_399 : i32
        %sign3A_401 = arith.constant 0 : i32
        %sign3A_402 = arith.cmpi sgt, %jit3A_392, %sign3A_401 : i32
        %sign3A_403 = arith.extui %sign3A_402 : i1 to i32
        %sign3A_404 = arith.constant 0 : i32
        %sign3A_405 = arith.cmpi slt, %jit3A_392, %sign3A_404 : i32
        %sign3A_406 = arith.extui %sign3A_405 : i1 to i32
        %sign3A_407 = arith.subi %sign3A_403, %sign3A_406 : i32
        %ne3A_408 = arith.cmpi ne, %sign3A_400, %sign3A_407 : i32
        %rem3A_409 = arith.remsi %add3A_352, %jit3A_392 : i32
        %ne3A_410 = arith.constant 0 : i32
        %ne3A_411 = arith.cmpi ne, %rem3A_409, %ne3A_410 : i32
        %and3A_412 = arith.andi %ne3A_408, %ne3A_411 : i1
        %sub3A_413 = arith.constant 1 : i32
        %sub3A_414 = arith.subi %div3A_393, %sub3A_413 : i32
        %select_n3A_415 = arith.select %and3A_412, %sub3A_414, %div3A_393 : i32
        %jit3A_416 = arith.constant 8 : i32
        %eq3A_417 = arith.constant 0 : i32
        %eq3A_418 = arith.cmpi eq, %jit3A_416, %eq3A_417 : i32
        %jit3A_419 = arith.constant 1 : i32
        %select_n3A_420 = arith.select %eq3A_418, %jit3A_419, %jit3A_416 : i32
        %rem3A_421 = arith.remsi %add3A_352, %select_n3A_420 : i32
        %ne3A_422 = arith.constant 0 : i32
        %ne3A_423 = arith.cmpi ne, %rem3A_421, %ne3A_422 : i32
        %lt3A_424 = arith.constant 0 : i32
        %lt3A_425 = arith.cmpi slt, %rem3A_421, %lt3A_424 : i32
        %lt3A_426 = arith.constant 0 : i32
        %lt3A_427 = arith.cmpi slt, %select_n3A_420, %lt3A_426 : i32
        %ne3A_428 = arith.xori %lt3A_425, %lt3A_427 : i1
        %and3A_429 = arith.andi %ne3A_428, %ne3A_423 : i1
        %add3A_430 = arith.addi %rem3A_421, %select_n3A_420 : i32
        %select_n3A_431 = arith.select %and3A_429, %add3A_430, %rem3A_421 : i32
        %mul3A_432 = arith.constant 16 : i32
        %mul3A_433 = arith.muli %select_n3A_431, %mul3A_432 : i32
        %swap3A_434 = arith.index_cast %add3A_44 : i32 to index
        %swap3A_435 = arith.index_cast %select_n3A_415 : i32 to index
        %swap3A_436 = arith.index_cast %mul3A_433 : i32 to index
        %swap3A_437 = tpu.vector_load %arg16[%swap3A_434, %swap3A_435, %swap3A_436] {strides = array<i32>} : memref<20x16x128xf32, #tpu.memory_space<vmem>>, vector<1x1x16xf32>,
        %swap3A_438 = vector.shape_cast %swap3A_437 : vector<1x1x16xf32> to vector<16xf32>
        %swap3A_439 = vector.shape_cast %add3A_391 : vector<16xf32> to vector<1x1x16xf32>
        tpu.vector_store %arg16[%swap3A_434, %swap3A_435, %swap3A_436], %swap3A_439 {strides = array<i32>} : memref<20x16x128xf32, #tpu.memory_space<vmem>>, vector<1x1x16xf32>,
        %mul3A_440 = arith.constant 16 : i32
        %mul3A_441 = arith.muli %scan3A_86, %mul3A_440 : i32
        %add3A_442 = arith.constant 4 : i32
        %add3A_443 = arith.addi %mul3A_441, %add3A_442 : i32
        %get3A_444 = arith.index_cast %add3A_443 : i32 to index
        %get3A_445 = arith.constant 64 : index
        %get3A_446 = tpu.vector_load %arg13[%get3A_444, %get3A_445] {strides = array<i32>} : memref<128x128xf32, #tpu.memory_space<vmem>>, vector<1x16xf32>,
        %get3A_447 = vector.shape_cast %get3A_446 : vector<1x16xf32> to vector<16xf32>
        %get3A_448 = arith.index_cast %add3A_443 : i32 to index
        %get3A_449 = arith.constant 0 : index
        %get3A_450 = tpu.vector_load %arg11[%get3A_448, %get3A_449] {strides = array<i32>} : memref<128x128xf32, #tpu.memory_space<vmem>>, vector<1x16xf32>,
        %get3A_451 = vector.shape_cast %get3A_450 : vector<1x16xf32> to vector<16xf32>
        %mul3A_452 = arith.mulf %get3A_447, %get3A_451 : vector<16xf32>
        %get3A_453 = arith.index_cast %add3A_443 : i32 to index
        %get3A_454 = arith.constant 80 : index
        %get3A_455 = tpu.vector_load %arg13[%get3A_453, %get3A_454] {strides = array<i32>} : memref<128x128xf32, #tpu.memory_space<vmem>>, vector<1x16xf32>,
        %get3A_456 = vector.shape_cast %get3A_455 : vector<1x16xf32> to vector<16xf32>
        %get3A_457 = arith.index_cast %add3A_443 : i32 to index
        %get3A_458 = arith.constant 16 : index
        %get3A_459 = tpu.vector_load %arg11[%get3A_457, %get3A_458] {strides = array<i32>} : memref<128x128xf32, #tpu.memory_space<vmem>>, vector<1x16xf32>,
        %get3A_460 = vector.shape_cast %get3A_459 : vector<1x16xf32> to vector<16xf32>
        %mul3A_461 = arith.mulf %get3A_456, %get3A_460 : vector<16xf32>
        %add3A_462 = arith.addf %mul3A_452, %mul3A_461 : vector<16xf32>
        %get3A_463 = arith.index_cast %add3A_443 : i32 to index
        %get3A_464 = arith.constant 96 : index
        %get3A_465 = tpu.vector_load %arg13[%get3A_463, %get3A_464] {strides = array<i32>} : memref<128x128xf32, #tpu.memory_space<vmem>>, vector<1x16xf32>,
        %get3A_466 = vector.shape_cast %get3A_465 : vector<1x16xf32> to vector<16xf32>
        %get3A_467 = arith.index_cast %add3A_443 : i32 to index
        %get3A_468 = arith.constant 32 : index
        %get3A_469 = tpu.vector_load %arg11[%get3A_467, %get3A_468] {strides = array<i32>} : memref<128x128xf32, #tpu.memory_space<vmem>>, vector<1x16xf32>,
        %get3A_470 = vector.shape_cast %get3A_469 : vector<1x16xf32> to vector<16xf32>
        %mul3A_471 = arith.mulf %get3A_466, %get3A_470 : vector<16xf32>
        %add3A_472 = arith.addf %add3A_462, %mul3A_471 : vector<16xf32>
        %get3A_473 = arith.index_cast %add3A_443 : i32 to index
        %get3A_474 = arith.constant 112 : index
        %get3A_475 = tpu.vector_load %arg13[%get3A_473, %get3A_474] {strides = array<i32>} : memref<128x128xf32, #tpu.memory_space<vmem>>, vector<1x16xf32>,
        %get3A_476 = vector.shape_cast %get3A_475 : vector<1x16xf32> to vector<16xf32>
        %get3A_477 = arith.index_cast %add3A_443 : i32 to index
        %get3A_478 = arith.constant 48 : index
        %get3A_479 = tpu.vector_load %arg11[%get3A_477, %get3A_478] {strides = array<i32>} : memref<128x128xf32, #tpu.memory_space<vmem>>, vector<1x16xf32>,
        %get3A_480 = vector.shape_cast %get3A_479 : vector<1x16xf32> to vector<16xf32>
        %mul3A_481 = arith.mulf %get3A_476, %get3A_480 : vector<16xf32>
        %add3A_482 = arith.addf %add3A_472, %mul3A_481 : vector<16xf32>
        %jit3A_483 = arith.constant 8 : i32
        %div3A_484 = arith.divsi %add3A_443, %jit3A_483 : i32
        %sign3A_485 = arith.constant 0 : i32
        %sign3A_486 = arith.cmpi sgt, %add3A_443, %sign3A_485 : i32
        %sign3A_487 = arith.extui %sign3A_486 : i1 to i32
        %sign3A_488 = arith.constant 0 : i32
        %sign3A_489 = arith.cmpi slt, %add3A_443, %sign3A_488 : i32
        %sign3A_490 = arith.extui %sign3A_489 : i1 to i32
        %sign3A_491 = arith.subi %sign3A_487, %sign3A_490 : i32
        %sign3A_492 = arith.constant 0 : i32
        %sign3A_493 = arith.cmpi sgt, %jit3A_483, %sign3A_492 : i32
        %sign3A_494 = arith.extui %sign3A_493 : i1 to i32
        %sign3A_495 = arith.constant 0 : i32
        %sign3A_496 = arith.cmpi slt, %jit3A_483, %sign3A_495 : i32
        %sign3A_497 = arith.extui %sign3A_496 : i1 to i32
        %sign3A_498 = arith.subi %sign3A_494, %sign3A_497 : i32
        %ne3A_499 = arith.cmpi ne, %sign3A_491, %sign3A_498 : i32
        %rem3A_500 = arith.remsi %add3A_443, %jit3A_483 : i32
        %ne3A_501 = arith.constant 0 : i32
        %ne3A_502 = arith.cmpi ne, %rem3A_500, %ne3A_501 : i32
        %and3A_503 = arith.andi %ne3A_499, %ne3A_502 : i1
        %sub3A_504 = arith.constant 1 : i32
        %sub3A_505 = arith.subi %div3A_484, %sub3A_504 : i32
        %select_n3A_506 = arith.select %and3A_503, %sub3A_505, %div3A_484 : i32
        %jit3A_507 = arith.constant 8 : i32
        %eq3A_508 = arith.constant 0 : i32
        %eq3A_509 = arith.cmpi eq, %jit3A_507, %eq3A_508 : i32
        %jit3A_510 = arith.constant 1 : i32
        %select_n3A_511 = arith.select %eq3A_509, %jit3A_510, %jit3A_507 : i32
        %rem3A_512 = arith.remsi %add3A_443, %select_n3A_511 : i32
        %ne3A_513 = arith.constant 0 : i32
        %ne3A_514 = arith.cmpi ne, %rem3A_512, %ne3A_513 : i32
        %lt3A_515 = arith.constant 0 : i32
        %lt3A_516 = arith.cmpi slt, %rem3A_512, %lt3A_515 : i32
        %lt3A_517 = arith.constant 0 : i32
        %lt3A_518 = arith.cmpi slt, %select_n3A_511, %lt3A_517 : i32
        %ne3A_519 = arith.xori %lt3A_516, %lt3A_518 : i1
        %and3A_520 = arith.andi %ne3A_519, %ne3A_514 : i1
        %add3A_521 = arith.addi %rem3A_512, %select_n3A_511 : i32
        %select_n3A_522 = arith.select %and3A_520, %add3A_521, %rem3A_512 : i32
        %mul3A_523 = arith.constant 16 : i32
        %mul3A_524 = arith.muli %select_n3A_522, %mul3A_523 : i32
        %swap3A_525 = arith.index_cast %add3A_44 : i32 to index
        %swap3A_526 = arith.index_cast %select_n3A_506 : i32 to index
        %swap3A_527 = arith.index_cast %mul3A_524 : i32 to index
        %swap3A_528 = tpu.vector_load %arg16[%swap3A_525, %swap3A_526, %swap3A_527] {strides = array<i32>} : memref<20x16x128xf32, #tpu.memory_space<vmem>>, vector<1x1x16xf32>,
        %swap3A_529 = vector.shape_cast %swap3A_528 : vector<1x1x16xf32> to vector<16xf32>
        %swap3A_530 = vector.shape_cast %add3A_482 : vector<16xf32> to vector<1x1x16xf32>
        tpu.vector_store %arg16[%swap3A_525, %swap3A_526, %swap3A_527], %swap3A_530 {strides = array<i32>} : memref<20x16x128xf32, #tpu.memory_space<vmem>>, vector<1x1x16xf32>,
        %mul3A_531 = arith.constant 16 : i32
        %mul3A_532 = arith.muli %scan3A_86, %mul3A_531 : i32
        %add3A_533 = arith.constant 5 : i32
        %add3A_534 = arith.addi %mul3A_532, %add3A_533 : i32
        %get3A_535 = arith.index_cast %add3A_534 : i32 to index
        %get3A_536 = arith.constant 64 : index
        %get3A_537 = tpu.vector_load %arg13[%get3A_535, %get3A_536] {strides = array<i32>} : memref<128x128xf32, #tpu.memory_space<vmem>>, vector<1x16xf32>,
        %get3A_538 = vector.shape_cast %get3A_537 : vector<1x16xf32> to vector<16xf32>
        %get3A_539 = arith.index_cast %add3A_534 : i32 to index
        %get3A_540 = arith.constant 0 : index
        %get3A_541 = tpu.vector_load %arg11[%get3A_539, %get3A_540] {strides = array<i32>} : memref<128x128xf32, #tpu.memory_space<vmem>>, vector<1x16xf32>,
        %get3A_542 = vector.shape_cast %get3A_541 : vector<1x16xf32> to vector<16xf32>
        %mul3A_543 = arith.mulf %get3A_538, %get3A_542 : vector<16xf32>
        %get3A_544 = arith.index_cast %add3A_534 : i32 to index
        %get3A_545 = arith.constant 80 : index
        %get3A_546 = tpu.vector_load %arg13[%get3A_544, %get3A_545] {strides = array<i32>} : memref<128x128xf32, #tpu.memory_space<vmem>>, vector<1x16xf32>,
        %get3A_547 = vector.shape_cast %get3A_546 : vector<1x16xf32> to vector<16xf32>
        %get3A_548 = arith.index_cast %add3A_534 : i32 to index
        %get3A_549 = arith.constant 16 : index
        %get3A_550 = tpu.vector_load %arg11[%get3A_548, %get3A_549] {strides = array<i32>} : memref<128x128xf32, #tpu.memory_space<vmem>>, vector<1x16xf32>,
        %get3A_551 = vector.shape_cast %get3A_550 : vector<1x16xf32> to vector<16xf32>
        %mul3A_552 = arith.mulf %get3A_547, %get3A_551 : vector<16xf32>
        %add3A_553 = arith.addf %mul3A_543, %mul3A_552 : vector<16xf32>
        %get3A_554 = arith.index_cast %add3A_534 : i32 to index
        %get3A_555 = arith.constant 96 : index
        %get3A_556 = tpu.vector_load %arg13[%get3A_554, %get3A_555] {strides = array<i32>} : memref<128x128xf32, #tpu.memory_space<vmem>>, vector<1x16xf32>,
        %get3A_557 = vector.shape_cast %get3A_556 : vector<1x16xf32> to vector<16xf32>
        %get3A_558 = arith.index_cast %add3A_534 : i32 to index
        %get3A_559 = arith.constant 32 : index
        %get3A_560 = tpu.vector_load %arg11[%get3A_558, %get3A_559] {strides = array<i32>} : memref<128x128xf32, #tpu.memory_space<vmem>>, vector<1x16xf32>,
        %get3A_561 = vector.shape_cast %get3A_560 : vector<1x16xf32> to vector<16xf32>
        %mul3A_562 = arith.mulf %get3A_557, %get3A_561 : vector<16xf32>
        %add3A_563 = arith.addf %add3A_553, %mul3A_562 : vector<16xf32>
        %get3A_564 = arith.index_cast %add3A_534 : i32 to index
        %get3A_565 = arith.constant 112 : index
        %get3A_566 = tpu.vector_load %arg13[%get3A_564, %get3A_565] {strides = array<i32>} : memref<128x128xf32, #tpu.memory_space<vmem>>, vector<1x16xf32>,
        %get3A_567 = vector.shape_cast %get3A_566 : vector<1x16xf32> to vector<16xf32>
        %get3A_568 = arith.index_cast %add3A_534 : i32 to index
        %get3A_569 = arith.constant 48 : index
        %get3A_570 = tpu.vector_load %arg11[%get3A_568, %get3A_569] {strides = array<i32>} : memref<128x128xf32, #tpu.memory_space<vmem>>, vector<1x16xf32>,
        %get3A_571 = vector.shape_cast %get3A_570 : vector<1x16xf32> to vector<16xf32>
        %mul3A_572 = arith.mulf %get3A_567, %get3A_571 : vector<16xf32>
        %add3A_573 = arith.addf %add3A_563, %mul3A_572 : vector<16xf32>
        %jit3A_574 = arith.constant 8 : i32
        %div3A_575 = arith.divsi %add3A_534, %jit3A_574 : i32
        %sign3A_576 = arith.constant 0 : i32
        %sign3A_577 = arith.cmpi sgt, %add3A_534, %sign3A_576 : i32
        %sign3A_578 = arith.extui %sign3A_577 : i1 to i32
        %sign3A_579 = arith.constant 0 : i32
        %sign3A_580 = arith.cmpi slt, %add3A_534, %sign3A_579 : i32
        %sign3A_581 = arith.extui %sign3A_580 : i1 to i32
        %sign3A_582 = arith.subi %sign3A_578, %sign3A_581 : i32
        %sign3A_583 = arith.constant 0 : i32
        %sign3A_584 = arith.cmpi sgt, %jit3A_574, %sign3A_583 : i32
        %sign3A_585 = arith.extui %sign3A_584 : i1 to i32
        %sign3A_586 = arith.constant 0 : i32
        %sign3A_587 = arith.cmpi slt, %jit3A_574, %sign3A_586 : i32
        %sign3A_588 = arith.extui %sign3A_587 : i1 to i32
        %sign3A_589 = arith.subi %sign3A_585, %sign3A_588 : i32
        %ne3A_590 = arith.cmpi ne, %sign3A_582, %sign3A_589 : i32
        %rem3A_591 = arith.remsi %add3A_534, %jit3A_574 : i32
        %ne3A_592 = arith.constant 0 : i32
        %ne3A_593 = arith.cmpi ne, %rem3A_591, %ne3A_592 : i32
        %and3A_594 = arith.andi %ne3A_590, %ne3A_593 : i1
        %sub3A_595 = arith.constant 1 : i32
        %sub3A_596 = arith.subi %div3A_575, %sub3A_595 : i32
        %select_n3A_597 = arith.select %and3A_594, %sub3A_596, %div3A_575 : i32
        %jit3A_598 = arith.constant 8 : i32
        %eq3A_599 = arith.constant 0 : i32
        %eq3A_600 = arith.cmpi eq, %jit3A_598, %eq3A_599 : i32
        %jit3A_601 = arith.constant 1 : i32
        %select_n3A_602 = arith.select %eq3A_600, %jit3A_601, %jit3A_598 : i32
        %rem3A_603 = arith.remsi %add3A_534, %select_n3A_602 : i32
        %ne3A_604 = arith.constant 0 : i32
        %ne3A_605 = arith.cmpi ne, %rem3A_603, %ne3A_604 : i32
        %lt3A_606 = arith.constant 0 : i32
        %lt3A_607 = arith.cmpi slt, %rem3A_603, %lt3A_606 : i32
        %lt3A_608 = arith.constant 0 : i32
        %lt3A_609 = arith.cmpi slt, %select_n3A_602, %lt3A_608 : i32
        %ne3A_610 = arith.xori %lt3A_607, %lt3A_609 : i1
        %and3A_611 = arith.andi %ne3A_610, %ne3A_605 : i1
        %add3A_612 = arith.addi %rem3A_603, %select_n3A_602 : i32
        %select_n3A_613 = arith.select %and3A_611, %add3A_612, %rem3A_603 : i32
        %mul3A_614 = arith.constant 16 : i32
        %mul3A_615 = arith.muli %select_n3A_613, %mul3A_614 : i32
        %swap3A_616 = arith.index_cast %add3A_44 : i32 to index
        %swap3A_617 = arith.index_cast %select_n3A_597 : i32 to index
        %swap3A_618 = arith.index_cast %mul3A_615 : i32 to index
        %swap3A_619 = tpu.vector_load %arg16[%swap3A_616, %swap3A_617, %swap3A_618] {strides = array<i32>} : memref<20x16x128xf32, #tpu.memory_space<vmem>>, vector<1x1x16xf32>,
        %swap3A_620 = vector.shape_cast %swap3A_619 : vector<1x1x16xf32> to vector<16xf32>
        %swap3A_621 = vector.shape_cast %add3A_573 : vector<16xf32> to vector<1x1x16xf32>
        tpu.vector_store %arg16[%swap3A_616, %swap3A_617, %swap3A_618], %swap3A_621 {strides = array<i32>} : memref<20x16x128xf32, #tpu.memory_space<vmem>>, vector<1x1x16xf32>,
        %mul3A_622 = arith.constant 16 : i32
        %mul3A_623 = arith.muli %scan3A_86, %mul3A_622 : i32
        %add3A_624 = arith.constant 6 : i32
        %add3A_625 = arith.addi %mul3A_623, %add3A_624 : i32
        %get3A_626 = arith.index_cast %add3A_625 : i32 to index
        %get3A_627 = arith.constant 64 : index
        %get3A_628 = tpu.vector_load %arg13[%get3A_626, %get3A_627] {strides = array<i32>} : memref<128x128xf32, #tpu.memory_space<vmem>>, vector<1x16xf32>,
        %get3A_629 = vector.shape_cast %get3A_628 : vector<1x16xf32> to vector<16xf32>
        %get3A_630 = arith.index_cast %add3A_625 : i32 to index
        %get3A_631 = arith.constant 0 : index
        %get3A_632 = tpu.vector_load %arg11[%get3A_630, %get3A_631] {strides = array<i32>} : memref<128x128xf32, #tpu.memory_space<vmem>>, vector<1x16xf32>,
        %get3A_633 = vector.shape_cast %get3A_632 : vector<1x16xf32> to vector<16xf32>
        %mul3A_634 = arith.mulf %get3A_629, %get3A_633 : vector<16xf32>
        %get3A_635 = arith.index_cast %add3A_625 : i32 to index
        %get3A_636 = arith.constant 80 : index
        %get3A_637 = tpu.vector_load %arg13[%get3A_635, %get3A_636] {strides = array<i32>} : memref<128x128xf32, #tpu.memory_space<vmem>>, vector<1x16xf32>,
        %get3A_638 = vector.shape_cast %get3A_637 : vector<1x16xf32> to vector<16xf32>
        %get3A_639 = arith.index_cast %add3A_625 : i32 to index
        %get3A_640 = arith.constant 16 : index
        %get3A_641 = tpu.vector_load %arg11[%get3A_639, %get3A_640] {strides = array<i32>} : memref<128x128xf32, #tpu.memory_space<vmem>>, vector<1x16xf32>,
        %get3A_642 = vector.shape_cast %get3A_641 : vector<1x16xf32> to vector<16xf32>
        %mul3A_643 = arith.mulf %get3A_638, %get3A_642 : vector<16xf32>
        %add3A_644 = arith.addf %mul3A_634, %mul3A_643 : vector<16xf32>
        %get3A_645 = arith.index_cast %add3A_625 : i32 to index
        %get3A_646 = arith.constant 96 : index
        %get3A_647 = tpu.vector_load %arg13[%get3A_645, %get3A_646] {strides = array<i32>} : memref<128x128xf32, #tpu.memory_space<vmem>>, vector<1x16xf32>,
        %get3A_648 = vector.shape_cast %get3A_647 : vector<1x16xf32> to vector<16xf32>
        %get3A_649 = arith.index_cast %add3A_625 : i32 to index
        %get3A_650 = arith.constant 32 : index
        %get3A_651 = tpu.vector_load %arg11[%get3A_649, %get3A_650] {strides = array<i32>} : memref<128x128xf32, #tpu.memory_space<vmem>>, vector<1x16xf32>,
        %get3A_652 = vector.shape_cast %get3A_651 : vector<1x16xf32> to vector<16xf32>
        %mul3A_653 = arith.mulf %get3A_648, %get3A_652 : vector<16xf32>
        %add3A_654 = arith.addf %add3A_644, %mul3A_653 : vector<16xf32>
        %get3A_655 = arith.index_cast %add3A_625 : i32 to index
        %get3A_656 = arith.constant 112 : index
        %get3A_657 = tpu.vector_load %arg13[%get3A_655, %get3A_656] {strides = array<i32>} : memref<128x128xf32, #tpu.memory_space<vmem>>, vector<1x16xf32>,
        %get3A_658 = vector.shape_cast %get3A_657 : vector<1x16xf32> to vector<16xf32>
        %get3A_659 = arith.index_cast %add3A_625 : i32 to index
        %get3A_660 = arith.constant 48 : index
        %get3A_661 = tpu.vector_load %arg11[%get3A_659, %get3A_660] {strides = array<i32>} : memref<128x128xf32, #tpu.memory_space<vmem>>, vector<1x16xf32>,
        %get3A_662 = vector.shape_cast %get3A_661 : vector<1x16xf32> to vector<16xf32>
        %mul3A_663 = arith.mulf %get3A_658, %get3A_662 : vector<16xf32>
        %add3A_664 = arith.addf %add3A_654, %mul3A_663 : vector<16xf32>
        %jit3A_665 = arith.constant 8 : i32
        %div3A_666 = arith.divsi %add3A_625, %jit3A_665 : i32
        %sign3A_667 = arith.constant 0 : i32
        %sign3A_668 = arith.cmpi sgt, %add3A_625, %sign3A_667 : i32
        %sign3A_669 = arith.extui %sign3A_668 : i1 to i32
        %sign3A_670 = arith.constant 0 : i32
        %sign3A_671 = arith.cmpi slt, %add3A_625, %sign3A_670 : i32
        %sign3A_672 = arith.extui %sign3A_671 : i1 to i32
        %sign3A_673 = arith.subi %sign3A_669, %sign3A_672 : i32
        %sign3A_674 = arith.constant 0 : i32
        %sign3A_675 = arith.cmpi sgt, %jit3A_665, %sign3A_674 : i32
        %sign3A_676 = arith.extui %sign3A_675 : i1 to i32
        %sign3A_677 = arith.constant 0 : i32
        %sign3A_678 = arith.cmpi slt, %jit3A_665, %sign3A_677 : i32
        %sign3A_679 = arith.extui %sign3A_678 : i1 to i32
        %sign3A_680 = arith.subi %sign3A_676, %sign3A_679 : i32
        %ne3A_681 = arith.cmpi ne, %sign3A_673, %sign3A_680 : i32
        %rem3A_682 = arith.remsi %add3A_625, %jit3A_665 : i32
        %ne3A_683 = arith.constant 0 : i32
        %ne3A_684 = arith.cmpi ne, %rem3A_682, %ne3A_683 : i32
        %and3A_685 = arith.andi %ne3A_681, %ne3A_684 : i1
        %sub3A_686 = arith.constant 1 : i32
        %sub3A_687 = arith.subi %div3A_666, %sub3A_686 : i32
        %select_n3A_688 = arith.select %and3A_685, %sub3A_687, %div3A_666 : i32
        %jit3A_689 = arith.constant 8 : i32
        %eq3A_690 = arith.constant 0 : i32
        %eq3A_691 = arith.cmpi eq, %jit3A_689, %eq3A_690 : i32
        %jit3A_692 = arith.constant 1 : i32
        %select_n3A_693 = arith.select %eq3A_691, %jit3A_692, %jit3A_689 : i32
        %rem3A_694 = arith.remsi %add3A_625, %select_n3A_693 : i32
        %ne3A_695 = arith.constant 0 : i32
        %ne3A_696 = arith.cmpi ne, %rem3A_694, %ne3A_695 : i32
        %lt3A_697 = arith.constant 0 : i32
        %lt3A_698 = arith.cmpi slt, %rem3A_694, %lt3A_697 : i32
        %lt3A_699 = arith.constant 0 : i32
        %lt3A_700 = arith.cmpi slt, %select_n3A_693, %lt3A_699 : i32
        %ne3A_701 = arith.xori %lt3A_698, %lt3A_700 : i1
        %and3A_702 = arith.andi %ne3A_701, %ne3A_696 : i1
        %add3A_703 = arith.addi %rem3A_694, %select_n3A_693 : i32
        %select_n3A_704 = arith.select %and3A_702, %add3A_703, %rem3A_694 : i32
        %mul3A_705 = arith.constant 16 : i32
        %mul3A_706 = arith.muli %select_n3A_704, %mul3A_705 : i32
        %swap3A_707 = arith.index_cast %add3A_44 : i32 to index
        %swap3A_708 = arith.index_cast %select_n3A_688 : i32 to index
        %swap3A_709 = arith.index_cast %mul3A_706 : i32 to index
        %swap3A_710 = tpu.vector_load %arg16[%swap3A_707, %swap3A_708, %swap3A_709] {strides = array<i32>} : memref<20x16x128xf32, #tpu.memory_space<vmem>>, vector<1x1x16xf32>,
        %swap3A_711 = vector.shape_cast %swap3A_710 : vector<1x1x16xf32> to vector<16xf32>
        %swap3A_712 = vector.shape_cast %add3A_664 : vector<16xf32> to vector<1x1x16xf32>
        tpu.vector_store %arg16[%swap3A_707, %swap3A_708, %swap3A_709], %swap3A_712 {strides = array<i32>} : memref<20x16x128xf32, #tpu.memory_space<vmem>>, vector<1x1x16xf32>,
        %mul3A_713 = arith.constant 16 : i32
        %mul3A_714 = arith.muli %scan3A_86, %mul3A_713 : i32
        %add3A_715 = arith.constant 7 : i32
        %add3A_716 = arith.addi %mul3A_714, %add3A_715 : i32
        %get3A_717 = arith.index_cast %add3A_716 : i32 to index
        %get3A_718 = arith.constant 64 : index
        %get3A_719 = tpu.vector_load %arg13[%get3A_717, %get3A_718] {strides = array<i32>} : memref<128x128xf32, #tpu.memory_space<vmem>>, vector<1x16xf32>,
        %get3A_720 = vector.shape_cast %get3A_719 : vector<1x16xf32> to vector<16xf32>
        %get3A_721 = arith.index_cast %add3A_716 : i32 to index
        %get3A_722 = arith.constant 0 : index
        %get3A_723 = tpu.vector_load %arg11[%get3A_721, %get3A_722] {strides = array<i32>} : memref<128x128xf32, #tpu.memory_space<vmem>>, vector<1x16xf32>,
        %get3A_724 = vector.shape_cast %get3A_723 : vector<1x16xf32> to vector<16xf32>
        %mul3A_725 = arith.mulf %get3A_720, %get3A_724 : vector<16xf32>
        %get3A_726 = arith.index_cast %add3A_716 : i32 to index
        %get3A_727 = arith.constant 80 : index
        %get3A_728 = tpu.vector_load %arg13[%get3A_726, %get3A_727] {strides = array<i32>} : memref<128x128xf32, #tpu.memory_space<vmem>>, vector<1x16xf32>,
        %get3A_729 = vector.shape_cast %get3A_728 : vector<1x16xf32> to vector<16xf32>
        %get3A_730 = arith.index_cast %add3A_716 : i32 to index
        %get3A_731 = arith.constant 16 : index
        %get3A_732 = tpu.vector_load %arg11[%get3A_730, %get3A_731] {strides = array<i32>} : memref<128x128xf32, #tpu.memory_space<vmem>>, vector<1x16xf32>,
        %get3A_733 = vector.shape_cast %get3A_732 : vector<1x16xf32> to vector<16xf32>
        %mul3A_734 = arith.mulf %get3A_729, %get3A_733 : vector<16xf32>
        %add3A_735 = arith.addf %mul3A_725, %mul3A_734 : vector<16xf32>
        %get3A_736 = arith.index_cast %add3A_716 : i32 to index
        %get3A_737 = arith.constant 96 : index
        %get3A_738 = tpu.vector_load %arg13[%get3A_736, %get3A_737] {strides = array<i32>} : memref<128x128xf32, #tpu.memory_space<vmem>>, vector<1x16xf32>,
        %get3A_739 = vector.shape_cast %get3A_738 : vector<1x16xf32> to vector<16xf32>
        %get3A_740 = arith.index_cast %add3A_716 : i32 to index
        %get3A_741 = arith.constant 32 : index
        %get3A_742 = tpu.vector_load %arg11[%get3A_740, %get3A_741] {strides = array<i32>} : memref<128x128xf32, #tpu.memory_space<vmem>>, vector<1x16xf32>,
        %get3A_743 = vector.shape_cast %get3A_742 : vector<1x16xf32> to vector<16xf32>
        %mul3A_744 = arith.mulf %get3A_739, %get3A_743 : vector<16xf32>
        %add3A_745 = arith.addf %add3A_735, %mul3A_744 : vector<16xf32>
        %get3A_746 = arith.index_cast %add3A_716 : i32 to index
        %get3A_747 = arith.constant 112 : index
        %get3A_748 = tpu.vector_load %arg13[%get3A_746, %get3A_747] {strides = array<i32>} : memref<128x128xf32, #tpu.memory_space<vmem>>, vector<1x16xf32>,
        %get3A_749 = vector.shape_cast %get3A_748 : vector<1x16xf32> to vector<16xf32>
        %get3A_750 = arith.index_cast %add3A_716 : i32 to index
        %get3A_751 = arith.constant 48 : index
        %get3A_752 = tpu.vector_load %arg11[%get3A_750, %get3A_751] {strides = array<i32>} : memref<128x128xf32, #tpu.memory_space<vmem>>, vector<1x16xf32>,
        %get3A_753 = vector.shape_cast %get3A_752 : vector<1x16xf32> to vector<16xf32>
        %mul3A_754 = arith.mulf %get3A_749, %get3A_753 : vector<16xf32>
        %add3A_755 = arith.addf %add3A_745, %mul3A_754 : vector<16xf32>
        %jit3A_756 = arith.constant 8 : i32
        %div3A_757 = arith.divsi %add3A_716, %jit3A_756 : i32
        %sign3A_758 = arith.constant 0 : i32
        %sign3A_759 = arith.cmpi sgt, %add3A_716, %sign3A_758 : i32
        %sign3A_760 = arith.extui %sign3A_759 : i1 to i32
        %sign3A_761 = arith.constant 0 : i32
        %sign3A_762 = arith.cmpi slt, %add3A_716, %sign3A_761 : i32
        %sign3A_763 = arith.extui %sign3A_762 : i1 to i32
        %sign3A_764 = arith.subi %sign3A_760, %sign3A_763 : i32
        %sign3A_765 = arith.constant 0 : i32
        %sign3A_766 = arith.cmpi sgt, %jit3A_756, %sign3A_765 : i32
        %sign3A_767 = arith.extui %sign3A_766 : i1 to i32
        %sign3A_768 = arith.constant 0 : i32
        %sign3A_769 = arith.cmpi slt, %jit3A_756, %sign3A_768 : i32
        %sign3A_770 = arith.extui %sign3A_769 : i1 to i32
        %sign3A_771 = arith.subi %sign3A_767, %sign3A_770 : i32
        %ne3A_772 = arith.cmpi ne, %sign3A_764, %sign3A_771 : i32
        %rem3A_773 = arith.remsi %add3A_716, %jit3A_756 : i32
        %ne3A_774 = arith.constant 0 : i32
        %ne3A_775 = arith.cmpi ne, %rem3A_773, %ne3A_774 : i32
        %and3A_776 = arith.andi %ne3A_772, %ne3A_775 : i1
        %sub3A_777 = arith.constant 1 : i32
        %sub3A_778 = arith.subi %div3A_757, %sub3A_777 : i32
        %select_n3A_779 = arith.select %and3A_776, %sub3A_778, %div3A_757 : i32
        %jit3A_780 = arith.constant 8 : i32
        %eq3A_781 = arith.constant 0 : i32
        %eq3A_782 = arith.cmpi eq, %jit3A_780, %eq3A_781 : i32
        %jit3A_783 = arith.constant 1 : i32
        %select_n3A_784 = arith.select %eq3A_782, %jit3A_783, %jit3A_780 : i32
        %rem3A_785 = arith.remsi %add3A_716, %select_n3A_784 : i32
        %ne3A_786 = arith.constant 0 : i32
        %ne3A_787 = arith.cmpi ne, %rem3A_785, %ne3A_786 : i32
        %lt3A_788 = arith.constant 0 : i32
        %lt3A_789 = arith.cmpi slt, %rem3A_785, %lt3A_788 : i32
        %lt3A_790 = arith.constant 0 : i32
        %lt3A_791 = arith.cmpi slt, %select_n3A_784, %lt3A_790 : i32
        %ne3A_792 = arith.xori %lt3A_789, %lt3A_791 : i1
        %and3A_793 = arith.andi %ne3A_792, %ne3A_787 : i1
        %add3A_794 = arith.addi %rem3A_785, %select_n3A_784 : i32
        %select_n3A_795 = arith.select %and3A_793, %add3A_794, %rem3A_785 : i32
        %mul3A_796 = arith.constant 16 : i32
        %mul3A_797 = arith.muli %select_n3A_795, %mul3A_796 : i32
        %swap3A_798 = arith.index_cast %add3A_44 : i32 to index
        %swap3A_799 = arith.index_cast %select_n3A_779 : i32 to index
        %swap3A_800 = arith.index_cast %mul3A_797 : i32 to index
        %swap3A_801 = tpu.vector_load %arg16[%swap3A_798, %swap3A_799, %swap3A_800] {strides = array<i32>} : memref<20x16x128xf32, #tpu.memory_space<vmem>>, vector<1x1x16xf32>,
        %swap3A_802 = vector.shape_cast %swap3A_801 : vector<1x1x16xf32> to vector<16xf32>
        %swap3A_803 = vector.shape_cast %add3A_755 : vector<16xf32> to vector<1x1x16xf32>
        tpu.vector_store %arg16[%swap3A_798, %swap3A_799, %swap3A_800], %swap3A_803 {strides = array<i32>} : memref<20x16x128xf32, #tpu.memory_space<vmem>>, vector<1x1x16xf32>,
        %mul3A_804 = arith.constant 16 : i32
        %mul3A_805 = arith.muli %scan3A_86, %mul3A_804 : i32
        %add3A_806 = arith.constant 8 : i32
        %add3A_807 = arith.addi %mul3A_805, %add3A_806 : i32
        %get3A_808 = arith.index_cast %add3A_807 : i32 to index
        %get3A_809 = arith.constant 64 : index
        %get3A_810 = tpu.vector_load %arg13[%get3A_808, %get3A_809] {strides = array<i32>} : memref<128x128xf32, #tpu.memory_space<vmem>>, vector<1x16xf32>,
        %get3A_811 = vector.shape_cast %get3A_810 : vector<1x16xf32> to vector<16xf32>
        %get3A_812 = arith.index_cast %add3A_807 : i32 to index
        %get3A_813 = arith.constant 0 : index
        %get3A_814 = tpu.vector_load %arg11[%get3A_812, %get3A_813] {strides = array<i32>} : memref<128x128xf32, #tpu.memory_space<vmem>>, vector<1x16xf32>,
        %get3A_815 = vector.shape_cast %get3A_814 : vector<1x16xf32> to vector<16xf32>
        %mul3A_816 = arith.mulf %get3A_811, %get3A_815 : vector<16xf32>
        %get3A_817 = arith.index_cast %add3A_807 : i32 to index
        %get3A_818 = arith.constant 80 : index
        %get3A_819 = tpu.vector_load %arg13[%get3A_817, %get3A_818] {strides = array<i32>} : memref<128x128xf32, #tpu.memory_space<vmem>>, vector<1x16xf32>,
        %get3A_820 = vector.shape_cast %get3A_819 : vector<1x16xf32> to vector<16xf32>
        %get3A_821 = arith.index_cast %add3A_807 : i32 to index
        %get3A_822 = arith.constant 16 : index
        %get3A_823 = tpu.vector_load %arg11[%get3A_821, %get3A_822] {strides = array<i32>} : memref<128x128xf32, #tpu.memory_space<vmem>>, vector<1x16xf32>,
        %get3A_824 = vector.shape_cast %get3A_823 : vector<1x16xf32> to vector<16xf32>
        %mul3A_825 = arith.mulf %get3A_820, %get3A_824 : vector<16xf32>
        %add3A_826 = arith.addf %mul3A_816, %mul3A_825 : vector<16xf32>
        %get3A_827 = arith.index_cast %add3A_807 : i32 to index
        %get3A_828 = arith.constant 96 : index
        %get3A_829 = tpu.vector_load %arg13[%get3A_827, %get3A_828] {strides = array<i32>} : memref<128x128xf32, #tpu.memory_space<vmem>>, vector<1x16xf32>,
        %get3A_830 = vector.shape_cast %get3A_829 : vector<1x16xf32> to vector<16xf32>
        %get3A_831 = arith.index_cast %add3A_807 : i32 to index
        %get3A_832 = arith.constant 32 : index
        %get3A_833 = tpu.vector_load %arg11[%get3A_831, %get3A_832] {strides = array<i32>} : memref<128x128xf32, #tpu.memory_space<vmem>>, vector<1x16xf32>,
        %get3A_834 = vector.shape_cast %get3A_833 : vector<1x16xf32> to vector<16xf32>
        %mul3A_835 = arith.mulf %get3A_830, %get3A_834 : vector<16xf32>
        %add3A_836 = arith.addf %add3A_826, %mul3A_835 : vector<16xf32>
        %get3A_837 = arith.index_cast %add3A_807 : i32 to index
        %get3A_838 = arith.constant 112 : index
        %get3A_839 = tpu.vector_load %arg13[%get3A_837, %get3A_838] {strides = array<i32>} : memref<128x128xf32, #tpu.memory_space<vmem>>, vector<1x16xf32>,
        %get3A_840 = vector.shape_cast %get3A_839 : vector<1x16xf32> to vector<16xf32>
        %get3A_841 = arith.index_cast %add3A_807 : i32 to index
        %get3A_842 = arith.constant 48 : index
        %get3A_843 = tpu.vector_load %arg11[%get3A_841, %get3A_842] {strides = array<i32>} : memref<128x128xf32, #tpu.memory_space<vmem>>, vector<1x16xf32>,
        %get3A_844 = vector.shape_cast %get3A_843 : vector<1x16xf32> to vector<16xf32>
        %mul3A_845 = arith.mulf %get3A_840, %get3A_844 : vector<16xf32>
        %add3A_846 = arith.addf %add3A_836, %mul3A_845 : vector<16xf32>
        %jit3A_847 = arith.constant 8 : i32
        %div3A_848 = arith.divsi %add3A_807, %jit3A_847 : i32
        %sign3A_849 = arith.constant 0 : i32
        %sign3A_850 = arith.cmpi sgt, %add3A_807, %sign3A_849 : i32
        %sign3A_851 = arith.extui %sign3A_850 : i1 to i32
        %sign3A_852 = arith.constant 0 : i32
        %sign3A_853 = arith.cmpi slt, %add3A_807, %sign3A_852 : i32
        %sign3A_854 = arith.extui %sign3A_853 : i1 to i32
        %sign3A_855 = arith.subi %sign3A_851, %sign3A_854 : i32
        %sign3A_856 = arith.constant 0 : i32
        %sign3A_857 = arith.cmpi sgt, %jit3A_847, %sign3A_856 : i32
        %sign3A_858 = arith.extui %sign3A_857 : i1 to i32
        %sign3A_859 = arith.constant 0 : i32
        %sign3A_860 = arith.cmpi slt, %jit3A_847, %sign3A_859 : i32
        %sign3A_861 = arith.extui %sign3A_860 : i1 to i32
        %sign3A_862 = arith.subi %sign3A_858, %sign3A_861 : i32
        %ne3A_863 = arith.cmpi ne, %sign3A_855, %sign3A_862 : i32
        %rem3A_864 = arith.remsi %add3A_807, %jit3A_847 : i32
        %ne3A_865 = arith.constant 0 : i32
        %ne3A_866 = arith.cmpi ne, %rem3A_864, %ne3A_865 : i32
        %and3A_867 = arith.andi %ne3A_863, %ne3A_866 : i1
        %sub3A_868 = arith.constant 1 : i32
        %sub3A_869 = arith.subi %div3A_848, %sub3A_868 : i32
        %select_n3A_870 = arith.select %and3A_867, %sub3A_869, %div3A_848 : i32
        %jit3A_871 = arith.constant 8 : i32
        %eq3A_872 = arith.constant 0 : i32
        %eq3A_873 = arith.cmpi eq, %jit3A_871, %eq3A_872 : i32
        %jit3A_874 = arith.constant 1 : i32
        %select_n3A_875 = arith.select %eq3A_873, %jit3A_874, %jit3A_871 : i32
        %rem3A_876 = arith.remsi %add3A_807, %select_n3A_875 : i32
        %ne3A_877 = arith.constant 0 : i32
        %ne3A_878 = arith.cmpi ne, %rem3A_876, %ne3A_877 : i32
        %lt3A_879 = arith.constant 0 : i32
        %lt3A_880 = arith.cmpi slt, %rem3A_876, %lt3A_879 : i32
        %lt3A_881 = arith.constant 0 : i32
        %lt3A_882 = arith.cmpi slt, %select_n3A_875, %lt3A_881 : i32
        %ne3A_883 = arith.xori %lt3A_880, %lt3A_882 : i1
        %and3A_884 = arith.andi %ne3A_883, %ne3A_878 : i1
        %add3A_885 = arith.addi %rem3A_876, %select_n3A_875 : i32
        %select_n3A_886 = arith.select %and3A_884, %add3A_885, %rem3A_876 : i32
        %mul3A_887 = arith.constant 16 : i32
        %mul3A_888 = arith.muli %select_n3A_886, %mul3A_887 : i32
        %swap3A_889 = arith.index_cast %add3A_44 : i32 to index
        %swap3A_890 = arith.index_cast %select_n3A_870 : i32 to index
        %swap3A_891 = arith.index_cast %mul3A_888 : i32 to index
        %swap3A_892 = tpu.vector_load %arg16[%swap3A_889, %swap3A_890, %swap3A_891] {strides = array<i32>} : memref<20x16x128xf32, #tpu.memory_space<vmem>>, vector<1x1x16xf32>,
        %swap3A_893 = vector.shape_cast %swap3A_892 : vector<1x1x16xf32> to vector<16xf32>
        %swap3A_894 = vector.shape_cast %add3A_846 : vector<16xf32> to vector<1x1x16xf32>
        tpu.vector_store %arg16[%swap3A_889, %swap3A_890, %swap3A_891], %swap3A_894 {strides = array<i32>} : memref<20x16x128xf32, #tpu.memory_space<vmem>>, vector<1x1x16xf32>,
        %mul3A_895 = arith.constant 16 : i32
        %mul3A_896 = arith.muli %scan3A_86, %mul3A_895 : i32
        %add3A_897 = arith.constant 9 : i32
        %add3A_898 = arith.addi %mul3A_896, %add3A_897 : i32
        %get3A_899 = arith.index_cast %add3A_898 : i32 to index
        %get3A_900 = arith.constant 64 : index
        %get3A_901 = tpu.vector_load %arg13[%get3A_899, %get3A_900] {strides = array<i32>} : memref<128x128xf32, #tpu.memory_space<vmem>>, vector<1x16xf32>,
        %get3A_902 = vector.shape_cast %get3A_901 : vector<1x16xf32> to vector<16xf32>
        %get3A_903 = arith.index_cast %add3A_898 : i32 to index
        %get3A_904 = arith.constant 0 : index
        %get3A_905 = tpu.vector_load %arg11[%get3A_903, %get3A_904] {strides = array<i32>} : memref<128x128xf32, #tpu.memory_space<vmem>>, vector<1x16xf32>,
        %get3A_906 = vector.shape_cast %get3A_905 : vector<1x16xf32> to vector<16xf32>
        %mul3A_907 = arith.mulf %get3A_902, %get3A_906 : vector<16xf32>
        %get3A_908 = arith.index_cast %add3A_898 : i32 to index
        %get3A_909 = arith.constant 80 : index
        %get3A_910 = tpu.vector_load %arg13[%get3A_908, %get3A_909] {strides = array<i32>} : memref<128x128xf32, #tpu.memory_space<vmem>>, vector<1x16xf32>,
        %get3A_911 = vector.shape_cast %get3A_910 : vector<1x16xf32> to vector<16xf32>
        %get3A_912 = arith.index_cast %add3A_898 : i32 to index
        %get3A_913 = arith.constant 16 : index
        %get3A_914 = tpu.vector_load %arg11[%get3A_912, %get3A_913] {strides = array<i32>} : memref<128x128xf32, #tpu.memory_space<vmem>>, vector<1x16xf32>,
        %get3A_915 = vector.shape_cast %get3A_914 : vector<1x16xf32> to vector<16xf32>
        %mul3A_916 = arith.mulf %get3A_911, %get3A_915 : vector<16xf32>
        %add3A_917 = arith.addf %mul3A_907, %mul3A_916 : vector<16xf32>
        %get3A_918 = arith.index_cast %add3A_898 : i32 to index
        %get3A_919 = arith.constant 96 : index
        %get3A_920 = tpu.vector_load %arg13[%get3A_918, %get3A_919] {strides = array<i32>} : memref<128x128xf32, #tpu.memory_space<vmem>>, vector<1x16xf32>,
        %get3A_921 = vector.shape_cast %get3A_920 : vector<1x16xf32> to vector<16xf32>
        %get3A_922 = arith.index_cast %add3A_898 : i32 to index
        %get3A_923 = arith.constant 32 : index
        %get3A_924 = tpu.vector_load %arg11[%get3A_922, %get3A_923] {strides = array<i32>} : memref<128x128xf32, #tpu.memory_space<vmem>>, vector<1x16xf32>,
        %get3A_925 = vector.shape_cast %get3A_924 : vector<1x16xf32> to vector<16xf32>
        %mul3A_926 = arith.mulf %get3A_921, %get3A_925 : vector<16xf32>
        %add3A_927 = arith.addf %add3A_917, %mul3A_926 : vector<16xf32>
        %get3A_928 = arith.index_cast %add3A_898 : i32 to index
        %get3A_929 = arith.constant 112 : index
        %get3A_930 = tpu.vector_load %arg13[%get3A_928, %get3A_929] {strides = array<i32>} : memref<128x128xf32, #tpu.memory_space<vmem>>, vector<1x16xf32>,
        %get3A_931 = vector.shape_cast %get3A_930 : vector<1x16xf32> to vector<16xf32>
        %get3A_932 = arith.index_cast %add3A_898 : i32 to index
        %get3A_933 = arith.constant 48 : index
        %get3A_934 = tpu.vector_load %arg11[%get3A_932, %get3A_933] {strides = array<i32>} : memref<128x128xf32, #tpu.memory_space<vmem>>, vector<1x16xf32>,
        %get3A_935 = vector.shape_cast %get3A_934 : vector<1x16xf32> to vector<16xf32>
        %mul3A_936 = arith.mulf %get3A_931, %get3A_935 : vector<16xf32>
        %add3A_937 = arith.addf %add3A_927, %mul3A_936 : vector<16xf32>
        %jit3A_938 = arith.constant 8 : i32
        %div3A_939 = arith.divsi %add3A_898, %jit3A_938 : i32
        %sign3A_940 = arith.constant 0 : i32
        %sign3A_941 = arith.cmpi sgt, %add3A_898, %sign3A_940 : i32
        %sign3A_942 = arith.extui %sign3A_941 : i1 to i32
        %sign3A_943 = arith.constant 0 : i32
        %sign3A_944 = arith.cmpi slt, %add3A_898, %sign3A_943 : i32
        %sign3A_945 = arith.extui %sign3A_944 : i1 to i32
        %sign3A_946 = arith.subi %sign3A_942, %sign3A_945 : i32
        %sign3A_947 = arith.constant 0 : i32
        %sign3A_948 = arith.cmpi sgt, %jit3A_938, %sign3A_947 : i32
        %sign3A_949 = arith.extui %sign3A_948 : i1 to i32
        %sign3A_950 = arith.constant 0 : i32
        %sign3A_951 = arith.cmpi slt, %jit3A_938, %sign3A_950 : i32
        %sign3A_952 = arith.extui %sign3A_951 : i1 to i32
        %sign3A_953 = arith.subi %sign3A_949, %sign3A_952 : i32
        %ne3A_954 = arith.cmpi ne, %sign3A_946, %sign3A_953 : i32
        %rem3A_955 = arith.remsi %add3A_898, %jit3A_938 : i32
        %ne3A_956 = arith.constant 0 : i32
        %ne3A_957 = arith.cmpi ne, %rem3A_955, %ne3A_956 : i32
        %and3A_958 = arith.andi %ne3A_954, %ne3A_957 : i1
        %sub3A_959 = arith.constant 1 : i32
        %sub3A_960 = arith.subi %div3A_939, %sub3A_959 : i32
        %select_n3A_961 = arith.select %and3A_958, %sub3A_960, %div3A_939 : i32
        %jit3A_962 = arith.constant 8 : i32
        %eq3A_963 = arith.constant 0 : i32
        %eq3A_964 = arith.cmpi eq, %jit3A_962, %eq3A_963 : i32
        %jit3A_965 = arith.constant 1 : i32
        %select_n3A_966 = arith.select %eq3A_964, %jit3A_965, %jit3A_962 : i32
        %rem3A_967 = arith.remsi %add3A_898, %select_n3A_966 : i32
        %ne3A_968 = arith.constant 0 : i32
        %ne3A_969 = arith.cmpi ne, %rem3A_967, %ne3A_968 : i32
        %lt3A_970 = arith.constant 0 : i32
        %lt3A_971 = arith.cmpi slt, %rem3A_967, %lt3A_970 : i32
        %lt3A_972 = arith.constant 0 : i32
        %lt3A_973 = arith.cmpi slt, %select_n3A_966, %lt3A_972 : i32
        %ne3A_974 = arith.xori %lt3A_971, %lt3A_973 : i1
        %and3A_975 = arith.andi %ne3A_974, %ne3A_969 : i1
        %add3A_976 = arith.addi %rem3A_967, %select_n3A_966 : i32
        %select_n3A_977 = arith.select %and3A_975, %add3A_976, %rem3A_967 : i32
        %mul3A_978 = arith.constant 16 : i32
        %mul3A_979 = arith.muli %select_n3A_977, %mul3A_978 : i32
        %swap3A_980 = arith.index_cast %add3A_44 : i32 to index
        %swap3A_981 = arith.index_cast %select_n3A_961 : i32 to index
        %swap3A_982 = arith.index_cast %mul3A_979 : i32 to index
        %swap3A_983 = tpu.vector_load %arg16[%swap3A_980, %swap3A_981, %swap3A_982] {strides = array<i32>} : memref<20x16x128xf32, #tpu.memory_space<vmem>>, vector<1x1x16xf32>,
        %swap3A_984 = vector.shape_cast %swap3A_983 : vector<1x1x16xf32> to vector<16xf32>
        %swap3A_985 = vector.shape_cast %add3A_937 : vector<16xf32> to vector<1x1x16xf32>
        tpu.vector_store %arg16[%swap3A_980, %swap3A_981, %swap3A_982], %swap3A_985 {strides = array<i32>} : memref<20x16x128xf32, #tpu.memory_space<vmem>>, vector<1x1x16xf32>,
        %mul3A_986 = arith.constant 16 : i32
        %mul3A_987 = arith.muli %scan3A_86, %mul3A_986 : i32
        %add3A_988 = arith.constant 10 : i32
        %add3A_989 = arith.addi %mul3A_987, %add3A_988 : i32
        %get3A_990 = arith.index_cast %add3A_989 : i32 to index
        %get3A_991 = arith.constant 64 : index
        %get3A_992 = tpu.vector_load %arg13[%get3A_990, %get3A_991] {strides = array<i32>} : memref<128x128xf32, #tpu.memory_space<vmem>>, vector<1x16xf32>,
        %get3A_993 = vector.shape_cast %get3A_992 : vector<1x16xf32> to vector<16xf32>
        %get3A_994 = arith.index_cast %add3A_989 : i32 to index
        %get3A_995 = arith.constant 0 : index
        %get3A_996 = tpu.vector_load %arg11[%get3A_994, %get3A_995] {strides = array<i32>} : memref<128x128xf32, #tpu.memory_space<vmem>>, vector<1x16xf32>,
        %get3A_997 = vector.shape_cast %get3A_996 : vector<1x16xf32> to vector<16xf32>
        %mul3A_998 = arith.mulf %get3A_993, %get3A_997 : vector<16xf32>
        %get3A_999 = arith.index_cast %add3A_989 : i32 to index
        %get3A_1000 = arith.constant 80 : index
        %get3A_1001 = tpu.vector_load %arg13[%get3A_999, %get3A_1000] {strides = array<i32>} : memref<128x128xf32, #tpu.memory_space<vmem>>, vector<1x16xf32>,
        %get3A_1002 = vector.shape_cast %get3A_1001 : vector<1x16xf32> to vector<16xf32>
        %get3A_1003 = arith.index_cast %add3A_989 : i32 to index
        %get3A_1004 = arith.constant 16 : index
        %get3A_1005 = tpu.vector_load %arg11[%get3A_1003, %get3A_1004] {strides = array<i32>} : memref<128x128xf32, #tpu.memory_space<vmem>>, vector<1x16xf32>,
        %get3A_1006 = vector.shape_cast %get3A_1005 : vector<1x16xf32> to vector<16xf32>
        %mul3A_1007 = arith.mulf %get3A_1002, %get3A_1006 : vector<16xf32>
        %add3A_1008 = arith.addf %mul3A_998, %mul3A_1007 : vector<16xf32>
        %get3A_1009 = arith.index_cast %add3A_989 : i32 to index
        %get3A_1010 = arith.constant 96 : index
        %get3A_1011 = tpu.vector_load %arg13[%get3A_1009, %get3A_1010] {strides = array<i32>} : memref<128x128xf32, #tpu.memory_space<vmem>>, vector<1x16xf32>,
        %get3A_1012 = vector.shape_cast %get3A_1011 : vector<1x16xf32> to vector<16xf32>
        %get3A_1013 = arith.index_cast %add3A_989 : i32 to index
        %get3A_1014 = arith.constant 32 : index
        %get3A_1015 = tpu.vector_load %arg11[%get3A_1013, %get3A_1014] {strides = array<i32>} : memref<128x128xf32, #tpu.memory_space<vmem>>, vector<1x16xf32>,
        %get3A_1016 = vector.shape_cast %get3A_1015 : vector<1x16xf32> to vector<16xf32>
        %mul3A_1017 = arith.mulf %get3A_1012, %get3A_1016 : vector<16xf32>
        %add3A_1018 = arith.addf %add3A_1008, %mul3A_1017 : vector<16xf32>
        %get3A_1019 = arith.index_cast %add3A_989 : i32 to index
        %get3A_1020 = arith.constant 112 : index
        %get3A_1021 = tpu.vector_load %arg13[%get3A_1019, %get3A_1020] {strides = array<i32>} : memref<128x128xf32, #tpu.memory_space<vmem>>, vector<1x16xf32>,
        %get3A_1022 = vector.shape_cast %get3A_1021 : vector<1x16xf32> to vector<16xf32>
        %get3A_1023 = arith.index_cast %add3A_989 : i32 to index
        %get3A_1024 = arith.constant 48 : index
        %get3A_1025 = tpu.vector_load %arg11[%get3A_1023, %get3A_1024] {strides = array<i32>} : memref<128x128xf32, #tpu.memory_space<vmem>>, vector<1x16xf32>,
        %get3A_1026 = vector.shape_cast %get3A_1025 : vector<1x16xf32> to vector<16xf32>
        %mul3A_1027 = arith.mulf %get3A_1022, %get3A_1026 : vector<16xf32>
        %add3A_1028 = arith.addf %add3A_1018, %mul3A_1027 : vector<16xf32>
        %jit3A_1029 = arith.constant 8 : i32
        %div3A_1030 = arith.divsi %add3A_989, %jit3A_1029 : i32
        %sign3A_1031 = arith.constant 0 : i32
        %sign3A_1032 = arith.cmpi sgt, %add3A_989, %sign3A_1031 : i32
        %sign3A_1033 = arith.extui %sign3A_1032 : i1 to i32
        %sign3A_1034 = arith.constant 0 : i32
        %sign3A_1035 = arith.cmpi slt, %add3A_989, %sign3A_1034 : i32
        %sign3A_1036 = arith.extui %sign3A_1035 : i1 to i32
        %sign3A_1037 = arith.subi %sign3A_1033, %sign3A_1036 : i32
        %sign3A_1038 = arith.constant 0 : i32
        %sign3A_1039 = arith.cmpi sgt, %jit3A_1029, %sign3A_1038 : i32
        %sign3A_1040 = arith.extui %sign3A_1039 : i1 to i32
        %sign3A_1041 = arith.constant 0 : i32
        %sign3A_1042 = arith.cmpi slt, %jit3A_1029, %sign3A_1041 : i32
        %sign3A_1043 = arith.extui %sign3A_1042 : i1 to i32
        %sign3A_1044 = arith.subi %sign3A_1040, %sign3A_1043 : i32
        %ne3A_1045 = arith.cmpi ne, %sign3A_1037, %sign3A_1044 : i32
        %rem3A_1046 = arith.remsi %add3A_989, %jit3A_1029 : i32
        %ne3A_1047 = arith.constant 0 : i32
        %ne3A_1048 = arith.cmpi ne, %rem3A_1046, %ne3A_1047 : i32
        %and3A_1049 = arith.andi %ne3A_1045, %ne3A_1048 : i1
        %sub3A_1050 = arith.constant 1 : i32
        %sub3A_1051 = arith.subi %div3A_1030, %sub3A_1050 : i32
        %select_n3A_1052 = arith.select %and3A_1049, %sub3A_1051, %div3A_1030 : i32
        %jit3A_1053 = arith.constant 8 : i32
        %eq3A_1054 = arith.constant 0 : i32
        %eq3A_1055 = arith.cmpi eq, %jit3A_1053, %eq3A_1054 : i32
        %jit3A_1056 = arith.constant 1 : i32
        %select_n3A_1057 = arith.select %eq3A_1055, %jit3A_1056, %jit3A_1053 : i32
        %rem3A_1058 = arith.remsi %add3A_989, %select_n3A_1057 : i32
        %ne3A_1059 = arith.constant 0 : i32
        %ne3A_1060 = arith.cmpi ne, %rem3A_1058, %ne3A_1059 : i32
        %lt3A_1061 = arith.constant 0 : i32
        %lt3A_1062 = arith.cmpi slt, %rem3A_1058, %lt3A_1061 : i32
        %lt3A_1063 = arith.constant 0 : i32
        %lt3A_1064 = arith.cmpi slt, %select_n3A_1057, %lt3A_1063 : i32
        %ne3A_1065 = arith.xori %lt3A_1062, %lt3A_1064 : i1
        %and3A_1066 = arith.andi %ne3A_1065, %ne3A_1060 : i1
        %add3A_1067 = arith.addi %rem3A_1058, %select_n3A_1057 : i32
        %select_n3A_1068 = arith.select %and3A_1066, %add3A_1067, %rem3A_1058 : i32
        %mul3A_1069 = arith.constant 16 : i32
        %mul3A_1070 = arith.muli %select_n3A_1068, %mul3A_1069 : i32
        %swap3A_1071 = arith.index_cast %add3A_44 : i32 to index
        %swap3A_1072 = arith.index_cast %select_n3A_1052 : i32 to index
        %swap3A_1073 = arith.index_cast %mul3A_1070 : i32 to index
        %swap3A_1074 = tpu.vector_load %arg16[%swap3A_1071, %swap3A_1072, %swap3A_1073] {strides = array<i32>} : memref<20x16x128xf32, #tpu.memory_space<vmem>>, vector<1x1x16xf32>,
        %swap3A_1075 = vector.shape_cast %swap3A_1074 : vector<1x1x16xf32> to vector<16xf32>
        %swap3A_1076 = vector.shape_cast %add3A_1028 : vector<16xf32> to vector<1x1x16xf32>
        tpu.vector_store %arg16[%swap3A_1071, %swap3A_1072, %swap3A_1073], %swap3A_1076 {strides = array<i32>} : memref<20x16x128xf32, #tpu.memory_space<vmem>>, vector<1x1x16xf32>,
        %mul3A_1077 = arith.constant 16 : i32
        %mul3A_1078 = arith.muli %scan3A_86, %mul3A_1077 : i32
        %add3A_1079 = arith.constant 11 : i32
        %add3A_1080 = arith.addi %mul3A_1078, %add3A_1079 : i32
        %get3A_1081 = arith.index_cast %add3A_1080 : i32 to index
        %get3A_1082 = arith.constant 64 : index
        %get3A_1083 = tpu.vector_load %arg13[%get3A_1081, %get3A_1082] {strides = array<i32>} : memref<128x128xf32, #tpu.memory_space<vmem>>, vector<1x16xf32>,
        %get3A_1084 = vector.shape_cast %get3A_1083 : vector<1x16xf32> to vector<16xf32>
        %get3A_1085 = arith.index_cast %add3A_1080 : i32 to index
        %get3A_1086 = arith.constant 0 : index
        %get3A_1087 = tpu.vector_load %arg11[%get3A_1085, %get3A_1086] {strides = array<i32>} : memref<128x128xf32, #tpu.memory_space<vmem>>, vector<1x16xf32>,
        %get3A_1088 = vector.shape_cast %get3A_1087 : vector<1x16xf32> to vector<16xf32>
        %mul3A_1089 = arith.mulf %get3A_1084, %get3A_1088 : vector<16xf32>
        %get3A_1090 = arith.index_cast %add3A_1080 : i32 to index
        %get3A_1091 = arith.constant 80 : index
        %get3A_1092 = tpu.vector_load %arg13[%get3A_1090, %get3A_1091] {strides = array<i32>} : memref<128x128xf32, #tpu.memory_space<vmem>>, vector<1x16xf32>,
        %get3A_1093 = vector.shape_cast %get3A_1092 : vector<1x16xf32> to vector<16xf32>
        %get3A_1094 = arith.index_cast %add3A_1080 : i32 to index
        %get3A_1095 = arith.constant 16 : index
        %get3A_1096 = tpu.vector_load %arg11[%get3A_1094, %get3A_1095] {strides = array<i32>} : memref<128x128xf32, #tpu.memory_space<vmem>>, vector<1x16xf32>,
        %get3A_1097 = vector.shape_cast %get3A_1096 : vector<1x16xf32> to vector<16xf32>
        %mul3A_1098 = arith.mulf %get3A_1093, %get3A_1097 : vector<16xf32>
        %add3A_1099 = arith.addf %mul3A_1089, %mul3A_1098 : vector<16xf32>
        %get3A_1100 = arith.index_cast %add3A_1080 : i32 to index
        %get3A_1101 = arith.constant 96 : index
        %get3A_1102 = tpu.vector_load %arg13[%get3A_1100, %get3A_1101] {strides = array<i32>} : memref<128x128xf32, #tpu.memory_space<vmem>>, vector<1x16xf32>,
        %get3A_1103 = vector.shape_cast %get3A_1102 : vector<1x16xf32> to vector<16xf32>
        %get3A_1104 = arith.index_cast %add3A_1080 : i32 to index
        %get3A_1105 = arith.constant 32 : index
        %get3A_1106 = tpu.vector_load %arg11[%get3A_1104, %get3A_1105] {strides = array<i32>} : memref<128x128xf32, #tpu.memory_space<vmem>>, vector<1x16xf32>,
        %get3A_1107 = vector.shape_cast %get3A_1106 : vector<1x16xf32> to vector<16xf32>
        %mul3A_1108 = arith.mulf %get3A_1103, %get3A_1107 : vector<16xf32>
        %add3A_1109 = arith.addf %add3A_1099, %mul3A_1108 : vector<16xf32>
        %get3A_1110 = arith.index_cast %add3A_1080 : i32 to index
        %get3A_1111 = arith.constant 112 : index
        %get3A_1112 = tpu.vector_load %arg13[%get3A_1110, %get3A_1111] {strides = array<i32>} : memref<128x128xf32, #tpu.memory_space<vmem>>, vector<1x16xf32>,
        %get3A_1113 = vector.shape_cast %get3A_1112 : vector<1x16xf32> to vector<16xf32>
        %get3A_1114 = arith.index_cast %add3A_1080 : i32 to index
        %get3A_1115 = arith.constant 48 : index
        %get3A_1116 = tpu.vector_load %arg11[%get3A_1114, %get3A_1115] {strides = array<i32>} : memref<128x128xf32, #tpu.memory_space<vmem>>, vector<1x16xf32>,
        %get3A_1117 = vector.shape_cast %get3A_1116 : vector<1x16xf32> to vector<16xf32>
        %mul3A_1118 = arith.mulf %get3A_1113, %get3A_1117 : vector<16xf32>
        %add3A_1119 = arith.addf %add3A_1109, %mul3A_1118 : vector<16xf32>
        %jit3A_1120 = arith.constant 8 : i32
        %div3A_1121 = arith.divsi %add3A_1080, %jit3A_1120 : i32
        %sign3A_1122 = arith.constant 0 : i32
        %sign3A_1123 = arith.cmpi sgt, %add3A_1080, %sign3A_1122 : i32
        %sign3A_1124 = arith.extui %sign3A_1123 : i1 to i32
        %sign3A_1125 = arith.constant 0 : i32
        %sign3A_1126 = arith.cmpi slt, %add3A_1080, %sign3A_1125 : i32
        %sign3A_1127 = arith.extui %sign3A_1126 : i1 to i32
        %sign3A_1128 = arith.subi %sign3A_1124, %sign3A_1127 : i32
        %sign3A_1129 = arith.constant 0 : i32
        %sign3A_1130 = arith.cmpi sgt, %jit3A_1120, %sign3A_1129 : i32
        %sign3A_1131 = arith.extui %sign3A_1130 : i1 to i32
        %sign3A_1132 = arith.constant 0 : i32
        %sign3A_1133 = arith.cmpi slt, %jit3A_1120, %sign3A_1132 : i32
        %sign3A_1134 = arith.extui %sign3A_1133 : i1 to i32
        %sign3A_1135 = arith.subi %sign3A_1131, %sign3A_1134 : i32
        %ne3A_1136 = arith.cmpi ne, %sign3A_1128, %sign3A_1135 : i32
        %rem3A_1137 = arith.remsi %add3A_1080, %jit3A_1120 : i32
        %ne3A_1138 = arith.constant 0 : i32
        %ne3A_1139 = arith.cmpi ne, %rem3A_1137, %ne3A_1138 : i32
        %and3A_1140 = arith.andi %ne3A_1136, %ne3A_1139 : i1
        %sub3A_1141 = arith.constant 1 : i32
        %sub3A_1142 = arith.subi %div3A_1121, %sub3A_1141 : i32
        %select_n3A_1143 = arith.select %and3A_1140, %sub3A_1142, %div3A_1121 : i32
        %jit3A_1144 = arith.constant 8 : i32
        %eq3A_1145 = arith.constant 0 : i32
        %eq3A_1146 = arith.cmpi eq, %jit3A_1144, %eq3A_1145 : i32
        %jit3A_1147 = arith.constant 1 : i32
        %select_n3A_1148 = arith.select %eq3A_1146, %jit3A_1147, %jit3A_1144 : i32
        %rem3A_1149 = arith.remsi %add3A_1080, %select_n3A_1148 : i32
        %ne3A_1150 = arith.constant 0 : i32
        %ne3A_1151 = arith.cmpi ne, %rem3A_1149, %ne3A_1150 : i32
        %lt3A_1152 = arith.constant 0 : i32
        %lt3A_1153 = arith.cmpi slt, %rem3A_1149, %lt3A_1152 : i32
        %lt3A_1154 = arith.constant 0 : i32
        %lt3A_1155 = arith.cmpi slt, %select_n3A_1148, %lt3A_1154 : i32
        %ne3A_1156 = arith.xori %lt3A_1153, %lt3A_1155 : i1
        %and3A_1157 = arith.andi %ne3A_1156, %ne3A_1151 : i1
        %add3A_1158 = arith.addi %rem3A_1149, %select_n3A_1148 : i32
        %select_n3A_1159 = arith.select %and3A_1157, %add3A_1158, %rem3A_1149 : i32
        %mul3A_1160 = arith.constant 16 : i32
        %mul3A_1161 = arith.muli %select_n3A_1159, %mul3A_1160 : i32
        %swap3A_1162 = arith.index_cast %add3A_44 : i32 to index
        %swap3A_1163 = arith.index_cast %select_n3A_1143 : i32 to index
        %swap3A_1164 = arith.index_cast %mul3A_1161 : i32 to index
        %swap3A_1165 = tpu.vector_load %arg16[%swap3A_1162, %swap3A_1163, %swap3A_1164] {strides = array<i32>} : memref<20x16x128xf32, #tpu.memory_space<vmem>>, vector<1x1x16xf32>,
        %swap3A_1166 = vector.shape_cast %swap3A_1165 : vector<1x1x16xf32> to vector<16xf32>
        %swap3A_1167 = vector.shape_cast %add3A_1119 : vector<16xf32> to vector<1x1x16xf32>
        tpu.vector_store %arg16[%swap3A_1162, %swap3A_1163, %swap3A_1164], %swap3A_1167 {strides = array<i32>} : memref<20x16x128xf32, #tpu.memory_space<vmem>>, vector<1x1x16xf32>,
        %mul3A_1168 = arith.constant 16 : i32
        %mul3A_1169 = arith.muli %scan3A_86, %mul3A_1168 : i32
        %add3A_1170 = arith.constant 12 : i32
        %add3A_1171 = arith.addi %mul3A_1169, %add3A_1170 : i32
        %get3A_1172 = arith.index_cast %add3A_1171 : i32 to index
        %get3A_1173 = arith.constant 64 : index
        %get3A_1174 = tpu.vector_load %arg13[%get3A_1172, %get3A_1173] {strides = array<i32>} : memref<128x128xf32, #tpu.memory_space<vmem>>, vector<1x16xf32>,
        %get3A_1175 = vector.shape_cast %get3A_1174 : vector<1x16xf32> to vector<16xf32>
        %get3A_1176 = arith.index_cast %add3A_1171 : i32 to index
        %get3A_1177 = arith.constant 0 : index
        %get3A_1178 = tpu.vector_load %arg11[%get3A_1176, %get3A_1177] {strides = array<i32>} : memref<128x128xf32, #tpu.memory_space<vmem>>, vector<1x16xf32>,
        %get3A_1179 = vector.shape_cast %get3A_1178 : vector<1x16xf32> to vector<16xf32>
        %mul3A_1180 = arith.mulf %get3A_1175, %get3A_1179 : vector<16xf32>
        %get3A_1181 = arith.index_cast %add3A_1171 : i32 to index
        %get3A_1182 = arith.constant 80 : index
        %get3A_1183 = tpu.vector_load %arg13[%get3A_1181, %get3A_1182] {strides = array<i32>} : memref<128x128xf32, #tpu.memory_space<vmem>>, vector<1x16xf32>,
        %get3A_1184 = vector.shape_cast %get3A_1183 : vector<1x16xf32> to vector<16xf32>
        %get3A_1185 = arith.index_cast %add3A_1171 : i32 to index
        %get3A_1186 = arith.constant 16 : index
        %get3A_1187 = tpu.vector_load %arg11[%get3A_1185, %get3A_1186] {strides = array<i32>} : memref<128x128xf32, #tpu.memory_space<vmem>>, vector<1x16xf32>,
        %get3A_1188 = vector.shape_cast %get3A_1187 : vector<1x16xf32> to vector<16xf32>
        %mul3A_1189 = arith.mulf %get3A_1184, %get3A_1188 : vector<16xf32>
        %add3A_1190 = arith.addf %mul3A_1180, %mul3A_1189 : vector<16xf32>
        %get3A_1191 = arith.index_cast %add3A_1171 : i32 to index
        %get3A_1192 = arith.constant 96 : index
        %get3A_1193 = tpu.vector_load %arg13[%get3A_1191, %get3A_1192] {strides = array<i32>} : memref<128x128xf32, #tpu.memory_space<vmem>>, vector<1x16xf32>,
        %get3A_1194 = vector.shape_cast %get3A_1193 : vector<1x16xf32> to vector<16xf32>
        %get3A_1195 = arith.index_cast %add3A_1171 : i32 to index
        %get3A_1196 = arith.constant 32 : index
        %get3A_1197 = tpu.vector_load %arg11[%get3A_1195, %get3A_1196] {strides = array<i32>} : memref<128x128xf32, #tpu.memory_space<vmem>>, vector<1x16xf32>,
        %get3A_1198 = vector.shape_cast %get3A_1197 : vector<1x16xf32> to vector<16xf32>
        %mul3A_1199 = arith.mulf %get3A_1194, %get3A_1198 : vector<16xf32>
        %add3A_1200 = arith.addf %add3A_1190, %mul3A_1199 : vector<16xf32>
        %get3A_1201 = arith.index_cast %add3A_1171 : i32 to index
        %get3A_1202 = arith.constant 112 : index
        %get3A_1203 = tpu.vector_load %arg13[%get3A_1201, %get3A_1202] {strides = array<i32>} : memref<128x128xf32, #tpu.memory_space<vmem>>, vector<1x16xf32>,
        %get3A_1204 = vector.shape_cast %get3A_1203 : vector<1x16xf32> to vector<16xf32>
        %get3A_1205 = arith.index_cast %add3A_1171 : i32 to index
        %get3A_1206 = arith.constant 48 : index
        %get3A_1207 = tpu.vector_load %arg11[%get3A_1205, %get3A_1206] {strides = array<i32>} : memref<128x128xf32, #tpu.memory_space<vmem>>, vector<1x16xf32>,
        %get3A_1208 = vector.shape_cast %get3A_1207 : vector<1x16xf32> to vector<16xf32>
        %mul3A_1209 = arith.mulf %get3A_1204, %get3A_1208 : vector<16xf32>
        %add3A_1210 = arith.addf %add3A_1200, %mul3A_1209 : vector<16xf32>
        %jit3A_1211 = arith.constant 8 : i32
        %div3A_1212 = arith.divsi %add3A_1171, %jit3A_1211 : i32
        %sign3A_1213 = arith.constant 0 : i32
        %sign3A_1214 = arith.cmpi sgt, %add3A_1171, %sign3A_1213 : i32
        %sign3A_1215 = arith.extui %sign3A_1214 : i1 to i32
        %sign3A_1216 = arith.constant 0 : i32
        %sign3A_1217 = arith.cmpi slt, %add3A_1171, %sign3A_1216 : i32
        %sign3A_1218 = arith.extui %sign3A_1217 : i1 to i32
        %sign3A_1219 = arith.subi %sign3A_1215, %sign3A_1218 : i32
        %sign3A_1220 = arith.constant 0 : i32
        %sign3A_1221 = arith.cmpi sgt, %jit3A_1211, %sign3A_1220 : i32
        %sign3A_1222 = arith.extui %sign3A_1221 : i1 to i32
        %sign3A_1223 = arith.constant 0 : i32
        %sign3A_1224 = arith.cmpi slt, %jit3A_1211, %sign3A_1223 : i32
        %sign3A_1225 = arith.extui %sign3A_1224 : i1 to i32
        %sign3A_1226 = arith.subi %sign3A_1222, %sign3A_1225 : i32
        %ne3A_1227 = arith.cmpi ne, %sign3A_1219, %sign3A_1226 : i32
        %rem3A_1228 = arith.remsi %add3A_1171, %jit3A_1211 : i32
        %ne3A_1229 = arith.constant 0 : i32
        %ne3A_1230 = arith.cmpi ne, %rem3A_1228, %ne3A_1229 : i32
        %and3A_1231 = arith.andi %ne3A_1227, %ne3A_1230 : i1
        %sub3A_1232 = arith.constant 1 : i32
        %sub3A_1233 = arith.subi %div3A_1212, %sub3A_1232 : i32
        %select_n3A_1234 = arith.select %and3A_1231, %sub3A_1233, %div3A_1212 : i32
        %jit3A_1235 = arith.constant 8 : i32
        %eq3A_1236 = arith.constant 0 : i32
        %eq3A_1237 = arith.cmpi eq, %jit3A_1235, %eq3A_1236 : i32
        %jit3A_1238 = arith.constant 1 : i32
        %select_n3A_1239 = arith.select %eq3A_1237, %jit3A_1238, %jit3A_1235 : i32
        %rem3A_1240 = arith.remsi %add3A_1171, %select_n3A_1239 : i32
        %ne3A_1241 = arith.constant 0 : i32
        %ne3A_1242 = arith.cmpi ne, %rem3A_1240, %ne3A_1241 : i32
        %lt3A_1243 = arith.constant 0 : i32
        %lt3A_1244 = arith.cmpi slt, %rem3A_1240, %lt3A_1243 : i32
        %lt3A_1245 = arith.constant 0 : i32
        %lt3A_1246 = arith.cmpi slt, %select_n3A_1239, %lt3A_1245 : i32
        %ne3A_1247 = arith.xori %lt3A_1244, %lt3A_1246 : i1
        %and3A_1248 = arith.andi %ne3A_1247, %ne3A_1242 : i1
        %add3A_1249 = arith.addi %rem3A_1240, %select_n3A_1239 : i32
        %select_n3A_1250 = arith.select %and3A_1248, %add3A_1249, %rem3A_1240 : i32
        %mul3A_1251 = arith.constant 16 : i32
        %mul3A_1252 = arith.muli %select_n3A_1250, %mul3A_1251 : i32
        %swap3A_1253 = arith.index_cast %add3A_44 : i32 to index
        %swap3A_1254 = arith.index_cast %select_n3A_1234 : i32 to index
        %swap3A_1255 = arith.index_cast %mul3A_1252 : i32 to index
        %swap3A_1256 = tpu.vector_load %arg16[%swap3A_1253, %swap3A_1254, %swap3A_1255] {strides = array<i32>} : memref<20x16x128xf32, #tpu.memory_space<vmem>>, vector<1x1x16xf32>,
        %swap3A_1257 = vector.shape_cast %swap3A_1256 : vector<1x1x16xf32> to vector<16xf32>
        %swap3A_1258 = vector.shape_cast %add3A_1210 : vector<16xf32> to vector<1x1x16xf32>
        tpu.vector_store %arg16[%swap3A_1253, %swap3A_1254, %swap3A_1255], %swap3A_1258 {strides = array<i32>} : memref<20x16x128xf32, #tpu.memory_space<vmem>>, vector<1x1x16xf32>,
        %mul3A_1259 = arith.constant 16 : i32
        %mul3A_1260 = arith.muli %scan3A_86, %mul3A_1259 : i32
        %add3A_1261 = arith.constant 13 : i32
        %add3A_1262 = arith.addi %mul3A_1260, %add3A_1261 : i32
        %get3A_1263 = arith.index_cast %add3A_1262 : i32 to index
        %get3A_1264 = arith.constant 64 : index
        %get3A_1265 = tpu.vector_load %arg13[%get3A_1263, %get3A_1264] {strides = array<i32>} : memref<128x128xf32, #tpu.memory_space<vmem>>, vector<1x16xf32>,
        %get3A_1266 = vector.shape_cast %get3A_1265 : vector<1x16xf32> to vector<16xf32>
        %get3A_1267 = arith.index_cast %add3A_1262 : i32 to index
        %get3A_1268 = arith.constant 0 : index
        %get3A_1269 = tpu.vector_load %arg11[%get3A_1267, %get3A_1268] {strides = array<i32>} : memref<128x128xf32, #tpu.memory_space<vmem>>, vector<1x16xf32>,
        %get3A_1270 = vector.shape_cast %get3A_1269 : vector<1x16xf32> to vector<16xf32>
        %mul3A_1271 = arith.mulf %get3A_1266, %get3A_1270 : vector<16xf32>
        %get3A_1272 = arith.index_cast %add3A_1262 : i32 to index
        %get3A_1273 = arith.constant 80 : index
        %get3A_1274 = tpu.vector_load %arg13[%get3A_1272, %get3A_1273] {strides = array<i32>} : memref<128x128xf32, #tpu.memory_space<vmem>>, vector<1x16xf32>,
        %get3A_1275 = vector.shape_cast %get3A_1274 : vector<1x16xf32> to vector<16xf32>
        %get3A_1276 = arith.index_cast %add3A_1262 : i32 to index
        %get3A_1277 = arith.constant 16 : index
        %get3A_1278 = tpu.vector_load %arg11[%get3A_1276, %get3A_1277] {strides = array<i32>} : memref<128x128xf32, #tpu.memory_space<vmem>>, vector<1x16xf32>,
        %get3A_1279 = vector.shape_cast %get3A_1278 : vector<1x16xf32> to vector<16xf32>
        %mul3A_1280 = arith.mulf %get3A_1275, %get3A_1279 : vector<16xf32>
        %add3A_1281 = arith.addf %mul3A_1271, %mul3A_1280 : vector<16xf32>
        %get3A_1282 = arith.index_cast %add3A_1262 : i32 to index
        %get3A_1283 = arith.constant 96 : index
        %get3A_1284 = tpu.vector_load %arg13[%get3A_1282, %get3A_1283] {strides = array<i32>} : memref<128x128xf32, #tpu.memory_space<vmem>>, vector<1x16xf32>,
        %get3A_1285 = vector.shape_cast %get3A_1284 : vector<1x16xf32> to vector<16xf32>
        %get3A_1286 = arith.index_cast %add3A_1262 : i32 to index
        %get3A_1287 = arith.constant 32 : index
        %get3A_1288 = tpu.vector_load %arg11[%get3A_1286, %get3A_1287] {strides = array<i32>} : memref<128x128xf32, #tpu.memory_space<vmem>>, vector<1x16xf32>,
        %get3A_1289 = vector.shape_cast %get3A_1288 : vector<1x16xf32> to vector<16xf32>
        %mul3A_1290 = arith.mulf %get3A_1285, %get3A_1289 : vector<16xf32>
        %add3A_1291 = arith.addf %add3A_1281, %mul3A_1290 : vector<16xf32>
        %get3A_1292 = arith.index_cast %add3A_1262 : i32 to index
        %get3A_1293 = arith.constant 112 : index
        %get3A_1294 = tpu.vector_load %arg13[%get3A_1292, %get3A_1293] {strides = array<i32>} : memref<128x128xf32, #tpu.memory_space<vmem>>, vector<1x16xf32>,
        %get3A_1295 = vector.shape_cast %get3A_1294 : vector<1x16xf32> to vector<16xf32>
        %get3A_1296 = arith.index_cast %add3A_1262 : i32 to index
        %get3A_1297 = arith.constant 48 : index
        %get3A_1298 = tpu.vector_load %arg11[%get3A_1296, %get3A_1297] {strides = array<i32>} : memref<128x128xf32, #tpu.memory_space<vmem>>, vector<1x16xf32>,
        %get3A_1299 = vector.shape_cast %get3A_1298 : vector<1x16xf32> to vector<16xf32>
        %mul3A_1300 = arith.mulf %get3A_1295, %get3A_1299 : vector<16xf32>
        %add3A_1301 = arith.addf %add3A_1291, %mul3A_1300 : vector<16xf32>
        %jit3A_1302 = arith.constant 8 : i32
        %div3A_1303 = arith.divsi %add3A_1262, %jit3A_1302 : i32
        %sign3A_1304 = arith.constant 0 : i32
        %sign3A_1305 = arith.cmpi sgt, %add3A_1262, %sign3A_1304 : i32
        %sign3A_1306 = arith.extui %sign3A_1305 : i1 to i32
        %sign3A_1307 = arith.constant 0 : i32
        %sign3A_1308 = arith.cmpi slt, %add3A_1262, %sign3A_1307 : i32
        %sign3A_1309 = arith.extui %sign3A_1308 : i1 to i32
        %sign3A_1310 = arith.subi %sign3A_1306, %sign3A_1309 : i32
        %sign3A_1311 = arith.constant 0 : i32
        %sign3A_1312 = arith.cmpi sgt, %jit3A_1302, %sign3A_1311 : i32
        %sign3A_1313 = arith.extui %sign3A_1312 : i1 to i32
        %sign3A_1314 = arith.constant 0 : i32
        %sign3A_1315 = arith.cmpi slt, %jit3A_1302, %sign3A_1314 : i32
        %sign3A_1316 = arith.extui %sign3A_1315 : i1 to i32
        %sign3A_1317 = arith.subi %sign3A_1313, %sign3A_1316 : i32
        %ne3A_1318 = arith.cmpi ne, %sign3A_1310, %sign3A_1317 : i32
        %rem3A_1319 = arith.remsi %add3A_1262, %jit3A_1302 : i32
        %ne3A_1320 = arith.constant 0 : i32
        %ne3A_1321 = arith.cmpi ne, %rem3A_1319, %ne3A_1320 : i32
        %and3A_1322 = arith.andi %ne3A_1318, %ne3A_1321 : i1
        %sub3A_1323 = arith.constant 1 : i32
        %sub3A_1324 = arith.subi %div3A_1303, %sub3A_1323 : i32
        %select_n3A_1325 = arith.select %and3A_1322, %sub3A_1324, %div3A_1303 : i32
        %jit3A_1326 = arith.constant 8 : i32
        %eq3A_1327 = arith.constant 0 : i32
        %eq3A_1328 = arith.cmpi eq, %jit3A_1326, %eq3A_1327 : i32
        %jit3A_1329 = arith.constant 1 : i32
        %select_n3A_1330 = arith.select %eq3A_1328, %jit3A_1329, %jit3A_1326 : i32
        %rem3A_1331 = arith.remsi %add3A_1262, %select_n3A_1330 : i32
        %ne3A_1332 = arith.constant 0 : i32
        %ne3A_1333 = arith.cmpi ne, %rem3A_1331, %ne3A_1332 : i32
        %lt3A_1334 = arith.constant 0 : i32
        %lt3A_1335 = arith.cmpi slt, %rem3A_1331, %lt3A_1334 : i32
        %lt3A_1336 = arith.constant 0 : i32
        %lt3A_1337 = arith.cmpi slt, %select_n3A_1330, %lt3A_1336 : i32
        %ne3A_1338 = arith.xori %lt3A_1335, %lt3A_1337 : i1
        %and3A_1339 = arith.andi %ne3A_1338, %ne3A_1333 : i1
        %add3A_1340 = arith.addi %rem3A_1331, %select_n3A_1330 : i32
        %select_n3A_1341 = arith.select %and3A_1339, %add3A_1340, %rem3A_1331 : i32
        %mul3A_1342 = arith.constant 16 : i32
        %mul3A_1343 = arith.muli %select_n3A_1341, %mul3A_1342 : i32
        %swap3A_1344 = arith.index_cast %add3A_44 : i32 to index
        %swap3A_1345 = arith.index_cast %select_n3A_1325 : i32 to index
        %swap3A_1346 = arith.index_cast %mul3A_1343 : i32 to index
        %swap3A_1347 = tpu.vector_load %arg16[%swap3A_1344, %swap3A_1345, %swap3A_1346] {strides = array<i32>} : memref<20x16x128xf32, #tpu.memory_space<vmem>>, vector<1x1x16xf32>,
        %swap3A_1348 = vector.shape_cast %swap3A_1347 : vector<1x1x16xf32> to vector<16xf32>
        %swap3A_1349 = vector.shape_cast %add3A_1301 : vector<16xf32> to vector<1x1x16xf32>
        tpu.vector_store %arg16[%swap3A_1344, %swap3A_1345, %swap3A_1346], %swap3A_1349 {strides = array<i32>} : memref<20x16x128xf32, #tpu.memory_space<vmem>>, vector<1x1x16xf32>,
        %mul3A_1350 = arith.constant 16 : i32
        %mul3A_1351 = arith.muli %scan3A_86, %mul3A_1350 : i32
        %add3A_1352 = arith.constant 14 : i32
        %add3A_1353 = arith.addi %mul3A_1351, %add3A_1352 : i32
        %get3A_1354 = arith.index_cast %add3A_1353 : i32 to index
        %get3A_1355 = arith.constant 64 : index
        %get3A_1356 = tpu.vector_load %arg13[%get3A_1354, %get3A_1355] {strides = array<i32>} : memref<128x128xf32, #tpu.memory_space<vmem>>, vector<1x16xf32>,
        %get3A_1357 = vector.shape_cast %get3A_1356 : vector<1x16xf32> to vector<16xf32>
        %get3A_1358 = arith.index_cast %add3A_1353 : i32 to index
        %get3A_1359 = arith.constant 0 : index
        %get3A_1360 = tpu.vector_load %arg11[%get3A_1358, %get3A_1359] {strides = array<i32>} : memref<128x128xf32, #tpu.memory_space<vmem>>, vector<1x16xf32>,
        %get3A_1361 = vector.shape_cast %get3A_1360 : vector<1x16xf32> to vector<16xf32>
        %mul3A_1362 = arith.mulf %get3A_1357, %get3A_1361 : vector<16xf32>
        %get3A_1363 = arith.index_cast %add3A_1353 : i32 to index
        %get3A_1364 = arith.constant 80 : index
        %get3A_1365 = tpu.vector_load %arg13[%get3A_1363, %get3A_1364] {strides = array<i32>} : memref<128x128xf32, #tpu.memory_space<vmem>>, vector<1x16xf32>,
        %get3A_1366 = vector.shape_cast %get3A_1365 : vector<1x16xf32> to vector<16xf32>
        %get3A_1367 = arith.index_cast %add3A_1353 : i32 to index
        %get3A_1368 = arith.constant 16 : index
        %get3A_1369 = tpu.vector_load %arg11[%get3A_1367, %get3A_1368] {strides = array<i32>} : memref<128x128xf32, #tpu.memory_space<vmem>>, vector<1x16xf32>,
        %get3A_1370 = vector.shape_cast %get3A_1369 : vector<1x16xf32> to vector<16xf32>
        %mul3A_1371 = arith.mulf %get3A_1366, %get3A_1370 : vector<16xf32>
        %add3A_1372 = arith.addf %mul3A_1362, %mul3A_1371 : vector<16xf32>
        %get3A_1373 = arith.index_cast %add3A_1353 : i32 to index
        %get3A_1374 = arith.constant 96 : index
        %get3A_1375 = tpu.vector_load %arg13[%get3A_1373, %get3A_1374] {strides = array<i32>} : memref<128x128xf32, #tpu.memory_space<vmem>>, vector<1x16xf32>,
        %get3A_1376 = vector.shape_cast %get3A_1375 : vector<1x16xf32> to vector<16xf32>
        %get3A_1377 = arith.index_cast %add3A_1353 : i32 to index
        %get3A_1378 = arith.constant 32 : index
        %get3A_1379 = tpu.vector_load %arg11[%get3A_1377, %get3A_1378] {strides = array<i32>} : memref<128x128xf32, #tpu.memory_space<vmem>>, vector<1x16xf32>,
        %get3A_1380 = vector.shape_cast %get3A_1379 : vector<1x16xf32> to vector<16xf32>
        %mul3A_1381 = arith.mulf %get3A_1376, %get3A_1380 : vector<16xf32>
        %add3A_1382 = arith.addf %add3A_1372, %mul3A_1381 : vector<16xf32>
        %get3A_1383 = arith.index_cast %add3A_1353 : i32 to index
        %get3A_1384 = arith.constant 112 : index
        %get3A_1385 = tpu.vector_load %arg13[%get3A_1383, %get3A_1384] {strides = array<i32>} : memref<128x128xf32, #tpu.memory_space<vmem>>, vector<1x16xf32>,
        %get3A_1386 = vector.shape_cast %get3A_1385 : vector<1x16xf32> to vector<16xf32>
        %get3A_1387 = arith.index_cast %add3A_1353 : i32 to index
        %get3A_1388 = arith.constant 48 : index
        %get3A_1389 = tpu.vector_load %arg11[%get3A_1387, %get3A_1388] {strides = array<i32>} : memref<128x128xf32, #tpu.memory_space<vmem>>, vector<1x16xf32>,
        %get3A_1390 = vector.shape_cast %get3A_1389 : vector<1x16xf32> to vector<16xf32>
        %mul3A_1391 = arith.mulf %get3A_1386, %get3A_1390 : vector<16xf32>
        %add3A_1392 = arith.addf %add3A_1382, %mul3A_1391 : vector<16xf32>
        %jit3A_1393 = arith.constant 8 : i32
        %div3A_1394 = arith.divsi %add3A_1353, %jit3A_1393 : i32
        %sign3A_1395 = arith.constant 0 : i32
        %sign3A_1396 = arith.cmpi sgt, %add3A_1353, %sign3A_1395 : i32
        %sign3A_1397 = arith.extui %sign3A_1396 : i1 to i32
        %sign3A_1398 = arith.constant 0 : i32
        %sign3A_1399 = arith.cmpi slt, %add3A_1353, %sign3A_1398 : i32
        %sign3A_1400 = arith.extui %sign3A_1399 : i1 to i32
        %sign3A_1401 = arith.subi %sign3A_1397, %sign3A_1400 : i32
        %sign3A_1402 = arith.constant 0 : i32
        %sign3A_1403 = arith.cmpi sgt, %jit3A_1393, %sign3A_1402 : i32
        %sign3A_1404 = arith.extui %sign3A_1403 : i1 to i32
        %sign3A_1405 = arith.constant 0 : i32
        %sign3A_1406 = arith.cmpi slt, %jit3A_1393, %sign3A_1405 : i32
        %sign3A_1407 = arith.extui %sign3A_1406 : i1 to i32
        %sign3A_1408 = arith.subi %sign3A_1404, %sign3A_1407 : i32
        %ne3A_1409 = arith.cmpi ne, %sign3A_1401, %sign3A_1408 : i32
        %rem3A_1410 = arith.remsi %add3A_1353, %jit3A_1393 : i32
        %ne3A_1411 = arith.constant 0 : i32
        %ne3A_1412 = arith.cmpi ne, %rem3A_1410, %ne3A_1411 : i32
        %and3A_1413 = arith.andi %ne3A_1409, %ne3A_1412 : i1
        %sub3A_1414 = arith.constant 1 : i32
        %sub3A_1415 = arith.subi %div3A_1394, %sub3A_1414 : i32
        %select_n3A_1416 = arith.select %and3A_1413, %sub3A_1415, %div3A_1394 : i32
        %jit3A_1417 = arith.constant 8 : i32
        %eq3A_1418 = arith.constant 0 : i32
        %eq3A_1419 = arith.cmpi eq, %jit3A_1417, %eq3A_1418 : i32
        %jit3A_1420 = arith.constant 1 : i32
        %select_n3A_1421 = arith.select %eq3A_1419, %jit3A_1420, %jit3A_1417 : i32
        %rem3A_1422 = arith.remsi %add3A_1353, %select_n3A_1421 : i32
        %ne3A_1423 = arith.constant 0 : i32
        %ne3A_1424 = arith.cmpi ne, %rem3A_1422, %ne3A_1423 : i32
        %lt3A_1425 = arith.constant 0 : i32
        %lt3A_1426 = arith.cmpi slt, %rem3A_1422, %lt3A_1425 : i32
        %lt3A_1427 = arith.constant 0 : i32
        %lt3A_1428 = arith.cmpi slt, %select_n3A_1421, %lt3A_1427 : i32
        %ne3A_1429 = arith.xori %lt3A_1426, %lt3A_1428 : i1
        %and3A_1430 = arith.andi %ne3A_1429, %ne3A_1424 : i1
        %add3A_1431 = arith.addi %rem3A_1422, %select_n3A_1421 : i32
        %select_n3A_1432 = arith.select %and3A_1430, %add3A_1431, %rem3A_1422 : i32
        %mul3A_1433 = arith.constant 16 : i32
        %mul3A_1434 = arith.muli %select_n3A_1432, %mul3A_1433 : i32
        %swap3A_1435 = arith.index_cast %add3A_44 : i32 to index
        %swap3A_1436 = arith.index_cast %select_n3A_1416 : i32 to index
        %swap3A_1437 = arith.index_cast %mul3A_1434 : i32 to index
        %swap3A_1438 = tpu.vector_load %arg16[%swap3A_1435, %swap3A_1436, %swap3A_1437] {strides = array<i32>} : memref<20x16x128xf32, #tpu.memory_space<vmem>>, vector<1x1x16xf32>,
        %swap3A_1439 = vector.shape_cast %swap3A_1438 : vector<1x1x16xf32> to vector<16xf32>
        %swap3A_1440 = vector.shape_cast %add3A_1392 : vector<16xf32> to vector<1x1x16xf32>
        tpu.vector_store %arg16[%swap3A_1435, %swap3A_1436, %swap3A_1437], %swap3A_1440 {strides = array<i32>} : memref<20x16x128xf32, #tpu.memory_space<vmem>>, vector<1x1x16xf32>,
        %mul3A_1441 = arith.constant 16 : i32
        %mul3A_1442 = arith.muli %scan3A_86, %mul3A_1441 : i32
        %add3A_1443 = arith.constant 15 : i32
        %add3A_1444 = arith.addi %mul3A_1442, %add3A_1443 : i32
        %get3A_1445 = arith.index_cast %add3A_1444 : i32 to index
        %get3A_1446 = arith.constant 64 : index
        %get3A_1447 = tpu.vector_load %arg13[%get3A_1445, %get3A_1446] {strides = array<i32>} : memref<128x128xf32, #tpu.memory_space<vmem>>, vector<1x16xf32>,
        %get3A_1448 = vector.shape_cast %get3A_1447 : vector<1x16xf32> to vector<16xf32>
        %get3A_1449 = arith.index_cast %add3A_1444 : i32 to index
        %get3A_1450 = arith.constant 0 : index
        %get3A_1451 = tpu.vector_load %arg11[%get3A_1449, %get3A_1450] {strides = array<i32>} : memref<128x128xf32, #tpu.memory_space<vmem>>, vector<1x16xf32>,
        %get3A_1452 = vector.shape_cast %get3A_1451 : vector<1x16xf32> to vector<16xf32>
        %mul3A_1453 = arith.mulf %get3A_1448, %get3A_1452 : vector<16xf32>
        %get3A_1454 = arith.index_cast %add3A_1444 : i32 to index
        %get3A_1455 = arith.constant 80 : index
        %get3A_1456 = tpu.vector_load %arg13[%get3A_1454, %get3A_1455] {strides = array<i32>} : memref<128x128xf32, #tpu.memory_space<vmem>>, vector<1x16xf32>,
        %get3A_1457 = vector.shape_cast %get3A_1456 : vector<1x16xf32> to vector<16xf32>
        %get3A_1458 = arith.index_cast %add3A_1444 : i32 to index
        %get3A_1459 = arith.constant 16 : index
        %get3A_1460 = tpu.vector_load %arg11[%get3A_1458, %get3A_1459] {strides = array<i32>} : memref<128x128xf32, #tpu.memory_space<vmem>>, vector<1x16xf32>,
        %get3A_1461 = vector.shape_cast %get3A_1460 : vector<1x16xf32> to vector<16xf32>
        %mul3A_1462 = arith.mulf %get3A_1457, %get3A_1461 : vector<16xf32>
        %add3A_1463 = arith.addf %mul3A_1453, %mul3A_1462 : vector<16xf32>
        %get3A_1464 = arith.index_cast %add3A_1444 : i32 to index
        %get3A_1465 = arith.constant 96 : index
        %get3A_1466 = tpu.vector_load %arg13[%get3A_1464, %get3A_1465] {strides = array<i32>} : memref<128x128xf32, #tpu.memory_space<vmem>>, vector<1x16xf32>,
        %get3A_1467 = vector.shape_cast %get3A_1466 : vector<1x16xf32> to vector<16xf32>
        %get3A_1468 = arith.index_cast %add3A_1444 : i32 to index
        %get3A_1469 = arith.constant 32 : index
        %get3A_1470 = tpu.vector_load %arg11[%get3A_1468, %get3A_1469] {strides = array<i32>} : memref<128x128xf32, #tpu.memory_space<vmem>>, vector<1x16xf32>,
        %get3A_1471 = vector.shape_cast %get3A_1470 : vector<1x16xf32> to vector<16xf32>
        %mul3A_1472 = arith.mulf %get3A_1467, %get3A_1471 : vector<16xf32>
        %add3A_1473 = arith.addf %add3A_1463, %mul3A_1472 : vector<16xf32>
        %get3A_1474 = arith.index_cast %add3A_1444 : i32 to index
        %get3A_1475 = arith.constant 112 : index
        %get3A_1476 = tpu.vector_load %arg13[%get3A_1474, %get3A_1475] {strides = array<i32>} : memref<128x128xf32, #tpu.memory_space<vmem>>, vector<1x16xf32>,
        %get3A_1477 = vector.shape_cast %get3A_1476 : vector<1x16xf32> to vector<16xf32>
        %get3A_1478 = arith.index_cast %add3A_1444 : i32 to index
        %get3A_1479 = arith.constant 48 : index
        %get3A_1480 = tpu.vector_load %arg11[%get3A_1478, %get3A_1479] {strides = array<i32>} : memref<128x128xf32, #tpu.memory_space<vmem>>, vector<1x16xf32>,
        %get3A_1481 = vector.shape_cast %get3A_1480 : vector<1x16xf32> to vector<16xf32>
        %mul3A_1482 = arith.mulf %get3A_1477, %get3A_1481 : vector<16xf32>
        %add3A_1483 = arith.addf %add3A_1473, %mul3A_1482 : vector<16xf32>
        %jit3A_1484 = arith.constant 8 : i32
        %div3A_1485 = arith.divsi %add3A_1444, %jit3A_1484 : i32
        %sign3A_1486 = arith.constant 0 : i32
        %sign3A_1487 = arith.cmpi sgt, %add3A_1444, %sign3A_1486 : i32
        %sign3A_1488 = arith.extui %sign3A_1487 : i1 to i32
        %sign3A_1489 = arith.constant 0 : i32
        %sign3A_1490 = arith.cmpi slt, %add3A_1444, %sign3A_1489 : i32
        %sign3A_1491 = arith.extui %sign3A_1490 : i1 to i32
        %sign3A_1492 = arith.subi %sign3A_1488, %sign3A_1491 : i32
        %sign3A_1493 = arith.constant 0 : i32
        %sign3A_1494 = arith.cmpi sgt, %jit3A_1484, %sign3A_1493 : i32
        %sign3A_1495 = arith.extui %sign3A_1494 : i1 to i32
        %sign3A_1496 = arith.constant 0 : i32
        %sign3A_1497 = arith.cmpi slt, %jit3A_1484, %sign3A_1496 : i32
        %sign3A_1498 = arith.extui %sign3A_1497 : i1 to i32
        %sign3A_1499 = arith.subi %sign3A_1495, %sign3A_1498 : i32
        %ne3A_1500 = arith.cmpi ne, %sign3A_1492, %sign3A_1499 : i32
        %rem3A_1501 = arith.remsi %add3A_1444, %jit3A_1484 : i32
        %ne3A_1502 = arith.constant 0 : i32
        %ne3A_1503 = arith.cmpi ne, %rem3A_1501, %ne3A_1502 : i32
        %and3A_1504 = arith.andi %ne3A_1500, %ne3A_1503 : i1
        %sub3A_1505 = arith.constant 1 : i32
        %sub3A_1506 = arith.subi %div3A_1485, %sub3A_1505 : i32
        %select_n3A_1507 = arith.select %and3A_1504, %sub3A_1506, %div3A_1485 : i32
        %jit3A_1508 = arith.constant 8 : i32
        %eq3A_1509 = arith.constant 0 : i32
        %eq3A_1510 = arith.cmpi eq, %jit3A_1508, %eq3A_1509 : i32
        %jit3A_1511 = arith.constant 1 : i32
        %select_n3A_1512 = arith.select %eq3A_1510, %jit3A_1511, %jit3A_1508 : i32
        %rem3A_1513 = arith.remsi %add3A_1444, %select_n3A_1512 : i32
        %ne3A_1514 = arith.constant 0 : i32
        %ne3A_1515 = arith.cmpi ne, %rem3A_1513, %ne3A_1514 : i32
        %lt3A_1516 = arith.constant 0 : i32
        %lt3A_1517 = arith.cmpi slt, %rem3A_1513, %lt3A_1516 : i32
        %lt3A_1518 = arith.constant 0 : i32
        %lt3A_1519 = arith.cmpi slt, %select_n3A_1512, %lt3A_1518 : i32
        %ne3A_1520 = arith.xori %lt3A_1517, %lt3A_1519 : i1
        %and3A_1521 = arith.andi %ne3A_1520, %ne3A_1515 : i1
        %add3A_1522 = arith.addi %rem3A_1513, %select_n3A_1512 : i32
        %select_n3A_1523 = arith.select %and3A_1521, %add3A_1522, %rem3A_1513 : i32
        %mul3A_1524 = arith.constant 16 : i32
        %mul3A_1525 = arith.muli %select_n3A_1523, %mul3A_1524 : i32
        %swap3A_1526 = arith.index_cast %add3A_44 : i32 to index
        %swap3A_1527 = arith.index_cast %select_n3A_1507 : i32 to index
        %swap3A_1528 = arith.index_cast %mul3A_1525 : i32 to index
        %swap3A_1529 = tpu.vector_load %arg16[%swap3A_1526, %swap3A_1527, %swap3A_1528] {strides = array<i32>} : memref<20x16x128xf32, #tpu.memory_space<vmem>>, vector<1x1x16xf32>,
        %swap3A_1530 = vector.shape_cast %swap3A_1529 : vector<1x1x16xf32> to vector<16xf32>
        %swap3A_1531 = vector.shape_cast %add3A_1483 : vector<16xf32> to vector<1x1x16xf32>
        tpu.vector_store %arg16[%swap3A_1526, %swap3A_1527, %swap3A_1528], %swap3A_1531 {strides = array<i32>} : memref<20x16x128xf32, #tpu.memory_space<vmem>>, vector<1x1x16xf32>,
      }
      %scan3A_57 = arith.constant 8 : i32
      %add3A_58 = arith.constant 2 : i32
      %add3A_59 = arith.addi %add3A_44, %add3A_58 : i32
      %lt3A = arith.constant 20 : i32
      %lt3A_60 = arith.cmpi slt, %add3A_59, %lt3A : i32
      %convert_element_type3A = arith.extui %lt3A_60 : i1 to i32
      %cond3A = arith.constant 0 : i32
      %cond3A_61 = arith.cmpi ne, %convert_element_type3A, %cond3A : i32
      scf.if %cond3A_61 {
        %add3A_86 = arith.constant 2 : i32
        %add3A_87 = arith.addi %add3A_44, %add3A_86 : i32
        %dma_start3A_88 = arith.constant 0 : i32
        %dma_start3A_89 = tpu.memref_slice %arg10[%add3A_87, %dma_start3A_88] : memref<20x128xi32, #tpu.memory_space<vmem>> -> memref<1x128xi32, #tpu.memory_space<vmem>>
        %dma_start3A_90 = tpu.memref_squeeze %dma_start3A_89 : memref<1x128xi32, #tpu.memory_space<vmem>> -> memref<128xi32, #tpu.memory_space<vmem>>
        %dma_start3A_91 = arith.constant 0 : i32
        %dma_start3A_92 = arith.constant 0 : i32
        %dma_start3A_93 = tpu.memref_slice %arg5[%dma_start3A_91, %dma_start3A_92] : memref<100000x128xf32, #tpu.memory_space<hbm>> -> memref<100000x128xf32, #tpu.memory_space<hbm>>
        tpu.enqueue_indirect_dma source(%dma_start3A_93 : memref<100000x128xf32, #tpu.memory_space<hbm>>) target(%arg13 : memref<128x128xf32, #tpu.memory_space<vmem>>) offsets(%dma_start3A_90 : memref<128xi32, #tpu.memory_space<vmem>>) semaphore(%arg19 : memref<!tpu.dma_semaphore, #tpu.memory_space<semaphore_mem>>)
      } else {
      }
      %mul3A_62 = arith.constant 2 : i32
      %mul3A_63 = arith.muli %mul3A_62, %scan3A_40 : i32
      %add3A_64 = arith.constant 1 : i32
      %add3A_65 = arith.addi %mul3A_63, %add3A_64 : i32
      %dma_wait3A_66 = arith.constant 0 : i32
      %dma_wait3A_67 = arith.constant 0 : i32
      %dma_wait3A_68 = tpu.memref_slice %arg10[%dma_wait3A_66, %dma_wait3A_67] : memref<20x128xi32, #tpu.memory_space<vmem>> -> memref<1x128xi32, #tpu.memory_space<vmem>>
      %dma_wait3A_69 = tpu.memref_squeeze %dma_wait3A_68 : memref<1x128xi32, #tpu.memory_space<vmem>> -> memref<128xi32, #tpu.memory_space<vmem>>
      %dma_wait3A_70 = arith.constant 0 : i32
      %dma_wait3A_71 = arith.constant 0 : i32
      %dma_wait3A_72 = tpu.memref_slice %arg5[%dma_wait3A_70, %dma_wait3A_71] : memref<100000x128xf32, #tpu.memory_space<hbm>> -> memref<100000x128xf32, #tpu.memory_space<hbm>>
      tpu.wait_indirect_dma semaphore(%arg20 : memref<!tpu.dma_semaphore, #tpu.memory_space<semaphore_mem>>) src(%dma_wait3A_72 : memref<100000x128xf32, #tpu.memory_space<hbm>>) dst(%arg14 : memref<128x128xf32, #tpu.memory_space<vmem>>)
      %scan3A_73 = arith.constant 0 : i32
      %scan3A_74 = arith.constant 0 : i32
      %scan3A_75 = arith.constant 8 : i32
      %scan3A_76 = arith.addi %scan3A_74, %scan3A_75 : i32
      %scan3A_77 = arith.constant 1 : i32
      scf.for %scan3A_86 = %scan3A_74 to %scan3A_76 step %scan3A_77  : i32 {
        %mul3A_87 = arith.constant 16 : i32
        %mul3A_88 = arith.muli %scan3A_86, %mul3A_87 : i32
        %add3A_89 = arith.constant 0 : i32
        %add3A_90 = arith.addi %mul3A_88, %add3A_89 : i32
        %get3A = arith.index_cast %add3A_90 : i32 to index
        %get3A_91 = arith.constant 64 : index
        %get3A_92 = tpu.vector_load %arg14[%get3A, %get3A_91] {strides = array<i32>} : memref<128x128xf32, #tpu.memory_space<vmem>>, vector<1x16xf32>,
        %get3A_93 = vector.shape_cast %get3A_92 : vector<1x16xf32> to vector<16xf32>
        %get3A_94 = arith.index_cast %add3A_90 : i32 to index
        %get3A_95 = arith.constant 0 : index
        %get3A_96 = tpu.vector_load %arg11[%get3A_94, %get3A_95] {strides = array<i32>} : memref<128x128xf32, #tpu.memory_space<vmem>>, vector<1x16xf32>,
        %get3A_97 = vector.shape_cast %get3A_96 : vector<1x16xf32> to vector<16xf32>
        %mul3A_98 = arith.mulf %get3A_93, %get3A_97 : vector<16xf32>
        %get3A_99 = arith.index_cast %add3A_90 : i32 to index
        %get3A_100 = arith.constant 80 : index
        %get3A_101 = tpu.vector_load %arg14[%get3A_99, %get3A_100] {strides = array<i32>} : memref<128x128xf32, #tpu.memory_space<vmem>>, vector<1x16xf32>,
        %get3A_102 = vector.shape_cast %get3A_101 : vector<1x16xf32> to vector<16xf32>
        %get3A_103 = arith.index_cast %add3A_90 : i32 to index
        %get3A_104 = arith.constant 16 : index
        %get3A_105 = tpu.vector_load %arg11[%get3A_103, %get3A_104] {strides = array<i32>} : memref<128x128xf32, #tpu.memory_space<vmem>>, vector<1x16xf32>,
        %get3A_106 = vector.shape_cast %get3A_105 : vector<1x16xf32> to vector<16xf32>
        %mul3A_107 = arith.mulf %get3A_102, %get3A_106 : vector<16xf32>
        %add3A_108 = arith.addf %mul3A_98, %mul3A_107 : vector<16xf32>
        %get3A_109 = arith.index_cast %add3A_90 : i32 to index
        %get3A_110 = arith.constant 96 : index
        %get3A_111 = tpu.vector_load %arg14[%get3A_109, %get3A_110] {strides = array<i32>} : memref<128x128xf32, #tpu.memory_space<vmem>>, vector<1x16xf32>,
        %get3A_112 = vector.shape_cast %get3A_111 : vector<1x16xf32> to vector<16xf32>
        %get3A_113 = arith.index_cast %add3A_90 : i32 to index
        %get3A_114 = arith.constant 32 : index
        %get3A_115 = tpu.vector_load %arg11[%get3A_113, %get3A_114] {strides = array<i32>} : memref<128x128xf32, #tpu.memory_space<vmem>>, vector<1x16xf32>,
        %get3A_116 = vector.shape_cast %get3A_115 : vector<1x16xf32> to vector<16xf32>
        %mul3A_117 = arith.mulf %get3A_112, %get3A_116 : vector<16xf32>
        %add3A_118 = arith.addf %add3A_108, %mul3A_117 : vector<16xf32>
        %get3A_119 = arith.index_cast %add3A_90 : i32 to index
        %get3A_120 = arith.constant 112 : index
        %get3A_121 = tpu.vector_load %arg14[%get3A_119, %get3A_120] {strides = array<i32>} : memref<128x128xf32, #tpu.memory_space<vmem>>, vector<1x16xf32>,
        %get3A_122 = vector.shape_cast %get3A_121 : vector<1x16xf32> to vector<16xf32>
        %get3A_123 = arith.index_cast %add3A_90 : i32 to index
        %get3A_124 = arith.constant 48 : index
        %get3A_125 = tpu.vector_load %arg11[%get3A_123, %get3A_124] {strides = array<i32>} : memref<128x128xf32, #tpu.memory_space<vmem>>, vector<1x16xf32>,
        %get3A_126 = vector.shape_cast %get3A_125 : vector<1x16xf32> to vector<16xf32>
        %mul3A_127 = arith.mulf %get3A_122, %get3A_126 : vector<16xf32>
        %add3A_128 = arith.addf %add3A_118, %mul3A_127 : vector<16xf32>
        %jit3A = arith.constant 8 : i32
        %div3A = arith.divsi %add3A_90, %jit3A : i32
        %sign3A = arith.constant 0 : i32
        %sign3A_129 = arith.cmpi sgt, %add3A_90, %sign3A : i32
        %sign3A_130 = arith.extui %sign3A_129 : i1 to i32
        %sign3A_131 = arith.constant 0 : i32
        %sign3A_132 = arith.cmpi slt, %add3A_90, %sign3A_131 : i32
        %sign3A_133 = arith.extui %sign3A_132 : i1 to i32
        %sign3A_134 = arith.subi %sign3A_130, %sign3A_133 : i32
        %sign3A_135 = arith.constant 0 : i32
        %sign3A_136 = arith.cmpi sgt, %jit3A, %sign3A_135 : i32
        %sign3A_137 = arith.extui %sign3A_136 : i1 to i32
        %sign3A_138 = arith.constant 0 : i32
        %sign3A_139 = arith.cmpi slt, %jit3A, %sign3A_138 : i32
        %sign3A_140 = arith.extui %sign3A_139 : i1 to i32
        %sign3A_141 = arith.subi %sign3A_137, %sign3A_140 : i32
        %ne3A = arith.cmpi ne, %sign3A_134, %sign3A_141 : i32
        %rem3A = arith.remsi %add3A_90, %jit3A : i32
        %ne3A_142 = arith.constant 0 : i32
        %ne3A_143 = arith.cmpi ne, %rem3A, %ne3A_142 : i32
        %and3A = arith.andi %ne3A, %ne3A_143 : i1
        %sub3A = arith.constant 1 : i32
        %sub3A_144 = arith.subi %div3A, %sub3A : i32
        %select_n3A = arith.select %and3A, %sub3A_144, %div3A : i32
        %jit3A_145 = arith.constant 8 : i32
        %eq3A = arith.constant 0 : i32
        %eq3A_146 = arith.cmpi eq, %jit3A_145, %eq3A : i32
        %jit3A_147 = arith.constant 1 : i32
        %select_n3A_148 = arith.select %eq3A_146, %jit3A_147, %jit3A_145 : i32
        %rem3A_149 = arith.remsi %add3A_90, %select_n3A_148 : i32
        %ne3A_150 = arith.constant 0 : i32
        %ne3A_151 = arith.cmpi ne, %rem3A_149, %ne3A_150 : i32
        %lt3A_152 = arith.constant 0 : i32
        %lt3A_153 = arith.cmpi slt, %rem3A_149, %lt3A_152 : i32
        %lt3A_154 = arith.constant 0 : i32
        %lt3A_155 = arith.cmpi slt, %select_n3A_148, %lt3A_154 : i32
        %ne3A_156 = arith.xori %lt3A_153, %lt3A_155 : i1
        %and3A_157 = arith.andi %ne3A_156, %ne3A_151 : i1
        %add3A_158 = arith.addi %rem3A_149, %select_n3A_148 : i32
        %select_n3A_159 = arith.select %and3A_157, %add3A_158, %rem3A_149 : i32
        %mul3A_160 = arith.constant 16 : i32
        %mul3A_161 = arith.muli %select_n3A_159, %mul3A_160 : i32
        %swap3A = arith.index_cast %add3A_65 : i32 to index
        %swap3A_162 = arith.index_cast %select_n3A : i32 to index
        %swap3A_163 = arith.index_cast %mul3A_161 : i32 to index
        %swap3A_164 = tpu.vector_load %arg16[%swap3A, %swap3A_162, %swap3A_163] {strides = array<i32>} : memref<20x16x128xf32, #tpu.memory_space<vmem>>, vector<1x1x16xf32>,
        %swap3A_165 = vector.shape_cast %swap3A_164 : vector<1x1x16xf32> to vector<16xf32>
        %swap3A_166 = vector.shape_cast %add3A_128 : vector<16xf32> to vector<1x1x16xf32>
        tpu.vector_store %arg16[%swap3A, %swap3A_162, %swap3A_163], %swap3A_166 {strides = array<i32>} : memref<20x16x128xf32, #tpu.memory_space<vmem>>, vector<1x1x16xf32>,
        %mul3A_167 = arith.constant 16 : i32
        %mul3A_168 = arith.muli %scan3A_86, %mul3A_167 : i32
        %add3A_169 = arith.constant 1 : i32
        %add3A_170 = arith.addi %mul3A_168, %add3A_169 : i32
        %get3A_171 = arith.index_cast %add3A_170 : i32 to index
        %get3A_172 = arith.constant 64 : index
        %get3A_173 = tpu.vector_load %arg14[%get3A_171, %get3A_172] {strides = array<i32>} : memref<128x128xf32, #tpu.memory_space<vmem>>, vector<1x16xf32>,
        %get3A_174 = vector.shape_cast %get3A_173 : vector<1x16xf32> to vector<16xf32>
        %get3A_175 = arith.index_cast %add3A_170 : i32 to index
        %get3A_176 = arith.constant 0 : index
        %get3A_177 = tpu.vector_load %arg11[%get3A_175, %get3A_176] {strides = array<i32>} : memref<128x128xf32, #tpu.memory_space<vmem>>, vector<1x16xf32>,
        %get3A_178 = vector.shape_cast %get3A_177 : vector<1x16xf32> to vector<16xf32>
        %mul3A_179 = arith.mulf %get3A_174, %get3A_178 : vector<16xf32>
        %get3A_180 = arith.index_cast %add3A_170 : i32 to index
        %get3A_181 = arith.constant 80 : index
        %get3A_182 = tpu.vector_load %arg14[%get3A_180, %get3A_181] {strides = array<i32>} : memref<128x128xf32, #tpu.memory_space<vmem>>, vector<1x16xf32>,
        %get3A_183 = vector.shape_cast %get3A_182 : vector<1x16xf32> to vector<16xf32>
        %get3A_184 = arith.index_cast %add3A_170 : i32 to index
        %get3A_185 = arith.constant 16 : index
        %get3A_186 = tpu.vector_load %arg11[%get3A_184, %get3A_185] {strides = array<i32>} : memref<128x128xf32, #tpu.memory_space<vmem>>, vector<1x16xf32>,
        %get3A_187 = vector.shape_cast %get3A_186 : vector<1x16xf32> to vector<16xf32>
        %mul3A_188 = arith.mulf %get3A_183, %get3A_187 : vector<16xf32>
        %add3A_189 = arith.addf %mul3A_179, %mul3A_188 : vector<16xf32>
        %get3A_190 = arith.index_cast %add3A_170 : i32 to index
        %get3A_191 = arith.constant 96 : index
        %get3A_192 = tpu.vector_load %arg14[%get3A_190, %get3A_191] {strides = array<i32>} : memref<128x128xf32, #tpu.memory_space<vmem>>, vector<1x16xf32>,
        %get3A_193 = vector.shape_cast %get3A_192 : vector<1x16xf32> to vector<16xf32>
        %get3A_194 = arith.index_cast %add3A_170 : i32 to index
        %get3A_195 = arith.constant 32 : index
        %get3A_196 = tpu.vector_load %arg11[%get3A_194, %get3A_195] {strides = array<i32>} : memref<128x128xf32, #tpu.memory_space<vmem>>, vector<1x16xf32>,
        %get3A_197 = vector.shape_cast %get3A_196 : vector<1x16xf32> to vector<16xf32>
        %mul3A_198 = arith.mulf %get3A_193, %get3A_197 : vector<16xf32>
        %add3A_199 = arith.addf %add3A_189, %mul3A_198 : vector<16xf32>
        %get3A_200 = arith.index_cast %add3A_170 : i32 to index
        %get3A_201 = arith.constant 112 : index
        %get3A_202 = tpu.vector_load %arg14[%get3A_200, %get3A_201] {strides = array<i32>} : memref<128x128xf32, #tpu.memory_space<vmem>>, vector<1x16xf32>,
        %get3A_203 = vector.shape_cast %get3A_202 : vector<1x16xf32> to vector<16xf32>
        %get3A_204 = arith.index_cast %add3A_170 : i32 to index
        %get3A_205 = arith.constant 48 : index
        %get3A_206 = tpu.vector_load %arg11[%get3A_204, %get3A_205] {strides = array<i32>} : memref<128x128xf32, #tpu.memory_space<vmem>>, vector<1x16xf32>,
        %get3A_207 = vector.shape_cast %get3A_206 : vector<1x16xf32> to vector<16xf32>
        %mul3A_208 = arith.mulf %get3A_203, %get3A_207 : vector<16xf32>
        %add3A_209 = arith.addf %add3A_199, %mul3A_208 : vector<16xf32>
        %jit3A_210 = arith.constant 8 : i32
        %div3A_211 = arith.divsi %add3A_170, %jit3A_210 : i32
        %sign3A_212 = arith.constant 0 : i32
        %sign3A_213 = arith.cmpi sgt, %add3A_170, %sign3A_212 : i32
        %sign3A_214 = arith.extui %sign3A_213 : i1 to i32
        %sign3A_215 = arith.constant 0 : i32
        %sign3A_216 = arith.cmpi slt, %add3A_170, %sign3A_215 : i32
        %sign3A_217 = arith.extui %sign3A_216 : i1 to i32
        %sign3A_218 = arith.subi %sign3A_214, %sign3A_217 : i32
        %sign3A_219 = arith.constant 0 : i32
        %sign3A_220 = arith.cmpi sgt, %jit3A_210, %sign3A_219 : i32
        %sign3A_221 = arith.extui %sign3A_220 : i1 to i32
        %sign3A_222 = arith.constant 0 : i32
        %sign3A_223 = arith.cmpi slt, %jit3A_210, %sign3A_222 : i32
        %sign3A_224 = arith.extui %sign3A_223 : i1 to i32
        %sign3A_225 = arith.subi %sign3A_221, %sign3A_224 : i32
        %ne3A_226 = arith.cmpi ne, %sign3A_218, %sign3A_225 : i32
        %rem3A_227 = arith.remsi %add3A_170, %jit3A_210 : i32
        %ne3A_228 = arith.constant 0 : i32
        %ne3A_229 = arith.cmpi ne, %rem3A_227, %ne3A_228 : i32
        %and3A_230 = arith.andi %ne3A_226, %ne3A_229 : i1
        %sub3A_231 = arith.constant 1 : i32
        %sub3A_232 = arith.subi %div3A_211, %sub3A_231 : i32
        %select_n3A_233 = arith.select %and3A_230, %sub3A_232, %div3A_211 : i32
        %jit3A_234 = arith.constant 8 : i32
        %eq3A_235 = arith.constant 0 : i32
        %eq3A_236 = arith.cmpi eq, %jit3A_234, %eq3A_235 : i32
        %jit3A_237 = arith.constant 1 : i32
        %select_n3A_238 = arith.select %eq3A_236, %jit3A_237, %jit3A_234 : i32
        %rem3A_239 = arith.remsi %add3A_170, %select_n3A_238 : i32
        %ne3A_240 = arith.constant 0 : i32
        %ne3A_241 = arith.cmpi ne, %rem3A_239, %ne3A_240 : i32
        %lt3A_242 = arith.constant 0 : i32
        %lt3A_243 = arith.cmpi slt, %rem3A_239, %lt3A_242 : i32
        %lt3A_244 = arith.constant 0 : i32
        %lt3A_245 = arith.cmpi slt, %select_n3A_238, %lt3A_244 : i32
        %ne3A_246 = arith.xori %lt3A_243, %lt3A_245 : i1
        %and3A_247 = arith.andi %ne3A_246, %ne3A_241 : i1
        %add3A_248 = arith.addi %rem3A_239, %select_n3A_238 : i32
        %select_n3A_249 = arith.select %and3A_247, %add3A_248, %rem3A_239 : i32
        %mul3A_250 = arith.constant 16 : i32
        %mul3A_251 = arith.muli %select_n3A_249, %mul3A_250 : i32
        %swap3A_252 = arith.index_cast %add3A_65 : i32 to index
        %swap3A_253 = arith.index_cast %select_n3A_233 : i32 to index
        %swap3A_254 = arith.index_cast %mul3A_251 : i32 to index
        %swap3A_255 = tpu.vector_load %arg16[%swap3A_252, %swap3A_253, %swap3A_254] {strides = array<i32>} : memref<20x16x128xf32, #tpu.memory_space<vmem>>, vector<1x1x16xf32>,
        %swap3A_256 = vector.shape_cast %swap3A_255 : vector<1x1x16xf32> to vector<16xf32>
        %swap3A_257 = vector.shape_cast %add3A_209 : vector<16xf32> to vector<1x1x16xf32>
        tpu.vector_store %arg16[%swap3A_252, %swap3A_253, %swap3A_254], %swap3A_257 {strides = array<i32>} : memref<20x16x128xf32, #tpu.memory_space<vmem>>, vector<1x1x16xf32>,
        %mul3A_258 = arith.constant 16 : i32
        %mul3A_259 = arith.muli %scan3A_86, %mul3A_258 : i32
        %add3A_260 = arith.constant 2 : i32
        %add3A_261 = arith.addi %mul3A_259, %add3A_260 : i32
        %get3A_262 = arith.index_cast %add3A_261 : i32 to index
        %get3A_263 = arith.constant 64 : index
        %get3A_264 = tpu.vector_load %arg14[%get3A_262, %get3A_263] {strides = array<i32>} : memref<128x128xf32, #tpu.memory_space<vmem>>, vector<1x16xf32>,
        %get3A_265 = vector.shape_cast %get3A_264 : vector<1x16xf32> to vector<16xf32>
        %get3A_266 = arith.index_cast %add3A_261 : i32 to index
        %get3A_267 = arith.constant 0 : index
        %get3A_268 = tpu.vector_load %arg11[%get3A_266, %get3A_267] {strides = array<i32>} : memref<128x128xf32, #tpu.memory_space<vmem>>, vector<1x16xf32>,
        %get3A_269 = vector.shape_cast %get3A_268 : vector<1x16xf32> to vector<16xf32>
        %mul3A_270 = arith.mulf %get3A_265, %get3A_269 : vector<16xf32>
        %get3A_271 = arith.index_cast %add3A_261 : i32 to index
        %get3A_272 = arith.constant 80 : index
        %get3A_273 = tpu.vector_load %arg14[%get3A_271, %get3A_272] {strides = array<i32>} : memref<128x128xf32, #tpu.memory_space<vmem>>, vector<1x16xf32>,
        %get3A_274 = vector.shape_cast %get3A_273 : vector<1x16xf32> to vector<16xf32>
        %get3A_275 = arith.index_cast %add3A_261 : i32 to index
        %get3A_276 = arith.constant 16 : index
        %get3A_277 = tpu.vector_load %arg11[%get3A_275, %get3A_276] {strides = array<i32>} : memref<128x128xf32, #tpu.memory_space<vmem>>, vector<1x16xf32>,
        %get3A_278 = vector.shape_cast %get3A_277 : vector<1x16xf32> to vector<16xf32>
        %mul3A_279 = arith.mulf %get3A_274, %get3A_278 : vector<16xf32>
        %add3A_280 = arith.addf %mul3A_270, %mul3A_279 : vector<16xf32>
        %get3A_281 = arith.index_cast %add3A_261 : i32 to index
        %get3A_282 = arith.constant 96 : index
        %get3A_283 = tpu.vector_load %arg14[%get3A_281, %get3A_282] {strides = array<i32>} : memref<128x128xf32, #tpu.memory_space<vmem>>, vector<1x16xf32>,
        %get3A_284 = vector.shape_cast %get3A_283 : vector<1x16xf32> to vector<16xf32>
        %get3A_285 = arith.index_cast %add3A_261 : i32 to index
        %get3A_286 = arith.constant 32 : index
        %get3A_287 = tpu.vector_load %arg11[%get3A_285, %get3A_286] {strides = array<i32>} : memref<128x128xf32, #tpu.memory_space<vmem>>, vector<1x16xf32>,
        %get3A_288 = vector.shape_cast %get3A_287 : vector<1x16xf32> to vector<16xf32>
        %mul3A_289 = arith.mulf %get3A_284, %get3A_288 : vector<16xf32>
        %add3A_290 = arith.addf %add3A_280, %mul3A_289 : vector<16xf32>
        %get3A_291 = arith.index_cast %add3A_261 : i32 to index
        %get3A_292 = arith.constant 112 : index
        %get3A_293 = tpu.vector_load %arg14[%get3A_291, %get3A_292] {strides = array<i32>} : memref<128x128xf32, #tpu.memory_space<vmem>>, vector<1x16xf32>,
        %get3A_294 = vector.shape_cast %get3A_293 : vector<1x16xf32> to vector<16xf32>
        %get3A_295 = arith.index_cast %add3A_261 : i32 to index
        %get3A_296 = arith.constant 48 : index
        %get3A_297 = tpu.vector_load %arg11[%get3A_295, %get3A_296] {strides = array<i32>} : memref<128x128xf32, #tpu.memory_space<vmem>>, vector<1x16xf32>,
        %get3A_298 = vector.shape_cast %get3A_297 : vector<1x16xf32> to vector<16xf32>
        %mul3A_299 = arith.mulf %get3A_294, %get3A_298 : vector<16xf32>
        %add3A_300 = arith.addf %add3A_290, %mul3A_299 : vector<16xf32>
        %jit3A_301 = arith.constant 8 : i32
        %div3A_302 = arith.divsi %add3A_261, %jit3A_301 : i32
        %sign3A_303 = arith.constant 0 : i32
        %sign3A_304 = arith.cmpi sgt, %add3A_261, %sign3A_303 : i32
        %sign3A_305 = arith.extui %sign3A_304 : i1 to i32
        %sign3A_306 = arith.constant 0 : i32
        %sign3A_307 = arith.cmpi slt, %add3A_261, %sign3A_306 : i32
        %sign3A_308 = arith.extui %sign3A_307 : i1 to i32
        %sign3A_309 = arith.subi %sign3A_305, %sign3A_308 : i32
        %sign3A_310 = arith.constant 0 : i32
        %sign3A_311 = arith.cmpi sgt, %jit3A_301, %sign3A_310 : i32
        %sign3A_312 = arith.extui %sign3A_311 : i1 to i32
        %sign3A_313 = arith.constant 0 : i32
        %sign3A_314 = arith.cmpi slt, %jit3A_301, %sign3A_313 : i32
        %sign3A_315 = arith.extui %sign3A_314 : i1 to i32
        %sign3A_316 = arith.subi %sign3A_312, %sign3A_315 : i32
        %ne3A_317 = arith.cmpi ne, %sign3A_309, %sign3A_316 : i32
        %rem3A_318 = arith.remsi %add3A_261, %jit3A_301 : i32
        %ne3A_319 = arith.constant 0 : i32
        %ne3A_320 = arith.cmpi ne, %rem3A_318, %ne3A_319 : i32
        %and3A_321 = arith.andi %ne3A_317, %ne3A_320 : i1
        %sub3A_322 = arith.constant 1 : i32
        %sub3A_323 = arith.subi %div3A_302, %sub3A_322 : i32
        %select_n3A_324 = arith.select %and3A_321, %sub3A_323, %div3A_302 : i32
        %jit3A_325 = arith.constant 8 : i32
        %eq3A_326 = arith.constant 0 : i32
        %eq3A_327 = arith.cmpi eq, %jit3A_325, %eq3A_326 : i32
        %jit3A_328 = arith.constant 1 : i32
        %select_n3A_329 = arith.select %eq3A_327, %jit3A_328, %jit3A_325 : i32
        %rem3A_330 = arith.remsi %add3A_261, %select_n3A_329 : i32
        %ne3A_331 = arith.constant 0 : i32
        %ne3A_332 = arith.cmpi ne, %rem3A_330, %ne3A_331 : i32
        %lt3A_333 = arith.constant 0 : i32
        %lt3A_334 = arith.cmpi slt, %rem3A_330, %lt3A_333 : i32
        %lt3A_335 = arith.constant 0 : i32
        %lt3A_336 = arith.cmpi slt, %select_n3A_329, %lt3A_335 : i32
        %ne3A_337 = arith.xori %lt3A_334, %lt3A_336 : i1
        %and3A_338 = arith.andi %ne3A_337, %ne3A_332 : i1
        %add3A_339 = arith.addi %rem3A_330, %select_n3A_329 : i32
        %select_n3A_340 = arith.select %and3A_338, %add3A_339, %rem3A_330 : i32
        %mul3A_341 = arith.constant 16 : i32
        %mul3A_342 = arith.muli %select_n3A_340, %mul3A_341 : i32
        %swap3A_343 = arith.index_cast %add3A_65 : i32 to index
        %swap3A_344 = arith.index_cast %select_n3A_324 : i32 to index
        %swap3A_345 = arith.index_cast %mul3A_342 : i32 to index
        %swap3A_346 = tpu.vector_load %arg16[%swap3A_343, %swap3A_344, %swap3A_345] {strides = array<i32>} : memref<20x16x128xf32, #tpu.memory_space<vmem>>, vector<1x1x16xf32>,
        %swap3A_347 = vector.shape_cast %swap3A_346 : vector<1x1x16xf32> to vector<16xf32>
        %swap3A_348 = vector.shape_cast %add3A_300 : vector<16xf32> to vector<1x1x16xf32>
        tpu.vector_store %arg16[%swap3A_343, %swap3A_344, %swap3A_345], %swap3A_348 {strides = array<i32>} : memref<20x16x128xf32, #tpu.memory_space<vmem>>, vector<1x1x16xf32>,
        %mul3A_349 = arith.constant 16 : i32
        %mul3A_350 = arith.muli %scan3A_86, %mul3A_349 : i32
        %add3A_351 = arith.constant 3 : i32
        %add3A_352 = arith.addi %mul3A_350, %add3A_351 : i32
        %get3A_353 = arith.index_cast %add3A_352 : i32 to index
        %get3A_354 = arith.constant 64 : index
        %get3A_355 = tpu.vector_load %arg14[%get3A_353, %get3A_354] {strides = array<i32>} : memref<128x128xf32, #tpu.memory_space<vmem>>, vector<1x16xf32>,
        %get3A_356 = vector.shape_cast %get3A_355 : vector<1x16xf32> to vector<16xf32>
        %get3A_357 = arith.index_cast %add3A_352 : i32 to index
        %get3A_358 = arith.constant 0 : index
        %get3A_359 = tpu.vector_load %arg11[%get3A_357, %get3A_358] {strides = array<i32>} : memref<128x128xf32, #tpu.memory_space<vmem>>, vector<1x16xf32>,
        %get3A_360 = vector.shape_cast %get3A_359 : vector<1x16xf32> to vector<16xf32>
        %mul3A_361 = arith.mulf %get3A_356, %get3A_360 : vector<16xf32>
        %get3A_362 = arith.index_cast %add3A_352 : i32 to index
        %get3A_363 = arith.constant 80 : index
        %get3A_364 = tpu.vector_load %arg14[%get3A_362, %get3A_363] {strides = array<i32>} : memref<128x128xf32, #tpu.memory_space<vmem>>, vector<1x16xf32>,
        %get3A_365 = vector.shape_cast %get3A_364 : vector<1x16xf32> to vector<16xf32>
        %get3A_366 = arith.index_cast %add3A_352 : i32 to index
        %get3A_367 = arith.constant 16 : index
        %get3A_368 = tpu.vector_load %arg11[%get3A_366, %get3A_367] {strides = array<i32>} : memref<128x128xf32, #tpu.memory_space<vmem>>, vector<1x16xf32>,
        %get3A_369 = vector.shape_cast %get3A_368 : vector<1x16xf32> to vector<16xf32>
        %mul3A_370 = arith.mulf %get3A_365, %get3A_369 : vector<16xf32>
        %add3A_371 = arith.addf %mul3A_361, %mul3A_370 : vector<16xf32>
        %get3A_372 = arith.index_cast %add3A_352 : i32 to index
        %get3A_373 = arith.constant 96 : index
        %get3A_374 = tpu.vector_load %arg14[%get3A_372, %get3A_373] {strides = array<i32>} : memref<128x128xf32, #tpu.memory_space<vmem>>, vector<1x16xf32>,
        %get3A_375 = vector.shape_cast %get3A_374 : vector<1x16xf32> to vector<16xf32>
        %get3A_376 = arith.index_cast %add3A_352 : i32 to index
        %get3A_377 = arith.constant 32 : index
        %get3A_378 = tpu.vector_load %arg11[%get3A_376, %get3A_377] {strides = array<i32>} : memref<128x128xf32, #tpu.memory_space<vmem>>, vector<1x16xf32>,
        %get3A_379 = vector.shape_cast %get3A_378 : vector<1x16xf32> to vector<16xf32>
        %mul3A_380 = arith.mulf %get3A_375, %get3A_379 : vector<16xf32>
        %add3A_381 = arith.addf %add3A_371, %mul3A_380 : vector<16xf32>
        %get3A_382 = arith.index_cast %add3A_352 : i32 to index
        %get3A_383 = arith.constant 112 : index
        %get3A_384 = tpu.vector_load %arg14[%get3A_382, %get3A_383] {strides = array<i32>} : memref<128x128xf32, #tpu.memory_space<vmem>>, vector<1x16xf32>,
        %get3A_385 = vector.shape_cast %get3A_384 : vector<1x16xf32> to vector<16xf32>
        %get3A_386 = arith.index_cast %add3A_352 : i32 to index
        %get3A_387 = arith.constant 48 : index
        %get3A_388 = tpu.vector_load %arg11[%get3A_386, %get3A_387] {strides = array<i32>} : memref<128x128xf32, #tpu.memory_space<vmem>>, vector<1x16xf32>,
        %get3A_389 = vector.shape_cast %get3A_388 : vector<1x16xf32> to vector<16xf32>
        %mul3A_390 = arith.mulf %get3A_385, %get3A_389 : vector<16xf32>
        %add3A_391 = arith.addf %add3A_381, %mul3A_390 : vector<16xf32>
        %jit3A_392 = arith.constant 8 : i32
        %div3A_393 = arith.divsi %add3A_352, %jit3A_392 : i32
        %sign3A_394 = arith.constant 0 : i32
        %sign3A_395 = arith.cmpi sgt, %add3A_352, %sign3A_394 : i32
        %sign3A_396 = arith.extui %sign3A_395 : i1 to i32
        %sign3A_397 = arith.constant 0 : i32
        %sign3A_398 = arith.cmpi slt, %add3A_352, %sign3A_397 : i32
        %sign3A_399 = arith.extui %sign3A_398 : i1 to i32
        %sign3A_400 = arith.subi %sign3A_396, %sign3A_399 : i32
        %sign3A_401 = arith.constant 0 : i32
        %sign3A_402 = arith.cmpi sgt, %jit3A_392, %sign3A_401 : i32
        %sign3A_403 = arith.extui %sign3A_402 : i1 to i32
        %sign3A_404 = arith.constant 0 : i32
        %sign3A_405 = arith.cmpi slt, %jit3A_392, %sign3A_404 : i32
        %sign3A_406 = arith.extui %sign3A_405 : i1 to i32
        %sign3A_407 = arith.subi %sign3A_403, %sign3A_406 : i32
        %ne3A_408 = arith.cmpi ne, %sign3A_400, %sign3A_407 : i32
        %rem3A_409 = arith.remsi %add3A_352, %jit3A_392 : i32
        %ne3A_410 = arith.constant 0 : i32
        %ne3A_411 = arith.cmpi ne, %rem3A_409, %ne3A_410 : i32
        %and3A_412 = arith.andi %ne3A_408, %ne3A_411 : i1
        %sub3A_413 = arith.constant 1 : i32
        %sub3A_414 = arith.subi %div3A_393, %sub3A_413 : i32
        %select_n3A_415 = arith.select %and3A_412, %sub3A_414, %div3A_393 : i32
        %jit3A_416 = arith.constant 8 : i32
        %eq3A_417 = arith.constant 0 : i32
        %eq3A_418 = arith.cmpi eq, %jit3A_416, %eq3A_417 : i32
        %jit3A_419 = arith.constant 1 : i32
        %select_n3A_420 = arith.select %eq3A_418, %jit3A_419, %jit3A_416 : i32
        %rem3A_421 = arith.remsi %add3A_352, %select_n3A_420 : i32
        %ne3A_422 = arith.constant 0 : i32
        %ne3A_423 = arith.cmpi ne, %rem3A_421, %ne3A_422 : i32
        %lt3A_424 = arith.constant 0 : i32
        %lt3A_425 = arith.cmpi slt, %rem3A_421, %lt3A_424 : i32
        %lt3A_426 = arith.constant 0 : i32
        %lt3A_427 = arith.cmpi slt, %select_n3A_420, %lt3A_426 : i32
        %ne3A_428 = arith.xori %lt3A_425, %lt3A_427 : i1
        %and3A_429 = arith.andi %ne3A_428, %ne3A_423 : i1
        %add3A_430 = arith.addi %rem3A_421, %select_n3A_420 : i32
        %select_n3A_431 = arith.select %and3A_429, %add3A_430, %rem3A_421 : i32
        %mul3A_432 = arith.constant 16 : i32
        %mul3A_433 = arith.muli %select_n3A_431, %mul3A_432 : i32
        %swap3A_434 = arith.index_cast %add3A_65 : i32 to index
        %swap3A_435 = arith.index_cast %select_n3A_415 : i32 to index
        %swap3A_436 = arith.index_cast %mul3A_433 : i32 to index
        %swap3A_437 = tpu.vector_load %arg16[%swap3A_434, %swap3A_435, %swap3A_436] {strides = array<i32>} : memref<20x16x128xf32, #tpu.memory_space<vmem>>, vector<1x1x16xf32>,
        %swap3A_438 = vector.shape_cast %swap3A_437 : vector<1x1x16xf32> to vector<16xf32>
        %swap3A_439 = vector.shape_cast %add3A_391 : vector<16xf32> to vector<1x1x16xf32>
        tpu.vector_store %arg16[%swap3A_434, %swap3A_435, %swap3A_436], %swap3A_439 {strides = array<i32>} : memref<20x16x128xf32, #tpu.memory_space<vmem>>, vector<1x1x16xf32>,
        %mul3A_440 = arith.constant 16 : i32
        %mul3A_441 = arith.muli %scan3A_86, %mul3A_440 : i32
        %add3A_442 = arith.constant 4 : i32
        %add3A_443 = arith.addi %mul3A_441, %add3A_442 : i32
        %get3A_444 = arith.index_cast %add3A_443 : i32 to index
        %get3A_445 = arith.constant 64 : index
        %get3A_446 = tpu.vector_load %arg14[%get3A_444, %get3A_445] {strides = array<i32>} : memref<128x128xf32, #tpu.memory_space<vmem>>, vector<1x16xf32>,
        %get3A_447 = vector.shape_cast %get3A_446 : vector<1x16xf32> to vector<16xf32>
        %get3A_448 = arith.index_cast %add3A_443 : i32 to index
        %get3A_449 = arith.constant 0 : index
        %get3A_450 = tpu.vector_load %arg11[%get3A_448, %get3A_449] {strides = array<i32>} : memref<128x128xf32, #tpu.memory_space<vmem>>, vector<1x16xf32>,
        %get3A_451 = vector.shape_cast %get3A_450 : vector<1x16xf32> to vector<16xf32>
        %mul3A_452 = arith.mulf %get3A_447, %get3A_451 : vector<16xf32>
        %get3A_453 = arith.index_cast %add3A_443 : i32 to index
        %get3A_454 = arith.constant 80 : index
        %get3A_455 = tpu.vector_load %arg14[%get3A_453, %get3A_454] {strides = array<i32>} : memref<128x128xf32, #tpu.memory_space<vmem>>, vector<1x16xf32>,
        %get3A_456 = vector.shape_cast %get3A_455 : vector<1x16xf32> to vector<16xf32>
        %get3A_457 = arith.index_cast %add3A_443 : i32 to index
        %get3A_458 = arith.constant 16 : index
        %get3A_459 = tpu.vector_load %arg11[%get3A_457, %get3A_458] {strides = array<i32>} : memref<128x128xf32, #tpu.memory_space<vmem>>, vector<1x16xf32>,
        %get3A_460 = vector.shape_cast %get3A_459 : vector<1x16xf32> to vector<16xf32>
        %mul3A_461 = arith.mulf %get3A_456, %get3A_460 : vector<16xf32>
        %add3A_462 = arith.addf %mul3A_452, %mul3A_461 : vector<16xf32>
        %get3A_463 = arith.index_cast %add3A_443 : i32 to index
        %get3A_464 = arith.constant 96 : index
        %get3A_465 = tpu.vector_load %arg14[%get3A_463, %get3A_464] {strides = array<i32>} : memref<128x128xf32, #tpu.memory_space<vmem>>, vector<1x16xf32>,
        %get3A_466 = vector.shape_cast %get3A_465 : vector<1x16xf32> to vector<16xf32>
        %get3A_467 = arith.index_cast %add3A_443 : i32 to index
        %get3A_468 = arith.constant 32 : index
        %get3A_469 = tpu.vector_load %arg11[%get3A_467, %get3A_468] {strides = array<i32>} : memref<128x128xf32, #tpu.memory_space<vmem>>, vector<1x16xf32>,
        %get3A_470 = vector.shape_cast %get3A_469 : vector<1x16xf32> to vector<16xf32>
        %mul3A_471 = arith.mulf %get3A_466, %get3A_470 : vector<16xf32>
        %add3A_472 = arith.addf %add3A_462, %mul3A_471 : vector<16xf32>
        %get3A_473 = arith.index_cast %add3A_443 : i32 to index
        %get3A_474 = arith.constant 112 : index
        %get3A_475 = tpu.vector_load %arg14[%get3A_473, %get3A_474] {strides = array<i32>} : memref<128x128xf32, #tpu.memory_space<vmem>>, vector<1x16xf32>,
        %get3A_476 = vector.shape_cast %get3A_475 : vector<1x16xf32> to vector<16xf32>
        %get3A_477 = arith.index_cast %add3A_443 : i32 to index
        %get3A_478 = arith.constant 48 : index
        %get3A_479 = tpu.vector_load %arg11[%get3A_477, %get3A_478] {strides = array<i32>} : memref<128x128xf32, #tpu.memory_space<vmem>>, vector<1x16xf32>,
        %get3A_480 = vector.shape_cast %get3A_479 : vector<1x16xf32> to vector<16xf32>
        %mul3A_481 = arith.mulf %get3A_476, %get3A_480 : vector<16xf32>
        %add3A_482 = arith.addf %add3A_472, %mul3A_481 : vector<16xf32>
        %jit3A_483 = arith.constant 8 : i32
        %div3A_484 = arith.divsi %add3A_443, %jit3A_483 : i32
        %sign3A_485 = arith.constant 0 : i32
        %sign3A_486 = arith.cmpi sgt, %add3A_443, %sign3A_485 : i32
        %sign3A_487 = arith.extui %sign3A_486 : i1 to i32
        %sign3A_488 = arith.constant 0 : i32
        %sign3A_489 = arith.cmpi slt, %add3A_443, %sign3A_488 : i32
        %sign3A_490 = arith.extui %sign3A_489 : i1 to i32
        %sign3A_491 = arith.subi %sign3A_487, %sign3A_490 : i32
        %sign3A_492 = arith.constant 0 : i32
        %sign3A_493 = arith.cmpi sgt, %jit3A_483, %sign3A_492 : i32
        %sign3A_494 = arith.extui %sign3A_493 : i1 to i32
        %sign3A_495 = arith.constant 0 : i32
        %sign3A_496 = arith.cmpi slt, %jit3A_483, %sign3A_495 : i32
        %sign3A_497 = arith.extui %sign3A_496 : i1 to i32
        %sign3A_498 = arith.subi %sign3A_494, %sign3A_497 : i32
        %ne3A_499 = arith.cmpi ne, %sign3A_491, %sign3A_498 : i32
        %rem3A_500 = arith.remsi %add3A_443, %jit3A_483 : i32
        %ne3A_501 = arith.constant 0 : i32
        %ne3A_502 = arith.cmpi ne, %rem3A_500, %ne3A_501 : i32
        %and3A_503 = arith.andi %ne3A_499, %ne3A_502 : i1
        %sub3A_504 = arith.constant 1 : i32
        %sub3A_505 = arith.subi %div3A_484, %sub3A_504 : i32
        %select_n3A_506 = arith.select %and3A_503, %sub3A_505, %div3A_484 : i32
        %jit3A_507 = arith.constant 8 : i32
        %eq3A_508 = arith.constant 0 : i32
        %eq3A_509 = arith.cmpi eq, %jit3A_507, %eq3A_508 : i32
        %jit3A_510 = arith.constant 1 : i32
        %select_n3A_511 = arith.select %eq3A_509, %jit3A_510, %jit3A_507 : i32
        %rem3A_512 = arith.remsi %add3A_443, %select_n3A_511 : i32
        %ne3A_513 = arith.constant 0 : i32
        %ne3A_514 = arith.cmpi ne, %rem3A_512, %ne3A_513 : i32
        %lt3A_515 = arith.constant 0 : i32
        %lt3A_516 = arith.cmpi slt, %rem3A_512, %lt3A_515 : i32
        %lt3A_517 = arith.constant 0 : i32
        %lt3A_518 = arith.cmpi slt, %select_n3A_511, %lt3A_517 : i32
        %ne3A_519 = arith.xori %lt3A_516, %lt3A_518 : i1
        %and3A_520 = arith.andi %ne3A_519, %ne3A_514 : i1
        %add3A_521 = arith.addi %rem3A_512, %select_n3A_511 : i32
        %select_n3A_522 = arith.select %and3A_520, %add3A_521, %rem3A_512 : i32
        %mul3A_523 = arith.constant 16 : i32
        %mul3A_524 = arith.muli %select_n3A_522, %mul3A_523 : i32
        %swap3A_525 = arith.index_cast %add3A_65 : i32 to index
        %swap3A_526 = arith.index_cast %select_n3A_506 : i32 to index
        %swap3A_527 = arith.index_cast %mul3A_524 : i32 to index
        %swap3A_528 = tpu.vector_load %arg16[%swap3A_525, %swap3A_526, %swap3A_527] {strides = array<i32>} : memref<20x16x128xf32, #tpu.memory_space<vmem>>, vector<1x1x16xf32>,
        %swap3A_529 = vector.shape_cast %swap3A_528 : vector<1x1x16xf32> to vector<16xf32>
        %swap3A_530 = vector.shape_cast %add3A_482 : vector<16xf32> to vector<1x1x16xf32>
        tpu.vector_store %arg16[%swap3A_525, %swap3A_526, %swap3A_527], %swap3A_530 {strides = array<i32>} : memref<20x16x128xf32, #tpu.memory_space<vmem>>, vector<1x1x16xf32>,
        %mul3A_531 = arith.constant 16 : i32
        %mul3A_532 = arith.muli %scan3A_86, %mul3A_531 : i32
        %add3A_533 = arith.constant 5 : i32
        %add3A_534 = arith.addi %mul3A_532, %add3A_533 : i32
        %get3A_535 = arith.index_cast %add3A_534 : i32 to index
        %get3A_536 = arith.constant 64 : index
        %get3A_537 = tpu.vector_load %arg14[%get3A_535, %get3A_536] {strides = array<i32>} : memref<128x128xf32, #tpu.memory_space<vmem>>, vector<1x16xf32>,
        %get3A_538 = vector.shape_cast %get3A_537 : vector<1x16xf32> to vector<16xf32>
        %get3A_539 = arith.index_cast %add3A_534 : i32 to index
        %get3A_540 = arith.constant 0 : index
        %get3A_541 = tpu.vector_load %arg11[%get3A_539, %get3A_540] {strides = array<i32>} : memref<128x128xf32, #tpu.memory_space<vmem>>, vector<1x16xf32>,
        %get3A_542 = vector.shape_cast %get3A_541 : vector<1x16xf32> to vector<16xf32>
        %mul3A_543 = arith.mulf %get3A_538, %get3A_542 : vector<16xf32>
        %get3A_544 = arith.index_cast %add3A_534 : i32 to index
        %get3A_545 = arith.constant 80 : index
        %get3A_546 = tpu.vector_load %arg14[%get3A_544, %get3A_545] {strides = array<i32>} : memref<128x128xf32, #tpu.memory_space<vmem>>, vector<1x16xf32>,
        %get3A_547 = vector.shape_cast %get3A_546 : vector<1x16xf32> to vector<16xf32>
        %get3A_548 = arith.index_cast %add3A_534 : i32 to index
        %get3A_549 = arith.constant 16 : index
        %get3A_550 = tpu.vector_load %arg11[%get3A_548, %get3A_549] {strides = array<i32>} : memref<128x128xf32, #tpu.memory_space<vmem>>, vector<1x16xf32>,
        %get3A_551 = vector.shape_cast %get3A_550 : vector<1x16xf32> to vector<16xf32>
        %mul3A_552 = arith.mulf %get3A_547, %get3A_551 : vector<16xf32>
        %add3A_553 = arith.addf %mul3A_543, %mul3A_552 : vector<16xf32>
        %get3A_554 = arith.index_cast %add3A_534 : i32 to index
        %get3A_555 = arith.constant 96 : index
        %get3A_556 = tpu.vector_load %arg14[%get3A_554, %get3A_555] {strides = array<i32>} : memref<128x128xf32, #tpu.memory_space<vmem>>, vector<1x16xf32>,
        %get3A_557 = vector.shape_cast %get3A_556 : vector<1x16xf32> to vector<16xf32>
        %get3A_558 = arith.index_cast %add3A_534 : i32 to index
        %get3A_559 = arith.constant 32 : index
        %get3A_560 = tpu.vector_load %arg11[%get3A_558, %get3A_559] {strides = array<i32>} : memref<128x128xf32, #tpu.memory_space<vmem>>, vector<1x16xf32>,
        %get3A_561 = vector.shape_cast %get3A_560 : vector<1x16xf32> to vector<16xf32>
        %mul3A_562 = arith.mulf %get3A_557, %get3A_561 : vector<16xf32>
        %add3A_563 = arith.addf %add3A_553, %mul3A_562 : vector<16xf32>
        %get3A_564 = arith.index_cast %add3A_534 : i32 to index
        %get3A_565 = arith.constant 112 : index
        %get3A_566 = tpu.vector_load %arg14[%get3A_564, %get3A_565] {strides = array<i32>} : memref<128x128xf32, #tpu.memory_space<vmem>>, vector<1x16xf32>,
        %get3A_567 = vector.shape_cast %get3A_566 : vector<1x16xf32> to vector<16xf32>
        %get3A_568 = arith.index_cast %add3A_534 : i32 to index
        %get3A_569 = arith.constant 48 : index
        %get3A_570 = tpu.vector_load %arg11[%get3A_568, %get3A_569] {strides = array<i32>} : memref<128x128xf32, #tpu.memory_space<vmem>>, vector<1x16xf32>,
        %get3A_571 = vector.shape_cast %get3A_570 : vector<1x16xf32> to vector<16xf32>
        %mul3A_572 = arith.mulf %get3A_567, %get3A_571 : vector<16xf32>
        %add3A_573 = arith.addf %add3A_563, %mul3A_572 : vector<16xf32>
        %jit3A_574 = arith.constant 8 : i32
        %div3A_575 = arith.divsi %add3A_534, %jit3A_574 : i32
        %sign3A_576 = arith.constant 0 : i32
        %sign3A_577 = arith.cmpi sgt, %add3A_534, %sign3A_576 : i32
        %sign3A_578 = arith.extui %sign3A_577 : i1 to i32
        %sign3A_579 = arith.constant 0 : i32
        %sign3A_580 = arith.cmpi slt, %add3A_534, %sign3A_579 : i32
        %sign3A_581 = arith.extui %sign3A_580 : i1 to i32
        %sign3A_582 = arith.subi %sign3A_578, %sign3A_581 : i32
        %sign3A_583 = arith.constant 0 : i32
        %sign3A_584 = arith.cmpi sgt, %jit3A_574, %sign3A_583 : i32
        %sign3A_585 = arith.extui %sign3A_584 : i1 to i32
        %sign3A_586 = arith.constant 0 : i32
        %sign3A_587 = arith.cmpi slt, %jit3A_574, %sign3A_586 : i32
        %sign3A_588 = arith.extui %sign3A_587 : i1 to i32
        %sign3A_589 = arith.subi %sign3A_585, %sign3A_588 : i32
        %ne3A_590 = arith.cmpi ne, %sign3A_582, %sign3A_589 : i32
        %rem3A_591 = arith.remsi %add3A_534, %jit3A_574 : i32
        %ne3A_592 = arith.constant 0 : i32
        %ne3A_593 = arith.cmpi ne, %rem3A_591, %ne3A_592 : i32
        %and3A_594 = arith.andi %ne3A_590, %ne3A_593 : i1
        %sub3A_595 = arith.constant 1 : i32
        %sub3A_596 = arith.subi %div3A_575, %sub3A_595 : i32
        %select_n3A_597 = arith.select %and3A_594, %sub3A_596, %div3A_575 : i32
        %jit3A_598 = arith.constant 8 : i32
        %eq3A_599 = arith.constant 0 : i32
        %eq3A_600 = arith.cmpi eq, %jit3A_598, %eq3A_599 : i32
        %jit3A_601 = arith.constant 1 : i32
        %select_n3A_602 = arith.select %eq3A_600, %jit3A_601, %jit3A_598 : i32
        %rem3A_603 = arith.remsi %add3A_534, %select_n3A_602 : i32
        %ne3A_604 = arith.constant 0 : i32
        %ne3A_605 = arith.cmpi ne, %rem3A_603, %ne3A_604 : i32
        %lt3A_606 = arith.constant 0 : i32
        %lt3A_607 = arith.cmpi slt, %rem3A_603, %lt3A_606 : i32
        %lt3A_608 = arith.constant 0 : i32
        %lt3A_609 = arith.cmpi slt, %select_n3A_602, %lt3A_608 : i32
        %ne3A_610 = arith.xori %lt3A_607, %lt3A_609 : i1
        %and3A_611 = arith.andi %ne3A_610, %ne3A_605 : i1
        %add3A_612 = arith.addi %rem3A_603, %select_n3A_602 : i32
        %select_n3A_613 = arith.select %and3A_611, %add3A_612, %rem3A_603 : i32
        %mul3A_614 = arith.constant 16 : i32
        %mul3A_615 = arith.muli %select_n3A_613, %mul3A_614 : i32
        %swap3A_616 = arith.index_cast %add3A_65 : i32 to index
        %swap3A_617 = arith.index_cast %select_n3A_597 : i32 to index
        %swap3A_618 = arith.index_cast %mul3A_615 : i32 to index
        %swap3A_619 = tpu.vector_load %arg16[%swap3A_616, %swap3A_617, %swap3A_618] {strides = array<i32>} : memref<20x16x128xf32, #tpu.memory_space<vmem>>, vector<1x1x16xf32>,
        %swap3A_620 = vector.shape_cast %swap3A_619 : vector<1x1x16xf32> to vector<16xf32>
        %swap3A_621 = vector.shape_cast %add3A_573 : vector<16xf32> to vector<1x1x16xf32>
        tpu.vector_store %arg16[%swap3A_616, %swap3A_617, %swap3A_618], %swap3A_621 {strides = array<i32>} : memref<20x16x128xf32, #tpu.memory_space<vmem>>, vector<1x1x16xf32>,
        %mul3A_622 = arith.constant 16 : i32
        %mul3A_623 = arith.muli %scan3A_86, %mul3A_622 : i32
        %add3A_624 = arith.constant 6 : i32
        %add3A_625 = arith.addi %mul3A_623, %add3A_624 : i32
        %get3A_626 = arith.index_cast %add3A_625 : i32 to index
        %get3A_627 = arith.constant 64 : index
        %get3A_628 = tpu.vector_load %arg14[%get3A_626, %get3A_627] {strides = array<i32>} : memref<128x128xf32, #tpu.memory_space<vmem>>, vector<1x16xf32>,
        %get3A_629 = vector.shape_cast %get3A_628 : vector<1x16xf32> to vector<16xf32>
        %get3A_630 = arith.index_cast %add3A_625 : i32 to index
        %get3A_631 = arith.constant 0 : index
        %get3A_632 = tpu.vector_load %arg11[%get3A_630, %get3A_631] {strides = array<i32>} : memref<128x128xf32, #tpu.memory_space<vmem>>, vector<1x16xf32>,
        %get3A_633 = vector.shape_cast %get3A_632 : vector<1x16xf32> to vector<16xf32>
        %mul3A_634 = arith.mulf %get3A_629, %get3A_633 : vector<16xf32>
        %get3A_635 = arith.index_cast %add3A_625 : i32 to index
        %get3A_636 = arith.constant 80 : index
        %get3A_637 = tpu.vector_load %arg14[%get3A_635, %get3A_636] {strides = array<i32>} : memref<128x128xf32, #tpu.memory_space<vmem>>, vector<1x16xf32>,
        %get3A_638 = vector.shape_cast %get3A_637 : vector<1x16xf32> to vector<16xf32>
        %get3A_639 = arith.index_cast %add3A_625 : i32 to index
        %get3A_640 = arith.constant 16 : index
        %get3A_641 = tpu.vector_load %arg11[%get3A_639, %get3A_640] {strides = array<i32>} : memref<128x128xf32, #tpu.memory_space<vmem>>, vector<1x16xf32>,
        %get3A_642 = vector.shape_cast %get3A_641 : vector<1x16xf32> to vector<16xf32>
        %mul3A_643 = arith.mulf %get3A_638, %get3A_642 : vector<16xf32>
        %add3A_644 = arith.addf %mul3A_634, %mul3A_643 : vector<16xf32>
        %get3A_645 = arith.index_cast %add3A_625 : i32 to index
        %get3A_646 = arith.constant 96 : index
        %get3A_647 = tpu.vector_load %arg14[%get3A_645, %get3A_646] {strides = array<i32>} : memref<128x128xf32, #tpu.memory_space<vmem>>, vector<1x16xf32>,
        %get3A_648 = vector.shape_cast %get3A_647 : vector<1x16xf32> to vector<16xf32>
        %get3A_649 = arith.index_cast %add3A_625 : i32 to index
        %get3A_650 = arith.constant 32 : index
        %get3A_651 = tpu.vector_load %arg11[%get3A_649, %get3A_650] {strides = array<i32>} : memref<128x128xf32, #tpu.memory_space<vmem>>, vector<1x16xf32>,
        %get3A_652 = vector.shape_cast %get3A_651 : vector<1x16xf32> to vector<16xf32>
        %mul3A_653 = arith.mulf %get3A_648, %get3A_652 : vector<16xf32>
        %add3A_654 = arith.addf %add3A_644, %mul3A_653 : vector<16xf32>
        %get3A_655 = arith.index_cast %add3A_625 : i32 to index
        %get3A_656 = arith.constant 112 : index
        %get3A_657 = tpu.vector_load %arg14[%get3A_655, %get3A_656] {strides = array<i32>} : memref<128x128xf32, #tpu.memory_space<vmem>>, vector<1x16xf32>,
        %get3A_658 = vector.shape_cast %get3A_657 : vector<1x16xf32> to vector<16xf32>
        %get3A_659 = arith.index_cast %add3A_625 : i32 to index
        %get3A_660 = arith.constant 48 : index
        %get3A_661 = tpu.vector_load %arg11[%get3A_659, %get3A_660] {strides = array<i32>} : memref<128x128xf32, #tpu.memory_space<vmem>>, vector<1x16xf32>,
        %get3A_662 = vector.shape_cast %get3A_661 : vector<1x16xf32> to vector<16xf32>
        %mul3A_663 = arith.mulf %get3A_658, %get3A_662 : vector<16xf32>
        %add3A_664 = arith.addf %add3A_654, %mul3A_663 : vector<16xf32>
        %jit3A_665 = arith.constant 8 : i32
        %div3A_666 = arith.divsi %add3A_625, %jit3A_665 : i32
        %sign3A_667 = arith.constant 0 : i32
        %sign3A_668 = arith.cmpi sgt, %add3A_625, %sign3A_667 : i32
        %sign3A_669 = arith.extui %sign3A_668 : i1 to i32
        %sign3A_670 = arith.constant 0 : i32
        %sign3A_671 = arith.cmpi slt, %add3A_625, %sign3A_670 : i32
        %sign3A_672 = arith.extui %sign3A_671 : i1 to i32
        %sign3A_673 = arith.subi %sign3A_669, %sign3A_672 : i32
        %sign3A_674 = arith.constant 0 : i32
        %sign3A_675 = arith.cmpi sgt, %jit3A_665, %sign3A_674 : i32
        %sign3A_676 = arith.extui %sign3A_675 : i1 to i32
        %sign3A_677 = arith.constant 0 : i32
        %sign3A_678 = arith.cmpi slt, %jit3A_665, %sign3A_677 : i32
        %sign3A_679 = arith.extui %sign3A_678 : i1 to i32
        %sign3A_680 = arith.subi %sign3A_676, %sign3A_679 : i32
        %ne3A_681 = arith.cmpi ne, %sign3A_673, %sign3A_680 : i32
        %rem3A_682 = arith.remsi %add3A_625, %jit3A_665 : i32
        %ne3A_683 = arith.constant 0 : i32
        %ne3A_684 = arith.cmpi ne, %rem3A_682, %ne3A_683 : i32
        %and3A_685 = arith.andi %ne3A_681, %ne3A_684 : i1
        %sub3A_686 = arith.constant 1 : i32
        %sub3A_687 = arith.subi %div3A_666, %sub3A_686 : i32
        %select_n3A_688 = arith.select %and3A_685, %sub3A_687, %div3A_666 : i32
        %jit3A_689 = arith.constant 8 : i32
        %eq3A_690 = arith.constant 0 : i32
        %eq3A_691 = arith.cmpi eq, %jit3A_689, %eq3A_690 : i32
        %jit3A_692 = arith.constant 1 : i32
        %select_n3A_693 = arith.select %eq3A_691, %jit3A_692, %jit3A_689 : i32
        %rem3A_694 = arith.remsi %add3A_625, %select_n3A_693 : i32
        %ne3A_695 = arith.constant 0 : i32
        %ne3A_696 = arith.cmpi ne, %rem3A_694, %ne3A_695 : i32
        %lt3A_697 = arith.constant 0 : i32
        %lt3A_698 = arith.cmpi slt, %rem3A_694, %lt3A_697 : i32
        %lt3A_699 = arith.constant 0 : i32
        %lt3A_700 = arith.cmpi slt, %select_n3A_693, %lt3A_699 : i32
        %ne3A_701 = arith.xori %lt3A_698, %lt3A_700 : i1
        %and3A_702 = arith.andi %ne3A_701, %ne3A_696 : i1
        %add3A_703 = arith.addi %rem3A_694, %select_n3A_693 : i32
        %select_n3A_704 = arith.select %and3A_702, %add3A_703, %rem3A_694 : i32
        %mul3A_705 = arith.constant 16 : i32
        %mul3A_706 = arith.muli %select_n3A_704, %mul3A_705 : i32
        %swap3A_707 = arith.index_cast %add3A_65 : i32 to index
        %swap3A_708 = arith.index_cast %select_n3A_688 : i32 to index
        %swap3A_709 = arith.index_cast %mul3A_706 : i32 to index
        %swap3A_710 = tpu.vector_load %arg16[%swap3A_707, %swap3A_708, %swap3A_709] {strides = array<i32>} : memref<20x16x128xf32, #tpu.memory_space<vmem>>, vector<1x1x16xf32>,
        %swap3A_711 = vector.shape_cast %swap3A_710 : vector<1x1x16xf32> to vector<16xf32>
        %swap3A_712 = vector.shape_cast %add3A_664 : vector<16xf32> to vector<1x1x16xf32>
        tpu.vector_store %arg16[%swap3A_707, %swap3A_708, %swap3A_709], %swap3A_712 {strides = array<i32>} : memref<20x16x128xf32, #tpu.memory_space<vmem>>, vector<1x1x16xf32>,
        %mul3A_713 = arith.constant 16 : i32
        %mul3A_714 = arith.muli %scan3A_86, %mul3A_713 : i32
        %add3A_715 = arith.constant 7 : i32
        %add3A_716 = arith.addi %mul3A_714, %add3A_715 : i32
        %get3A_717 = arith.index_cast %add3A_716 : i32 to index
        %get3A_718 = arith.constant 64 : index
        %get3A_719 = tpu.vector_load %arg14[%get3A_717, %get3A_718] {strides = array<i32>} : memref<128x128xf32, #tpu.memory_space<vmem>>, vector<1x16xf32>,
        %get3A_720 = vector.shape_cast %get3A_719 : vector<1x16xf32> to vector<16xf32>
        %get3A_721 = arith.index_cast %add3A_716 : i32 to index
        %get3A_722 = arith.constant 0 : index
        %get3A_723 = tpu.vector_load %arg11[%get3A_721, %get3A_722] {strides = array<i32>} : memref<128x128xf32, #tpu.memory_space<vmem>>, vector<1x16xf32>,
        %get3A_724 = vector.shape_cast %get3A_723 : vector<1x16xf32> to vector<16xf32>
        %mul3A_725 = arith.mulf %get3A_720, %get3A_724 : vector<16xf32>
        %get3A_726 = arith.index_cast %add3A_716 : i32 to index
        %get3A_727 = arith.constant 80 : index
        %get3A_728 = tpu.vector_load %arg14[%get3A_726, %get3A_727] {strides = array<i32>} : memref<128x128xf32, #tpu.memory_space<vmem>>, vector<1x16xf32>,
        %get3A_729 = vector.shape_cast %get3A_728 : vector<1x16xf32> to vector<16xf32>
        %get3A_730 = arith.index_cast %add3A_716 : i32 to index
        %get3A_731 = arith.constant 16 : index
        %get3A_732 = tpu.vector_load %arg11[%get3A_730, %get3A_731] {strides = array<i32>} : memref<128x128xf32, #tpu.memory_space<vmem>>, vector<1x16xf32>,
        %get3A_733 = vector.shape_cast %get3A_732 : vector<1x16xf32> to vector<16xf32>
        %mul3A_734 = arith.mulf %get3A_729, %get3A_733 : vector<16xf32>
        %add3A_735 = arith.addf %mul3A_725, %mul3A_734 : vector<16xf32>
        %get3A_736 = arith.index_cast %add3A_716 : i32 to index
        %get3A_737 = arith.constant 96 : index
        %get3A_738 = tpu.vector_load %arg14[%get3A_736, %get3A_737] {strides = array<i32>} : memref<128x128xf32, #tpu.memory_space<vmem>>, vector<1x16xf32>,
        %get3A_739 = vector.shape_cast %get3A_738 : vector<1x16xf32> to vector<16xf32>
        %get3A_740 = arith.index_cast %add3A_716 : i32 to index
        %get3A_741 = arith.constant 32 : index
        %get3A_742 = tpu.vector_load %arg11[%get3A_740, %get3A_741] {strides = array<i32>} : memref<128x128xf32, #tpu.memory_space<vmem>>, vector<1x16xf32>,
        %get3A_743 = vector.shape_cast %get3A_742 : vector<1x16xf32> to vector<16xf32>
        %mul3A_744 = arith.mulf %get3A_739, %get3A_743 : vector<16xf32>
        %add3A_745 = arith.addf %add3A_735, %mul3A_744 : vector<16xf32>
        %get3A_746 = arith.index_cast %add3A_716 : i32 to index
        %get3A_747 = arith.constant 112 : index
        %get3A_748 = tpu.vector_load %arg14[%get3A_746, %get3A_747] {strides = array<i32>} : memref<128x128xf32, #tpu.memory_space<vmem>>, vector<1x16xf32>,
        %get3A_749 = vector.shape_cast %get3A_748 : vector<1x16xf32> to vector<16xf32>
        %get3A_750 = arith.index_cast %add3A_716 : i32 to index
        %get3A_751 = arith.constant 48 : index
        %get3A_752 = tpu.vector_load %arg11[%get3A_750, %get3A_751] {strides = array<i32>} : memref<128x128xf32, #tpu.memory_space<vmem>>, vector<1x16xf32>,
        %get3A_753 = vector.shape_cast %get3A_752 : vector<1x16xf32> to vector<16xf32>
        %mul3A_754 = arith.mulf %get3A_749, %get3A_753 : vector<16xf32>
        %add3A_755 = arith.addf %add3A_745, %mul3A_754 : vector<16xf32>
        %jit3A_756 = arith.constant 8 : i32
        %div3A_757 = arith.divsi %add3A_716, %jit3A_756 : i32
        %sign3A_758 = arith.constant 0 : i32
        %sign3A_759 = arith.cmpi sgt, %add3A_716, %sign3A_758 : i32
        %sign3A_760 = arith.extui %sign3A_759 : i1 to i32
        %sign3A_761 = arith.constant 0 : i32
        %sign3A_762 = arith.cmpi slt, %add3A_716, %sign3A_761 : i32
        %sign3A_763 = arith.extui %sign3A_762 : i1 to i32
        %sign3A_764 = arith.subi %sign3A_760, %sign3A_763 : i32
        %sign3A_765 = arith.constant 0 : i32
        %sign3A_766 = arith.cmpi sgt, %jit3A_756, %sign3A_765 : i32
        %sign3A_767 = arith.extui %sign3A_766 : i1 to i32
        %sign3A_768 = arith.constant 0 : i32
        %sign3A_769 = arith.cmpi slt, %jit3A_756, %sign3A_768 : i32
        %sign3A_770 = arith.extui %sign3A_769 : i1 to i32
        %sign3A_771 = arith.subi %sign3A_767, %sign3A_770 : i32
        %ne3A_772 = arith.cmpi ne, %sign3A_764, %sign3A_771 : i32
        %rem3A_773 = arith.remsi %add3A_716, %jit3A_756 : i32
        %ne3A_774 = arith.constant 0 : i32
        %ne3A_775 = arith.cmpi ne, %rem3A_773, %ne3A_774 : i32
        %and3A_776 = arith.andi %ne3A_772, %ne3A_775 : i1
        %sub3A_777 = arith.constant 1 : i32
        %sub3A_778 = arith.subi %div3A_757, %sub3A_777 : i32
        %select_n3A_779 = arith.select %and3A_776, %sub3A_778, %div3A_757 : i32
        %jit3A_780 = arith.constant 8 : i32
        %eq3A_781 = arith.constant 0 : i32
        %eq3A_782 = arith.cmpi eq, %jit3A_780, %eq3A_781 : i32
        %jit3A_783 = arith.constant 1 : i32
        %select_n3A_784 = arith.select %eq3A_782, %jit3A_783, %jit3A_780 : i32
        %rem3A_785 = arith.remsi %add3A_716, %select_n3A_784 : i32
        %ne3A_786 = arith.constant 0 : i32
        %ne3A_787 = arith.cmpi ne, %rem3A_785, %ne3A_786 : i32
        %lt3A_788 = arith.constant 0 : i32
        %lt3A_789 = arith.cmpi slt, %rem3A_785, %lt3A_788 : i32
        %lt3A_790 = arith.constant 0 : i32
        %lt3A_791 = arith.cmpi slt, %select_n3A_784, %lt3A_790 : i32
        %ne3A_792 = arith.xori %lt3A_789, %lt3A_791 : i1
        %and3A_793 = arith.andi %ne3A_792, %ne3A_787 : i1
        %add3A_794 = arith.addi %rem3A_785, %select_n3A_784 : i32
        %select_n3A_795 = arith.select %and3A_793, %add3A_794, %rem3A_785 : i32
        %mul3A_796 = arith.constant 16 : i32
        %mul3A_797 = arith.muli %select_n3A_795, %mul3A_796 : i32
        %swap3A_798 = arith.index_cast %add3A_65 : i32 to index
        %swap3A_799 = arith.index_cast %select_n3A_779 : i32 to index
        %swap3A_800 = arith.index_cast %mul3A_797 : i32 to index
        %swap3A_801 = tpu.vector_load %arg16[%swap3A_798, %swap3A_799, %swap3A_800] {strides = array<i32>} : memref<20x16x128xf32, #tpu.memory_space<vmem>>, vector<1x1x16xf32>,
        %swap3A_802 = vector.shape_cast %swap3A_801 : vector<1x1x16xf32> to vector<16xf32>
        %swap3A_803 = vector.shape_cast %add3A_755 : vector<16xf32> to vector<1x1x16xf32>
        tpu.vector_store %arg16[%swap3A_798, %swap3A_799, %swap3A_800], %swap3A_803 {strides = array<i32>} : memref<20x16x128xf32, #tpu.memory_space<vmem>>, vector<1x1x16xf32>,
        %mul3A_804 = arith.constant 16 : i32
        %mul3A_805 = arith.muli %scan3A_86, %mul3A_804 : i32
        %add3A_806 = arith.constant 8 : i32
        %add3A_807 = arith.addi %mul3A_805, %add3A_806 : i32
        %get3A_808 = arith.index_cast %add3A_807 : i32 to index
        %get3A_809 = arith.constant 64 : index
        %get3A_810 = tpu.vector_load %arg14[%get3A_808, %get3A_809] {strides = array<i32>} : memref<128x128xf32, #tpu.memory_space<vmem>>, vector<1x16xf32>,
        %get3A_811 = vector.shape_cast %get3A_810 : vector<1x16xf32> to vector<16xf32>
        %get3A_812 = arith.index_cast %add3A_807 : i32 to index
        %get3A_813 = arith.constant 0 : index
        %get3A_814 = tpu.vector_load %arg11[%get3A_812, %get3A_813] {strides = array<i32>} : memref<128x128xf32, #tpu.memory_space<vmem>>, vector<1x16xf32>,
        %get3A_815 = vector.shape_cast %get3A_814 : vector<1x16xf32> to vector<16xf32>
        %mul3A_816 = arith.mulf %get3A_811, %get3A_815 : vector<16xf32>
        %get3A_817 = arith.index_cast %add3A_807 : i32 to index
        %get3A_818 = arith.constant 80 : index
        %get3A_819 = tpu.vector_load %arg14[%get3A_817, %get3A_818] {strides = array<i32>} : memref<128x128xf32, #tpu.memory_space<vmem>>, vector<1x16xf32>,
        %get3A_820 = vector.shape_cast %get3A_819 : vector<1x16xf32> to vector<16xf32>
        %get3A_821 = arith.index_cast %add3A_807 : i32 to index
        %get3A_822 = arith.constant 16 : index
        %get3A_823 = tpu.vector_load %arg11[%get3A_821, %get3A_822] {strides = array<i32>} : memref<128x128xf32, #tpu.memory_space<vmem>>, vector<1x16xf32>,
        %get3A_824 = vector.shape_cast %get3A_823 : vector<1x16xf32> to vector<16xf32>
        %mul3A_825 = arith.mulf %get3A_820, %get3A_824 : vector<16xf32>
        %add3A_826 = arith.addf %mul3A_816, %mul3A_825 : vector<16xf32>
        %get3A_827 = arith.index_cast %add3A_807 : i32 to index
        %get3A_828 = arith.constant 96 : index
        %get3A_829 = tpu.vector_load %arg14[%get3A_827, %get3A_828] {strides = array<i32>} : memref<128x128xf32, #tpu.memory_space<vmem>>, vector<1x16xf32>,
        %get3A_830 = vector.shape_cast %get3A_829 : vector<1x16xf32> to vector<16xf32>
        %get3A_831 = arith.index_cast %add3A_807 : i32 to index
        %get3A_832 = arith.constant 32 : index
        %get3A_833 = tpu.vector_load %arg11[%get3A_831, %get3A_832] {strides = array<i32>} : memref<128x128xf32, #tpu.memory_space<vmem>>, vector<1x16xf32>,
        %get3A_834 = vector.shape_cast %get3A_833 : vector<1x16xf32> to vector<16xf32>
        %mul3A_835 = arith.mulf %get3A_830, %get3A_834 : vector<16xf32>
        %add3A_836 = arith.addf %add3A_826, %mul3A_835 : vector<16xf32>
        %get3A_837 = arith.index_cast %add3A_807 : i32 to index
        %get3A_838 = arith.constant 112 : index
        %get3A_839 = tpu.vector_load %arg14[%get3A_837, %get3A_838] {strides = array<i32>} : memref<128x128xf32, #tpu.memory_space<vmem>>, vector<1x16xf32>,
        %get3A_840 = vector.shape_cast %get3A_839 : vector<1x16xf32> to vector<16xf32>
        %get3A_841 = arith.index_cast %add3A_807 : i32 to index
        %get3A_842 = arith.constant 48 : index
        %get3A_843 = tpu.vector_load %arg11[%get3A_841, %get3A_842] {strides = array<i32>} : memref<128x128xf32, #tpu.memory_space<vmem>>, vector<1x16xf32>,
        %get3A_844 = vector.shape_cast %get3A_843 : vector<1x16xf32> to vector<16xf32>
        %mul3A_845 = arith.mulf %get3A_840, %get3A_844 : vector<16xf32>
        %add3A_846 = arith.addf %add3A_836, %mul3A_845 : vector<16xf32>
        %jit3A_847 = arith.constant 8 : i32
        %div3A_848 = arith.divsi %add3A_807, %jit3A_847 : i32
        %sign3A_849 = arith.constant 0 : i32
        %sign3A_850 = arith.cmpi sgt, %add3A_807, %sign3A_849 : i32
        %sign3A_851 = arith.extui %sign3A_850 : i1 to i32
        %sign3A_852 = arith.constant 0 : i32
        %sign3A_853 = arith.cmpi slt, %add3A_807, %sign3A_852 : i32
        %sign3A_854 = arith.extui %sign3A_853 : i1 to i32
        %sign3A_855 = arith.subi %sign3A_851, %sign3A_854 : i32
        %sign3A_856 = arith.constant 0 : i32
        %sign3A_857 = arith.cmpi sgt, %jit3A_847, %sign3A_856 : i32
        %sign3A_858 = arith.extui %sign3A_857 : i1 to i32
        %sign3A_859 = arith.constant 0 : i32
        %sign3A_860 = arith.cmpi slt, %jit3A_847, %sign3A_859 : i32
        %sign3A_861 = arith.extui %sign3A_860 : i1 to i32
        %sign3A_862 = arith.subi %sign3A_858, %sign3A_861 : i32
        %ne3A_863 = arith.cmpi ne, %sign3A_855, %sign3A_862 : i32
        %rem3A_864 = arith.remsi %add3A_807, %jit3A_847 : i32
        %ne3A_865 = arith.constant 0 : i32
        %ne3A_866 = arith.cmpi ne, %rem3A_864, %ne3A_865 : i32
        %and3A_867 = arith.andi %ne3A_863, %ne3A_866 : i1
        %sub3A_868 = arith.constant 1 : i32
        %sub3A_869 = arith.subi %div3A_848, %sub3A_868 : i32
        %select_n3A_870 = arith.select %and3A_867, %sub3A_869, %div3A_848 : i32
        %jit3A_871 = arith.constant 8 : i32
        %eq3A_872 = arith.constant 0 : i32
        %eq3A_873 = arith.cmpi eq, %jit3A_871, %eq3A_872 : i32
        %jit3A_874 = arith.constant 1 : i32
        %select_n3A_875 = arith.select %eq3A_873, %jit3A_874, %jit3A_871 : i32
        %rem3A_876 = arith.remsi %add3A_807, %select_n3A_875 : i32
        %ne3A_877 = arith.constant 0 : i32
        %ne3A_878 = arith.cmpi ne, %rem3A_876, %ne3A_877 : i32
        %lt3A_879 = arith.constant 0 : i32
        %lt3A_880 = arith.cmpi slt, %rem3A_876, %lt3A_879 : i32
        %lt3A_881 = arith.constant 0 : i32
        %lt3A_882 = arith.cmpi slt, %select_n3A_875, %lt3A_881 : i32
        %ne3A_883 = arith.xori %lt3A_880, %lt3A_882 : i1
        %and3A_884 = arith.andi %ne3A_883, %ne3A_878 : i1
        %add3A_885 = arith.addi %rem3A_876, %select_n3A_875 : i32
        %select_n3A_886 = arith.select %and3A_884, %add3A_885, %rem3A_876 : i32
        %mul3A_887 = arith.constant 16 : i32
        %mul3A_888 = arith.muli %select_n3A_886, %mul3A_887 : i32
        %swap3A_889 = arith.index_cast %add3A_65 : i32 to index
        %swap3A_890 = arith.index_cast %select_n3A_870 : i32 to index
        %swap3A_891 = arith.index_cast %mul3A_888 : i32 to index
        %swap3A_892 = tpu.vector_load %arg16[%swap3A_889, %swap3A_890, %swap3A_891] {strides = array<i32>} : memref<20x16x128xf32, #tpu.memory_space<vmem>>, vector<1x1x16xf32>,
        %swap3A_893 = vector.shape_cast %swap3A_892 : vector<1x1x16xf32> to vector<16xf32>
        %swap3A_894 = vector.shape_cast %add3A_846 : vector<16xf32> to vector<1x1x16xf32>
        tpu.vector_store %arg16[%swap3A_889, %swap3A_890, %swap3A_891], %swap3A_894 {strides = array<i32>} : memref<20x16x128xf32, #tpu.memory_space<vmem>>, vector<1x1x16xf32>,
        %mul3A_895 = arith.constant 16 : i32
        %mul3A_896 = arith.muli %scan3A_86, %mul3A_895 : i32
        %add3A_897 = arith.constant 9 : i32
        %add3A_898 = arith.addi %mul3A_896, %add3A_897 : i32
        %get3A_899 = arith.index_cast %add3A_898 : i32 to index
        %get3A_900 = arith.constant 64 : index
        %get3A_901 = tpu.vector_load %arg14[%get3A_899, %get3A_900] {strides = array<i32>} : memref<128x128xf32, #tpu.memory_space<vmem>>, vector<1x16xf32>,
        %get3A_902 = vector.shape_cast %get3A_901 : vector<1x16xf32> to vector<16xf32>
        %get3A_903 = arith.index_cast %add3A_898 : i32 to index
        %get3A_904 = arith.constant 0 : index
        %get3A_905 = tpu.vector_load %arg11[%get3A_903, %get3A_904] {strides = array<i32>} : memref<128x128xf32, #tpu.memory_space<vmem>>, vector<1x16xf32>,
        %get3A_906 = vector.shape_cast %get3A_905 : vector<1x16xf32> to vector<16xf32>
        %mul3A_907 = arith.mulf %get3A_902, %get3A_906 : vector<16xf32>
        %get3A_908 = arith.index_cast %add3A_898 : i32 to index
        %get3A_909 = arith.constant 80 : index
        %get3A_910 = tpu.vector_load %arg14[%get3A_908, %get3A_909] {strides = array<i32>} : memref<128x128xf32, #tpu.memory_space<vmem>>, vector<1x16xf32>,
        %get3A_911 = vector.shape_cast %get3A_910 : vector<1x16xf32> to vector<16xf32>
        %get3A_912 = arith.index_cast %add3A_898 : i32 to index
        %get3A_913 = arith.constant 16 : index
        %get3A_914 = tpu.vector_load %arg11[%get3A_912, %get3A_913] {strides = array<i32>} : memref<128x128xf32, #tpu.memory_space<vmem>>, vector<1x16xf32>,
        %get3A_915 = vector.shape_cast %get3A_914 : vector<1x16xf32> to vector<16xf32>
        %mul3A_916 = arith.mulf %get3A_911, %get3A_915 : vector<16xf32>
        %add3A_917 = arith.addf %mul3A_907, %mul3A_916 : vector<16xf32>
        %get3A_918 = arith.index_cast %add3A_898 : i32 to index
        %get3A_919 = arith.constant 96 : index
        %get3A_920 = tpu.vector_load %arg14[%get3A_918, %get3A_919] {strides = array<i32>} : memref<128x128xf32, #tpu.memory_space<vmem>>, vector<1x16xf32>,
        %get3A_921 = vector.shape_cast %get3A_920 : vector<1x16xf32> to vector<16xf32>
        %get3A_922 = arith.index_cast %add3A_898 : i32 to index
        %get3A_923 = arith.constant 32 : index
        %get3A_924 = tpu.vector_load %arg11[%get3A_922, %get3A_923] {strides = array<i32>} : memref<128x128xf32, #tpu.memory_space<vmem>>, vector<1x16xf32>,
        %get3A_925 = vector.shape_cast %get3A_924 : vector<1x16xf32> to vector<16xf32>
        %mul3A_926 = arith.mulf %get3A_921, %get3A_925 : vector<16xf32>
        %add3A_927 = arith.addf %add3A_917, %mul3A_926 : vector<16xf32>
        %get3A_928 = arith.index_cast %add3A_898 : i32 to index
        %get3A_929 = arith.constant 112 : index
        %get3A_930 = tpu.vector_load %arg14[%get3A_928, %get3A_929] {strides = array<i32>} : memref<128x128xf32, #tpu.memory_space<vmem>>, vector<1x16xf32>,
        %get3A_931 = vector.shape_cast %get3A_930 : vector<1x16xf32> to vector<16xf32>
        %get3A_932 = arith.index_cast %add3A_898 : i32 to index
        %get3A_933 = arith.constant 48 : index
        %get3A_934 = tpu.vector_load %arg11[%get3A_932, %get3A_933] {strides = array<i32>} : memref<128x128xf32, #tpu.memory_space<vmem>>, vector<1x16xf32>,
        %get3A_935 = vector.shape_cast %get3A_934 : vector<1x16xf32> to vector<16xf32>
        %mul3A_936 = arith.mulf %get3A_931, %get3A_935 : vector<16xf32>
        %add3A_937 = arith.addf %add3A_927, %mul3A_936 : vector<16xf32>
        %jit3A_938 = arith.constant 8 : i32
        %div3A_939 = arith.divsi %add3A_898, %jit3A_938 : i32
        %sign3A_940 = arith.constant 0 : i32
        %sign3A_941 = arith.cmpi sgt, %add3A_898, %sign3A_940 : i32
        %sign3A_942 = arith.extui %sign3A_941 : i1 to i32
        %sign3A_943 = arith.constant 0 : i32
        %sign3A_944 = arith.cmpi slt, %add3A_898, %sign3A_943 : i32
        %sign3A_945 = arith.extui %sign3A_944 : i1 to i32
        %sign3A_946 = arith.subi %sign3A_942, %sign3A_945 : i32
        %sign3A_947 = arith.constant 0 : i32
        %sign3A_948 = arith.cmpi sgt, %jit3A_938, %sign3A_947 : i32
        %sign3A_949 = arith.extui %sign3A_948 : i1 to i32
        %sign3A_950 = arith.constant 0 : i32
        %sign3A_951 = arith.cmpi slt, %jit3A_938, %sign3A_950 : i32
        %sign3A_952 = arith.extui %sign3A_951 : i1 to i32
        %sign3A_953 = arith.subi %sign3A_949, %sign3A_952 : i32
        %ne3A_954 = arith.cmpi ne, %sign3A_946, %sign3A_953 : i32
        %rem3A_955 = arith.remsi %add3A_898, %jit3A_938 : i32
        %ne3A_956 = arith.constant 0 : i32
        %ne3A_957 = arith.cmpi ne, %rem3A_955, %ne3A_956 : i32
        %and3A_958 = arith.andi %ne3A_954, %ne3A_957 : i1
        %sub3A_959 = arith.constant 1 : i32
        %sub3A_960 = arith.subi %div3A_939, %sub3A_959 : i32
        %select_n3A_961 = arith.select %and3A_958, %sub3A_960, %div3A_939 : i32
        %jit3A_962 = arith.constant 8 : i32
        %eq3A_963 = arith.constant 0 : i32
        %eq3A_964 = arith.cmpi eq, %jit3A_962, %eq3A_963 : i32
        %jit3A_965 = arith.constant 1 : i32
        %select_n3A_966 = arith.select %eq3A_964, %jit3A_965, %jit3A_962 : i32
        %rem3A_967 = arith.remsi %add3A_898, %select_n3A_966 : i32
        %ne3A_968 = arith.constant 0 : i32
        %ne3A_969 = arith.cmpi ne, %rem3A_967, %ne3A_968 : i32
        %lt3A_970 = arith.constant 0 : i32
        %lt3A_971 = arith.cmpi slt, %rem3A_967, %lt3A_970 : i32
        %lt3A_972 = arith.constant 0 : i32
        %lt3A_973 = arith.cmpi slt, %select_n3A_966, %lt3A_972 : i32
        %ne3A_974 = arith.xori %lt3A_971, %lt3A_973 : i1
        %and3A_975 = arith.andi %ne3A_974, %ne3A_969 : i1
        %add3A_976 = arith.addi %rem3A_967, %select_n3A_966 : i32
        %select_n3A_977 = arith.select %and3A_975, %add3A_976, %rem3A_967 : i32
        %mul3A_978 = arith.constant 16 : i32
        %mul3A_979 = arith.muli %select_n3A_977, %mul3A_978 : i32
        %swap3A_980 = arith.index_cast %add3A_65 : i32 to index
        %swap3A_981 = arith.index_cast %select_n3A_961 : i32 to index
        %swap3A_982 = arith.index_cast %mul3A_979 : i32 to index
        %swap3A_983 = tpu.vector_load %arg16[%swap3A_980, %swap3A_981, %swap3A_982] {strides = array<i32>} : memref<20x16x128xf32, #tpu.memory_space<vmem>>, vector<1x1x16xf32>,
        %swap3A_984 = vector.shape_cast %swap3A_983 : vector<1x1x16xf32> to vector<16xf32>
        %swap3A_985 = vector.shape_cast %add3A_937 : vector<16xf32> to vector<1x1x16xf32>
        tpu.vector_store %arg16[%swap3A_980, %swap3A_981, %swap3A_982], %swap3A_985 {strides = array<i32>} : memref<20x16x128xf32, #tpu.memory_space<vmem>>, vector<1x1x16xf32>,
        %mul3A_986 = arith.constant 16 : i32
        %mul3A_987 = arith.muli %scan3A_86, %mul3A_986 : i32
        %add3A_988 = arith.constant 10 : i32
        %add3A_989 = arith.addi %mul3A_987, %add3A_988 : i32
        %get3A_990 = arith.index_cast %add3A_989 : i32 to index
        %get3A_991 = arith.constant 64 : index
        %get3A_992 = tpu.vector_load %arg14[%get3A_990, %get3A_991] {strides = array<i32>} : memref<128x128xf32, #tpu.memory_space<vmem>>, vector<1x16xf32>,
        %get3A_993 = vector.shape_cast %get3A_992 : vector<1x16xf32> to vector<16xf32>
        %get3A_994 = arith.index_cast %add3A_989 : i32 to index
        %get3A_995 = arith.constant 0 : index
        %get3A_996 = tpu.vector_load %arg11[%get3A_994, %get3A_995] {strides = array<i32>} : memref<128x128xf32, #tpu.memory_space<vmem>>, vector<1x16xf32>,
        %get3A_997 = vector.shape_cast %get3A_996 : vector<1x16xf32> to vector<16xf32>
        %mul3A_998 = arith.mulf %get3A_993, %get3A_997 : vector<16xf32>
        %get3A_999 = arith.index_cast %add3A_989 : i32 to index
        %get3A_1000 = arith.constant 80 : index
        %get3A_1001 = tpu.vector_load %arg14[%get3A_999, %get3A_1000] {strides = array<i32>} : memref<128x128xf32, #tpu.memory_space<vmem>>, vector<1x16xf32>,
        %get3A_1002 = vector.shape_cast %get3A_1001 : vector<1x16xf32> to vector<16xf32>
        %get3A_1003 = arith.index_cast %add3A_989 : i32 to index
        %get3A_1004 = arith.constant 16 : index
        %get3A_1005 = tpu.vector_load %arg11[%get3A_1003, %get3A_1004] {strides = array<i32>} : memref<128x128xf32, #tpu.memory_space<vmem>>, vector<1x16xf32>,
        %get3A_1006 = vector.shape_cast %get3A_1005 : vector<1x16xf32> to vector<16xf32>
        %mul3A_1007 = arith.mulf %get3A_1002, %get3A_1006 : vector<16xf32>
        %add3A_1008 = arith.addf %mul3A_998, %mul3A_1007 : vector<16xf32>
        %get3A_1009 = arith.index_cast %add3A_989 : i32 to index
        %get3A_1010 = arith.constant 96 : index
        %get3A_1011 = tpu.vector_load %arg14[%get3A_1009, %get3A_1010] {strides = array<i32>} : memref<128x128xf32, #tpu.memory_space<vmem>>, vector<1x16xf32>,
        %get3A_1012 = vector.shape_cast %get3A_1011 : vector<1x16xf32> to vector<16xf32>
        %get3A_1013 = arith.index_cast %add3A_989 : i32 to index
        %get3A_1014 = arith.constant 32 : index
        %get3A_1015 = tpu.vector_load %arg11[%get3A_1013, %get3A_1014] {strides = array<i32>} : memref<128x128xf32, #tpu.memory_space<vmem>>, vector<1x16xf32>,
        %get3A_1016 = vector.shape_cast %get3A_1015 : vector<1x16xf32> to vector<16xf32>
        %mul3A_1017 = arith.mulf %get3A_1012, %get3A_1016 : vector<16xf32>
        %add3A_1018 = arith.addf %add3A_1008, %mul3A_1017 : vector<16xf32>
        %get3A_1019 = arith.index_cast %add3A_989 : i32 to index
        %get3A_1020 = arith.constant 112 : index
        %get3A_1021 = tpu.vector_load %arg14[%get3A_1019, %get3A_1020] {strides = array<i32>} : memref<128x128xf32, #tpu.memory_space<vmem>>, vector<1x16xf32>,
        %get3A_1022 = vector.shape_cast %get3A_1021 : vector<1x16xf32> to vector<16xf32>
        %get3A_1023 = arith.index_cast %add3A_989 : i32 to index
        %get3A_1024 = arith.constant 48 : index
        %get3A_1025 = tpu.vector_load %arg11[%get3A_1023, %get3A_1024] {strides = array<i32>} : memref<128x128xf32, #tpu.memory_space<vmem>>, vector<1x16xf32>,
        %get3A_1026 = vector.shape_cast %get3A_1025 : vector<1x16xf32> to vector<16xf32>
        %mul3A_1027 = arith.mulf %get3A_1022, %get3A_1026 : vector<16xf32>
        %add3A_1028 = arith.addf %add3A_1018, %mul3A_1027 : vector<16xf32>
        %jit3A_1029 = arith.constant 8 : i32
        %div3A_1030 = arith.divsi %add3A_989, %jit3A_1029 : i32
        %sign3A_1031 = arith.constant 0 : i32
        %sign3A_1032 = arith.cmpi sgt, %add3A_989, %sign3A_1031 : i32
        %sign3A_1033 = arith.extui %sign3A_1032 : i1 to i32
        %sign3A_1034 = arith.constant 0 : i32
        %sign3A_1035 = arith.cmpi slt, %add3A_989, %sign3A_1034 : i32
        %sign3A_1036 = arith.extui %sign3A_1035 : i1 to i32
        %sign3A_1037 = arith.subi %sign3A_1033, %sign3A_1036 : i32
        %sign3A_1038 = arith.constant 0 : i32
        %sign3A_1039 = arith.cmpi sgt, %jit3A_1029, %sign3A_1038 : i32
        %sign3A_1040 = arith.extui %sign3A_1039 : i1 to i32
        %sign3A_1041 = arith.constant 0 : i32
        %sign3A_1042 = arith.cmpi slt, %jit3A_1029, %sign3A_1041 : i32
        %sign3A_1043 = arith.extui %sign3A_1042 : i1 to i32
        %sign3A_1044 = arith.subi %sign3A_1040, %sign3A_1043 : i32
        %ne3A_1045 = arith.cmpi ne, %sign3A_1037, %sign3A_1044 : i32
        %rem3A_1046 = arith.remsi %add3A_989, %jit3A_1029 : i32
        %ne3A_1047 = arith.constant 0 : i32
        %ne3A_1048 = arith.cmpi ne, %rem3A_1046, %ne3A_1047 : i32
        %and3A_1049 = arith.andi %ne3A_1045, %ne3A_1048 : i1
        %sub3A_1050 = arith.constant 1 : i32
        %sub3A_1051 = arith.subi %div3A_1030, %sub3A_1050 : i32
        %select_n3A_1052 = arith.select %and3A_1049, %sub3A_1051, %div3A_1030 : i32
        %jit3A_1053 = arith.constant 8 : i32
        %eq3A_1054 = arith.constant 0 : i32
        %eq3A_1055 = arith.cmpi eq, %jit3A_1053, %eq3A_1054 : i32
        %jit3A_1056 = arith.constant 1 : i32
        %select_n3A_1057 = arith.select %eq3A_1055, %jit3A_1056, %jit3A_1053 : i32
        %rem3A_1058 = arith.remsi %add3A_989, %select_n3A_1057 : i32
        %ne3A_1059 = arith.constant 0 : i32
        %ne3A_1060 = arith.cmpi ne, %rem3A_1058, %ne3A_1059 : i32
        %lt3A_1061 = arith.constant 0 : i32
        %lt3A_1062 = arith.cmpi slt, %rem3A_1058, %lt3A_1061 : i32
        %lt3A_1063 = arith.constant 0 : i32
        %lt3A_1064 = arith.cmpi slt, %select_n3A_1057, %lt3A_1063 : i32
        %ne3A_1065 = arith.xori %lt3A_1062, %lt3A_1064 : i1
        %and3A_1066 = arith.andi %ne3A_1065, %ne3A_1060 : i1
        %add3A_1067 = arith.addi %rem3A_1058, %select_n3A_1057 : i32
        %select_n3A_1068 = arith.select %and3A_1066, %add3A_1067, %rem3A_1058 : i32
        %mul3A_1069 = arith.constant 16 : i32
        %mul3A_1070 = arith.muli %select_n3A_1068, %mul3A_1069 : i32
        %swap3A_1071 = arith.index_cast %add3A_65 : i32 to index
        %swap3A_1072 = arith.index_cast %select_n3A_1052 : i32 to index
        %swap3A_1073 = arith.index_cast %mul3A_1070 : i32 to index
        %swap3A_1074 = tpu.vector_load %arg16[%swap3A_1071, %swap3A_1072, %swap3A_1073] {strides = array<i32>} : memref<20x16x128xf32, #tpu.memory_space<vmem>>, vector<1x1x16xf32>,
        %swap3A_1075 = vector.shape_cast %swap3A_1074 : vector<1x1x16xf32> to vector<16xf32>
        %swap3A_1076 = vector.shape_cast %add3A_1028 : vector<16xf32> to vector<1x1x16xf32>
        tpu.vector_store %arg16[%swap3A_1071, %swap3A_1072, %swap3A_1073], %swap3A_1076 {strides = array<i32>} : memref<20x16x128xf32, #tpu.memory_space<vmem>>, vector<1x1x16xf32>,
        %mul3A_1077 = arith.constant 16 : i32
        %mul3A_1078 = arith.muli %scan3A_86, %mul3A_1077 : i32
        %add3A_1079 = arith.constant 11 : i32
        %add3A_1080 = arith.addi %mul3A_1078, %add3A_1079 : i32
        %get3A_1081 = arith.index_cast %add3A_1080 : i32 to index
        %get3A_1082 = arith.constant 64 : index
        %get3A_1083 = tpu.vector_load %arg14[%get3A_1081, %get3A_1082] {strides = array<i32>} : memref<128x128xf32, #tpu.memory_space<vmem>>, vector<1x16xf32>,
        %get3A_1084 = vector.shape_cast %get3A_1083 : vector<1x16xf32> to vector<16xf32>
        %get3A_1085 = arith.index_cast %add3A_1080 : i32 to index
        %get3A_1086 = arith.constant 0 : index
        %get3A_1087 = tpu.vector_load %arg11[%get3A_1085, %get3A_1086] {strides = array<i32>} : memref<128x128xf32, #tpu.memory_space<vmem>>, vector<1x16xf32>,
        %get3A_1088 = vector.shape_cast %get3A_1087 : vector<1x16xf32> to vector<16xf32>
        %mul3A_1089 = arith.mulf %get3A_1084, %get3A_1088 : vector<16xf32>
        %get3A_1090 = arith.index_cast %add3A_1080 : i32 to index
        %get3A_1091 = arith.constant 80 : index
        %get3A_1092 = tpu.vector_load %arg14[%get3A_1090, %get3A_1091] {strides = array<i32>} : memref<128x128xf32, #tpu.memory_space<vmem>>, vector<1x16xf32>,
        %get3A_1093 = vector.shape_cast %get3A_1092 : vector<1x16xf32> to vector<16xf32>
        %get3A_1094 = arith.index_cast %add3A_1080 : i32 to index
        %get3A_1095 = arith.constant 16 : index
        %get3A_1096 = tpu.vector_load %arg11[%get3A_1094, %get3A_1095] {strides = array<i32>} : memref<128x128xf32, #tpu.memory_space<vmem>>, vector<1x16xf32>,
        %get3A_1097 = vector.shape_cast %get3A_1096 : vector<1x16xf32> to vector<16xf32>
        %mul3A_1098 = arith.mulf %get3A_1093, %get3A_1097 : vector<16xf32>
        %add3A_1099 = arith.addf %mul3A_1089, %mul3A_1098 : vector<16xf32>
        %get3A_1100 = arith.index_cast %add3A_1080 : i32 to index
        %get3A_1101 = arith.constant 96 : index
        %get3A_1102 = tpu.vector_load %arg14[%get3A_1100, %get3A_1101] {strides = array<i32>} : memref<128x128xf32, #tpu.memory_space<vmem>>, vector<1x16xf32>,
        %get3A_1103 = vector.shape_cast %get3A_1102 : vector<1x16xf32> to vector<16xf32>
        %get3A_1104 = arith.index_cast %add3A_1080 : i32 to index
        %get3A_1105 = arith.constant 32 : index
        %get3A_1106 = tpu.vector_load %arg11[%get3A_1104, %get3A_1105] {strides = array<i32>} : memref<128x128xf32, #tpu.memory_space<vmem>>, vector<1x16xf32>,
        %get3A_1107 = vector.shape_cast %get3A_1106 : vector<1x16xf32> to vector<16xf32>
        %mul3A_1108 = arith.mulf %get3A_1103, %get3A_1107 : vector<16xf32>
        %add3A_1109 = arith.addf %add3A_1099, %mul3A_1108 : vector<16xf32>
        %get3A_1110 = arith.index_cast %add3A_1080 : i32 to index
        %get3A_1111 = arith.constant 112 : index
        %get3A_1112 = tpu.vector_load %arg14[%get3A_1110, %get3A_1111] {strides = array<i32>} : memref<128x128xf32, #tpu.memory_space<vmem>>, vector<1x16xf32>,
        %get3A_1113 = vector.shape_cast %get3A_1112 : vector<1x16xf32> to vector<16xf32>
        %get3A_1114 = arith.index_cast %add3A_1080 : i32 to index
        %get3A_1115 = arith.constant 48 : index
        %get3A_1116 = tpu.vector_load %arg11[%get3A_1114, %get3A_1115] {strides = array<i32>} : memref<128x128xf32, #tpu.memory_space<vmem>>, vector<1x16xf32>,
        %get3A_1117 = vector.shape_cast %get3A_1116 : vector<1x16xf32> to vector<16xf32>
        %mul3A_1118 = arith.mulf %get3A_1113, %get3A_1117 : vector<16xf32>
        %add3A_1119 = arith.addf %add3A_1109, %mul3A_1118 : vector<16xf32>
        %jit3A_1120 = arith.constant 8 : i32
        %div3A_1121 = arith.divsi %add3A_1080, %jit3A_1120 : i32
        %sign3A_1122 = arith.constant 0 : i32
        %sign3A_1123 = arith.cmpi sgt, %add3A_1080, %sign3A_1122 : i32
        %sign3A_1124 = arith.extui %sign3A_1123 : i1 to i32
        %sign3A_1125 = arith.constant 0 : i32
        %sign3A_1126 = arith.cmpi slt, %add3A_1080, %sign3A_1125 : i32
        %sign3A_1127 = arith.extui %sign3A_1126 : i1 to i32
        %sign3A_1128 = arith.subi %sign3A_1124, %sign3A_1127 : i32
        %sign3A_1129 = arith.constant 0 : i32
        %sign3A_1130 = arith.cmpi sgt, %jit3A_1120, %sign3A_1129 : i32
        %sign3A_1131 = arith.extui %sign3A_1130 : i1 to i32
        %sign3A_1132 = arith.constant 0 : i32
        %sign3A_1133 = arith.cmpi slt, %jit3A_1120, %sign3A_1132 : i32
        %sign3A_1134 = arith.extui %sign3A_1133 : i1 to i32
        %sign3A_1135 = arith.subi %sign3A_1131, %sign3A_1134 : i32
        %ne3A_1136 = arith.cmpi ne, %sign3A_1128, %sign3A_1135 : i32
        %rem3A_1137 = arith.remsi %add3A_1080, %jit3A_1120 : i32
        %ne3A_1138 = arith.constant 0 : i32
        %ne3A_1139 = arith.cmpi ne, %rem3A_1137, %ne3A_1138 : i32
        %and3A_1140 = arith.andi %ne3A_1136, %ne3A_1139 : i1
        %sub3A_1141 = arith.constant 1 : i32
        %sub3A_1142 = arith.subi %div3A_1121, %sub3A_1141 : i32
        %select_n3A_1143 = arith.select %and3A_1140, %sub3A_1142, %div3A_1121 : i32
        %jit3A_1144 = arith.constant 8 : i32
        %eq3A_1145 = arith.constant 0 : i32
        %eq3A_1146 = arith.cmpi eq, %jit3A_1144, %eq3A_1145 : i32
        %jit3A_1147 = arith.constant 1 : i32
        %select_n3A_1148 = arith.select %eq3A_1146, %jit3A_1147, %jit3A_1144 : i32
        %rem3A_1149 = arith.remsi %add3A_1080, %select_n3A_1148 : i32
        %ne3A_1150 = arith.constant 0 : i32
        %ne3A_1151 = arith.cmpi ne, %rem3A_1149, %ne3A_1150 : i32
        %lt3A_1152 = arith.constant 0 : i32
        %lt3A_1153 = arith.cmpi slt, %rem3A_1149, %lt3A_1152 : i32
        %lt3A_1154 = arith.constant 0 : i32
        %lt3A_1155 = arith.cmpi slt, %select_n3A_1148, %lt3A_1154 : i32
        %ne3A_1156 = arith.xori %lt3A_1153, %lt3A_1155 : i1
        %and3A_1157 = arith.andi %ne3A_1156, %ne3A_1151 : i1
        %add3A_1158 = arith.addi %rem3A_1149, %select_n3A_1148 : i32
        %select_n3A_1159 = arith.select %and3A_1157, %add3A_1158, %rem3A_1149 : i32
        %mul3A_1160 = arith.constant 16 : i32
        %mul3A_1161 = arith.muli %select_n3A_1159, %mul3A_1160 : i32
        %swap3A_1162 = arith.index_cast %add3A_65 : i32 to index
        %swap3A_1163 = arith.index_cast %select_n3A_1143 : i32 to index
        %swap3A_1164 = arith.index_cast %mul3A_1161 : i32 to index
        %swap3A_1165 = tpu.vector_load %arg16[%swap3A_1162, %swap3A_1163, %swap3A_1164] {strides = array<i32>} : memref<20x16x128xf32, #tpu.memory_space<vmem>>, vector<1x1x16xf32>,
        %swap3A_1166 = vector.shape_cast %swap3A_1165 : vector<1x1x16xf32> to vector<16xf32>
        %swap3A_1167 = vector.shape_cast %add3A_1119 : vector<16xf32> to vector<1x1x16xf32>
        tpu.vector_store %arg16[%swap3A_1162, %swap3A_1163, %swap3A_1164], %swap3A_1167 {strides = array<i32>} : memref<20x16x128xf32, #tpu.memory_space<vmem>>, vector<1x1x16xf32>,
        %mul3A_1168 = arith.constant 16 : i32
        %mul3A_1169 = arith.muli %scan3A_86, %mul3A_1168 : i32
        %add3A_1170 = arith.constant 12 : i32
        %add3A_1171 = arith.addi %mul3A_1169, %add3A_1170 : i32
        %get3A_1172 = arith.index_cast %add3A_1171 : i32 to index
        %get3A_1173 = arith.constant 64 : index
        %get3A_1174 = tpu.vector_load %arg14[%get3A_1172, %get3A_1173] {strides = array<i32>} : memref<128x128xf32, #tpu.memory_space<vmem>>, vector<1x16xf32>,
        %get3A_1175 = vector.shape_cast %get3A_1174 : vector<1x16xf32> to vector<16xf32>
        %get3A_1176 = arith.index_cast %add3A_1171 : i32 to index
        %get3A_1177 = arith.constant 0 : index
        %get3A_1178 = tpu.vector_load %arg11[%get3A_1176, %get3A_1177] {strides = array<i32>} : memref<128x128xf32, #tpu.memory_space<vmem>>, vector<1x16xf32>,
        %get3A_1179 = vector.shape_cast %get3A_1178 : vector<1x16xf32> to vector<16xf32>
        %mul3A_1180 = arith.mulf %get3A_1175, %get3A_1179 : vector<16xf32>
        %get3A_1181 = arith.index_cast %add3A_1171 : i32 to index
        %get3A_1182 = arith.constant 80 : index
        %get3A_1183 = tpu.vector_load %arg14[%get3A_1181, %get3A_1182] {strides = array<i32>} : memref<128x128xf32, #tpu.memory_space<vmem>>, vector<1x16xf32>,
        %get3A_1184 = vector.shape_cast %get3A_1183 : vector<1x16xf32> to vector<16xf32>
        %get3A_1185 = arith.index_cast %add3A_1171 : i32 to index
        %get3A_1186 = arith.constant 16 : index
        %get3A_1187 = tpu.vector_load %arg11[%get3A_1185, %get3A_1186] {strides = array<i32>} : memref<128x128xf32, #tpu.memory_space<vmem>>, vector<1x16xf32>,
        %get3A_1188 = vector.shape_cast %get3A_1187 : vector<1x16xf32> to vector<16xf32>
        %mul3A_1189 = arith.mulf %get3A_1184, %get3A_1188 : vector<16xf32>
        %add3A_1190 = arith.addf %mul3A_1180, %mul3A_1189 : vector<16xf32>
        %get3A_1191 = arith.index_cast %add3A_1171 : i32 to index
        %get3A_1192 = arith.constant 96 : index
        %get3A_1193 = tpu.vector_load %arg14[%get3A_1191, %get3A_1192] {strides = array<i32>} : memref<128x128xf32, #tpu.memory_space<vmem>>, vector<1x16xf32>,
        %get3A_1194 = vector.shape_cast %get3A_1193 : vector<1x16xf32> to vector<16xf32>
        %get3A_1195 = arith.index_cast %add3A_1171 : i32 to index
        %get3A_1196 = arith.constant 32 : index
        %get3A_1197 = tpu.vector_load %arg11[%get3A_1195, %get3A_1196] {strides = array<i32>} : memref<128x128xf32, #tpu.memory_space<vmem>>, vector<1x16xf32>,
        %get3A_1198 = vector.shape_cast %get3A_1197 : vector<1x16xf32> to vector<16xf32>
        %mul3A_1199 = arith.mulf %get3A_1194, %get3A_1198 : vector<16xf32>
        %add3A_1200 = arith.addf %add3A_1190, %mul3A_1199 : vector<16xf32>
        %get3A_1201 = arith.index_cast %add3A_1171 : i32 to index
        %get3A_1202 = arith.constant 112 : index
        %get3A_1203 = tpu.vector_load %arg14[%get3A_1201, %get3A_1202] {strides = array<i32>} : memref<128x128xf32, #tpu.memory_space<vmem>>, vector<1x16xf32>,
        %get3A_1204 = vector.shape_cast %get3A_1203 : vector<1x16xf32> to vector<16xf32>
        %get3A_1205 = arith.index_cast %add3A_1171 : i32 to index
        %get3A_1206 = arith.constant 48 : index
        %get3A_1207 = tpu.vector_load %arg11[%get3A_1205, %get3A_1206] {strides = array<i32>} : memref<128x128xf32, #tpu.memory_space<vmem>>, vector<1x16xf32>,
        %get3A_1208 = vector.shape_cast %get3A_1207 : vector<1x16xf32> to vector<16xf32>
        %mul3A_1209 = arith.mulf %get3A_1204, %get3A_1208 : vector<16xf32>
        %add3A_1210 = arith.addf %add3A_1200, %mul3A_1209 : vector<16xf32>
        %jit3A_1211 = arith.constant 8 : i32
        %div3A_1212 = arith.divsi %add3A_1171, %jit3A_1211 : i32
        %sign3A_1213 = arith.constant 0 : i32
        %sign3A_1214 = arith.cmpi sgt, %add3A_1171, %sign3A_1213 : i32
        %sign3A_1215 = arith.extui %sign3A_1214 : i1 to i32
        %sign3A_1216 = arith.constant 0 : i32
        %sign3A_1217 = arith.cmpi slt, %add3A_1171, %sign3A_1216 : i32
        %sign3A_1218 = arith.extui %sign3A_1217 : i1 to i32
        %sign3A_1219 = arith.subi %sign3A_1215, %sign3A_1218 : i32
        %sign3A_1220 = arith.constant 0 : i32
        %sign3A_1221 = arith.cmpi sgt, %jit3A_1211, %sign3A_1220 : i32
        %sign3A_1222 = arith.extui %sign3A_1221 : i1 to i32
        %sign3A_1223 = arith.constant 0 : i32
        %sign3A_1224 = arith.cmpi slt, %jit3A_1211, %sign3A_1223 : i32
        %sign3A_1225 = arith.extui %sign3A_1224 : i1 to i32
        %sign3A_1226 = arith.subi %sign3A_1222, %sign3A_1225 : i32
        %ne3A_1227 = arith.cmpi ne, %sign3A_1219, %sign3A_1226 : i32
        %rem3A_1228 = arith.remsi %add3A_1171, %jit3A_1211 : i32
        %ne3A_1229 = arith.constant 0 : i32
        %ne3A_1230 = arith.cmpi ne, %rem3A_1228, %ne3A_1229 : i32
        %and3A_1231 = arith.andi %ne3A_1227, %ne3A_1230 : i1
        %sub3A_1232 = arith.constant 1 : i32
        %sub3A_1233 = arith.subi %div3A_1212, %sub3A_1232 : i32
        %select_n3A_1234 = arith.select %and3A_1231, %sub3A_1233, %div3A_1212 : i32
        %jit3A_1235 = arith.constant 8 : i32
        %eq3A_1236 = arith.constant 0 : i32
        %eq3A_1237 = arith.cmpi eq, %jit3A_1235, %eq3A_1236 : i32
        %jit3A_1238 = arith.constant 1 : i32
        %select_n3A_1239 = arith.select %eq3A_1237, %jit3A_1238, %jit3A_1235 : i32
        %rem3A_1240 = arith.remsi %add3A_1171, %select_n3A_1239 : i32
        %ne3A_1241 = arith.constant 0 : i32
        %ne3A_1242 = arith.cmpi ne, %rem3A_1240, %ne3A_1241 : i32
        %lt3A_1243 = arith.constant 0 : i32
        %lt3A_1244 = arith.cmpi slt, %rem3A_1240, %lt3A_1243 : i32
        %lt3A_1245 = arith.constant 0 : i32
        %lt3A_1246 = arith.cmpi slt, %select_n3A_1239, %lt3A_1245 : i32
        %ne3A_1247 = arith.xori %lt3A_1244, %lt3A_1246 : i1
        %and3A_1248 = arith.andi %ne3A_1247, %ne3A_1242 : i1
        %add3A_1249 = arith.addi %rem3A_1240, %select_n3A_1239 : i32
        %select_n3A_1250 = arith.select %and3A_1248, %add3A_1249, %rem3A_1240 : i32
        %mul3A_1251 = arith.constant 16 : i32
        %mul3A_1252 = arith.muli %select_n3A_1250, %mul3A_1251 : i32
        %swap3A_1253 = arith.index_cast %add3A_65 : i32 to index
        %swap3A_1254 = arith.index_cast %select_n3A_1234 : i32 to index
        %swap3A_1255 = arith.index_cast %mul3A_1252 : i32 to index
        %swap3A_1256 = tpu.vector_load %arg16[%swap3A_1253, %swap3A_1254, %swap3A_1255] {strides = array<i32>} : memref<20x16x128xf32, #tpu.memory_space<vmem>>, vector<1x1x16xf32>,
        %swap3A_1257 = vector.shape_cast %swap3A_1256 : vector<1x1x16xf32> to vector<16xf32>
        %swap3A_1258 = vector.shape_cast %add3A_1210 : vector<16xf32> to vector<1x1x16xf32>
        tpu.vector_store %arg16[%swap3A_1253, %swap3A_1254, %swap3A_1255], %swap3A_1258 {strides = array<i32>} : memref<20x16x128xf32, #tpu.memory_space<vmem>>, vector<1x1x16xf32>,
        %mul3A_1259 = arith.constant 16 : i32
        %mul3A_1260 = arith.muli %scan3A_86, %mul3A_1259 : i32
        %add3A_1261 = arith.constant 13 : i32
        %add3A_1262 = arith.addi %mul3A_1260, %add3A_1261 : i32
        %get3A_1263 = arith.index_cast %add3A_1262 : i32 to index
        %get3A_1264 = arith.constant 64 : index
        %get3A_1265 = tpu.vector_load %arg14[%get3A_1263, %get3A_1264] {strides = array<i32>} : memref<128x128xf32, #tpu.memory_space<vmem>>, vector<1x16xf32>,
        %get3A_1266 = vector.shape_cast %get3A_1265 : vector<1x16xf32> to vector<16xf32>
        %get3A_1267 = arith.index_cast %add3A_1262 : i32 to index
        %get3A_1268 = arith.constant 0 : index
        %get3A_1269 = tpu.vector_load %arg11[%get3A_1267, %get3A_1268] {strides = array<i32>} : memref<128x128xf32, #tpu.memory_space<vmem>>, vector<1x16xf32>,
        %get3A_1270 = vector.shape_cast %get3A_1269 : vector<1x16xf32> to vector<16xf32>
        %mul3A_1271 = arith.mulf %get3A_1266, %get3A_1270 : vector<16xf32>
        %get3A_1272 = arith.index_cast %add3A_1262 : i32 to index
        %get3A_1273 = arith.constant 80 : index
        %get3A_1274 = tpu.vector_load %arg14[%get3A_1272, %get3A_1273] {strides = array<i32>} : memref<128x128xf32, #tpu.memory_space<vmem>>, vector<1x16xf32>,
        %get3A_1275 = vector.shape_cast %get3A_1274 : vector<1x16xf32> to vector<16xf32>
        %get3A_1276 = arith.index_cast %add3A_1262 : i32 to index
        %get3A_1277 = arith.constant 16 : index
        %get3A_1278 = tpu.vector_load %arg11[%get3A_1276, %get3A_1277] {strides = array<i32>} : memref<128x128xf32, #tpu.memory_space<vmem>>, vector<1x16xf32>,
        %get3A_1279 = vector.shape_cast %get3A_1278 : vector<1x16xf32> to vector<16xf32>
        %mul3A_1280 = arith.mulf %get3A_1275, %get3A_1279 : vector<16xf32>
        %add3A_1281 = arith.addf %mul3A_1271, %mul3A_1280 : vector<16xf32>
        %get3A_1282 = arith.index_cast %add3A_1262 : i32 to index
        %get3A_1283 = arith.constant 96 : index
        %get3A_1284 = tpu.vector_load %arg14[%get3A_1282, %get3A_1283] {strides = array<i32>} : memref<128x128xf32, #tpu.memory_space<vmem>>, vector<1x16xf32>,
        %get3A_1285 = vector.shape_cast %get3A_1284 : vector<1x16xf32> to vector<16xf32>
        %get3A_1286 = arith.index_cast %add3A_1262 : i32 to index
        %get3A_1287 = arith.constant 32 : index
        %get3A_1288 = tpu.vector_load %arg11[%get3A_1286, %get3A_1287] {strides = array<i32>} : memref<128x128xf32, #tpu.memory_space<vmem>>, vector<1x16xf32>,
        %get3A_1289 = vector.shape_cast %get3A_1288 : vector<1x16xf32> to vector<16xf32>
        %mul3A_1290 = arith.mulf %get3A_1285, %get3A_1289 : vector<16xf32>
        %add3A_1291 = arith.addf %add3A_1281, %mul3A_1290 : vector<16xf32>
        %get3A_1292 = arith.index_cast %add3A_1262 : i32 to index
        %get3A_1293 = arith.constant 112 : index
        %get3A_1294 = tpu.vector_load %arg14[%get3A_1292, %get3A_1293] {strides = array<i32>} : memref<128x128xf32, #tpu.memory_space<vmem>>, vector<1x16xf32>,
        %get3A_1295 = vector.shape_cast %get3A_1294 : vector<1x16xf32> to vector<16xf32>
        %get3A_1296 = arith.index_cast %add3A_1262 : i32 to index
        %get3A_1297 = arith.constant 48 : index
        %get3A_1298 = tpu.vector_load %arg11[%get3A_1296, %get3A_1297] {strides = array<i32>} : memref<128x128xf32, #tpu.memory_space<vmem>>, vector<1x16xf32>,
        %get3A_1299 = vector.shape_cast %get3A_1298 : vector<1x16xf32> to vector<16xf32>
        %mul3A_1300 = arith.mulf %get3A_1295, %get3A_1299 : vector<16xf32>
        %add3A_1301 = arith.addf %add3A_1291, %mul3A_1300 : vector<16xf32>
        %jit3A_1302 = arith.constant 8 : i32
        %div3A_1303 = arith.divsi %add3A_1262, %jit3A_1302 : i32
        %sign3A_1304 = arith.constant 0 : i32
        %sign3A_1305 = arith.cmpi sgt, %add3A_1262, %sign3A_1304 : i32
        %sign3A_1306 = arith.extui %sign3A_1305 : i1 to i32
        %sign3A_1307 = arith.constant 0 : i32
        %sign3A_1308 = arith.cmpi slt, %add3A_1262, %sign3A_1307 : i32
        %sign3A_1309 = arith.extui %sign3A_1308 : i1 to i32
        %sign3A_1310 = arith.subi %sign3A_1306, %sign3A_1309 : i32
        %sign3A_1311 = arith.constant 0 : i32
        %sign3A_1312 = arith.cmpi sgt, %jit3A_1302, %sign3A_1311 : i32
        %sign3A_1313 = arith.extui %sign3A_1312 : i1 to i32
        %sign3A_1314 = arith.constant 0 : i32
        %sign3A_1315 = arith.cmpi slt, %jit3A_1302, %sign3A_1314 : i32
        %sign3A_1316 = arith.extui %sign3A_1315 : i1 to i32
        %sign3A_1317 = arith.subi %sign3A_1313, %sign3A_1316 : i32
        %ne3A_1318 = arith.cmpi ne, %sign3A_1310, %sign3A_1317 : i32
        %rem3A_1319 = arith.remsi %add3A_1262, %jit3A_1302 : i32
        %ne3A_1320 = arith.constant 0 : i32
        %ne3A_1321 = arith.cmpi ne, %rem3A_1319, %ne3A_1320 : i32
        %and3A_1322 = arith.andi %ne3A_1318, %ne3A_1321 : i1
        %sub3A_1323 = arith.constant 1 : i32
        %sub3A_1324 = arith.subi %div3A_1303, %sub3A_1323 : i32
        %select_n3A_1325 = arith.select %and3A_1322, %sub3A_1324, %div3A_1303 : i32
        %jit3A_1326 = arith.constant 8 : i32
        %eq3A_1327 = arith.constant 0 : i32
        %eq3A_1328 = arith.cmpi eq, %jit3A_1326, %eq3A_1327 : i32
        %jit3A_1329 = arith.constant 1 : i32
        %select_n3A_1330 = arith.select %eq3A_1328, %jit3A_1329, %jit3A_1326 : i32
        %rem3A_1331 = arith.remsi %add3A_1262, %select_n3A_1330 : i32
        %ne3A_1332 = arith.constant 0 : i32
        %ne3A_1333 = arith.cmpi ne, %rem3A_1331, %ne3A_1332 : i32
        %lt3A_1334 = arith.constant 0 : i32
        %lt3A_1335 = arith.cmpi slt, %rem3A_1331, %lt3A_1334 : i32
        %lt3A_1336 = arith.constant 0 : i32
        %lt3A_1337 = arith.cmpi slt, %select_n3A_1330, %lt3A_1336 : i32
        %ne3A_1338 = arith.xori %lt3A_1335, %lt3A_1337 : i1
        %and3A_1339 = arith.andi %ne3A_1338, %ne3A_1333 : i1
        %add3A_1340 = arith.addi %rem3A_1331, %select_n3A_1330 : i32
        %select_n3A_1341 = arith.select %and3A_1339, %add3A_1340, %rem3A_1331 : i32
        %mul3A_1342 = arith.constant 16 : i32
        %mul3A_1343 = arith.muli %select_n3A_1341, %mul3A_1342 : i32
        %swap3A_1344 = arith.index_cast %add3A_65 : i32 to index
        %swap3A_1345 = arith.index_cast %select_n3A_1325 : i32 to index
        %swap3A_1346 = arith.index_cast %mul3A_1343 : i32 to index
        %swap3A_1347 = tpu.vector_load %arg16[%swap3A_1344, %swap3A_1345, %swap3A_1346] {strides = array<i32>} : memref<20x16x128xf32, #tpu.memory_space<vmem>>, vector<1x1x16xf32>,
        %swap3A_1348 = vector.shape_cast %swap3A_1347 : vector<1x1x16xf32> to vector<16xf32>
        %swap3A_1349 = vector.shape_cast %add3A_1301 : vector<16xf32> to vector<1x1x16xf32>
        tpu.vector_store %arg16[%swap3A_1344, %swap3A_1345, %swap3A_1346], %swap3A_1349 {strides = array<i32>} : memref<20x16x128xf32, #tpu.memory_space<vmem>>, vector<1x1x16xf32>,
        %mul3A_1350 = arith.constant 16 : i32
        %mul3A_1351 = arith.muli %scan3A_86, %mul3A_1350 : i32
        %add3A_1352 = arith.constant 14 : i32
        %add3A_1353 = arith.addi %mul3A_1351, %add3A_1352 : i32
        %get3A_1354 = arith.index_cast %add3A_1353 : i32 to index
        %get3A_1355 = arith.constant 64 : index
        %get3A_1356 = tpu.vector_load %arg14[%get3A_1354, %get3A_1355] {strides = array<i32>} : memref<128x128xf32, #tpu.memory_space<vmem>>, vector<1x16xf32>,
        %get3A_1357 = vector.shape_cast %get3A_1356 : vector<1x16xf32> to vector<16xf32>
        %get3A_1358 = arith.index_cast %add3A_1353 : i32 to index
        %get3A_1359 = arith.constant 0 : index
        %get3A_1360 = tpu.vector_load %arg11[%get3A_1358, %get3A_1359] {strides = array<i32>} : memref<128x128xf32, #tpu.memory_space<vmem>>, vector<1x16xf32>,
        %get3A_1361 = vector.shape_cast %get3A_1360 : vector<1x16xf32> to vector<16xf32>
        %mul3A_1362 = arith.mulf %get3A_1357, %get3A_1361 : vector<16xf32>
        %get3A_1363 = arith.index_cast %add3A_1353 : i32 to index
        %get3A_1364 = arith.constant 80 : index
        %get3A_1365 = tpu.vector_load %arg14[%get3A_1363, %get3A_1364] {strides = array<i32>} : memref<128x128xf32, #tpu.memory_space<vmem>>, vector<1x16xf32>,
        %get3A_1366 = vector.shape_cast %get3A_1365 : vector<1x16xf32> to vector<16xf32>
        %get3A_1367 = arith.index_cast %add3A_1353 : i32 to index
        %get3A_1368 = arith.constant 16 : index
        %get3A_1369 = tpu.vector_load %arg11[%get3A_1367, %get3A_1368] {strides = array<i32>} : memref<128x128xf32, #tpu.memory_space<vmem>>, vector<1x16xf32>,
        %get3A_1370 = vector.shape_cast %get3A_1369 : vector<1x16xf32> to vector<16xf32>
        %mul3A_1371 = arith.mulf %get3A_1366, %get3A_1370 : vector<16xf32>
        %add3A_1372 = arith.addf %mul3A_1362, %mul3A_1371 : vector<16xf32>
        %get3A_1373 = arith.index_cast %add3A_1353 : i32 to index
        %get3A_1374 = arith.constant 96 : index
        %get3A_1375 = tpu.vector_load %arg14[%get3A_1373, %get3A_1374] {strides = array<i32>} : memref<128x128xf32, #tpu.memory_space<vmem>>, vector<1x16xf32>,
        %get3A_1376 = vector.shape_cast %get3A_1375 : vector<1x16xf32> to vector<16xf32>
        %get3A_1377 = arith.index_cast %add3A_1353 : i32 to index
        %get3A_1378 = arith.constant 32 : index
        %get3A_1379 = tpu.vector_load %arg11[%get3A_1377, %get3A_1378] {strides = array<i32>} : memref<128x128xf32, #tpu.memory_space<vmem>>, vector<1x16xf32>,
        %get3A_1380 = vector.shape_cast %get3A_1379 : vector<1x16xf32> to vector<16xf32>
        %mul3A_1381 = arith.mulf %get3A_1376, %get3A_1380 : vector<16xf32>
        %add3A_1382 = arith.addf %add3A_1372, %mul3A_1381 : vector<16xf32>
        %get3A_1383 = arith.index_cast %add3A_1353 : i32 to index
        %get3A_1384 = arith.constant 112 : index
        %get3A_1385 = tpu.vector_load %arg14[%get3A_1383, %get3A_1384] {strides = array<i32>} : memref<128x128xf32, #tpu.memory_space<vmem>>, vector<1x16xf32>,
        %get3A_1386 = vector.shape_cast %get3A_1385 : vector<1x16xf32> to vector<16xf32>
        %get3A_1387 = arith.index_cast %add3A_1353 : i32 to index
        %get3A_1388 = arith.constant 48 : index
        %get3A_1389 = tpu.vector_load %arg11[%get3A_1387, %get3A_1388] {strides = array<i32>} : memref<128x128xf32, #tpu.memory_space<vmem>>, vector<1x16xf32>,
        %get3A_1390 = vector.shape_cast %get3A_1389 : vector<1x16xf32> to vector<16xf32>
        %mul3A_1391 = arith.mulf %get3A_1386, %get3A_1390 : vector<16xf32>
        %add3A_1392 = arith.addf %add3A_1382, %mul3A_1391 : vector<16xf32>
        %jit3A_1393 = arith.constant 8 : i32
        %div3A_1394 = arith.divsi %add3A_1353, %jit3A_1393 : i32
        %sign3A_1395 = arith.constant 0 : i32
        %sign3A_1396 = arith.cmpi sgt, %add3A_1353, %sign3A_1395 : i32
        %sign3A_1397 = arith.extui %sign3A_1396 : i1 to i32
        %sign3A_1398 = arith.constant 0 : i32
        %sign3A_1399 = arith.cmpi slt, %add3A_1353, %sign3A_1398 : i32
        %sign3A_1400 = arith.extui %sign3A_1399 : i1 to i32
        %sign3A_1401 = arith.subi %sign3A_1397, %sign3A_1400 : i32
        %sign3A_1402 = arith.constant 0 : i32
        %sign3A_1403 = arith.cmpi sgt, %jit3A_1393, %sign3A_1402 : i32
        %sign3A_1404 = arith.extui %sign3A_1403 : i1 to i32
        %sign3A_1405 = arith.constant 0 : i32
        %sign3A_1406 = arith.cmpi slt, %jit3A_1393, %sign3A_1405 : i32
        %sign3A_1407 = arith.extui %sign3A_1406 : i1 to i32
        %sign3A_1408 = arith.subi %sign3A_1404, %sign3A_1407 : i32
        %ne3A_1409 = arith.cmpi ne, %sign3A_1401, %sign3A_1408 : i32
        %rem3A_1410 = arith.remsi %add3A_1353, %jit3A_1393 : i32
        %ne3A_1411 = arith.constant 0 : i32
        %ne3A_1412 = arith.cmpi ne, %rem3A_1410, %ne3A_1411 : i32
        %and3A_1413 = arith.andi %ne3A_1409, %ne3A_1412 : i1
        %sub3A_1414 = arith.constant 1 : i32
        %sub3A_1415 = arith.subi %div3A_1394, %sub3A_1414 : i32
        %select_n3A_1416 = arith.select %and3A_1413, %sub3A_1415, %div3A_1394 : i32
        %jit3A_1417 = arith.constant 8 : i32
        %eq3A_1418 = arith.constant 0 : i32
        %eq3A_1419 = arith.cmpi eq, %jit3A_1417, %eq3A_1418 : i32
        %jit3A_1420 = arith.constant 1 : i32
        %select_n3A_1421 = arith.select %eq3A_1419, %jit3A_1420, %jit3A_1417 : i32
        %rem3A_1422 = arith.remsi %add3A_1353, %select_n3A_1421 : i32
        %ne3A_1423 = arith.constant 0 : i32
        %ne3A_1424 = arith.cmpi ne, %rem3A_1422, %ne3A_1423 : i32
        %lt3A_1425 = arith.constant 0 : i32
        %lt3A_1426 = arith.cmpi slt, %rem3A_1422, %lt3A_1425 : i32
        %lt3A_1427 = arith.constant 0 : i32
        %lt3A_1428 = arith.cmpi slt, %select_n3A_1421, %lt3A_1427 : i32
        %ne3A_1429 = arith.xori %lt3A_1426, %lt3A_1428 : i1
        %and3A_1430 = arith.andi %ne3A_1429, %ne3A_1424 : i1
        %add3A_1431 = arith.addi %rem3A_1422, %select_n3A_1421 : i32
        %select_n3A_1432 = arith.select %and3A_1430, %add3A_1431, %rem3A_1422 : i32
        %mul3A_1433 = arith.constant 16 : i32
        %mul3A_1434 = arith.muli %select_n3A_1432, %mul3A_1433 : i32
        %swap3A_1435 = arith.index_cast %add3A_65 : i32 to index
        %swap3A_1436 = arith.index_cast %select_n3A_1416 : i32 to index
        %swap3A_1437 = arith.index_cast %mul3A_1434 : i32 to index
        %swap3A_1438 = tpu.vector_load %arg16[%swap3A_1435, %swap3A_1436, %swap3A_1437] {strides = array<i32>} : memref<20x16x128xf32, #tpu.memory_space<vmem>>, vector<1x1x16xf32>,
        %swap3A_1439 = vector.shape_cast %swap3A_1438 : vector<1x1x16xf32> to vector<16xf32>
        %swap3A_1440 = vector.shape_cast %add3A_1392 : vector<16xf32> to vector<1x1x16xf32>
        tpu.vector_store %arg16[%swap3A_1435, %swap3A_1436, %swap3A_1437], %swap3A_1440 {strides = array<i32>} : memref<20x16x128xf32, #tpu.memory_space<vmem>>, vector<1x1x16xf32>,
        %mul3A_1441 = arith.constant 16 : i32
        %mul3A_1442 = arith.muli %scan3A_86, %mul3A_1441 : i32
        %add3A_1443 = arith.constant 15 : i32
        %add3A_1444 = arith.addi %mul3A_1442, %add3A_1443 : i32
        %get3A_1445 = arith.index_cast %add3A_1444 : i32 to index
        %get3A_1446 = arith.constant 64 : index
        %get3A_1447 = tpu.vector_load %arg14[%get3A_1445, %get3A_1446] {strides = array<i32>} : memref<128x128xf32, #tpu.memory_space<vmem>>, vector<1x16xf32>,
        %get3A_1448 = vector.shape_cast %get3A_1447 : vector<1x16xf32> to vector<16xf32>
        %get3A_1449 = arith.index_cast %add3A_1444 : i32 to index
        %get3A_1450 = arith.constant 0 : index
        %get3A_1451 = tpu.vector_load %arg11[%get3A_1449, %get3A_1450] {strides = array<i32>} : memref<128x128xf32, #tpu.memory_space<vmem>>, vector<1x16xf32>,
        %get3A_1452 = vector.shape_cast %get3A_1451 : vector<1x16xf32> to vector<16xf32>
        %mul3A_1453 = arith.mulf %get3A_1448, %get3A_1452 : vector<16xf32>
        %get3A_1454 = arith.index_cast %add3A_1444 : i32 to index
        %get3A_1455 = arith.constant 80 : index
        %get3A_1456 = tpu.vector_load %arg14[%get3A_1454, %get3A_1455] {strides = array<i32>} : memref<128x128xf32, #tpu.memory_space<vmem>>, vector<1x16xf32>,
        %get3A_1457 = vector.shape_cast %get3A_1456 : vector<1x16xf32> to vector<16xf32>
        %get3A_1458 = arith.index_cast %add3A_1444 : i32 to index
        %get3A_1459 = arith.constant 16 : index
        %get3A_1460 = tpu.vector_load %arg11[%get3A_1458, %get3A_1459] {strides = array<i32>} : memref<128x128xf32, #tpu.memory_space<vmem>>, vector<1x16xf32>,
        %get3A_1461 = vector.shape_cast %get3A_1460 : vector<1x16xf32> to vector<16xf32>
        %mul3A_1462 = arith.mulf %get3A_1457, %get3A_1461 : vector<16xf32>
        %add3A_1463 = arith.addf %mul3A_1453, %mul3A_1462 : vector<16xf32>
        %get3A_1464 = arith.index_cast %add3A_1444 : i32 to index
        %get3A_1465 = arith.constant 96 : index
        %get3A_1466 = tpu.vector_load %arg14[%get3A_1464, %get3A_1465] {strides = array<i32>} : memref<128x128xf32, #tpu.memory_space<vmem>>, vector<1x16xf32>,
        %get3A_1467 = vector.shape_cast %get3A_1466 : vector<1x16xf32> to vector<16xf32>
        %get3A_1468 = arith.index_cast %add3A_1444 : i32 to index
        %get3A_1469 = arith.constant 32 : index
        %get3A_1470 = tpu.vector_load %arg11[%get3A_1468, %get3A_1469] {strides = array<i32>} : memref<128x128xf32, #tpu.memory_space<vmem>>, vector<1x16xf32>,
        %get3A_1471 = vector.shape_cast %get3A_1470 : vector<1x16xf32> to vector<16xf32>
        %mul3A_1472 = arith.mulf %get3A_1467, %get3A_1471 : vector<16xf32>
        %add3A_1473 = arith.addf %add3A_1463, %mul3A_1472 : vector<16xf32>
        %get3A_1474 = arith.index_cast %add3A_1444 : i32 to index
        %get3A_1475 = arith.constant 112 : index
        %get3A_1476 = tpu.vector_load %arg14[%get3A_1474, %get3A_1475] {strides = array<i32>} : memref<128x128xf32, #tpu.memory_space<vmem>>, vector<1x16xf32>,
        %get3A_1477 = vector.shape_cast %get3A_1476 : vector<1x16xf32> to vector<16xf32>
        %get3A_1478 = arith.index_cast %add3A_1444 : i32 to index
        %get3A_1479 = arith.constant 48 : index
        %get3A_1480 = tpu.vector_load %arg11[%get3A_1478, %get3A_1479] {strides = array<i32>} : memref<128x128xf32, #tpu.memory_space<vmem>>, vector<1x16xf32>,
        %get3A_1481 = vector.shape_cast %get3A_1480 : vector<1x16xf32> to vector<16xf32>
        %mul3A_1482 = arith.mulf %get3A_1477, %get3A_1481 : vector<16xf32>
        %add3A_1483 = arith.addf %add3A_1473, %mul3A_1482 : vector<16xf32>
        %jit3A_1484 = arith.constant 8 : i32
        %div3A_1485 = arith.divsi %add3A_1444, %jit3A_1484 : i32
        %sign3A_1486 = arith.constant 0 : i32
        %sign3A_1487 = arith.cmpi sgt, %add3A_1444, %sign3A_1486 : i32
        %sign3A_1488 = arith.extui %sign3A_1487 : i1 to i32
        %sign3A_1489 = arith.constant 0 : i32
        %sign3A_1490 = arith.cmpi slt, %add3A_1444, %sign3A_1489 : i32
        %sign3A_1491 = arith.extui %sign3A_1490 : i1 to i32
        %sign3A_1492 = arith.subi %sign3A_1488, %sign3A_1491 : i32
        %sign3A_1493 = arith.constant 0 : i32
        %sign3A_1494 = arith.cmpi sgt, %jit3A_1484, %sign3A_1493 : i32
        %sign3A_1495 = arith.extui %sign3A_1494 : i1 to i32
        %sign3A_1496 = arith.constant 0 : i32
        %sign3A_1497 = arith.cmpi slt, %jit3A_1484, %sign3A_1496 : i32
        %sign3A_1498 = arith.extui %sign3A_1497 : i1 to i32
        %sign3A_1499 = arith.subi %sign3A_1495, %sign3A_1498 : i32
        %ne3A_1500 = arith.cmpi ne, %sign3A_1492, %sign3A_1499 : i32
        %rem3A_1501 = arith.remsi %add3A_1444, %jit3A_1484 : i32
        %ne3A_1502 = arith.constant 0 : i32
        %ne3A_1503 = arith.cmpi ne, %rem3A_1501, %ne3A_1502 : i32
        %and3A_1504 = arith.andi %ne3A_1500, %ne3A_1503 : i1
        %sub3A_1505 = arith.constant 1 : i32
        %sub3A_1506 = arith.subi %div3A_1485, %sub3A_1505 : i32
        %select_n3A_1507 = arith.select %and3A_1504, %sub3A_1506, %div3A_1485 : i32
        %jit3A_1508 = arith.constant 8 : i32
        %eq3A_1509 = arith.constant 0 : i32
        %eq3A_1510 = arith.cmpi eq, %jit3A_1508, %eq3A_1509 : i32
        %jit3A_1511 = arith.constant 1 : i32
        %select_n3A_1512 = arith.select %eq3A_1510, %jit3A_1511, %jit3A_1508 : i32
        %rem3A_1513 = arith.remsi %add3A_1444, %select_n3A_1512 : i32
        %ne3A_1514 = arith.constant 0 : i32
        %ne3A_1515 = arith.cmpi ne, %rem3A_1513, %ne3A_1514 : i32
        %lt3A_1516 = arith.constant 0 : i32
        %lt3A_1517 = arith.cmpi slt, %rem3A_1513, %lt3A_1516 : i32
        %lt3A_1518 = arith.constant 0 : i32
        %lt3A_1519 = arith.cmpi slt, %select_n3A_1512, %lt3A_1518 : i32
        %ne3A_1520 = arith.xori %lt3A_1517, %lt3A_1519 : i1
        %and3A_1521 = arith.andi %ne3A_1520, %ne3A_1515 : i1
        %add3A_1522 = arith.addi %rem3A_1513, %select_n3A_1512 : i32
        %select_n3A_1523 = arith.select %and3A_1521, %add3A_1522, %rem3A_1513 : i32
        %mul3A_1524 = arith.constant 16 : i32
        %mul3A_1525 = arith.muli %select_n3A_1523, %mul3A_1524 : i32
        %swap3A_1526 = arith.index_cast %add3A_65 : i32 to index
        %swap3A_1527 = arith.index_cast %select_n3A_1507 : i32 to index
        %swap3A_1528 = arith.index_cast %mul3A_1525 : i32 to index
        %swap3A_1529 = tpu.vector_load %arg16[%swap3A_1526, %swap3A_1527, %swap3A_1528] {strides = array<i32>} : memref<20x16x128xf32, #tpu.memory_space<vmem>>, vector<1x1x16xf32>,
        %swap3A_1530 = vector.shape_cast %swap3A_1529 : vector<1x1x16xf32> to vector<16xf32>
        %swap3A_1531 = vector.shape_cast %add3A_1483 : vector<16xf32> to vector<1x1x16xf32>
        tpu.vector_store %arg16[%swap3A_1526, %swap3A_1527, %swap3A_1528], %swap3A_1531 {strides = array<i32>} : memref<20x16x128xf32, #tpu.memory_space<vmem>>, vector<1x1x16xf32>,
      }
      %scan3A_78 = arith.constant 8 : i32
      %add3A_79 = arith.constant 2 : i32
      %add3A_80 = arith.addi %add3A_65, %add3A_79 : i32
      %lt3A_81 = arith.constant 20 : i32
      %lt3A_82 = arith.cmpi slt, %add3A_80, %lt3A_81 : i32
      %convert_element_type3A_83 = arith.extui %lt3A_82 : i1 to i32
      %cond3A_84 = arith.constant 0 : i32
      %cond3A_85 = arith.cmpi ne, %convert_element_type3A_83, %cond3A_84 : i32
      scf.if %cond3A_85 {
        %add3A_86 = arith.constant 2 : i32
        %add3A_87 = arith.addi %add3A_65, %add3A_86 : i32
        %dma_start3A_88 = arith.constant 0 : i32
        %dma_start3A_89 = tpu.memref_slice %arg10[%add3A_87, %dma_start3A_88] : memref<20x128xi32, #tpu.memory_space<vmem>> -> memref<1x128xi32, #tpu.memory_space<vmem>>
        %dma_start3A_90 = tpu.memref_squeeze %dma_start3A_89 : memref<1x128xi32, #tpu.memory_space<vmem>> -> memref<128xi32, #tpu.memory_space<vmem>>
        %dma_start3A_91 = arith.constant 0 : i32
        %dma_start3A_92 = arith.constant 0 : i32
        %dma_start3A_93 = tpu.memref_slice %arg5[%dma_start3A_91, %dma_start3A_92] : memref<100000x128xf32, #tpu.memory_space<hbm>> -> memref<100000x128xf32, #tpu.memory_space<hbm>>
        tpu.enqueue_indirect_dma source(%dma_start3A_93 : memref<100000x128xf32, #tpu.memory_space<hbm>>) target(%arg14 : memref<128x128xf32, #tpu.memory_space<vmem>>) offsets(%dma_start3A_90 : memref<128xi32, #tpu.memory_space<vmem>>) semaphore(%arg20 : memref<!tpu.dma_semaphore, #tpu.memory_space<semaphore_mem>>)
      } else {
      }
    }
    %scan3A_37 = arith.constant 10 : i32
    "tpu.region"() ({
      %run_scoped3A = tpu.sem_alloc : memref<!tpu.dma_semaphore, #tpu.memory_space<semaphore_mem>>
      %dma_start3A_40 = arith.constant 0 : i32
      %dma_start3A_41 = tpu.memref_slice %arg6[%mul3A_2, %dma_start3A_40] : memref<4096x16xf32, #tpu.memory_space<hbm>> -> memref<128x16xf32, #tpu.memory_space<hbm>>
      %dma_start3A_42 = arith.constant 0 : i32
      %dma_start3A_43 = tpu.memref_slice %arg6[%mul3A_2, %dma_start3A_42] : memref<4096x16xf32, #tpu.memory_space<hbm>> -> memref<128x16xf32, #tpu.memory_space<hbm>>
      tpu.enqueue_dma source(%arg15 : memref<128x16xf32, #tpu.memory_space<vmem>>) target(%dma_start3A_43 : memref<128x16xf32, #tpu.memory_space<hbm>>) target_semaphore(%run_scoped3A : memref<!tpu.dma_semaphore, #tpu.memory_space<semaphore_mem>>)
      %dma_wait3A_44 = arith.constant 0 : i32
      %dma_wait3A_45 = tpu.memref_slice %arg6[%mul3A_2, %dma_wait3A_44] : memref<4096x16xf32, #tpu.memory_space<hbm>> -> memref<128x16xf32, #tpu.memory_space<hbm>>
      %dma_wait3A_46 = arith.constant 0 : i32
      %dma_wait3A_47 = tpu.memref_slice %arg6[%mul3A_2, %dma_wait3A_46] : memref<4096x16xf32, #tpu.memory_space<hbm>> -> memref<128x16xf32, #tpu.memory_space<hbm>>
      tpu.wait_dma2 semaphore(%run_scoped3A : memref<!tpu.dma_semaphore, #tpu.memory_space<semaphore_mem>>) src(%arg15 : memref<128x16xf32, #tpu.memory_space<vmem>>) dst(%dma_wait3A_47 : memref<128x16xf32, #tpu.memory_space<hbm>>)
      tpu.yield
    }) : () -> ()
    %mul3A_38 = arith.constant 16 : i32
    %mul3A_39 = arith.muli %add3A, %mul3A_38 : i32
    "tpu.region"() ({
      %run_scoped3A = tpu.sem_alloc : memref<!tpu.dma_semaphore, #tpu.memory_space<semaphore_mem>>
      %dma_start3A_40 = arith.constant 0 : i32
      %dma_start3A_41 = arith.constant 0 : i32
      %dma_start3A_42 = tpu.memref_slice %arg7[%dma_start3A_40, %mul3A_39, %dma_start3A_41] : memref<20x512x128xf32, #tpu.memory_space<hbm>> -> memref<20x16x128xf32, #tpu.memory_space<hbm>>
      %dma_start3A_43 = arith.constant 0 : i32
      %dma_start3A_44 = arith.constant 0 : i32
      %dma_start3A_45 = tpu.memref_slice %arg7[%dma_start3A_43, %mul3A_39, %dma_start3A_44] : memref<20x512x128xf32, #tpu.memory_space<hbm>> -> memref<20x16x128xf32, #tpu.memory_space<hbm>>
      tpu.enqueue_dma source(%arg16 : memref<20x16x128xf32, #tpu.memory_space<vmem>>) target(%dma_start3A_45 : memref<20x16x128xf32, #tpu.memory_space<hbm>>) target_semaphore(%run_scoped3A : memref<!tpu.dma_semaphore, #tpu.memory_space<semaphore_mem>>)
      %dma_wait3A_46 = arith.constant 0 : i32
      %dma_wait3A_47 = arith.constant 0 : i32
      %dma_wait3A_48 = tpu.memref_slice %arg7[%dma_wait3A_46, %mul3A_39, %dma_wait3A_47] : memref<20x512x128xf32, #tpu.memory_space<hbm>> -> memref<20x16x128xf32, #tpu.memory_space<hbm>>
      %dma_wait3A_49 = arith.constant 0 : i32
      %dma_wait3A_50 = arith.constant 0 : i32
      %dma_wait3A_51 = tpu.memref_slice %arg7[%dma_wait3A_49, %mul3A_39, %dma_wait3A_50] : memref<20x512x128xf32, #tpu.memory_space<hbm>> -> memref<20x16x128xf32, #tpu.memory_space<hbm>>
      tpu.wait_dma2 semaphore(%run_scoped3A : memref<!tpu.dma_semaphore, #tpu.memory_space<semaphore_mem>>) src(%arg16 : memref<20x16x128xf32, #tpu.memory_space<vmem>>) dst(%dma_wait3A_51 : memref<20x16x128xf32, #tpu.memory_space<hbm>>)
      tpu.yield
    }) : () -> ()
    return
  }
}

module attributes {stable_mosaic.version = 14 : i64} {
  func.func @body(%arg0: i32, %arg1: memref<4096x16xf32, #tpu.memory_space<any>>, %arg2: memref<20x512x128xf32, #tpu.memory_space<any>>, %arg3: memref<512x32x128xf32, #tpu.memory_space<vmem>>, %arg4: memref<4096x16xf32, #tpu.memory_space<vmem>>, %arg5: memref<20x512x128xf32, #tpu.memory_space<vmem>>, %arg6: memref<4096x1xf32, #tpu.memory_space<vmem>>, %arg7: memref<1x32x128xf32, #tpu.memory_space<vmem>>, %arg8: memref<!tpu.dma_semaphore, #tpu.memory_space<semaphore_mem>>) attributes {dimension_semantics = [#tpu.dimension_semantics<arbitrary>], iteration_bounds = array<i64: 8>, scalar_prefetch = 0 : i64, scratch_operands = 5 : i64, tpu.core_type = #tpu.core_type<tc>, window_params = [{}, {}, {transform_indices = @transform_2, window_bounds = array<i64: 512, 32, 128>}]} {
    %eq3A = arith.constant 0 : i32
    %eq3A_0 = arith.cmpi eq, %arg0, %eq3A : i32
    %convert_element_type3A = arith.extui %eq3A_0 : i1 to i32
    %cond3A = arith.constant 0 : i32
    %cond3A_1 = arith.cmpi ne, %convert_element_type3A, %cond3A : i32
    scf.if %cond3A_1 {
      tpu.enqueue_dma source(%arg1 : memref<4096x16xf32, #tpu.memory_space<any>>) target(%arg4 : memref<4096x16xf32, #tpu.memory_space<vmem>>) target_semaphore(%arg8 : memref<!tpu.dma_semaphore, #tpu.memory_space<semaphore_mem>>)
      tpu.wait_dma2 semaphore(%arg8 : memref<!tpu.dma_semaphore, #tpu.memory_space<semaphore_mem>>) src(%arg1 : memref<4096x16xf32, #tpu.memory_space<any>>) dst(%arg4 : memref<4096x16xf32, #tpu.memory_space<vmem>>)
      tpu.enqueue_dma source(%arg2 : memref<20x512x128xf32, #tpu.memory_space<any>>) target(%arg5 : memref<20x512x128xf32, #tpu.memory_space<vmem>>) target_semaphore(%arg8 : memref<!tpu.dma_semaphore, #tpu.memory_space<semaphore_mem>>)
      tpu.wait_dma2 semaphore(%arg8 : memref<!tpu.dma_semaphore, #tpu.memory_space<semaphore_mem>>) src(%arg2 : memref<20x512x128xf32, #tpu.memory_space<any>>) dst(%arg5 : memref<20x512x128xf32, #tpu.memory_space<vmem>>)
      %broadcast_in_dim3A_16 = arith.constant 1.000000e+00 : f32
      %broadcast_in_dim3A_17 = vector.broadcast %broadcast_in_dim3A_16 : f32 to vector<16x1xf32>
      %get3A_18 = arith.constant 0 : index
      %get3A_19 = arith.constant 0 : index
      %get3A_20 = vector.load %arg4[%get3A_18, %get3A_19] : memref<4096x16xf32, #tpu.memory_space<vmem>>, vector<4096x16xf32>
      %dot_general3A = arith.constant dense<0.000000e+00> : vector<4096x1xf32>
      %dot_general3A_21 = tpu.matmul %get3A_20, %broadcast_in_dim3A_17, %dot_general3A {dimension_numbers = #tpu.dot_dimension_numbers<[1], [0], [0], [1], [0, 0, 1, 1], [], []>, transpose_lhs_hint = false} : vector<4096x16xf32>, vector<16x1xf32>, vector<4096x1xf32> -> vector<4096x1xf32>
      %min3A = arith.constant 0.000000e+00 : f32
      %min3A_22 = vector.broadcast %min3A : f32 to vector<4096x1xf32>
      %min3A_23 = arith.minimumf %dot_general3A_21, %min3A_22 : vector<4096x1xf32>
      %abs3A = math.absf %dot_general3A_21 : vector<4096x1xf32>
      %neg3A_24 = arith.constant 0.000000e+00 : f32
      %neg3A_25 = vector.broadcast %neg3A_24 : f32 to vector<4096x1xf32>
      %neg3A_26 = arith.subf %neg3A_25, %abs3A : vector<4096x1xf32>
      %exp3A = math.exp %neg3A_26 : vector<4096x1xf32>
      %log1p3A = math.log1p %exp3A : vector<4096x1xf32>
      %sub3A = arith.subf %min3A_23, %log1p3A : vector<4096x1xf32>
      %swap3A_27 = arith.constant 0 : index
      %swap3A_28 = arith.constant 0 : index
      %swap3A_29 = vector.load %arg6[%swap3A_27, %swap3A_28] : memref<4096x1xf32, #tpu.memory_space<vmem>>, vector<4096x1xf32>
      tpu.vector_store %arg6[%swap3A_27, %swap3A_28], %sub3A {strides = array<i32>} : memref<4096x1xf32, #tpu.memory_space<vmem>>, vector<4096x1xf32>,
      %iota3A = tpu.iota {dimensions = array<i32: 0>} : vector<128x8xi32>
      %jit3A = arith.constant 16 : i32
      %div3A = vector.broadcast %jit3A : i32 to vector<128x8xi32>
      %div3A_30 = arith.divsi %iota3A, %div3A : vector<128x8xi32>
      %sign3A = arith.constant 0 : i32
      %sign3A_31 = vector.broadcast %sign3A : i32 to vector<128x8xi32>
      %sign3A_32 = arith.cmpi sgt, %iota3A, %sign3A_31 : vector<128x8xi32>
      %sign3A_33 = arith.extui %sign3A_32 : vector<128x8xi1> to vector<128x8xi32>
      %sign3A_34 = arith.constant 0 : i32
      %sign3A_35 = vector.broadcast %sign3A_34 : i32 to vector<128x8xi32>
      %sign3A_36 = arith.cmpi slt, %iota3A, %sign3A_35 : vector<128x8xi32>
      %sign3A_37 = arith.extui %sign3A_36 : vector<128x8xi1> to vector<128x8xi32>
      %sign3A_38 = arith.subi %sign3A_33, %sign3A_37 : vector<128x8xi32>
      %sign3A_39 = arith.constant 0 : i32
      %sign3A_40 = arith.cmpi sgt, %jit3A, %sign3A_39 : i32
      %sign3A_41 = arith.extui %sign3A_40 : i1 to i32
      %sign3A_42 = arith.constant 0 : i32
      %sign3A_43 = arith.cmpi slt, %jit3A, %sign3A_42 : i32
      %sign3A_44 = arith.extui %sign3A_43 : i1 to i32
      %sign3A_45 = arith.subi %sign3A_41, %sign3A_44 : i32
      %ne3A = vector.broadcast %sign3A_45 : i32 to vector<128x8xi32>
      %ne3A_46 = arith.cmpi ne, %sign3A_38, %ne3A : vector<128x8xi32>
      %rem3A = vector.broadcast %jit3A : i32 to vector<128x8xi32>
      %rem3A_47 = arith.remsi %iota3A, %rem3A : vector<128x8xi32>
      %ne3A_48 = arith.constant 0 : i32
      %ne3A_49 = vector.broadcast %ne3A_48 : i32 to vector<128x8xi32>
      %ne3A_50 = arith.cmpi ne, %rem3A_47, %ne3A_49 : vector<128x8xi32>
      %and3A = arith.andi %ne3A_46, %ne3A_50 : vector<128x8xi1>
      %sub3A_51 = arith.constant 1 : i32
      %sub3A_52 = vector.broadcast %sub3A_51 : i32 to vector<128x8xi32>
      %sub3A_53 = arith.subi %div3A_30, %sub3A_52 : vector<128x8xi32>
      %select_n3A = arith.select %and3A, %sub3A_53, %div3A_30 : vector<128x8xi1>, vector<128x8xi32>
      %iota3A_54 = tpu.iota {dimensions = array<i32: 1>} : vector<128x8xi32>
      %eq3A_55 = arith.cmpi eq, %select_n3A, %iota3A_54 : vector<128x8xi32>
      %convert_element_type3A_56 = arith.extui %eq3A_55 : vector<128x8xi1> to vector<128x8xi32>
      %convert_element_type3A_57 = arith.sitofp %convert_element_type3A_56 : vector<128x8xi32> to vector<128x8xf32>
      %get3A_58 = arith.constant 0 : index
      %get3A_59 = arith.constant 0 : index
      %get3A_60 = arith.constant 0 : index
      %get3A_61 = vector.load %arg5[%get3A_58, %get3A_59, %get3A_60] : memref<20x512x128xf32, #tpu.memory_space<vmem>>, vector<20x512x128xf32>
      %reshape3A = vector.shape_cast %get3A_61 : vector<20x512x128xf32> to vector<10240x128xf32>
      %dot_general3A_62 = arith.constant dense<0.000000e+00> : vector<10240x8xf32>
      %dot_general3A_63 = tpu.matmul %reshape3A, %convert_element_type3A_57, %dot_general3A_62 {dimension_numbers = #tpu.dot_dimension_numbers<[1], [0], [0], [1], [0, 0, 1, 1], [], []>, transpose_lhs_hint = false} : vector<10240x128xf32>, vector<128x8xf32>, vector<10240x8xf32> -> vector<10240x8xf32>
      %min3A_64 = arith.constant 0.000000e+00 : f32
      %min3A_65 = vector.broadcast %min3A_64 : f32 to vector<10240x8xf32>
      %min3A_66 = arith.minimumf %dot_general3A_63, %min3A_65 : vector<10240x8xf32>
      %abs3A_67 = math.absf %dot_general3A_63 : vector<10240x8xf32>
      %neg3A_68 = arith.constant 0.000000e+00 : f32
      %neg3A_69 = vector.broadcast %neg3A_68 : f32 to vector<10240x8xf32>
      %neg3A_70 = arith.subf %neg3A_69, %abs3A_67 : vector<10240x8xf32>
      %exp3A_71 = math.exp %neg3A_70 : vector<10240x8xf32>
      %log1p3A_72 = math.log1p %exp3A_71 : vector<10240x8xf32>
      %sub3A_73 = arith.subf %min3A_66, %log1p3A_72 : vector<10240x8xf32>
      %slice3A = vector.extract_strided_slice %sub3A_73 {offsets = [0, 0], sizes = [512, 8], strides = [1, 1]} : vector<10240x8xf32> to vector<512x8xf32>
      %slice3A_74 = vector.extract_strided_slice %sub3A_73 {offsets = [512, 0], sizes = [512, 8], strides = [1, 1]} : vector<10240x8xf32> to vector<512x8xf32>
      %add3A_75 = arith.addf %slice3A, %slice3A_74 : vector<512x8xf32>
      %slice3A_76 = vector.extract_strided_slice %sub3A_73 {offsets = [1024, 0], sizes = [512, 8], strides = [1, 1]} : vector<10240x8xf32> to vector<512x8xf32>
      %add3A_77 = arith.addf %add3A_75, %slice3A_76 : vector<512x8xf32>
      %slice3A_78 = vector.extract_strided_slice %sub3A_73 {offsets = [1536, 0], sizes = [512, 8], strides = [1, 1]} : vector<10240x8xf32> to vector<512x8xf32>
      %add3A_79 = arith.addf %add3A_77, %slice3A_78 : vector<512x8xf32>
      %slice3A_80 = vector.extract_strided_slice %sub3A_73 {offsets = [2048, 0], sizes = [512, 8], strides = [1, 1]} : vector<10240x8xf32> to vector<512x8xf32>
      %add3A_81 = arith.addf %add3A_79, %slice3A_80 : vector<512x8xf32>
      %slice3A_82 = vector.extract_strided_slice %sub3A_73 {offsets = [2560, 0], sizes = [512, 8], strides = [1, 1]} : vector<10240x8xf32> to vector<512x8xf32>
      %add3A_83 = arith.addf %add3A_81, %slice3A_82 : vector<512x8xf32>
      %slice3A_84 = vector.extract_strided_slice %sub3A_73 {offsets = [3072, 0], sizes = [512, 8], strides = [1, 1]} : vector<10240x8xf32> to vector<512x8xf32>
      %add3A_85 = arith.addf %add3A_83, %slice3A_84 : vector<512x8xf32>
      %slice3A_86 = vector.extract_strided_slice %sub3A_73 {offsets = [3584, 0], sizes = [512, 8], strides = [1, 1]} : vector<10240x8xf32> to vector<512x8xf32>
      %add3A_87 = arith.addf %add3A_85, %slice3A_86 : vector<512x8xf32>
      %slice3A_88 = vector.extract_strided_slice %sub3A_73 {offsets = [4096, 0], sizes = [512, 8], strides = [1, 1]} : vector<10240x8xf32> to vector<512x8xf32>
      %add3A_89 = arith.addf %add3A_87, %slice3A_88 : vector<512x8xf32>
      %slice3A_90 = vector.extract_strided_slice %sub3A_73 {offsets = [4608, 0], sizes = [512, 8], strides = [1, 1]} : vector<10240x8xf32> to vector<512x8xf32>
      %add3A_91 = arith.addf %add3A_89, %slice3A_90 : vector<512x8xf32>
      %slice3A_92 = vector.extract_strided_slice %sub3A_73 {offsets = [5120, 0], sizes = [512, 8], strides = [1, 1]} : vector<10240x8xf32> to vector<512x8xf32>
      %add3A_93 = arith.addf %add3A_91, %slice3A_92 : vector<512x8xf32>
      %slice3A_94 = vector.extract_strided_slice %sub3A_73 {offsets = [5632, 0], sizes = [512, 8], strides = [1, 1]} : vector<10240x8xf32> to vector<512x8xf32>
      %add3A_95 = arith.addf %add3A_93, %slice3A_94 : vector<512x8xf32>
      %slice3A_96 = vector.extract_strided_slice %sub3A_73 {offsets = [6144, 0], sizes = [512, 8], strides = [1, 1]} : vector<10240x8xf32> to vector<512x8xf32>
      %add3A_97 = arith.addf %add3A_95, %slice3A_96 : vector<512x8xf32>
      %slice3A_98 = vector.extract_strided_slice %sub3A_73 {offsets = [6656, 0], sizes = [512, 8], strides = [1, 1]} : vector<10240x8xf32> to vector<512x8xf32>
      %add3A_99 = arith.addf %add3A_97, %slice3A_98 : vector<512x8xf32>
      %slice3A_100 = vector.extract_strided_slice %sub3A_73 {offsets = [7168, 0], sizes = [512, 8], strides = [1, 1]} : vector<10240x8xf32> to vector<512x8xf32>
      %add3A_101 = arith.addf %add3A_99, %slice3A_100 : vector<512x8xf32>
      %slice3A_102 = vector.extract_strided_slice %sub3A_73 {offsets = [7680, 0], sizes = [512, 8], strides = [1, 1]} : vector<10240x8xf32> to vector<512x8xf32>
      %add3A_103 = arith.addf %add3A_101, %slice3A_102 : vector<512x8xf32>
      %slice3A_104 = vector.extract_strided_slice %sub3A_73 {offsets = [8192, 0], sizes = [512, 8], strides = [1, 1]} : vector<10240x8xf32> to vector<512x8xf32>
      %add3A_105 = arith.addf %add3A_103, %slice3A_104 : vector<512x8xf32>
      %slice3A_106 = vector.extract_strided_slice %sub3A_73 {offsets = [8704, 0], sizes = [512, 8], strides = [1, 1]} : vector<10240x8xf32> to vector<512x8xf32>
      %add3A_107 = arith.addf %add3A_105, %slice3A_106 : vector<512x8xf32>
      %slice3A_108 = vector.extract_strided_slice %sub3A_73 {offsets = [9216, 0], sizes = [512, 8], strides = [1, 1]} : vector<10240x8xf32> to vector<512x8xf32>
      %add3A_109 = arith.addf %add3A_107, %slice3A_108 : vector<512x8xf32>
      %slice3A_110 = vector.extract_strided_slice %sub3A_73 {offsets = [9728, 0], sizes = [512, 8], strides = [1, 1]} : vector<10240x8xf32> to vector<512x8xf32>
      %add3A_111 = arith.addf %add3A_109, %slice3A_110 : vector<512x8xf32>
      %iota3A_112 = tpu.iota {dimensions = array<i32: 1>} : vector<8x128xi32>
      %jit3A_113 = arith.constant 8 : i32
      %eq3A_114 = arith.constant 0 : i32
      %eq3A_115 = arith.cmpi eq, %jit3A_113, %eq3A_114 : i32
      %jit3A_116 = arith.constant 1 : i32
      %select_n3A_117 = arith.select %eq3A_115, %jit3A_116, %jit3A_113 : i32
      %rem3A_118 = vector.broadcast %select_n3A_117 : i32 to vector<8x128xi32>
      %rem3A_119 = arith.remsi %iota3A_112, %rem3A_118 : vector<8x128xi32>
      %ne3A_120 = arith.constant 0 : i32
      %ne3A_121 = vector.broadcast %ne3A_120 : i32 to vector<8x128xi32>
      %ne3A_122 = arith.cmpi ne, %rem3A_119, %ne3A_121 : vector<8x128xi32>
      %lt3A = arith.constant 0 : i32
      %lt3A_123 = vector.broadcast %lt3A : i32 to vector<8x128xi32>
      %lt3A_124 = arith.cmpi slt, %rem3A_119, %lt3A_123 : vector<8x128xi32>
      %lt3A_125 = arith.constant 0 : i32
      %lt3A_126 = arith.cmpi slt, %select_n3A_117, %lt3A_125 : i32
      %ne3A_127 = vector.broadcast %lt3A_126 : i1 to vector<8x128xi1>
      %ne3A_128 = vector.broadcast %ne3A_127 : vector<8x128xi1> to vector<8x128xi1>
      %ne3A_129 = arith.xori %lt3A_124, %ne3A_128 : vector<8x128xi1>
      %and3A_130 = arith.andi %ne3A_129, %ne3A_122 : vector<8x128xi1>
      %add3A_131 = vector.broadcast %select_n3A_117 : i32 to vector<8x128xi32>
      %add3A_132 = arith.addi %rem3A_119, %add3A_131 : vector<8x128xi32>
      %select_n3A_133 = arith.select %and3A_130, %add3A_132, %rem3A_119 : vector<8x128xi1>, vector<8x128xi32>
      %iota3A_134 = tpu.iota {dimensions = array<i32: 0>} : vector<8x128xi32>
      %eq3A_135 = arith.cmpi eq, %select_n3A_133, %iota3A_134 : vector<8x128xi32>
      %convert_element_type3A_136 = arith.extui %eq3A_135 : vector<8x128xi1> to vector<8x128xi32>
      %convert_element_type3A_137 = arith.sitofp %convert_element_type3A_136 : vector<8x128xi32> to vector<8x128xf32>
      %dot_general3A_138 = arith.constant dense<0.000000e+00> : vector<512x128xf32>
      %dot_general3A_139 = tpu.matmul %add3A_111, %convert_element_type3A_137, %dot_general3A_138 {dimension_numbers = #tpu.dot_dimension_numbers<[1], [0], [0], [1], [0, 0, 1, 1], [], []>, transpose_lhs_hint = false} : vector<512x8xf32>, vector<8x128xf32>, vector<512x128xf32> -> vector<512x128xf32>
      %iota3A_140 = tpu.iota {dimensions = array<i32: 1>} : vector<512x128xi32>
      %jit3A_141 = arith.constant 8 : i32
      %div3A_142 = vector.broadcast %jit3A_141 : i32 to vector<512x128xi32>
      %div3A_143 = arith.divsi %iota3A_140, %div3A_142 : vector<512x128xi32>
      %sign3A_144 = arith.constant 0 : i32
      %sign3A_145 = vector.broadcast %sign3A_144 : i32 to vector<512x128xi32>
      %sign3A_146 = arith.cmpi sgt, %iota3A_140, %sign3A_145 : vector<512x128xi32>
      %sign3A_147 = arith.extui %sign3A_146 : vector<512x128xi1> to vector<512x128xi32>
      %sign3A_148 = arith.constant 0 : i32
      %sign3A_149 = vector.broadcast %sign3A_148 : i32 to vector<512x128xi32>
      %sign3A_150 = arith.cmpi slt, %iota3A_140, %sign3A_149 : vector<512x128xi32>
      %sign3A_151 = arith.extui %sign3A_150 : vector<512x128xi1> to vector<512x128xi32>
      %sign3A_152 = arith.subi %sign3A_147, %sign3A_151 : vector<512x128xi32>
      %sign3A_153 = arith.constant 0 : i32
      %sign3A_154 = arith.cmpi sgt, %jit3A_141, %sign3A_153 : i32
      %sign3A_155 = arith.extui %sign3A_154 : i1 to i32
      %sign3A_156 = arith.constant 0 : i32
      %sign3A_157 = arith.cmpi slt, %jit3A_141, %sign3A_156 : i32
      %sign3A_158 = arith.extui %sign3A_157 : i1 to i32
      %sign3A_159 = arith.subi %sign3A_155, %sign3A_158 : i32
      %ne3A_160 = vector.broadcast %sign3A_159 : i32 to vector<512x128xi32>
      %ne3A_161 = arith.cmpi ne, %sign3A_152, %ne3A_160 : vector<512x128xi32>
      %rem3A_162 = vector.broadcast %jit3A_141 : i32 to vector<512x128xi32>
      %rem3A_163 = arith.remsi %iota3A_140, %rem3A_162 : vector<512x128xi32>
      %ne3A_164 = arith.constant 0 : i32
      %ne3A_165 = vector.broadcast %ne3A_164 : i32 to vector<512x128xi32>
      %ne3A_166 = arith.cmpi ne, %rem3A_163, %ne3A_165 : vector<512x128xi32>
      %and3A_167 = arith.andi %ne3A_161, %ne3A_166 : vector<512x128xi1>
      %sub3A_168 = arith.constant 1 : i32
      %sub3A_169 = vector.broadcast %sub3A_168 : i32 to vector<512x128xi32>
      %sub3A_170 = arith.subi %div3A_143, %sub3A_169 : vector<512x128xi32>
      %select_n3A_171 = arith.select %and3A_167, %sub3A_170, %div3A_143 : vector<512x128xi1>, vector<512x128xi32>
      %iota3A_172 = tpu.iota {dimensions = array<i32: 0>} : vector<512x128xi32>
      %jit3A_173 = arith.constant 16 : i32
      %eq3A_174 = arith.constant 0 : i32
      %eq3A_175 = arith.cmpi eq, %jit3A_173, %eq3A_174 : i32
      %jit3A_176 = arith.constant 1 : i32
      %select_n3A_177 = arith.select %eq3A_175, %jit3A_176, %jit3A_173 : i32
      %rem3A_178 = vector.broadcast %select_n3A_177 : i32 to vector<512x128xi32>
      %rem3A_179 = arith.remsi %iota3A_172, %rem3A_178 : vector<512x128xi32>
      %ne3A_180 = arith.constant 0 : i32
      %ne3A_181 = vector.broadcast %ne3A_180 : i32 to vector<512x128xi32>
      %ne3A_182 = arith.cmpi ne, %rem3A_179, %ne3A_181 : vector<512x128xi32>
      %lt3A_183 = arith.constant 0 : i32
      %lt3A_184 = vector.broadcast %lt3A_183 : i32 to vector<512x128xi32>
      %lt3A_185 = arith.cmpi slt, %rem3A_179, %lt3A_184 : vector<512x128xi32>
      %lt3A_186 = arith.constant 0 : i32
      %lt3A_187 = arith.cmpi slt, %select_n3A_177, %lt3A_186 : i32
      %ne3A_188 = vector.broadcast %lt3A_187 : i1 to vector<512x128xi1>
      %ne3A_189 = vector.broadcast %ne3A_188 : vector<512x128xi1> to vector<512x128xi1>
      %ne3A_190 = arith.xori %lt3A_185, %ne3A_189 : vector<512x128xi1>
      %and3A_191 = arith.andi %ne3A_190, %ne3A_182 : vector<512x128xi1>
      %add3A_192 = vector.broadcast %select_n3A_177 : i32 to vector<512x128xi32>
      %add3A_193 = arith.addi %rem3A_179, %add3A_192 : vector<512x128xi32>
      %select_n3A_194 = arith.select %and3A_191, %add3A_193, %rem3A_179 : vector<512x128xi1>, vector<512x128xi32>
      %eq3A_195 = arith.cmpi eq, %select_n3A_171, %select_n3A_194 : vector<512x128xi32>
      %convert_element_type3A_196 = arith.extui %eq3A_195 : vector<512x128xi1> to vector<512x128xi32>
      %convert_element_type3A_197 = arith.sitofp %convert_element_type3A_196 : vector<512x128xi32> to vector<512x128xf32>
      %iota3A_198 = tpu.iota {dimensions = array<i32: 1>} : vector<32x512xi32>
      %jit3A_199 = arith.constant 16 : i32
      %div3A_200 = vector.broadcast %jit3A_199 : i32 to vector<32x512xi32>
      %div3A_201 = arith.divsi %iota3A_198, %div3A_200 : vector<32x512xi32>
      %sign3A_202 = arith.constant 0 : i32
      %sign3A_203 = vector.broadcast %sign3A_202 : i32 to vector<32x512xi32>
      %sign3A_204 = arith.cmpi sgt, %iota3A_198, %sign3A_203 : vector<32x512xi32>
      %sign3A_205 = arith.extui %sign3A_204 : vector<32x512xi1> to vector<32x512xi32>
      %sign3A_206 = arith.constant 0 : i32
      %sign3A_207 = vector.broadcast %sign3A_206 : i32 to vector<32x512xi32>
      %sign3A_208 = arith.cmpi slt, %iota3A_198, %sign3A_207 : vector<32x512xi32>
      %sign3A_209 = arith.extui %sign3A_208 : vector<32x512xi1> to vector<32x512xi32>
      %sign3A_210 = arith.subi %sign3A_205, %sign3A_209 : vector<32x512xi32>
      %sign3A_211 = arith.constant 0 : i32
      %sign3A_212 = arith.cmpi sgt, %jit3A_199, %sign3A_211 : i32
      %sign3A_213 = arith.extui %sign3A_212 : i1 to i32
      %sign3A_214 = arith.constant 0 : i32
      %sign3A_215 = arith.cmpi slt, %jit3A_199, %sign3A_214 : i32
      %sign3A_216 = arith.extui %sign3A_215 : i1 to i32
      %sign3A_217 = arith.subi %sign3A_213, %sign3A_216 : i32
      %ne3A_218 = vector.broadcast %sign3A_217 : i32 to vector<32x512xi32>
      %ne3A_219 = arith.cmpi ne, %sign3A_210, %ne3A_218 : vector<32x512xi32>
      %rem3A_220 = vector.broadcast %jit3A_199 : i32 to vector<32x512xi32>
      %rem3A_221 = arith.remsi %iota3A_198, %rem3A_220 : vector<32x512xi32>
      %ne3A_222 = arith.constant 0 : i32
      %ne3A_223 = vector.broadcast %ne3A_222 : i32 to vector<32x512xi32>
      %ne3A_224 = arith.cmpi ne, %rem3A_221, %ne3A_223 : vector<32x512xi32>
      %and3A_225 = arith.andi %ne3A_219, %ne3A_224 : vector<32x512xi1>
      %sub3A_226 = arith.constant 1 : i32
      %sub3A_227 = vector.broadcast %sub3A_226 : i32 to vector<32x512xi32>
      %sub3A_228 = arith.subi %div3A_201, %sub3A_227 : vector<32x512xi32>
      %select_n3A_229 = arith.select %and3A_225, %sub3A_228, %div3A_201 : vector<32x512xi1>, vector<32x512xi32>
      %iota3A_230 = tpu.iota {dimensions = array<i32: 0>} : vector<32x512xi32>
      %eq3A_231 = arith.cmpi eq, %select_n3A_229, %iota3A_230 : vector<32x512xi32>
      %convert_element_type3A_232 = arith.extui %eq3A_231 : vector<32x512xi1> to vector<32x512xi32>
      %convert_element_type3A_233 = arith.sitofp %convert_element_type3A_232 : vector<32x512xi32> to vector<32x512xf32>
      %mul3A_234 = arith.mulf %dot_general3A_139, %convert_element_type3A_197 : vector<512x128xf32>
      %dot_general3A_235 = arith.constant dense<0.000000e+00> : vector<32x128xf32>
      %dot_general3A_236 = tpu.matmul %convert_element_type3A_233, %mul3A_234, %dot_general3A_235 {dimension_numbers = #tpu.dot_dimension_numbers<[1], [0], [0], [1], [0, 0, 1, 1], [], []>, transpose_lhs_hint = false} : vector<32x512xf32>, vector<512x128xf32>, vector<32x128xf32> -> vector<32x128xf32>
      %broadcast_in_dim3A_237 = vector.shape_cast %dot_general3A_236 : vector<32x128xf32> to vector<1x32x128xf32>
      %swap3A_238 = arith.constant 0 : index
      %swap3A_239 = arith.constant 0 : index
      %swap3A_240 = arith.constant 0 : index
      %swap3A_241 = vector.load %arg7[%swap3A_238, %swap3A_239, %swap3A_240] : memref<1x32x128xf32, #tpu.memory_space<vmem>>, vector<1x32x128xf32>
      tpu.vector_store %arg7[%swap3A_238, %swap3A_239, %swap3A_240], %broadcast_in_dim3A_237 {strides = array<i32>} : memref<1x32x128xf32, #tpu.memory_space<vmem>>, vector<1x32x128xf32>,
    } else {
    }
    %mul3A = arith.constant 512 : i32
    %mul3A_2 = arith.muli %arg0, %mul3A : i32
    %get3A = arith.index_cast %mul3A_2 : i32 to index
    %get3A_3 = arith.constant 0 : index
    %get3A_4 = vector.load %arg6[%get3A, %get3A_3] : memref<4096x1xf32, #tpu.memory_space<vmem>>, vector<512x1xf32>
    %broadcast_in_dim3A = vector.shape_cast %get3A_4 : vector<512x1xf32> to vector<512x1x1xf32>
    %get3A_5 = arith.constant 0 : index
    %get3A_6 = arith.constant 0 : index
    %get3A_7 = arith.constant 0 : index
    %get3A_8 = vector.load %arg7[%get3A_5, %get3A_6, %get3A_7] : memref<1x32x128xf32, #tpu.memory_space<vmem>>, vector<1x32x128xf32>
    %add3A = vector.broadcast %broadcast_in_dim3A : vector<512x1x1xf32> to vector<512x32x128xf32>
    %add3A_9 = vector.broadcast %get3A_8 : vector<1x32x128xf32> to vector<512x32x128xf32>
    %add3A_10 = arith.addf %add3A, %add3A_9 : vector<512x32x128xf32>
    %neg3A = arith.constant 0.000000e+00 : f32
    %neg3A_11 = vector.broadcast %neg3A : f32 to vector<512x32x128xf32>
    %neg3A_12 = arith.subf %neg3A_11, %add3A_10 : vector<512x32x128xf32>
    %swap3A = arith.constant 0 : index
    %swap3A_13 = arith.constant 0 : index
    %swap3A_14 = arith.constant 0 : index
    %swap3A_15 = vector.load %arg3[%swap3A, %swap3A_13, %swap3A_14] : memref<512x32x128xf32, #tpu.memory_space<vmem>>, vector<512x32x128xf32>
    tpu.vector_store %arg3[%swap3A, %swap3A_13, %swap3A_14], %neg3A_12 {strides = array<i32>} : memref<512x32x128xf32, #tpu.memory_space<vmem>>, vector<512x32x128xf32>,
    return
  }
  func.func @transform_2(%arg0: i32) -> (i32, i32, i32) {
    %c0_i32 = arith.constant 0 : i32
    %c0_i32_0 = arith.constant 0 : i32
    %c0_i32_1 = arith.constant 0 : i32
    return %arg0, %c0_i32, %c0_i32_0 : i32, i32, i32
  }
}

module attributes {stable_mosaic.version = 14 : i64} {
  func.func @body(%arg0: i32, %arg1: memref<64x12800xf32, #tpu.memory_space<vmem>>, %arg2: memref<64x12800xf32, #tpu.memory_space<vmem>>, %arg3: memref<12800x128xf32, #tpu.memory_space<vmem>>) attributes {dimension_semantics = [#tpu.dimension_semantics<arbitrary>], iteration_bounds = array<i64: 8>, scalar_prefetch = 0 : i64, scratch_operands = 0 : i64, tpu.core_type = #tpu.core_type<tc>, window_params = [{transform_indices = @transform_0, window_bounds = array<i64: 64, 12800>}, {transform_indices = @transform_1, window_bounds = array<i64: 64, 12800>}, {transform_indices = @transform_2, window_bounds = array<i64: 12800, 128>}]} {
    %iota3A = tpu.iota {dimensions = array<i32: 0>} : vector<64x64xi32>
    %iota3A_0 = tpu.iota {dimensions = array<i32: 1>} : vector<64x64xi32>
    %eq3A = arith.cmpi eq, %iota3A, %iota3A_0 : vector<64x64xi32>
    %convert_element_type3A = arith.extui %eq3A : vector<64x64xi1> to vector<64x64xi32>
    %convert_element_type3A_1 = arith.sitofp %convert_element_type3A : vector<64x64xi32> to vector<64x64xf32>
    %get3A = arith.constant 0 : index
    %get3A_2 = arith.constant 0 : index
    %get3A_3 = vector.load %arg1[%get3A, %get3A_2] : memref<64x12800xf32, #tpu.memory_space<vmem>>, vector<64x12800xf32>
    %dot_general3A = arith.constant dense<0.000000e+00> : vector<12800x64xf32>
    %dot_general3A_4 = tpu.matmul %get3A_3, %convert_element_type3A_1, %dot_general3A {dimension_numbers = #tpu.dot_dimension_numbers<[0], [0], [1], [1], [0, 1, 1, 1], [], []>, transpose_lhs_hint = false} : vector<64x12800xf32>, vector<64x64xf32>, vector<12800x64xf32> -> vector<12800x64xf32>
    %get3A_5 = arith.constant 0 : index
    %get3A_6 = arith.constant 0 : index
    %get3A_7 = vector.load %arg2[%get3A_5, %get3A_6] : memref<64x12800xf32, #tpu.memory_space<vmem>>, vector<64x12800xf32>
    %dot_general3A_8 = arith.constant dense<0.000000e+00> : vector<12800x64xf32>
    %dot_general3A_9 = tpu.matmul %get3A_7, %convert_element_type3A_1, %dot_general3A_8 {dimension_numbers = #tpu.dot_dimension_numbers<[0], [0], [1], [1], [0, 1, 1, 1], [], []>, transpose_lhs_hint = false} : vector<64x12800xf32>, vector<64x64xf32>, vector<12800x64xf32> -> vector<12800x64xf32>
    %swap3A = arith.constant 0 : index
    %swap3A_10 = arith.constant 0 : index
    %swap3A_11 = vector.load %arg3[%swap3A, %swap3A_10] : memref<12800x128xf32, #tpu.memory_space<vmem>>, vector<12800x64xf32>
    tpu.vector_store %arg3[%swap3A, %swap3A_10], %dot_general3A_4 {strides = array<i32>} : memref<12800x128xf32, #tpu.memory_space<vmem>>, vector<12800x64xf32>,
    %swap3A_12 = arith.constant 0 : index
    %swap3A_13 = arith.constant 64 : index
    %swap3A_14 = vector.load %arg3[%swap3A_12, %swap3A_13] : memref<12800x128xf32, #tpu.memory_space<vmem>>, vector<12800x64xf32>
    tpu.vector_store %arg3[%swap3A_12, %swap3A_13], %dot_general3A_9 {strides = array<i32>} : memref<12800x128xf32, #tpu.memory_space<vmem>>, vector<12800x64xf32>,
    return
  }
  func.func @transform_0(%arg0: i32) -> (i32, i32) {
    %c0_i32 = arith.constant 0 : i32
    %c0_i32_0 = arith.constant 0 : i32
    return %c0_i32, %arg0 : i32, i32
  }
  func.func @transform_1(%arg0: i32) -> (i32, i32) {
    %c0_i32 = arith.constant 0 : i32
    %c0_i32_0 = arith.constant 0 : i32
    return %c0_i32, %arg0 : i32, i32
  }
  func.func @transform_2(%arg0: i32) -> (i32, i32) {
    %c0_i32 = arith.constant 0 : i32
    %c0_i32_0 = arith.constant 0 : i32
    return %arg0, %c0_i32 : i32, i32
  }
}

</mosaic_0001>

<sc_bundles>
// kernel: kernel.5.cloned.1.call-start
scs
__scs_entry_jumppad:
0x0: {  	(pc) =	sbr.rel $0x88, $3  }
0x1: {  	(tag) =	ssettag $0x0;
	lr =	simm.s32 $0x1  }
0x2: {  	[smem:$0x3F9C] =	sst lr;
	_ =	strace $0xD0000000  }
0x3: {  	_ = 	snop  }
0x4: {  	_ = 	snop  }
0x5: {  	_ = 	snop  }
0x6: {  	_ = 	snop  }
0x7: {  	_ = 	snop  }
__scs_overlays_trampoline_lowered:
0x8: {  	[smem:$0x3FAB] =	sst s0  }
0x9: {  	[smem:$0x3FAC] =	sst s1  }
0xa: {  	[smem:$0x3FAD] =	sst s2  }
0xb: {  	[smem:$0x3FAE] =	sst s3  }
0xc: {  	[smem:$0x3FAF] =	sst s4  }
0xd: {  	[smem:$0x3FB0] =	sst s5  }
0xe: {  	[smem:$0x3FB1] =	sst s6  }
0xf: {  	[smem:$0x3FB2] =	sst s7  }
0x10: {  	[smem:$0x3FB3] =	sst s8  }
0x11: {  	[smem:$0x3FB4] =	sst s9;
	s0 =	simm.s32 @!p0 $0x0  }
0x12: {  	s1 =	sld [smem:$0x3F9A];
	s0 =	simm.s32 @p0 $0x1  }
0x13: {  	[smem:$0x3FB5] =	sst s0;
	s0 =	simm.s32 @!p1 $0x0  }
0x14: {  	s2 =	sld [smem:$0x3F99];
	s0 =	simm.s32 @p1 $0x1  }
0x15: {  	[smem:$0x3FB6] =	sst s0;
	s0 =	simm.s32 @!p2 $0x0  }
0x16: {  	s3 =	sld [smem:$0x3FDB];
	s0 =	simm.s32 @p2 $0x1  }
0x17: {  	s4 =	simm.s32 $0x1BF5;
	[smem:$0x3FB8] =	sst s0  }
0x18: {  	s0 =	sld [smem:$0x3F9B];
	_ =	swait.ge [sflag:s4], $0x0  }
0x19: {  	s7 =	sld [smem:$0x3F9C]  }
0x1a: {  	s8 =	sadd.s32 $0xFFFFE003, lr  }
0x1b: {  	s9 =	sadd.s32 $0xFFFFFEF7, lr;
	s5 =	simm.s32 $0xFFFFFFFF;
	p2 =	slt.u32 s8, $0xFFFFF086  }
0x1c: {  	p1 =	slt.u32 s9, $0xF7A;
	s5 =	simm.s32 @!p2 $0x0  }
0x1d: {  	s5 =	simm.s32 @p1 $0x1;
	p0 =	seq.s32 s7, s2  }
0x1e: {  	s7 =	smul.u32 @!p0 $0xF7A, s2;
	p2 =	seq.s32 @!p0 s5, $0x0  }
0x1f: {  	s9 =	smul.u32 $0xF7A, s1;
	s8 =	simm.s32 @!p0 $0x1BF5;
	p2 =	por !p2, p0  }
0x20: {  	[sflag:s8] =	ssyncset.s32 @!p0 $0xFFFFF086;
	s6 =	sadd.s32 @!p0 s3, s7;
	s7 =	simm.s32 @!p0 $0x108  }
0x21: {  	s3 =	sadd.s32 s3, s9;
	s6 =	sadd.s32 @!p0 $0x88, s6;
	s7 =	simm.s32 @p2 $0x1082  }
0x22: {  	[simem:s7], [sflag:s8] =	dma.local @!p0 [hbm:s6], $0xF7A  }
0x23: {  	s9 =	sor.u32 $0xD0000000, s2;
	s6 =	simm.s32 $0x108;
	_ =	swait.ge @!p0 [sflag:s8], $0x0  }
0x24: {  	s3 =	sadd.s32 $0x88, s3;
	s6 =	simm.s32 @!p1 $0x1082;
	[sflag:s4] =	ssyncset.s32 $0xFFFFF086  }
0x25: {  	[simem:s6], [sflag:s4] =	dma.local [hbm:s3], $0xF7A  }
0x26: {  	[smem:$0x3F9C] =	sst s1;
	(tag) =	ssettag s2;
	_ =	strace s9  }
0x27: {  	s1 =	sld [smem:$0x3FAC]  }
0x28: {  	s2 =	sld [smem:$0x3FAD]  }
0x29: {  	s4 =	sld [smem:$0x3FAF]  }
0x2a: {  	p0 =	seq.s32 s5, $0x0;
	s5 =	sld [smem:$0x3FB0]  }
0x2b: {  	s6 =	sld [smem:$0x3FB1]  }
0x2c: {  	s7 =	sld [smem:$0x3FB2]  }
0x2d: {  	s3 =	simm.s32 $0x108;
	s8 =	sld [smem:$0x3FB3]  }
0x2e: {  	s3 =	simm.s32 @!p0 $0x1082;
	s9 =	sld [smem:$0x3FB4]  }
0x2f: {  	lr =	sadd.s32 s0, s3;
	s0 =	sld [smem:$0x3FAB]  }
0x30: {  	s3 =	sld [smem:$0x3FAE]  }
0x31: {  	[smem:$0x3FB7] =	sst s10  }
0x32: {  	s10 =	sld [smem:$0x3FB5];
	_ =	sdelay $0x3  }
0x33: {  	p0 =	seq.s32 s10, $0x1;
	s10 =	sld [smem:$0x3FB7];
	_ =	sdelay $0x3  }
0x34: {  	[smem:$0x3FB7] =	sst s10  }
0x35: {  	s10 =	sld [smem:$0x3FB6];
	_ =	sdelay $0x3  }
0x36: {  	p1 =	seq.s32 s10, $0x1;
	s10 =	sld [smem:$0x3FB7];
	_ =	sdelay $0x3  }
0x37: {  	[smem:$0x3FB7] =	sst s10  }
0x38: {  	s10 =	sld [smem:$0x3FB8]  }
0x39: {  	_ = 	snop;
	(pc) =	sbr.ind lr, $3  }
0x3a: {  	_ = 	snop  }
0x3b: {  	_ = 	snop  }
0x3c: {  	p2 =	seq.s32 s10, $0x1;
	s10 =	sld [smem:$0x3FB7]  }
0x3d: {  	_ =	shalt  }
0x3e: {  	_ =	shalt  }
0x3f: {  	_ =	shalt  }
0x40: {  	_ =	shalt  }
0x41: {  	_ =	shalt  }
0x42: {  	_ =	shalt  }
0x43: {  	_ =	shalt  }
0x44: {  	_ =	shalt  }
0x45: {  	_ =	shalt  }
0x46: {  	_ =	shalt  }
0x47: {  	_ =	shalt  }
0x48: {  	_ =	shalt  }
0x49: {  	_ =	shalt  }
0x4a: {  	_ =	shalt  }
0x4b: {  	_ =	shalt  }
0x4c: {  	_ =	shalt  }
0x4d: {  	_ =	shalt  }
0x4e: {  	_ =	shalt  }
0x4f: {  	_ =	shalt  }
0x50: {  	_ =	shalt  }
0x51: {  	_ =	shalt  }
0x52: {  	_ =	shalt  }
0x53: {  	_ =	shalt  }
0x54: {  	_ =	shalt  }
0x55: {  	_ =	shalt  }
0x56: {  	_ =	shalt  }
0x57: {  	_ =	shalt  }
0x58: {  	_ =	shalt  }
0x59: {  	_ =	shalt  }
0x5a: {  	_ =	shalt  }
0x5b: {  	_ =	shalt  }
0x5c: {  	_ =	shalt  }
0x5d: {  	_ =	shalt  }
0x5e: {  	_ =	shalt  }
0x5f: {  	_ =	shalt  }
0x60: {  	_ =	shalt  }
0x61: {  	_ =	shalt  }
0x62: {  	_ =	shalt  }
0x63: {  	_ =	shalt  }
0x64: {  	_ =	shalt  }
0x65: {  	_ =	shalt  }
0x66: {  	_ =	shalt  }
0x67: {  	_ =	shalt  }
0x68: {  	_ =	shalt  }
0x69: {  	_ =	shalt  }
0x6a: {  	_ =	shalt  }
0x6b: {  	_ =	shalt  }
0x6c: {  	_ =	shalt  }
0x6d: {  	_ =	shalt  }
0x6e: {  	_ =	shalt  }
0x6f: {  	_ =	shalt  }
0x70: {  	_ =	shalt  }
0x71: {  	_ =	shalt  }
0x72: {  	_ =	shalt  }
0x73: {  	_ =	shalt  }
0x74: {  	_ =	shalt  }
0x75: {  	_ =	shalt  }
0x76: {  	_ =	shalt  }
0x77: {  	_ =	shalt  }
0x78: {  	_ =	shalt  }
0x79: {  	_ =	shalt  }
0x7a: {  	_ =	shalt  }
0x7b: {  	_ =	shalt  }
0x7c: {  	_ =	shalt  }
0x7d: {  	_ =	shalt  }
0x7e: {  	_ =	shalt  }
0x7f: {  	_ =	shalt  }
0x80: {  	_ =	shalt  }
0x81: {  	_ =	shalt  }
0x82: {  	_ =	shalt  }
0x83: {  	_ =	shalt  }
0x84: {  	_ =	shalt  }
0x85: {  	_ =	shalt  }
0x86: {  	_ =	shalt  }
0x87: {  	_ =	shalt  }
.Lfunc_end0:
.L_simem_size_0:
called_computation_lowered:
.L_overlay_start_0:
0x88: {  	s2 =	sld [smem:$0x3FD9]  }
0x89: {  	s3 =	sld [smem:$0x3FFE];
	_ =	sdelay $0x1  }
0x8a: {  	s1 =	srdreg.scid  }
0x8b: {  	s0 =	sand.u32 $0x1, s1  }
0x8c: {  	s17 =	sshll.u32 s0, $0xA;
	s2 =	sadd.s32 s3, s2  }
0x8d: {  	s2 =	sadd.s32 s2, s17  }
0x8e: {  	[smem:$0x3FC3] =	sst s2  }
0x8f: {  	_ = 	snop  }
0x90: {  	s2 =	sld [smem:$0x3FC9]  }
0x91: {  	s18 =	sld [smem:$0x3FC8]  }
0x92: {  	s4 =	sld [smem:$0x3FC7]  }
0x93: {  	s5 =	sld [smem:$0x3FD0];
	(tm) =	ssettm $0x1  }
0x94: {  	s6 =	sld [smem:$0x3FFB];
	_ =	sdelay $0x3  }
0x95: {  	_ =	strace s6  }
0x96: {  	s6 =	sld [smem:$0x3FFC];
	_ =	sdelay $0x3  }
0x97: {  	_ =	strace s6  }
0x98: {  	s6 =	sld [smem:$0x3FFD];
	_ =	sdelay $0x3  }
0x99: {  	_ =	strace s6  }
0x9a: {  	_ =	strace $0x8FFFFFFF  }
0x9b: {  	s19 =	sld [smem:$0x3FDB];
	_ =	sdelay $0x1  }
0x9c: {  	s7 =	simm.s32 $_scs_section_size  }
0x9d: {  	s8 =	simm.s32 $_size__tile_overlayer_lowered;
	s9 =	simm.s32 $_tile_overlayer_lowered  }
0x9e: {  	s22 =	simm.s32 $0x1BFF;
	s21 =	sshll.u32 s9, $0x1;
	s6 =	sadd.s32 s7, s19  }
0x9f: {  	s10 =	simm.s32 $0x0;
	s20 =	sshll.u32 s8, $0x1;
	s8 =	sadd.s32 s21, s6  }
0xa0: {  	[timem:s10], [sflag:s22] =	dma.local [hbm:s8], s20  }
0xa1: {  	_ =	swait.ge [sflag:s22], s20  }
0xa2: {  	s7 =	ssub.s32 $0x0, s20;
	[sflag:s22] =	ssyncset.done $0x0  }
0xa3: {  	[sflag:s22] =	ssyncadd.s32 s7;
	_ =	sdelay $0x1  }
0xa4: {  	s23 =	simm.s32 $0x1B8B  }
0xa5: {  	_ =	swait.ge [sflag:s23], $0x1  }
0xa6: {  	[sflag:s23] =	ssyncset.done $0x0  }
0xa7: {  	s25 =	simm.s32 $0x1B8E;
	s24 =	sld [smem:$0x3FFE];
	[sflag:s23] =	ssyncadd.s32 $0xFFFFFFFF  }
0xa8: {  	s26 =	simm.s32 $execute0_lowered;
	[smem:$0x3FD2] =	sst s25  }
0xa9: {  	s8 =	sshll.u32 s26, $0x1;
	_ =	strace $0x80000046;
	[dreg:$0x1] =	wrdreg $0xFFFFFFFF  }
0xaa: {  	s28 =	simm.s32 $_size_execute0_lowered;
	s6 =	sadd.s32 s6, s8;
	[dreg:$0x0] =	wrdreg $0x0  }
0xab: {  	s8 =	sshll.u32 s28, $0x1;
	[dreg:$0x2] =	wrdreg s6  }
0xac: {  	[dreg:$0x3] =	wrdreg s8  }
0xad: {  	[dreg:$0x4] =	wrdreg $0xC0  }
0xae: {  	_ =	task [dreg:s10], $0x5FFFF  }
0xaf: {  	[dreg:$0x1] =	wrdreg $0xFFFFFFFF  }
0xb0: {  	[dreg:$0x0] =	wrdreg $0x60  }
0xb1: {  	[dreg:$0x2] =	wrdreg s2  }
0xb2: {  	[dreg:$0x3] =	wrdreg s18  }
0xb3: {  	[dreg:$0x4] =	wrdreg s4  }
0xb4: {  	[dreg:$0x5] =	wrdreg s5  }
0xb5: {  	[dreg:$0x6] =	wrdreg s24  }
0xb6: {  	[dreg:$0x7] =	wrdreg $0x9  }
0xb7: {  	_ =	task.clear_ibuf [dreg:s10], $0x8FFFF;
	_ =	strace $0x90000046  }
0xb8: {  	s29 =	simm.s32 $0x9;
	_ =	strace $0x80000048  }
0xb9: {  	_ =	swait.ge [sflag:s29], $0x1  }
0xba: {  	[sflag:s29] =	ssyncadd.s32 $0xFFFFFFFF  }
0xbb: {  	_ =	strace $0x90000048  }
0xbc: {  	_ =	sfence  }
0xbd: {  	s30 =	sld [smem:$0x0];
	_ =	sdelay $0x2  }
0xbe: {  	s31 =	sshll.u32 s1, $0xD;
	s1 =	sshrl.u32 s1, $0x2  }
0xbf: {  	s3 =	sand.u32 $0x4000, s31;
	s1 =	sadd.s32 s1, s30  }
0xc0: {  	s0 =	sor.u32 s3, s0;
	s1 =	sshll.u32 s1, $0x11  }
0xc1: {  	s0 =	sor.u32 s1, s0  }
0xc2: {  	s0 =	sadd.s32 $0x8F2B, s0  }
0xc3: {  	[sflag:s0] =	ssyncadd.remote.s32 $0x1  }
0xc4: {  	_ =	sfence.sel $0xFFFF  }
0xc5: {  	[dreg:$0x0] =	wrdreg $0xFFFFFFFF;
	(pc) =	sbr.abs _section_cstart, $3  }
0xc6: {  	[dreg:$0x1] =	wrdreg $0xFFFFFFFF  }
0xc7: {  	_ =	task.clear_ibuf [dreg:s10], $0x2FFFF;
	_ =	strace $0x9FFFFFFF  }
0xc8: {  	(tm) =	ssettm $0x7FFFFFFF  }
0xc9: {  	_ =	shalt  }
tec
execute0_lowered:
.L_overlay_start_1:
0x0: {  	(tag) =	ssettag $0x1  }
0x1: {  	s0 =	rddreg [dreg:$0x0]  }
0x2: {  	s2 =	rddreg [dreg:$0x1]  }
0x3: {  	s6 =	rddreg [dreg:$0x2]  }
0x4: {  	s1 =	rddreg [dreg:$0x3]  }
0x5: {  	s4 =	rddreg [dreg:$0x4];
	s3 =	simm.s32 $0x0;
	s5 =	srdreg.scid  }
0x6: {  	s7 =	stileid.u32;
	s11 =	simm.s32 $0x80;
	s16 =	simm.s32 $0x100  }
0x7: {  	s21 =	simm.s32 $0xCD00;
	s22 =	simm.s32 $0x1;
	s23 =	simm.s32 $0x2  }
0x8: {  	s24 =	simm.s32 $0x3;
	s28 =	simm.s32 $0x800;
	s29 =	simm.s32 $0x10000  }
0x9: {  	s30 =	simm.s32 $0x14D00;
	s5 =	sand.u32 $0x1, s5;
	s7 =	sshll.u32 s7, $0x1  }
0xa: {  	s31 =	simm.s32 $0x0;
	[smem:$0x7FF] =	sst s3;
	s7 =	sor.u32 s5, s7  }
0xb: {  	_ =	strace $0x80000047;
	s5 =	ssub.s32 $0x2, s5;
	s8 =	sshll.u32 s7, $0xB  }
0xc: {  	s9 =	sshll.u32 s7, $0x8;
	s25 =	sshrl.u32 s5, $0x1;
	s26 =	sshll.u32 s7, $0x4  }
.Ltmp0:
0xd: {  	s7 =	sshll.u32 s7, $0x7;
	s8 =	sadd.s32 s8, s4;
	(pc) =	sbr.rel .LBB2_1-.Ltmp0, $4  }
0xe: {  	s9 =	sadd.s32 s9, s4;
	s10 =	ssub.s32 s5, s25;
	s4 =	sadd.s32 s0, s26  }
0xf: {  	s5 =	sadd.s32 s2, s26;
	s6 =	sadd.s32 s6, s7;
	s25 =	simm.s32 $0x4  }
0x10: {  	s26 =	simm.s32 $0x10D00;
	s7 =	sadd.s32 $0x28C00, s8;
	s8 =	sadd.s32 $0xC00, s9  }
0x11: {  	s9 =	smax.u32 s10, $0x1;
	s10 =	simm.s32 $0x5;
	s17 =	sadd.s32 $0x2000, s6  }
.LBB2_10:
0x12: {  	[hbm4b:s7+s3] =	stream.linear.scatter [tilespmem:s26], [sflag:$0x5], $0x4000, $0x38;
	[tilespmem:$0x1ED00] =	vst v63  }
0x13: {  	s31 =	sadd.s32 $0x1, s31;
	_ =	swait.ge [sflag:s10], $0x4000  }
0x14: {  	p0 =	sne.s32 s31, s9;
	[sflag:s10] =	ssyncset.done $0x0  }
.Ltmp1:
0x15: {  	[sflag:s10] =	ssyncadd.s32 $0xFFFFC000;
	(pc) =	sbr.rel @!p0 .LBB2_11-.Ltmp1, $4  }
0x16: {  	[hbm4b:s8+s28] =	stream.strided.scatter [tilespmem:s30], [sflag:$0x5], $0xA000, s29, s28, $0x38;
	[tilespmem:$0x1ED00] =	vst v63  }
0x17: {  	_ =	swait.ge [sflag:s10], $0xA000  }
0x18: {  	[sflag:s10] =	ssyncset.done $0x0  }
0x19: {  	[sflag:s10] =	ssyncadd.s32 $0xFFFF6000  }
.LBB2_1:
0x1a: {  	[tilespmem:s3], [sflag:$0x5] =	stream.linear.gather [hbm4b:s4+s3], $0x80, $0x38;
	[tilespmem:$0x1ED00] =	vst v63  }
0x1b: {  	_ =	swait.ge [sflag:s10], $0x80  }
0x1c: {  	[sflag:s10] =	ssyncset.done $0x0  }
0x1d: {  	s0 =	simm.s32 $0xD00;
	[sflag:s10] =	ssyncadd.s32 $0xFFFFFF80  }
0x1e: {  	[tilespmem:s0], [sflag:$0x1] =	stream.indirect.gather [hbm4b:s1+s11], $0x80, s3, s11, $0xb8;
	[tilespmem:$0x1ED00] =	vst v63  }
0x1f: {  	_ = 	snop  }
0x20: {  	[tilespmem:s11], [sflag:$0x5] =	stream.linear.gather [hbm4b:s5+s3], $0x80, $0x38;
	[tilespmem:$0x1ED00] =	vst v63  }
0x21: {  	_ =	swait.ge [sflag:s10], $0x80  }
0x22: {  	[sflag:s10] =	ssyncset.done $0x0  }
0x23: {  	s14 =	simm.s32 $0x4D00;
	[sflag:s10] =	ssyncadd.s32 $0xFFFFFF80  }
0x24: {  	[tilespmem:s14], [sflag:$0x2] =	stream.indirect.gather [hbm4b:s1+s11], $0x80, s11, s11, $0xb8;
	[tilespmem:$0x1ED00] =	vst v63  }
0x25: {  	s15 =	simm.s32 $0x400;
	s2 =	simm.s32 $0x8000  }
0x26: {  	[tilespmem:s16], [sflag:$0x5] =	stream.strided.gather [hbm4b:s6+s15], $0x800, s2, s15, $0x38;
	[tilespmem:$0x1ED00] =	vst v63  }
0x27: {  	s18 =	simm.s32 $0x900  }
0x28: {  	[tilespmem:s18], [sflag:$0x5] =	stream.linear.gather [hbm4b:s17+s3], $0x200, $0x38;
	[tilespmem:$0x1ED00] =	vst v63  }
0x29: {  	_ =	swait.ge [sflag:s10], $0xA00  }
0x2a: {  	[sflag:s10] =	ssyncset.done $0x0  }
0x2b: {  	s19 =	simm.s32 $0x8D00;
	[sflag:s10] =	ssyncadd.s32 $0xFFFFF600  }
0x2c: {  	[tilespmem:s19], [sflag:$0x3] =	stream.indirect.gather [hbm4b:s1+s11], $0x80, s16, s11, $0xb8;
	[tilespmem:$0x1ED00] =	vst v63  }
0x2d: {  	s20 =	simm.s32 $0x180  }
0x2e: {  	[tilespmem:s21], [sflag:$0x4] =	stream.indirect.gather [hbm4b:s1+s11], $0x80, s20, s11, $0xb8;
	[tilespmem:$0x1ED00] =	vst v63  }
0x2f: {  	_ =	swait.ge [sflag:s22], $0x4000  }
0x30: {  	[sflag:s22] =	ssyncset.done $0x0  }
0x31: {  	[sflag:s22] =	ssyncadd.s32 $0xFFFFC000  }
0x32: {  	_ =	swait.ge [sflag:s23], $0x4000  }
0x33: {  	[sflag:s23] =	ssyncset.done $0x0  }
0x34: {  	s0 =	simm.s32 $0x0;
	[sflag:s23] =	ssyncadd.s32 $0xFFFFC000  }
0x35: {  	v0 =	vld [tilespmem:s0+$0x1480]  }
0x36: {  	v1 =	vld [tilespmem:s0+$0x54C0]  }
0x37: {  	v2 =	vld [tilespmem:s0+$0x1490]  }
0x38: {  	v3 =	vld [tilespmem:s0+$0x54D0]  }
0x39: {  	v4 =	vld [tilespmem:s0+$0x14A0]  }
0x3a: {  	v5 =	vld [tilespmem:s0+$0x54E0]  }
0x3b: {  	v6 =	vld [tilespmem:s0+$0x14B0]  }
0x3c: {  	v7 =	vld [tilespmem:s0+$0x54F0]  }
0x3d: {  	v0 =	vmul.f32 v1, v0;
	v1 =	vmul.f32 v3, v2;
	_ =	sdelay $0x1  }
0x3e: {  	v0 =	vadd.f32 v1, v0;
	v1 =	vmul.f32 v5, v4;
	_ =	sdelay $0x1  }
0x3f: {  	v0 =	vadd.f32 v1, v0;
	v1 =	vmul.f32 v7, v6;
	_ =	sdelay $0x1  }
0x40: {  	v0 =	vadd.f32 v1, v0;
	_ =	sdelay $0x1  }
0x41: {  	[tilespmem:s0+$0x11480] =	vst v0;
	v0 =	vld [tilespmem:s0+$0x1180];
	_ =	sdelay $0x4  }
0x42: {  	[tilespmem:$0x1FE40] =	vst v0;
	v0 =	vld [tilespmem:s0+$0x51C0];
	_ =	sdelay $0x4  }
0x43: {  	[tilespmem:$0x1FE50] =	vst v0;
	v0 =	vld [tilespmem:s0+$0x1190];
	_ =	sdelay $0x4  }
0x44: {  	[tilespmem:$0x1FE60] =	vst v0;
	v0 =	vld [tilespmem:s0+$0x51D0];
	_ =	sdelay $0x4  }
0x45: {  	[tilespmem:$0x1FE70] =	vst v0;
	v0 =	vld [tilespmem:s0+$0x1200];
	_ =	sdelay $0x4  }
0x46: {  	[tilespmem:$0x1FE80] =	vst v0;
	v0 =	vld [tilespmem:s0+$0x5240];
	_ =	sdelay $0x4  }
0x47: {  	[tilespmem:$0x1FE90] =	vst v0;
	v0 =	vld [tilespmem:s0+$0x1210];
	_ =	sdelay $0x4  }
0x48: {  	[tilespmem:$0x1FEA0] =	vst v0;
	v0 =	vld [tilespmem:s0+$0x5250];
	_ =	sdelay $0x4  }
0x49: {  	[tilespmem:$0x1FEB0] =	vst v0;
	v0 =	vld [tilespmem:s0+$0x1280];
	_ =	sdelay $0x4  }
0x4a: {  	[tilespmem:$0x1FEC0] =	vst v0;
	v0 =	vld [tilespmem:s0+$0x52C0];
	_ =	sdelay $0x4  }
0x4b: {  	[tilespmem:$0x1FED0] =	vst v0;
	v0 =	vld [tilespmem:s0+$0x1290];
	_ =	sdelay $0x4  }
0x4c: {  	[tilespmem:$0x1FEE0] =	vst v0;
	v0 =	vld [tilespmem:s0+$0x52D0];
	_ =	sdelay $0x4  }
0x4d: {  	[tilespmem:$0x1FEF0] =	vst v0;
	v0 =	vld [tilespmem:s0+$0x1300];
	_ =	sdelay $0x4  }
0x4e: {  	[tilespmem:$0x1FF00] =	vst v0;
	v0 =	vld [tilespmem:s0+$0x5340];
	_ =	sdelay $0x4  }
0x4f: {  	[tilespmem:$0x1FF10] =	vst v0;
	v0 =	vld [tilespmem:s0+$0x1310];
	_ =	sdelay $0x4  }
0x50: {  	[tilespmem:$0x1FF20] =	vst v0;
	v0 =	vld [tilespmem:s0+$0x5350];
	_ =	sdelay $0x4  }
0x51: {  	[tilespmem:$0x1FF30] =	vst v0;
	v0 =	vld [tilespmem:s0+$0x1380];
	_ =	sdelay $0x2  }
0x52: {  	v39 =	vld [tilespmem:s0+$0xD00]  }
0x53: {  	v40 =	vld [tilespmem:s0+$0x4D40]  }
0x54: {  	[tilespmem:$0x1FF40] =	vst v0;
	v0 =	vld [tilespmem:s0+$0x53C0]  }
0x55: {  	v41 =	vld [tilespmem:s0+$0xD10]  }
0x56: {  	v42 =	vld [tilespmem:s0+$0x4D50]  }
0x57: {  	v43 =	vld [tilespmem:s0+$0xD80]  }
0x58: {  	v44 =	vld [tilespmem:s0+$0x4DC0]  }
0x59: {  	[tilespmem:$0x1FF50] =	vst v0;
	v0 =	vld [tilespmem:s0+$0x1390]  }
0x5a: {  	v45 =	vld [tilespmem:s0+$0xD90]  }
0x5b: {  	v46 =	vld [tilespmem:s0+$0x4DD0]  }
0x5c: {  	v47 =	vld [tilespmem:s0+$0xE00]  }
0x5d: {  	v48 =	vld [tilespmem:s0+$0x4E40]  }
0x5e: {  	[tilespmem:$0x1FF60] =	vst v0;
	v0 =	vld [tilespmem:s0+$0x53D0]  }
0x5f: {  	v49 =	vld [tilespmem:s0+$0xE10]  }
0x60: {  	v50 =	vld [tilespmem:s0+$0x4E50]  }
0x61: {  	v51 =	vld [tilespmem:s0+$0xE80]  }
0x62: {  	v52 =	vld [tilespmem:s0+$0x4EC0]  }
0x63: {  	[tilespmem:$0x1FF70] =	vst v0;
	v0 =	vld [tilespmem:s0+$0x1400]  }
0x64: {  	v53 =	vld [tilespmem:s0+$0xE90]  }
0x65: {  	v54 =	vld [tilespmem:s0+$0x4ED0]  }
0x66: {  	v55 =	vld [tilespmem:s0+$0xF00]  }
0x67: {  	v56 =	vld [tilespmem:s0+$0x4F40]  }
0x68: {  	[tilespmem:$0x1FF80] =	vst v0;
	v0 =	vld [tilespmem:s0+$0x5440]  }
0x69: {  	v57 =	vld [tilespmem:s0+$0xF10]  }
0x6a: {  	v58 =	vld [tilespmem:s0+$0x4F50]  }
0x6b: {  	v59 =	vld [tilespmem:s0+$0xF80]  }
0x6c: {  	v60 =	vld [tilespmem:s0+$0x4FC0]  }
0x6d: {  	[tilespmem:$0x1FF90] =	vst v0;
	v0 =	vld [tilespmem:s0+$0x1410]  }
0x6e: {  	v61 =	vld [tilespmem:s0+$0xF90]  }
0x6f: {  	v62 =	vld [tilespmem:s0+$0x4FD0]  }
0x70: {  	v63 =	vld [tilespmem:s0+$0x1000]  }
0x71: {  	v26 =	vld [tilespmem:s0+$0x5040]  }
0x72: {  	[tilespmem:$0x1FFA0] =	vst v0;
	v0 =	vld [tilespmem:s0+$0x5450]  }
0x73: {  	v25 =	vld [tilespmem:s0+$0x1010]  }
0x74: {  	v24 =	vld [tilespmem:s0+$0x5050]  }
0x75: {  	v35 =	vld [tilespmem:s0+$0x1080]  }
0x76: {  	v37 =	vld [tilespmem:s0+$0x50C0]  }
0x77: {  	[tilespmem:$0x1FFB0] =	vst v0;
	v0 =	vld [tilespmem:s0+$0x13A0]  }
0x78: {  	v38 =	vld [tilespmem:s0+$0x1090]  }
0x79: {  	v27 =	vld [tilespmem:s0+$0x50D0]  }
0x7a: {  	v28 =	vld [tilespmem:s0+$0x1100]  }
0x7b: {  	v29 =	vld [tilespmem:s0+$0x5140]  }
0x7c: {  	[tilespmem:$0x1FFC0] =	vst v0;
	v0 =	vld [tilespmem:s0+$0x53E0]  }
0x7d: {  	v30 =	vld [tilespmem:s0+$0x1110]  }
0x7e: {  	v9 =	vld [tilespmem:s0+$0xEA0]  }
0x7f: {  	v8 =	vld [tilespmem:s0+$0x4EE0]  }
0x80: {  	v11 =	vld [tilespmem:s0+$0xF20]  }
0x81: {  	[tilespmem:$0x1FFD0] =	vst v0;
	v0 =	vld [tilespmem:s0+$0x1420]  }
0x82: {  	v10 =	vld [tilespmem:s0+$0x4F60]  }
0x83: {  	v3 =	vld [tilespmem:s0+$0xD20]  }
0x84: {  	v2 =	vld [tilespmem:s0+$0x4D60]  }
0x85: {  	v39 =	vmul.f32 v40, v39;
	v40 =	vmul.f32 v42, v41;
	v41 =	vld [tilespmem:s0+$0xDB0]  }
0x86: {  	[tilespmem:$0x1FFE0] =	vst v0;
	v0 =	vld [tilespmem:s0+$0x5460]  }
0x87: {  	v42 =	vld [tilespmem:s0+$0x4DF0]  }
0x88: {  	v5 =	vld [tilespmem:s0+$0xDA0]  }
0x89: {  	v4 =	vld [tilespmem:s0+$0x4DE0]  }
0x8a: {  	v1 =	vld [tilespmem:s0+$0xD30]  }
0x8b: {  	[tilespmem:$0x1FFF0] =	vst v0;
	v0 =	vld [tilespmem:s0+$0x4D70]  }
0x8c: {  	v7 =	vld [tilespmem:s0+$0xE20]  }
0x8d: {  	v6 =	vld [tilespmem:s0+$0x4E60]  }
0x8e: {  	v39 =	vadd.f32 v40, v39;
	v40 =	vmul.f32 v44, v43;
	v44 =	vld [tilespmem:s0+$0x4E70];
	v2 =	vmul.f32 v2, v3  }
0x8f: {  	v47 =	vmul.f32 v48, v47;
	v43 =	vmul.f32 v46, v45;
	v3 =	vld [tilespmem:s0+$0xE30]  }
0x90: {  	v13 =	vld [tilespmem:s0+$0xFA0];
	v48 =	vmul.f32 v50, v49;
	v2 =	vadd.f32 v2, v39;
	v0 =	vmul.f32 v0, v1  }
0x91: {  	v12 =	vld [tilespmem:s0+$0x4FE0];
	v46 =	vadd.f32 v43, v40;
	v4 =	vmul.f32 v4, v5  }
0x92: {  	v40 =	vadd.f32 v48, v47;
	v5 =	vld [tilespmem:s0+$0x4EF0];
	v6 =	vmul.f32 v6, v7;
	v0 =	vadd.f32 v0, v2  }
0x93: {  	v49 =	vmul.f32 v42, v41;
	v4 =	vadd.f32 v4, v46;
	v7 =	vmul.f32 v54, v53;
	v1 =	vld [tilespmem:s0+$0xEB0]  }
0x94: {  	v50 =	vld [tilespmem:s0+$0x4F70];
	v3 =	vmul.f32 v44, v3;
	v6 =	vadd.f32 v6, v40;
	[tilespmem:s0+$0x10D00] =	vst v0;
	v0 =	vmul.f32 v52, v51  }
0x95: {  	v4 =	vadd.f32 v49, v4;
	v2 =	vld [tilespmem:s0+$0xF30]  }
0x96: {  	v15 =	vld [tilespmem:s0+$0x1020];
	v3 =	vadd.f32 v3, v6;
	v0 =	vadd.f32 v7, v0;
	v7 =	vmul.f32 v8, v9  }
0x97: {  	v53 =	vld [tilespmem:s0+$0x4FF0];
	[tilespmem:s0+$0x10D80] =	vst v4;
	v4 =	vmul.f32 v56, v55;
	v8 =	vmul.f32 v58, v57  }
0x98: {  	[tilespmem:s0+$0x10E00] =	vst v3;
	v3 =	vmul.f32 v60, v59;
	v52 =	vld [tilespmem:s0+$0xFB0];
	v1 =	vmul.f32 v5, v1;
	v0 =	vadd.f32 v7, v0  }
0x99: {  	v14 =	vld [tilespmem:s0+$0x5060];
	v4 =	vadd.f32 v8, v4;
	v7 =	vmul.f32 v10, v11;
	v8 =	vmul.f32 v62, v61  }
0x9a: {  	v6 =	vld [tilespmem:s0+$0x1030];
	v2 =	vmul.f32 v50, v2;
	v0 =	vadd.f32 v1, v0  }
0x9b: {  	v5 =	vld [tilespmem:s0+$0x5070];
	v4 =	vadd.f32 v7, v4;
	v3 =	vadd.f32 v8, v3;
	v8 =	vmul.f32 v12, v13  }
0x9c: {  	v31 =	vld [tilespmem:s0+$0x5150];
	v9 =	vmul.f32 v24, v25;
	[tilespmem:s0+$0x10E80] =	vst v0;
	v0 =	vmul.f32 v26, v63  }
0x9d: {  	v2 =	vadd.f32 v2, v4;
	v3 =	vadd.f32 v8, v3;
	v8 =	vmul.f32 v53, v52  }
0x9e: {  	v17 =	vld [tilespmem:s0+$0x10A0];
	v0 =	vadd.f32 v9, v0;
	v9 =	vmul.f32 v14, v15  }
0x9f: {  	v16 =	vld [tilespmem:s0+$0x50E0];
	v11 =	vmul.f32 v27, v38;
	[tilespmem:s0+$0x10F00] =	vst v2;
	v2 =	vmul.f32 v37, v35;
	v3 =	vadd.f32 v8, v3  }
0xa0: {  	v19 =	vld [tilespmem:s0+$0x1120];
	v5 =	vmul.f32 v5, v6;
	v0 =	vadd.f32 v9, v0  }
0xa1: {  	v18 =	vld [tilespmem:s0+$0x5160];
	v2 =	vadd.f32 v11, v2;
	[tilespmem:s0+$0x10F80] =	vst v3;
	v3 =	vmul.f32 v29, v28;
	v11 =	vmul.f32 v31, v30  }
0xa2: {  	v21 =	vld [tilespmem:s0+$0x11A0];
	v0 =	vadd.f32 v5, v0  }
0xa3: {  	v3 =	vadd.f32 v11, v3;
	v11 =	vld [tilespmem:$0x1FE50]  }
0xa4: {  	[tilespmem:s0+$0x11000] =	vst v0;
	v0 =	vld [tilespmem:$0x1FE40]  }
0xa5: {  	v1 =	vld [tilespmem:s0+$0x10B0]  }
0xa6: {  	v7 =	vld [tilespmem:s0+$0x50F0]  }
0xa7: {  	v20 =	vld [tilespmem:s0+$0x51E0]  }
0xa8: {  	v54 =	vld [tilespmem:$0x1FE70]  }
0xa9: {  	v9 =	vmul.f32 v16, v17;
	v0 =	vmul.f32 v11, v0;
	v11 =	vld [tilespmem:$0x1FE60]  }
0xaa: {  	v23 =	vld [tilespmem:s0+$0x1220]  }
0xab: {  	v10 =	vld [tilespmem:s0+$0x5170];
	v1 =	vmul.f32 v7, v1;
	v2 =	vadd.f32 v9, v2  }
0xac: {  	v6 =	vld [tilespmem:s0+$0x51F0]  }
0xad: {  	v4 =	vld [tilespmem:s0+$0x1130];
	v1 =	vadd.f32 v1, v2  }
0xae: {  	v8 =	vld [tilespmem:s0+$0x11B0];
	v11 =	vmul.f32 v54, v11  }
0xaf: {  	[tilespmem:s0+$0x11080] =	vst v1;
	v1 =	vld [tilespmem:$0x1FE80]  }
0xb0: {  	v9 =	vmul.f32 v18, v19;
	v0 =	vadd.f32 v11, v0;
	v11 =	vld [tilespmem:$0x1FE90]  }
0xb1: {  	v22 =	vld [tilespmem:s0+$0x5260]  }
0xb2: {  	v33 =	vld [tilespmem:s0+$0x12A0];
	v4 =	vmul.f32 v10, v4;
	v3 =	vadd.f32 v9, v3  }
0xb3: {  	v55 =	vld [tilespmem:$0x1FEB0]  }
0xb4: {  	v10 =	vmul.f32 v20, v21;
	v3 =	vadd.f32 v4, v3;
	v4 =	vmul.f32 v6, v8;
	v8 =	vld [tilespmem:$0x1FEC0]  }
0xb5: {  	v1 =	vmul.f32 v11, v1;
	v11 =	vld [tilespmem:$0x1FEA0]  }
0xb6: {  	v0 =	vadd.f32 v10, v0;
	v10 =	vld [tilespmem:$0x1FED0]  }
0xb7: {  	v36 =	vld [tilespmem:s0+$0x52E0]  }
0xb8: {  	v32 =	vld [tilespmem:s0+$0x1320]  }
0xb9: {  	v34 =	vld [tilespmem:s0+$0x5360]  }
0xba: {  	v56 =	vld [tilespmem:s0+$0x1330];
	v11 =	vmul.f32 v55, v11  }
0xbb: {  	v8 =	vmul.f32 v10, v8;
	v10 =	vld [tilespmem:$0x1FEE0]  }
0xbc: {  	v1 =	vadd.f32 v11, v1;
	v11 =	vld [tilespmem:$0x1FEF0]  }
0xbd: {  	v60 =	vld [tilespmem:$0x1FF60]  }
0xbe: {  	v58 =	vld [tilespmem:$0x1FF50]  }
0xbf: {  	v7 =	vld [tilespmem:s0+$0x5270]  }
0xc0: {  	[tilespmem:s0+$0x11100] =	vst v3;
	v3 =	vld [tilespmem:$0x1FF00]  }
0xc1: {  	v0 =	vadd.f32 v4, v0;
	v4 =	vld [tilespmem:$0x1FF20];
	v10 =	vmul.f32 v11, v10  }
0xc2: {  	v11 =	vld [tilespmem:$0x1FF10]  }
0xc3: {  	v8 =	vadd.f32 v10, v8;
	v10 =	vld [tilespmem:$0x1FF30]  }
0xc4: {  	v5 =	vld [tilespmem:s0+$0x1230]  }
0xc5: {  	v61 =	vld [tilespmem:$0x1FF70]  }
0xc6: {  	v62 =	vld [tilespmem:$0x1FFB0]  }
0xc7: {  	v2 =	vld [tilespmem:s0+$0x12B0];
	v3 =	vmul.f32 v11, v3  }
0xc8: {  	v9 =	vld [tilespmem:s0+$0x52F0];
	v11 =	vmul.f32 v22, v23;
	v4 =	vmul.f32 v10, v4  }
0xc9: {  	v6 =	vld [tilespmem:s0+$0x5370];
	v5 =	vmul.f32 v7, v5  }
0xca: {  	[tilespmem:s0+$0x11180] =	vst v0;
	v1 =	vadd.f32 v11, v1;
	v11 =	vmul.f32 v36, v33;
	v0 =	vadd.f32 v4, v3;
	v3 =	vld [tilespmem:$0x1FF80]  }
0xcb: {  	v63 =	vmul.f32 v34, v32;
	v4 =	vld [tilespmem:$0x1FF90]  }
0xcc: {  	v1 =	vadd.f32 v5, v1;
	v5 =	vadd.f32 v11, v8;
	v11 =	vld [tilespmem:$0x1FFD0]  }
0xcd: {  	v8 =	vmul.f32 v9, v2;
	v9 =	vadd.f32 v63, v0;
	v0 =	vld [tilespmem:$0x1FFC0]  }
0xce: {  	s12 =	simm.s32 $0x800;
	v10 =	vld [tilespmem:$0x1FF40]  }
0xcf: {  	v2 =	vld [tilespmem:s12+$0x1480]  }
0xd0: {  	v7 =	vmul.f32 v4, v3;
	v4 =	vld [tilespmem:$0x1FFA0]  }
0xd1: {  	[tilespmem:s0+$0x11200] =	vst v1;
	v1 =	vld [tilespmem:$0x1FFE0]  }
0xd2: {  	v0 =	vmul.f32 v11, v0;
	v11 =	vld [tilespmem:$0x1FFF0]  }
0xd3: {  	v59 =	vld [tilespmem:s0+$0x53F0]  }
0xd4: {  	v57 =	vld [tilespmem:s0+$0x13B0];
	v15 =	vmul.f32 v61, v60;
	v10 =	vmul.f32 v58, v10  }
0xd5: {  	v3 =	vld [tilespmem:s0+$0x1430];
	v16 =	vmul.f32 v62, v4  }
0xd6: {  	v12 =	vmul.f32 v6, v56;
	v10 =	vadd.f32 v15, v10;
	v4 =	vld [tilespmem:s0+$0x5470]  }
0xd7: {  	v8 =	vadd.f32 v8, v5;
	v7 =	vadd.f32 v16, v7;
	v11 =	vmul.f32 v11, v1  }
0xd8: {  	v5 =	vld [tilespmem:s12+$0x54C0];
	v1 =	vadd.f32 v0, v10  }
0xd9: {  	s2 =	simm.s32 $0x4000;
	v6 =	vld [tilespmem:s12+$0x1490];
	[tilespmem:s0+$0x11280] =	vst v8;
	v8 =	vmul.f32 v59, v57;
	v0 =	vadd.f32 v11, v7;
	v7 =	vadd.f32 v12, v9  }
.LBB2_2:
0xda: {  	p0 =	sne.s32 s2, $0xE000;
	v9 =	vld [tilespmem:s12+$0x54D0]  }
0xdb: {  	v10 =	vld [tilespmem:s12+$0x14A0];
	[tilespmem:s0+$0x11300] =	vst v7;
	v1 =	vadd.f32 v8, v1;
	v3 =	vmul.f32 v4, v3  }
0xdc: {  	v4 =	vld [tilespmem:s12+$0x54E0]  }
0xdd: {  	v7 =	vld [tilespmem:s12+$0x14B0];
	[tilespmem:s0+$0x11380] =	vst v1;
	v0 =	vadd.f32 v3, v0  }
0xde: {  	v1 =	vld [tilespmem:s12+$0x54F0]  }
0xdf: {  	v2 =	vmul.f32 v5, v2;
	v3 =	vld [tilespmem:s12+$0xD00];
	v5 =	vmul.f32 v9, v6;
	[tilespmem:s0+$0x11400] =	vst v0;
	s0 =	smov.u32 s12  }
0xe0: {  	v0 =	vld [tilespmem:s0+$0x4D40]  }
0xe1: {  	v6 =	vld [tilespmem:s0+$0xD10];
	v2 =	vadd.f32 v5, v2;
	v4 =	vmul.f32 v4, v10  }
0xe2: {  	v5 =	vld [tilespmem:s0+$0x4D50]  }
0xe3: {  	v8 =	vld [tilespmem:s0+$0xD80];
	v2 =	vadd.f32 v4, v2;
	v1 =	vmul.f32 v1, v7  }
0xe4: {  	v4 =	vld [tilespmem:s0+$0x4DC0]  }
0xe5: {  	v0 =	vmul.f32 v0, v3;
	v3 =	vld [tilespmem:s0+$0xD90];
	v1 =	vadd.f32 v1, v2  }
0xe6: {  	v2 =	vld [tilespmem:s0+$0x4DD0]  }
0xe7: {  	v5 =	vmul.f32 v5, v6;
	v6 =	vld [tilespmem:s0+$0xE00];
	[tilespmem:s0+$0x11480] =	vst v1  }
0xe8: {  	v7 =	vld [tilespmem:s0+$0x4E40]  }
0xe9: {  	v0 =	vadd.f32 v5, v0;
	v1 =	vmul.f32 v4, v8;
	v4 =	vld [tilespmem:s0+$0xE10]  }
0xea: {  	v5 =	vld [tilespmem:s0+$0x4E50]  }
0xeb: {  	v2 =	vmul.f32 v2, v3;
	v3 =	vld [tilespmem:s0+$0xE80]  }
0xec: {  	v8 =	vld [tilespmem:s0+$0x4EC0]  }
0xed: {  	v1 =	vadd.f32 v2, v1;
	v2 =	vmul.f32 v7, v6;
	v6 =	vld [tilespmem:s0+$0xE90]  }
0xee: {  	v7 =	vld [tilespmem:s0+$0x4ED0]  }
0xef: {  	v4 =	vmul.f32 v5, v4;
	v5 =	vld [tilespmem:s0+$0xF00]  }
0xf0: {  	v9 =	vld [tilespmem:s0+$0x4F40]  }
0xf1: {  	v2 =	vadd.f32 v4, v2;
	v3 =	vmul.f32 v8, v3;
	v4 =	vld [tilespmem:s0+$0xF10]  }
0xf2: {  	v8 =	vld [tilespmem:s0+$0x4F50]  }
0xf3: {  	v6 =	vmul.f32 v7, v6;
	v7 =	vld [tilespmem:s0+$0xF80]  }
0xf4: {  	v10 =	vld [tilespmem:s0+$0x4FC0]  }
0xf5: {  	v3 =	vadd.f32 v6, v3;
	v5 =	vmul.f32 v9, v5;
	v6 =	vld [tilespmem:s0+$0xF90]  }
0xf6: {  	v9 =	vld [tilespmem:s0+$0x4FD0]  }
0xf7: {  	v4 =	vmul.f32 v8, v4;
	v8 =	vld [tilespmem:s0+$0x1000]  }
0xf8: {  	v11 =	vld [tilespmem:s0+$0x5040]  }
0xf9: {  	v4 =	vadd.f32 v4, v5;
	v5 =	vmul.f32 v10, v7;
	v7 =	vld [tilespmem:s0+$0x1010]  }
0xfa: {  	v10 =	vld [tilespmem:s0+$0x5050]  }
0xfb: {  	v6 =	vmul.f32 v9, v6;
	v9 =	vld [tilespmem:s0+$0x1080]  }
0xfc: {  	v12 =	vld [tilespmem:s0+$0x50C0]  }
0xfd: {  	v5 =	vadd.f32 v6, v5;
	v6 =	vmul.f32 v11, v8;
	v8 =	vld [tilespmem:s0+$0x1090]  }
0xfe: {  	v11 =	vld [tilespmem:s0+$0x50D0]  }
0xff: {  	v7 =	vmul.f32 v10, v7;
	v10 =	vld [tilespmem:s0+$0x1100]  }
0x100: {  	v13 =	vld [tilespmem:s0+$0x5140]  }
0x101: {  	v6 =	vadd.f32 v7, v6;
	v7 =	vmul.f32 v12, v9;
	v9 =	vld [tilespmem:s0+$0x1110]  }
0x102: {  	v12 =	vld [tilespmem:s0+$0x5150]  }
0x103: {  	v8 =	vmul.f32 v11, v8;
	v11 =	vld [tilespmem:s0+$0x1180]  }
0x104: {  	v14 =	vld [tilespmem:s0+$0x51C0]  }
0x105: {  	v7 =	vadd.f32 v8, v7;
	v8 =	vmul.f32 v13, v10;
	v10 =	vld [tilespmem:s0+$0x1190]  }
0x106: {  	v13 =	vld [tilespmem:s0+$0x51D0]  }
0x107: {  	v9 =	vmul.f32 v12, v9;
	v12 =	vld [tilespmem:s0+$0x1200]  }
0x108: {  	v15 =	vld [tilespmem:s0+$0x5240]  }
0x109: {  	v8 =	vadd.f32 v9, v8;
	v9 =	vmul.f32 v14, v11;
	v11 =	vld [tilespmem:s0+$0x1210]  }
0x10a: {  	v14 =	vld [tilespmem:s0+$0x5250]  }
0x10b: {  	v10 =	vmul.f32 v13, v10;
	v13 =	vld [tilespmem:s0+$0x1280]  }
0x10c: {  	v16 =	vld [tilespmem:s0+$0x52C0]  }
0x10d: {  	v9 =	vadd.f32 v10, v9;
	v10 =	vmul.f32 v15, v12;
	v12 =	vld [tilespmem:s0+$0x1290]  }
0x10e: {  	v15 =	vld [tilespmem:s0+$0x52D0]  }
0x10f: {  	v11 =	vmul.f32 v14, v11;
	v14 =	vld [tilespmem:s0+$0x1300]  }
0x110: {  	v17 =	vld [tilespmem:s0+$0x5340]  }
0x111: {  	v10 =	vadd.f32 v11, v10;
	v11 =	vmul.f32 v16, v13;
	v13 =	vld [tilespmem:s0+$0x1310]  }
0x112: {  	v16 =	vld [tilespmem:s0+$0x5350]  }
0x113: {  	v12 =	vmul.f32 v15, v12;
	v15 =	vld [tilespmem:s0+$0x1380]  }
0x114: {  	v18 =	vld [tilespmem:s0+$0x53C0]  }
0x115: {  	v11 =	vadd.f32 v12, v11;
	v12 =	vmul.f32 v17, v14;
	v14 =	vld [tilespmem:s0+$0x1390]  }
0x116: {  	v17 =	vld [tilespmem:s0+$0x53D0]  }
0x117: {  	v13 =	vmul.f32 v16, v13;
	v16 =	vld [tilespmem:s0+$0x1400]  }
0x118: {  	v19 =	vld [tilespmem:s0+$0x5440]  }
0x119: {  	v12 =	vadd.f32 v13, v12;
	v13 =	vmul.f32 v18, v15;
	v15 =	vld [tilespmem:s0+$0x1410]  }
0x11a: {  	v18 =	vld [tilespmem:s0+$0x5450]  }
0x11b: {  	v20 =	vld [tilespmem:s0+$0xD20];
	v14 =	vmul.f32 v17, v14  }
0x11c: {  	v17 =	vld [tilespmem:s0+$0x4D60]  }
0x11d: {  	v21 =	vld [tilespmem:s0+$0xDA0];
	v13 =	vadd.f32 v14, v13;
	v14 =	vmul.f32 v19, v16  }
0x11e: {  	v16 =	vld [tilespmem:s0+$0x4DE0]  }
0x11f: {  	v19 =	vld [tilespmem:s0+$0xE20];
	v15 =	vmul.f32 v18, v15  }
0x120: {  	v18 =	vld [tilespmem:s0+$0x4E60]  }
0x121: {  	v17 =	vmul.f32 v17, v20;
	v20 =	vld [tilespmem:s0+$0xEA0];
	v14 =	vadd.f32 v15, v14  }
0x122: {  	v15 =	vld [tilespmem:s0+$0x4EE0]  }
0x123: {  	v17 =	vadd.f32 v17, v0;
	v0 =	vmul.f32 v16, v21;
	v16 =	vld [tilespmem:s0+$0xF20]  }
0x124: {  	v21 =	vld [tilespmem:s0+$0x4F60]  }
0x125: {  	v22 =	vadd.f32 v0, v1;
	v0 =	vmul.f32 v18, v19;
	v1 =	vld [tilespmem:s0+$0xFA0]  }
0x126: {  	v18 =	vld [tilespmem:s0+$0x4FE0]  }
0x127: {  	v2 =	vadd.f32 v0, v2;
	v0 =	vmul.f32 v15, v20;
	v15 =	vld [tilespmem:s0+$0x1020]  }
0x128: {  	v19 =	vld [tilespmem:s0+$0x5060]  }
0x129: {  	v3 =	vadd.f32 v0, v3;
	v0 =	vmul.f32 v21, v16;
	v16 =	vld [tilespmem:s0+$0x10A0]  }
0x12a: {  	v20 =	vld [tilespmem:s0+$0x50E0]  }
0x12b: {  	v4 =	vadd.f32 v0, v4;
	v0 =	vmul.f32 v18, v1;
	v1 =	vld [tilespmem:s0+$0x1120]  }
0x12c: {  	v18 =	vld [tilespmem:s0+$0x5160]  }
0x12d: {  	v5 =	vadd.f32 v0, v5;
	v0 =	vmul.f32 v19, v15;
	v15 =	vld [tilespmem:s0+$0x11A0]  }
0x12e: {  	v19 =	vld [tilespmem:s0+$0x51E0]  }
0x12f: {  	v6 =	vadd.f32 v0, v6;
	v0 =	vmul.f32 v20, v16;
	v16 =	vld [tilespmem:s0+$0x1220]  }
0x130: {  	v20 =	vld [tilespmem:s0+$0x5260]  }
0x131: {  	v7 =	vadd.f32 v0, v7;
	v0 =	vmul.f32 v18, v1;
	v1 =	vld [tilespmem:s0+$0x12A0]  }
0x132: {  	v18 =	vld [tilespmem:s0+$0x52E0]  }
0x133: {  	v8 =	vadd.f32 v0, v8;
	v0 =	vmul.f32 v19, v15;
	v15 =	vld [tilespmem:s0+$0x1320]  }
0x134: {  	v19 =	vld [tilespmem:s0+$0x5360]  }
0x135: {  	v9 =	vadd.f32 v0, v9;
	v0 =	vmul.f32 v20, v16;
	v16 =	vld [tilespmem:s0+$0x13A0]  }
0x136: {  	v20 =	vld [tilespmem:s0+$0x53E0]  }
0x137: {  	v10 =	vadd.f32 v0, v10;
	v0 =	vmul.f32 v18, v1;
	v18 =	vld [tilespmem:s0+$0x1420]  }
0x138: {  	v21 =	vld [tilespmem:s0+$0x5460]  }
0x139: {  	v23 =	vld [tilespmem:s0+$0xD30];
	v11 =	vadd.f32 v0, v11;
	v0 =	vmul.f32 v19, v15  }
0x13a: {  	v15 =	vld [tilespmem:s0+$0x4D70]  }
0x13b: {  	v19 =	vld [tilespmem:s0+$0xDB0];
	v12 =	vadd.f32 v0, v12;
	v0 =	vmul.f32 v20, v16  }
0x13c: {  	v16 =	vld [tilespmem:s0+$0x4DF0]  }
0x13d: {  	v20 =	vld [tilespmem:s0+$0xE30];
	v1 =	vadd.f32 v0, v13;
	v0 =	vmul.f32 v21, v18  }
0x13e: {  	v13 =	vld [tilespmem:s0+$0x4E70]  }
0x13f: {  	v15 =	vmul.f32 v15, v23;
	v18 =	vld [tilespmem:s0+$0xEB0];
	v0 =	vadd.f32 v0, v14  }
0x140: {  	v14 =	vld [tilespmem:s0+$0x4EF0]  }
0x141: {  	v15 =	vadd.f32 v15, v17;
	v16 =	vmul.f32 v16, v19;
	v17 =	vld [tilespmem:s0+$0xF30]  }
0x142: {  	v19 =	vld [tilespmem:s0+$0x4F70]  }
0x143: {  	[tilespmem:s0+$0x10D00] =	vst v15;
	v15 =	vadd.f32 v16, v22;
	v13 =	vmul.f32 v13, v20;
	v16 =	vld [tilespmem:s0+$0xFB0]  }
0x144: {  	v20 =	vld [tilespmem:s0+$0x4FF0]  }
0x145: {  	[tilespmem:s0+$0x10D80] =	vst v15;
	v2 =	vadd.f32 v13, v2;
	v13 =	vmul.f32 v14, v18;
	v14 =	vld [tilespmem:s0+$0x1030]  }
0x146: {  	v15 =	vld [tilespmem:s0+$0x5070]  }
0x147: {  	[tilespmem:s0+$0x10E00] =	vst v2;
	v2 =	vadd.f32 v13, v3;
	v3 =	vmul.f32 v19, v17;
	v13 =	vld [tilespmem:s0+$0x10B0]  }
0x148: {  	v17 =	vld [tilespmem:s0+$0x50F0]  }
0x149: {  	[tilespmem:s0+$0x10E80] =	vst v2;
	v2 =	vadd.f32 v3, v4;
	v3 =	vmul.f32 v20, v16;
	v4 =	vld [tilespmem:s0+$0x1130]  }
0x14a: {  	v16 =	vld [tilespmem:s0+$0x5170]  }
0x14b: {  	[tilespmem:s0+$0x10F00] =	vst v2;
	v2 =	vadd.f32 v3, v5;
	v3 =	vmul.f32 v15, v14;
	v5 =	vld [tilespmem:s0+$0x11B0]  }
0x14c: {  	v14 =	vld [tilespmem:s0+$0x51F0]  }
0x14d: {  	[tilespmem:s0+$0x10F80] =	vst v2;
	v2 =	vadd.f32 v3, v6;
	v3 =	vmul.f32 v17, v13;
	v6 =	vld [tilespmem:s0+$0x1230]  }
0x14e: {  	v13 =	vld [tilespmem:s0+$0x5270]  }
0x14f: {  	[tilespmem:s0+$0x11000] =	vst v2;
	v2 =	vadd.f32 v3, v7;
	v3 =	vmul.f32 v16, v4;
	v4 =	vld [tilespmem:s0+$0x12B0]  }
0x150: {  	v7 =	vld [tilespmem:s0+$0x52F0]  }
0x151: {  	[tilespmem:s0+$0x11080] =	vst v2;
	v2 =	vadd.f32 v3, v8;
	v3 =	vmul.f32 v14, v5;
	v5 =	vld [tilespmem:s0+$0x1330]  }
0x152: {  	v8 =	vld [tilespmem:s0+$0x5370]  }
0x153: {  	[tilespmem:s0+$0x11100] =	vst v2;
	v2 =	vadd.f32 v3, v9;
	v3 =	vmul.f32 v13, v6;
	v9 =	vld [tilespmem:s0+$0x13B0]  }
0x154: {  	v13 =	vld [tilespmem:s0+$0x53F0]  }
.Ltmp2:
0x155: {  	[tilespmem:s0+$0x11180] =	vst v2;
	v6 =	vadd.f32 v3, v10;
	v7 =	vmul.f32 v7, v4;
	v3 =	vld [tilespmem:s0+$0x1430];
	(pc) =	sbr.rel @p0 .LBB2_2-.Ltmp2, $4  }
0x156: {  	s12 =	sshra.s32 s2, $0x2;
	v4 =	vld [tilespmem:s0+$0x5470]  }
0x157: {  	v2 =	vld [tilespmem:s12+$0x1480];
	[tilespmem:s0+$0x11200] =	vst v6;
	v7 =	vadd.f32 v7, v11;
	v8 =	vmul.f32 v8, v5  }
0x158: {  	v5 =	vld [tilespmem:s12+$0x54C0]  }
0x159: {  	s2 =	sadd.s32 $0x2000, s2;
	v6 =	vld [tilespmem:s12+$0x1490];
	[tilespmem:s0+$0x11280] =	vst v7;
	v7 =	vadd.f32 v8, v12;
	v8 =	vmul.f32 v13, v9  }
0x15a: {  	v9 =	vld [tilespmem:s12+$0x54D0]  }
0x15b: {  	v10 =	vld [tilespmem:s12+$0x14A0];
	[tilespmem:s0+$0x11300] =	vst v7;
	v1 =	vadd.f32 v8, v1;
	v3 =	vmul.f32 v4, v3  }
0x15c: {  	v7 =	vld [tilespmem:s12+$0x54E0]  }
0x15d: {  	v26 =	vld [tilespmem:s12+$0x14B0];
	[tilespmem:s0+$0x11380] =	vst v1;
	v0 =	vadd.f32 v3, v0  }
0x15e: {  	v1 =	vld [tilespmem:s12+$0x54F0]  }
0x15f: {  	v41 =	vld [tilespmem:s12+$0xD00];
	[tilespmem:s0+$0x11400] =	vst v0  }
0x160: {  	v42 =	vld [tilespmem:s12+$0x4D40]  }
0x161: {  	v43 =	vld [tilespmem:s12+$0xD10]  }
0x162: {  	v44 =	vld [tilespmem:s12+$0x4D50]  }
0x163: {  	v45 =	vld [tilespmem:s12+$0xD80]  }
0x164: {  	v46 =	vld [tilespmem:s12+$0x4DC0]  }
0x165: {  	v47 =	vld [tilespmem:s12+$0xD90]  }
0x166: {  	v48 =	vld [tilespmem:s12+$0x4DD0]  }
0x167: {  	v49 =	vld [tilespmem:s12+$0xE00]  }
0x168: {  	v50 =	vld [tilespmem:s12+$0x4E40]  }
0x169: {  	v51 =	vld [tilespmem:s12+$0xE10]  }
0x16a: {  	v52 =	vld [tilespmem:s12+$0x4E50]  }
0x16b: {  	v53 =	vld [tilespmem:s12+$0xE80]  }
0x16c: {  	v54 =	vld [tilespmem:s12+$0x4EC0]  }
0x16d: {  	v55 =	vld [tilespmem:s12+$0xE90]  }
0x16e: {  	v56 =	vld [tilespmem:s12+$0x4ED0]  }
0x16f: {  	v57 =	vld [tilespmem:s12+$0xF00]  }
0x170: {  	v58 =	vld [tilespmem:s12+$0x4F40]  }
0x171: {  	v59 =	vld [tilespmem:s12+$0xF10]  }
0x172: {  	v60 =	vld [tilespmem:s12+$0x4F50]  }
0x173: {  	v61 =	vld [tilespmem:s12+$0xF80]  }
0x174: {  	v62 =	vld [tilespmem:s12+$0x4FC0]  }
0x175: {  	v63 =	vld [tilespmem:s12+$0xF90]  }
0x176: {  	v22 =	vld [tilespmem:s12+$0x4FD0]  }
0x177: {  	v25 =	vld [tilespmem:s12+$0x5040]  }
0x178: {  	v24 =	vld [tilespmem:s12+$0x1010]  }
0x179: {  	v23 =	vld [tilespmem:s12+$0x5050]  }
0x17a: {  	v35 =	vld [tilespmem:s12+$0x1080]  }
0x17b: {  	v38 =	vld [tilespmem:s12+$0x50C0]  }
0x17c: {  	v39 =	vld [tilespmem:s12+$0x1090]  }
0x17d: {  	v30 =	vld [tilespmem:s12+$0x1100]  }
0x17e: {  	v31 =	vld [tilespmem:s12+$0x5140]  }
0x17f: {  	v32 =	vld [tilespmem:s12+$0x1180]  }
0x180: {  	v33 =	vld [tilespmem:s12+$0x51C0]  }
0x181: {  	v34 =	vld [tilespmem:s12+$0x1190]  }
0x182: {  	v36 =	vld [tilespmem:s12+$0x51D0]  }
0x183: {  	v37 =	vld [tilespmem:s12+$0x1200]  }
0x184: {  	v40 =	vld [tilespmem:s12+$0x5240]  }
0x185: {  	v4 =	vld [tilespmem:s12+$0x1210]  }
0x186: {  	v27 =	vmul.f32 v5, v2;
	v5 =	vld [tilespmem:s12+$0x5250]  }
0x187: {  	v28 =	vmul.f32 v9, v6;
	v6 =	vld [tilespmem:s12+$0x1280]  }
0x188: {  	v8 =	vld [tilespmem:s12+$0x1290]  }
0x189: {  	v9 =	vld [tilespmem:s12+$0x52D0]  }
0x18a: {  	v11 =	vld [tilespmem:s12+$0x5340]  }
0x18b: {  	v12 =	vld [tilespmem:s12+$0x1310]  }
0x18c: {  	v13 =	vld [tilespmem:s12+$0x5350]  }
0x18d: {  	v14 =	vld [tilespmem:s12+$0x1380]  }
0x18e: {  	v15 =	vld [tilespmem:s12+$0x53C0]  }
0x18f: {  	v16 =	vld [tilespmem:s12+$0x1390]  }
0x190: {  	v17 =	vld [tilespmem:s12+$0x53D0]  }
0x191: {  	v18 =	vld [tilespmem:s12+$0x1400]  }
0x192: {  	v19 =	vld [tilespmem:s12+$0x5440]  }
0x193: {  	v20 =	vld [tilespmem:s12+$0x1410]  }
0x194: {  	v21 =	vld [tilespmem:s12+$0x5450]  }
0x195: {  	v3 =	vld [tilespmem:s12+$0xD20]  }
0x196: {  	v2 =	vld [tilespmem:s12+$0x4D60]  }
0x197: {  	v0 =	vadd.f32 v28, v27;
	v27 =	vld [tilespmem:s12+$0x50D0]  }
0x198: {  	v28 =	vld [tilespmem:s12+$0x1110]  }
0x199: {  	v29 =	vmul.f32 v7, v10;
	v7 =	vld [tilespmem:s12+$0x52C0]  }
0x19a: {  	v10 =	vld [tilespmem:s12+$0x1300]  }
0x19b: {  	v1 =	vmul.f32 v1, v26;
	v26 =	vld [tilespmem:s12+$0x1000]  }
0x19c: {  	v0 =	vadd.f32 v29, v0;
	v29 =	vld [tilespmem:s12+$0x13A0]  }
0x19d: {  	[tilespmem:$0x1FC90] =	vst v31;
	v31 =	vld [tilespmem:s12+$0x5150]  }
0x19e: {  	[tilespmem:$0x1FD10] =	vst v5;
	v5 =	vld [tilespmem:s12+$0xDA0]  }
0x19f: {  	[tilespmem:$0x1FD00] =	vst v4;
	v4 =	vld [tilespmem:s12+$0x4DE0]  }
0x1a0: {  	[tilespmem:$0x1FD20] =	vst v6;
	v6 =	vld [tilespmem:s12+$0x4E60]  }
0x1a1: {  	[tilespmem:$0x1FD50] =	vst v9;
	v9 =	vld [tilespmem:s12+$0xEA0]  }
0x1a2: {  	[tilespmem:$0x1FD40] =	vst v8;
	v8 =	vld [tilespmem:s12+$0x4EE0]  }
0x1a3: {  	[tilespmem:$0x1FD70] =	vst v11;
	v11 =	vld [tilespmem:s12+$0xF20]  }
0x1a4: {  	[tilespmem:$0x1FD90] =	vst v13;
	v13 =	vld [tilespmem:s12+$0xFA0]  }
0x1a5: {  	[tilespmem:$0x1FD80] =	vst v12;
	v12 =	vld [tilespmem:s12+$0x4FE0]  }
0x1a6: {  	[tilespmem:$0x1FDB0] =	vst v15;
	v15 =	vld [tilespmem:s12+$0x1020]  }
0x1a7: {  	[tilespmem:$0x1FDA0] =	vst v14;
	v14 =	vld [tilespmem:s12+$0x5060]  }
0x1a8: {  	[tilespmem:$0x1FDD0] =	vst v17;
	v17 =	vld [tilespmem:s12+$0x10A0]  }
0x1a9: {  	[tilespmem:$0x1FDC0] =	vst v16;
	v16 =	vld [tilespmem:s12+$0x50E0]  }
0x1aa: {  	[tilespmem:$0x1FDF0] =	vst v19;
	v19 =	vld [tilespmem:s12+$0x1120]  }
0x1ab: {  	[tilespmem:$0x1FDE0] =	vst v18;
	v18 =	vld [tilespmem:s12+$0x5160]  }
0x1ac: {  	[tilespmem:$0x1FE10] =	vst v21;
	v21 =	vld [tilespmem:s12+$0x11A0]  }
0x1ad: {  	[tilespmem:$0x1FE00] =	vst v20;
	v20 =	vld [tilespmem:s12+$0x51E0]  }
0x1ae: {  	[tilespmem:$0x1FCB0] =	vst v33;
	v33 =	vld [tilespmem:s12+$0x1220]  }
0x1af: {  	[tilespmem:$0x1FCD0] =	vst v36;
	v36 =	vld [tilespmem:s12+$0x5260]  }
0x1b0: {  	[tilespmem:$0x1FCE0] =	vst v37;
	v37 =	vld [tilespmem:s12+$0x12A0]  }
0x1b1: {  	[tilespmem:$0x1FCF0] =	vst v40;
	v40 =	vld [tilespmem:s12+$0x52E0]  }
0x1b2: {  	[tilespmem:$0x1FCA0] =	vst v32;
	v32 =	vld [tilespmem:s12+$0x1320]  }
0x1b3: {  	[tilespmem:$0x1FCC0] =	vst v34;
	v34 =	vld [tilespmem:s12+$0x5360]  }
0x1b4: {  	[tilespmem:$0x1FC80] =	vst v30;
	v30 =	vld [tilespmem:s12+$0x1420]  }
0x1b5: {  	v0 =	vadd.f32 v1, v0;
	v1 =	vld [tilespmem:s12+$0xD30]  }
0x1b6: {  	v41 =	vmul.f32 v42, v41;
	v42 =	vmul.f32 v44, v43;
	v43 =	vld [tilespmem:s12+$0xDB0]  }
0x1b7: {  	v44 =	vld [tilespmem:s12+$0x4DF0]  }
0x1b8: {  	v2 =	vmul.f32 v2, v3;
	v3 =	vld [tilespmem:s12+$0xE30]  }
0x1b9: {  	v48 =	vmul.f32 v48, v47;
	v47 =	vld [tilespmem:s12+$0xF30]  }
0x1ba: {  	v50 =	vmul.f32 v50, v49;
	v52 =	vmul.f32 v52, v51;
	v49 =	vld [tilespmem:s12+$0x4F70]  }
0x1bb: {  	v51 =	vmul.f32 v56, v55;
	v55 =	vmul.f32 v58, v57;
	v57 =	vld [tilespmem:s12+$0x1030]  }
0x1bc: {  	v58 =	vld [tilespmem:s12+$0x5070]  }
0x1bd: {  	v56 =	vmul.f32 v60, v59;
	v60 =	vmul.f32 v62, v61;
	v62 =	vld [tilespmem:s12+$0x10B0]  }
0x1be: {  	v61 =	vmul.f32 v22, v63;
	v63 =	vld [tilespmem:s12+$0x50F0]  }
0x1bf: {  	[tilespmem:$0x1FD30] =	vst v7;
	v7 =	vld [tilespmem:s12+$0xE20]  }
0x1c0: {  	[tilespmem:$0x1FD60] =	vst v10;
	v10 =	vld [tilespmem:s12+$0x4F60]  }
0x1c1: {  	[tilespmem:s12+$0x11480] =	vst v0;
	v0 =	vld [tilespmem:s12+$0x4D70]  }
0x1c2: {  	v41 =	vadd.f32 v42, v41;
	v42 =	vmul.f32 v46, v45;
	v46 =	vld [tilespmem:s12+$0x4E70]  }
0x1c3: {  	v45 =	vmul.f32 v38, v35;
	v35 =	vld [tilespmem:$0x1FD90]  }
0x1c4: {  	v38 =	vld [tilespmem:s12+$0x13B0]  }
0x1c5: {  	[tilespmem:$0x1FE20] =	vst v29;
	v29 =	vld [tilespmem:s12+$0x53E0]  }
0x1c6: {  	v22 =	vmul.f32 v25, v26;
	v26 =	vld [tilespmem:s12+$0x1130]  }
0x1c7: {  	v25 =	vmul.f32 v23, v24;
	v23 =	vld [tilespmem:$0x1FD20]  }
0x1c8: {  	v24 =	vld [tilespmem:$0x1FD30]  }
0x1c9: {  	v48 =	vadd.f32 v48, v42;
	v42 =	vadd.f32 v52, v50;
	v52 =	vld [tilespmem:s12+$0xFB0]  }
0x1ca: {  	v50 =	vmul.f32 v54, v53;
	v53 =	vld [tilespmem:s12+$0x4FF0]  }
0x1cb: {  	v2 =	vadd.f32 v2, v41;
	v41 =	vld [tilespmem:$0x1FDB0]  }
0x1cc: {  	[tilespmem:$0x1FE30] =	vst v30;
	v30 =	vld [tilespmem:s12+$0x5460]  }
0x1cd: {  	v4 =	vmul.f32 v4, v5;
	v5 =	vld [tilespmem:s12+$0x4EF0]  }
0x1ce: {  	v6 =	vmul.f32 v6, v7;
	v7 =	vld [tilespmem:s12+$0x5270]  }
0x1cf: {  	v0 =	vmul.f32 v0, v1;
	v1 =	vld [tilespmem:s12+$0xEB0]  }
0x1d0: {  	v4 =	vadd.f32 v4, v48;
	v48 =	vmul.f32 v44, v43;
	v43 =	vld [tilespmem:s12+$0x5170]  }
0x1d1: {  	v3 =	vmul.f32 v46, v3;
	v46 =	vmul.f32 v27, v39;
	v27 =	vld [tilespmem:$0x1FD60]  }
0x1d2: {  	v39 =	vld [tilespmem:$0x1FDA0]  }
0x1d3: {  	v0 =	vadd.f32 v0, v2;
	v2 =	vmul.f32 v49, v47;
	v47 =	vld [tilespmem:s12+$0x11B0]  }
0x1d4: {  	v4 =	vadd.f32 v48, v4;
	v48 =	vld [tilespmem:s12+$0x51F0]  }
0x1d5: {  	v6 =	vadd.f32 v6, v42;
	v42 =	vmul.f32 v53, v52;
	v52 =	vmul.f32 v31, v28;
	v28 =	vld [tilespmem:$0x1FD70]  }
0x1d6: {  	v31 =	vld [tilespmem:$0x1FD80]  }
0x1d7: {  	[tilespmem:s12+$0x10D00] =	vst v0;
	v0 =	vadd.f32 v51, v50;
	v50 =	vld [tilespmem:$0x1FC80]  }
0x1d8: {  	v51 =	vld [tilespmem:$0x1FC90]  }
0x1d9: {  	[tilespmem:s12+$0x10D80] =	vst v4;
	v4 =	vadd.f32 v56, v55;
	v55 =	vld [tilespmem:$0x1FCB0]  }
0x1da: {  	v56 =	vld [tilespmem:$0x1FCC0]  }
0x1db: {  	v3 =	vadd.f32 v3, v6;
	v1 =	vmul.f32 v5, v1;
	v5 =	vmul.f32 v58, v57;
	v57 =	vld [tilespmem:$0x1FCD0]  }
0x1dc: {  	v58 =	vld [tilespmem:s12+$0x12B0]  }
0x1dd: {  	[tilespmem:s12+$0x10E00] =	vst v3;
	v3 =	vadd.f32 v61, v60;
	v61 =	vld [tilespmem:$0x1FCE0]  }
0x1de: {  	v54 =	vmul.f32 v8, v9;
	v60 =	vmul.f32 v20, v21;
	v20 =	vld [tilespmem:$0x1FD00]  }
0x1df: {  	v59 =	vmul.f32 v10, v11;
	v21 =	vld [tilespmem:$0x1FD10]  }
0x1e0: {  	v0 =	vadd.f32 v54, v0;
	v54 =	vld [tilespmem:$0x1FCA0]  }
0x1e1: {  	v4 =	vadd.f32 v59, v4;
	v59 =	vld [tilespmem:s12+$0x52F0]  }
0x1e2: {  	v13 =	vmul.f32 v12, v13;
	v6 =	vmul.f32 v48, v47;
	v47 =	vld [tilespmem:$0x1FE00]  }
0x1e3: {  	v48 =	vld [tilespmem:$0x1FE10]  }
0x1e4: {  	v3 =	vadd.f32 v13, v3;
	v2 =	vadd.f32 v2, v4;
	v4 =	vmul.f32 v43, v26;
	v26 =	vld [tilespmem:$0x1FD50]  }
0x1e5: {  	v0 =	vadd.f32 v1, v0;
	v43 =	vld [tilespmem:$0x1FDD0]  }
0x1e6: {  	v44 =	vmul.f32 v14, v15;
	v10 =	vmul.f32 v24, v23;
	v3 =	vadd.f32 v42, v3;
	v42 =	vld [tilespmem:$0x1FDC0]  }
0x1e7: {  	v49 =	vmul.f32 v16, v17;
	v53 =	vmul.f32 v18, v19;
	[tilespmem:s12+$0x10E80] =	vst v0;
	v0 =	vadd.f32 v25, v22;
	v25 =	vld [tilespmem:$0x1FD40]  }
0x1e8: {  	v13 =	vmul.f32 v35, v31;
	v1 =	vmul.f32 v63, v62;
	[tilespmem:s12+$0x10F00] =	vst v2;
	v2 =	vadd.f32 v46, v45;
	v45 =	vld [tilespmem:$0x1FDE0]  }
0x1e9: {  	v11 =	vmul.f32 v57, v56;
	v57 =	vld [tilespmem:$0x1FE30];
	[tilespmem:s12+$0x10F80] =	vst v3;
	v3 =	vmul.f32 v51, v50;
	v0 =	vadd.f32 v44, v0  }
0x1ea: {  	v46 =	vld [tilespmem:$0x1FDF0];
	v50 =	vmul.f32 v36, v33;
	v51 =	vmul.f32 v40, v37;
	v2 =	vadd.f32 v49, v2  }
0x1eb: {  	v62 =	vld [tilespmem:$0x1FCF0];
	v16 =	vmul.f32 v48, v47;
	v3 =	vadd.f32 v52, v3;
	v0 =	vadd.f32 v5, v0  }
0x1ec: {  	v63 =	vld [tilespmem:s12+$0x1330];
	v1 =	vadd.f32 v1, v2;
	v14 =	vmul.f32 v43, v42;
	v2 =	vmul.f32 v59, v58  }
0x1ed: {  	v5 =	vld [tilespmem:s12+$0x1230];
	v3 =	vadd.f32 v53, v3;
	v12 =	vmul.f32 v26, v25;
	v53 =	vmul.f32 v34, v32  }
0x1ee: {  	v52 =	vld [tilespmem:s12+$0x1430];
	v9 =	vmul.f32 v30, v57;
	[tilespmem:s12+$0x11000] =	vst v0;
	v0 =	vmul.f32 v55, v54  }
0x1ef: {  	v54 =	vld [tilespmem:s12+$0x5470];
	v3 =	vadd.f32 v4, v3;
	v10 =	vadd.f32 v12, v10;
	v12 =	vmul.f32 v46, v45  }
0x1f0: {  	v56 =	vld [tilespmem:$0x1FE20];
	[tilespmem:s12+$0x11080] =	vst v1;
	v1 =	vmul.f32 v62, v61;
	v0 =	vadd.f32 v11, v0;
	v11 =	vmul.f32 v21, v20  }
0x1f1: {  	v22 =	vld [tilespmem:s12+$0x5370];
	[tilespmem:s12+$0x11100] =	vst v3;
	v3 =	vmul.f32 v28, v27;
	v12 =	vadd.f32 v16, v12;
	v55 =	vadd.f32 v51, v10  }
0x1f2: {  	v44 =	vld [tilespmem:s12+$0x53F0];
	v5 =	vmul.f32 v7, v5;
	v0 =	vadd.f32 v60, v0;
	v1 =	vadd.f32 v11, v1  }
0x1f3: {  	v11 =	vmul.f32 v41, v39;
	v49 =	vadd.f32 v13, v3;
	v2 =	vadd.f32 v2, v55  }
0x1f4: {  	v60 =	vadd.f32 v9, v12;
	v61 =	vmul.f32 v54, v52;
	v0 =	vadd.f32 v6, v0  }
0x1f5: {  	v7 =	vmul.f32 v29, v56;
	v11 =	vadd.f32 v14, v11;
	v1 =	vadd.f32 v50, v1  }
0x1f6: {  	v4 =	vmul.f32 v22, v63;
	v63 =	vadd.f32 v61, v60;
	[tilespmem:s12+$0x11180] =	vst v0;
	v0 =	vadd.f32 v53, v49  }
0x1f7: {  	v59 =	vmul.f32 v44, v38;
	[tilespmem:s12+$0x11280] =	vst v2;
	v1 =	vadd.f32 v5, v1;
	v58 =	vadd.f32 v7, v11  }
0x1f8: {  	[tilespmem:s12+$0x11400] =	vst v63;
	v0 =	vadd.f32 v4, v0  }
0x1f9: {  	[tilespmem:s12+$0x11200] =	vst v1;
	v62 =	vadd.f32 v59, v58  }
0x1fa: {  	[tilespmem:s12+$0x11300] =	vst v0  }
0x1fb: {  	s2 =	simm.s32 $0x14D80;
	s19 =	simm.s32 $0x155F0;
	s0 =	simm.s32 $0x0;
	[tilespmem:s12+$0x11380] =	vst v62  }
.LBB2_4:
0x1fc: {  	_ =	swait.ge [sflag:s24], $0x4000  }
0x1fd: {  	[sflag:s24] =	ssyncset.done $0x0  }
0x1fe: {  	s13 =	simm.s32 $0x0;
	[sflag:s24] =	ssyncadd.s32 $0xFFFFC000  }
0x1ff: {  	v0 =	vld [tilespmem:s13+$0xD10]  }
0x200: {  	v1 =	vld [tilespmem:s13+$0x8D40]  }
0x201: {  	v2 =	vld [tilespmem:s13+$0x8D50]  }
0x202: {  	v3 =	vld [tilespmem:s13+$0xD00]  }
0x203: {  	v4 =	vld [tilespmem:s13+$0xD20]  }
0x204: {  	v5 =	vld [tilespmem:s13+$0x8D60]  }
0x205: {  	v6 =	vld [tilespmem:s13+$0xD30]  }
0x206: {  	v7 =	vld [tilespmem:s13+$0x8D70]  }
0x207: {  	v0 =	vmul.f32 v0, v2;
	v1 =	vmul.f32 v3, v1;
	_ =	sdelay $0x1  }
0x208: {  	v0 =	vadd.f32 v0, v1;
	v1 =	vmul.f32 v4, v5;
	_ =	sdelay $0x1  }
0x209: {  	v0 =	vadd.f32 v1, v0;
	v1 =	vmul.f32 v6, v7;
	_ =	sdelay $0x1  }
0x20a: {  	v0 =	vadd.f32 v1, v0;
	_ =	sdelay $0x1  }
0x20b: {  	[tilespmem:s2+$0xFFFFFF80] =	vst v0  }
0x20c: {  	v0 =	vld [tilespmem:s13+$0x8DC0]  }
0x20d: {  	v1 =	vld [tilespmem:s13+$0xD80]  }
0x20e: {  	v2 =	vld [tilespmem:s13+$0x8DD0]  }
0x20f: {  	v3 =	vld [tilespmem:s13+$0xD90]  }
0x210: {  	v16 =	vld [tilespmem:s13+$0xDA0]  }
0x211: {  	v17 =	vld [tilespmem:s13+$0x8DE0]  }
0x212: {  	v18 =	vld [tilespmem:s13+$0xDB0]  }
0x213: {  	v19 =	vld [tilespmem:s13+$0x8DF0]  }
0x214: {  	v0 =	vmul.f32 v1, v0;
	v1 =	vmul.f32 v3, v2;
	_ =	sdelay $0x1  }
0x215: {  	v0 =	vadd.f32 v1, v0;
	v1 =	vmul.f32 v16, v17;
	_ =	sdelay $0x1  }
0x216: {  	v0 =	vadd.f32 v1, v0;
	v1 =	vmul.f32 v18, v19;
	_ =	sdelay $0x1  }
0x217: {  	v0 =	vadd.f32 v1, v0;
	_ =	sdelay $0x1  }
0x218: {  	[tilespmem:s2+$0xFFFFFF90] =	vst v0  }
0x219: {  	v0 =	vld [tilespmem:s13+$0xE10]  }
0x21a: {  	v1 =	vld [tilespmem:s13+$0x8E40]  }
0x21b: {  	v2 =	vld [tilespmem:s13+$0xE00]  }
0x21c: {  	v3 =	vld [tilespmem:s13+$0x8E50]  }
0x21d: {  	v20 =	vld [tilespmem:s13+$0xE20]  }
0x21e: {  	v21 =	vld [tilespmem:s13+$0x8E60]  }
0x21f: {  	v22 =	vld [tilespmem:s13+$0xE30]  }
0x220: {  	v23 =	vld [tilespmem:s13+$0x8E70]  }
0x221: {  	v1 =	vmul.f32 v2, v1;
	v0 =	vmul.f32 v0, v3;
	_ =	sdelay $0x1  }
0x222: {  	v0 =	vadd.f32 v0, v1;
	v1 =	vmul.f32 v20, v21;
	_ =	sdelay $0x1  }
0x223: {  	v0 =	vadd.f32 v1, v0;
	v1 =	vmul.f32 v22, v23;
	_ =	sdelay $0x1  }
0x224: {  	v0 =	vadd.f32 v1, v0;
	_ =	sdelay $0x1  }
0x225: {  	[tilespmem:s2+$0xFFFFFFA0] =	vst v0  }
0x226: {  	v0 =	vld [tilespmem:s13+$0xE90]  }
0x227: {  	v1 =	vld [tilespmem:s13+$0x8EC0]  }
0x228: {  	v2 =	vld [tilespmem:s13+$0xE80]  }
0x229: {  	v3 =	vld [tilespmem:s13+$0x8ED0]  }
0x22a: {  	v24 =	vld [tilespmem:s13+$0x8EE0]  }
0x22b: {  	v25 =	vld [tilespmem:s13+$0xEA0]  }
0x22c: {  	v26 =	vld [tilespmem:s13+$0xEB0]  }
0x22d: {  	v27 =	vld [tilespmem:s13+$0x8EF0]  }
0x22e: {  	v1 =	vmul.f32 v2, v1;
	v0 =	vmul.f32 v0, v3;
	_ =	sdelay $0x1  }
0x22f: {  	v0 =	vadd.f32 v0, v1;
	v1 =	vmul.f32 v25, v24;
	_ =	sdelay $0x1  }
0x230: {  	v0 =	vadd.f32 v1, v0;
	v1 =	vmul.f32 v26, v27;
	_ =	sdelay $0x1  }
0x231: {  	v0 =	vadd.f32 v1, v0;
	_ =	sdelay $0x1  }
0x232: {  	[tilespmem:s2+$0xFFFFFFB0] =	vst v0  }
0x233: {  	v0 =	vld [tilespmem:s13+$0xF00]  }
0x234: {  	v1 =	vld [tilespmem:s13+$0xF10]  }
0x235: {  	v2 =	vld [tilespmem:s13+$0x8F40]  }
0x236: {  	v3 =	vld [tilespmem:s13+$0x8F50]  }
0x237: {  	v28 =	vld [tilespmem:s13+$0x8F60]  }
0x238: {  	v29 =	vld [tilespmem:s13+$0xF20]  }
0x239: {  	v30 =	vld [tilespmem:s13+$0xF30]  }
0x23a: {  	v31 =	vld [tilespmem:s13+$0x8F70]  }
0x23b: {  	v0 =	vmul.f32 v0, v2;
	v1 =	vmul.f32 v1, v3;
	_ =	sdelay $0x1  }
0x23c: {  	v0 =	vadd.f32 v1, v0;
	v1 =	vmul.f32 v29, v28;
	_ =	sdelay $0x1  }
0x23d: {  	v0 =	vadd.f32 v1, v0;
	v1 =	vmul.f32 v30, v31;
	_ =	sdelay $0x1  }
0x23e: {  	v0 =	vadd.f32 v1, v0;
	_ =	sdelay $0x1  }
0x23f: {  	[tilespmem:s2+$0xFFFFFFC0] =	vst v0  }
0x240: {  	v0 =	vld [tilespmem:s13+$0xF80]  }
0x241: {  	v1 =	vld [tilespmem:s13+$0xF90]  }
0x242: {  	v2 =	vld [tilespmem:s13+$0x8FC0]  }
0x243: {  	v3 =	vld [tilespmem:s13+$0x8FD0]  }
0x244: {  	v32 =	vld [tilespmem:s13+$0x8FE0]  }
0x245: {  	v33 =	vld [tilespmem:s13+$0xFA0]  }
0x246: {  	v34 =	vld [tilespmem:s13+$0xFB0]  }
0x247: {  	v35 =	vld [tilespmem:s13+$0x8FF0]  }
0x248: {  	v0 =	vmul.f32 v0, v2;
	v1 =	vmul.f32 v1, v3;
	_ =	sdelay $0x1  }
0x249: {  	v0 =	vadd.f32 v1, v0;
	v1 =	vmul.f32 v33, v32;
	_ =	sdelay $0x1  }
0x24a: {  	v0 =	vadd.f32 v1, v0;
	v1 =	vmul.f32 v34, v35;
	_ =	sdelay $0x1  }
0x24b: {  	v0 =	vadd.f32 v1, v0;
	_ =	sdelay $0x1  }
0x24c: {  	[tilespmem:s2+$0xFFFFFFD0] =	vst v0  }
0x24d: {  	v0 =	vld [tilespmem:s13+$0x1000]  }
0x24e: {  	v1 =	vld [tilespmem:s13+$0x1010]  }
0x24f: {  	v2 =	vld [tilespmem:s13+$0x9050]  }
0x250: {  	v3 =	vld [tilespmem:s13+$0x9040]  }
0x251: {  	v36 =	vld [tilespmem:s13+$0x9060]  }
0x252: {  	v37 =	vld [tilespmem:s13+$0x1020]  }
0x253: {  	v38 =	vld [tilespmem:s13+$0x1030]  }
0x254: {  	v39 =	vld [tilespmem:s13+$0x9070]  }
0x255: {  	v1 =	vmul.f32 v1, v2;
	v0 =	vmul.f32 v0, v3;
	_ =	sdelay $0x1  }
0x256: {  	v0 =	vadd.f32 v1, v0;
	v1 =	vmul.f32 v37, v36;
	_ =	sdelay $0x1  }
0x257: {  	v0 =	vadd.f32 v1, v0;
	v1 =	vmul.f32 v38, v39;
	_ =	sdelay $0x1  }
0x258: {  	v0 =	vadd.f32 v1, v0;
	_ =	sdelay $0x1  }
0x259: {  	[tilespmem:s2+$0xFFFFFFE0] =	vst v0  }
0x25a: {  	v0 =	vld [tilespmem:s13+$0x90C0]  }
0x25b: {  	v1 =	vld [tilespmem:s13+$0x1080]  }
0x25c: {  	v2 =	vld [tilespmem:s13+$0x1090]  }
0x25d: {  	v3 =	vld [tilespmem:s13+$0x90D0]  }
0x25e: {  	v40 =	vld [tilespmem:s13+$0x90E0]  }
0x25f: {  	v41 =	vld [tilespmem:s13+$0x10A0]  }
0x260: {  	v42 =	vld [tilespmem:s13+$0x10B0]  }
0x261: {  	v43 =	vld [tilespmem:s13+$0x90F0]  }
0x262: {  	v0 =	vmul.f32 v1, v0;
	v1 =	vmul.f32 v2, v3;
	_ =	sdelay $0x1  }
0x263: {  	v0 =	vadd.f32 v1, v0;
	v1 =	vmul.f32 v41, v40;
	_ =	sdelay $0x1  }
0x264: {  	v0 =	vadd.f32 v1, v0;
	v1 =	vmul.f32 v42, v43;
	_ =	sdelay $0x1  }
0x265: {  	v0 =	vadd.f32 v1, v0;
	_ =	sdelay $0x1  }
0x266: {  	[tilespmem:s2+$0xFFFFFFF0] =	vst v0  }
0x267: {  	v0 =	vld [tilespmem:s13+$0x1100]  }
0x268: {  	v1 =	vld [tilespmem:s13+$0x1110]  }
0x269: {  	v2 =	vld [tilespmem:s13+$0x9140]  }
0x26a: {  	v3 =	vld [tilespmem:s13+$0x9150]  }
0x26b: {  	v44 =	vld [tilespmem:s13+$0x9160]  }
0x26c: {  	v45 =	vld [tilespmem:s13+$0x1120]  }
0x26d: {  	v46 =	vld [tilespmem:s13+$0x9170]  }
0x26e: {  	v47 =	vld [tilespmem:s13+$0x1130]  }
0x26f: {  	v0 =	vmul.f32 v0, v2;
	v1 =	vmul.f32 v1, v3;
	_ =	sdelay $0x1  }
0x270: {  	v0 =	vadd.f32 v1, v0;
	v1 =	vmul.f32 v45, v44;
	_ =	sdelay $0x1  }
0x271: {  	v0 =	vadd.f32 v1, v0;
	v1 =	vmul.f32 v47, v46;
	_ =	sdelay $0x1  }
0x272: {  	v0 =	vadd.f32 v1, v0;
	_ =	sdelay $0x1  }
0x273: {  	[tilespmem:s2+$0x0] =	vst v0  }
0x274: {  	v0 =	vld [tilespmem:s13+$0x1180]  }
0x275: {  	v1 =	vld [tilespmem:s13+$0x1190]  }
0x276: {  	v2 =	vld [tilespmem:s13+$0x91D0]  }
0x277: {  	v3 =	vld [tilespmem:s13+$0x91C0]  }
0x278: {  	v48 =	vld [tilespmem:s13+$0x91E0]  }
0x279: {  	v49 =	vld [tilespmem:s13+$0x11A0]  }
0x27a: {  	v50 =	vld [tilespmem:s13+$0x91F0]  }
0x27b: {  	v51 =	vld [tilespmem:s13+$0x11B0]  }
0x27c: {  	v1 =	vmul.f32 v1, v2;
	v0 =	vmul.f32 v0, v3;
	_ =	sdelay $0x1  }
0x27d: {  	v0 =	vadd.f32 v1, v0;
	v1 =	vmul.f32 v49, v48;
	_ =	sdelay $0x1  }
0x27e: {  	v0 =	vadd.f32 v1, v0;
	v1 =	vmul.f32 v51, v50;
	_ =	sdelay $0x1  }
0x27f: {  	v0 =	vadd.f32 v1, v0;
	_ =	sdelay $0x1  }
0x280: {  	[tilespmem:s2+$0x10] =	vst v0  }
0x281: {  	v0 =	vld [tilespmem:s13+$0x1210]  }
0x282: {  	v1 =	vld [tilespmem:s13+$0x1200]  }
0x283: {  	v2 =	vld [tilespmem:s13+$0x9240]  }
0x284: {  	v3 =	vld [tilespmem:s13+$0x9250]  }
0x285: {  	v52 =	vld [tilespmem:s13+$0x9260]  }
0x286: {  	v53 =	vld [tilespmem:s13+$0x1220]  }
0x287: {  	v54 =	vld [tilespmem:s13+$0x9270]  }
0x288: {  	v55 =	vld [tilespmem:s13+$0x1230]  }
0x289: {  	v1 =	vmul.f32 v1, v2;
	v0 =	vmul.f32 v0, v3;
	_ =	sdelay $0x1  }
0x28a: {  	v0 =	vadd.f32 v0, v1;
	v1 =	vmul.f32 v53, v52;
	_ =	sdelay $0x1  }
0x28b: {  	v0 =	vadd.f32 v1, v0;
	v1 =	vmul.f32 v55, v54;
	_ =	sdelay $0x1  }
0x28c: {  	v0 =	vadd.f32 v1, v0;
	_ =	sdelay $0x1  }
0x28d: {  	[tilespmem:s2+$0x20] =	vst v0  }
0x28e: {  	v0 =	vld [tilespmem:s13+$0x1280]  }
0x28f: {  	v1 =	vld [tilespmem:s13+$0x1290]  }
0x290: {  	v2 =	vld [tilespmem:s13+$0x92C0]  }
0x291: {  	v3 =	vld [tilespmem:s13+$0x92D0]  }
0x292: {  	v56 =	vld [tilespmem:s13+$0x92E0]  }
0x293: {  	v57 =	vld [tilespmem:s13+$0x12A0]  }
0x294: {  	v58 =	vld [tilespmem:s13+$0x92F0]  }
0x295: {  	v59 =	vld [tilespmem:s13+$0x12B0]  }
0x296: {  	v0 =	vmul.f32 v0, v2;
	v1 =	vmul.f32 v1, v3;
	_ =	sdelay $0x1  }
0x297: {  	v0 =	vadd.f32 v1, v0;
	v1 =	vmul.f32 v57, v56;
	_ =	sdelay $0x1  }
0x298: {  	v0 =	vadd.f32 v1, v0;
	v1 =	vmul.f32 v59, v58;
	_ =	sdelay $0x1  }
0x299: {  	v0 =	vadd.f32 v1, v0;
	_ =	sdelay $0x1  }
0x29a: {  	[tilespmem:s2+$0x30] =	vst v0  }
0x29b: {  	v0 =	vld [tilespmem:s13+$0x1300]  }
0x29c: {  	v1 =	vld [tilespmem:s13+$0x1310]  }
0x29d: {  	v2 =	vld [tilespmem:s13+$0x9340]  }
0x29e: {  	v3 =	vld [tilespmem:s13+$0x9350]  }
0x29f: {  	v60 =	vld [tilespmem:s13+$0x9360]  }
0x2a0: {  	v61 =	vld [tilespmem:s13+$0x1320]  }
0x2a1: {  	v62 =	vld [tilespmem:s13+$0x9370]  }
0x2a2: {  	v63 =	vld [tilespmem:s13+$0x1330]  }
0x2a3: {  	v0 =	vmul.f32 v0, v2;
	v1 =	vmul.f32 v1, v3;
	_ =	sdelay $0x1  }
0x2a4: {  	v0 =	vadd.f32 v1, v0;
	v1 =	vmul.f32 v61, v60;
	_ =	sdelay $0x1  }
0x2a5: {  	v0 =	vadd.f32 v1, v0;
	v1 =	vmul.f32 v63, v62;
	_ =	sdelay $0x1  }
0x2a6: {  	v0 =	vadd.f32 v1, v0;
	_ =	sdelay $0x1  }
0x2a7: {  	[tilespmem:s2+$0x40] =	vst v0  }
0x2a8: {  	v0 =	vld [tilespmem:s13+$0x1380]  }
0x2a9: {  	s12 =	simm.s32 $0x2000;
	s18 =	smov.u32 s2;
	s14 =	smov.u32 s2;
	v1 =	vld [tilespmem:s13+$0x1390]  }
.LBB2_5:
0x2aa: {  	p0 =	sne.s32 s12, $0xE000  }
0x2ab: {  	v2 =	vld [tilespmem:s13+$0x93C0];
	s18 =	sadd.s32 $0x100, s18;
	s15 =	smov.u32 s12;
	s12 =	sadd.s32 $0x2000, s12  }
0x2ac: {  	v3 =	vld [tilespmem:s13+$0x93D0]  }
0x2ad: {  	v4 =	vld [tilespmem:s13+$0x93E0]  }
0x2ae: {  	v5 =	vld [tilespmem:s13+$0x13A0]  }
0x2af: {  	v6 =	vld [tilespmem:s13+$0x93F0]  }
0x2b0: {  	v0 =	vmul.f32 v0, v2;
	v2 =	vld [tilespmem:s13+$0x13B0]  }
0x2b1: {  	v1 =	vmul.f32 v1, v3;
	_ =	sdelay $0x1  }
0x2b2: {  	v0 =	vadd.f32 v1, v0;
	v1 =	vmul.f32 v5, v4;
	_ =	sdelay $0x1  }
0x2b3: {  	v0 =	vadd.f32 v1, v0;
	v1 =	vmul.f32 v2, v6;
	_ =	sdelay $0x1  }
0x2b4: {  	v0 =	vadd.f32 v1, v0;
	_ =	sdelay $0x1  }
0x2b5: {  	[tilespmem:s14+$0x50] =	vst v0  }
0x2b6: {  	v0 =	vld [tilespmem:s13+$0x1400]  }
0x2b7: {  	v1 =	vld [tilespmem:s13+$0x9440]  }
0x2b8: {  	v2 =	vld [tilespmem:s13+$0x1410]  }
0x2b9: {  	v3 =	vld [tilespmem:s13+$0x9450]  }
0x2ba: {  	v4 =	vld [tilespmem:s13+$0x9460]  }
0x2bb: {  	v5 =	vld [tilespmem:s13+$0x1420]  }
0x2bc: {  	v0 =	vmul.f32 v0, v1;
	v1 =	vld [tilespmem:s13+$0x9470]  }
0x2bd: {  	v6 =	vld [tilespmem:s13+$0x1430]  }
0x2be: {  	v2 =	vmul.f32 v2, v3;
	_ =	sdelay $0x1  }
0x2bf: {  	v0 =	vadd.f32 v2, v0;
	v2 =	vmul.f32 v5, v4;
	_ =	sdelay $0x1  }
0x2c0: {  	v0 =	vadd.f32 v2, v0;
	v1 =	vmul.f32 v6, v1;
	_ =	sdelay $0x1  }
0x2c1: {  	v0 =	vadd.f32 v1, v0;
	_ =	sdelay $0x1  }
0x2c2: {  	[tilespmem:s14+$0x60] =	vst v0  }
0x2c3: {  	v0 =	vld [tilespmem:s13+$0x94E0]  }
0x2c4: {  	v1 =	vld [tilespmem:s13+$0x94C0]  }
0x2c5: {  	v2 =	vld [tilespmem:s13+$0x14A0]  }
0x2c6: {  	v3 =	vld [tilespmem:s13+$0x1490]  }
0x2c7: {  	v4 =	vld [tilespmem:s13+$0x1480]  }
0x2c8: {  	v5 =	vld [tilespmem:s13+$0x94D0]  }
0x2c9: {  	v6 =	vld [tilespmem:s13+$0x94F0]  }
0x2ca: {  	v7 =	vld [tilespmem:s13+$0x14B0];
	_ =	sdelay $0x1  }
0x2cb: {  	v0 =	vmul.f32 v2, v0;
	v1 =	vmul.f32 v4, v1  }
0x2cc: {  	v2 =	vmul.f32 v3, v5;
	_ =	sdelay $0x1  }
0x2cd: {  	v1 =	vadd.f32 v2, v1;
	v2 =	vmul.f32 v7, v6;
	_ =	sdelay $0x1  }
0x2ce: {  	v0 =	vadd.f32 v0, v1;
	_ =	sdelay $0x1  }
0x2cf: {  	v0 =	vadd.f32 v2, v0;
	_ =	sdelay $0x1  }
0x2d0: {  	s13 =	sshra.s32 s15, $0x2;
	[tilespmem:s14+$0x70] =	vst v0;
	s14 =	smov.u32 s18  }
0x2d1: {  	v0 =	vld [tilespmem:s13+$0xD10]  }
0x2d2: {  	v1 =	vld [tilespmem:s13+$0x8D40]  }
0x2d3: {  	v2 =	vld [tilespmem:s13+$0x8D50]  }
0x2d4: {  	v3 =	vld [tilespmem:s13+$0xD00]  }
0x2d5: {  	v4 =	vld [tilespmem:s13+$0xD20]  }
0x2d6: {  	v5 =	vld [tilespmem:s13+$0x8D60]  }
0x2d7: {  	v6 =	vld [tilespmem:s13+$0xD30]  }
0x2d8: {  	v0 =	vmul.f32 v0, v2;
	v2 =	vld [tilespmem:s13+$0x8D70]  }
0x2d9: {  	v1 =	vmul.f32 v3, v1;
	_ =	sdelay $0x1  }
0x2da: {  	v0 =	vadd.f32 v0, v1;
	v1 =	vmul.f32 v4, v5;
	_ =	sdelay $0x1  }
0x2db: {  	v0 =	vadd.f32 v1, v0;
	v1 =	vmul.f32 v6, v2;
	_ =	sdelay $0x1  }
0x2dc: {  	v0 =	vadd.f32 v1, v0;
	_ =	sdelay $0x1  }
0x2dd: {  	[tilespmem:s18+$0xFFFFFF80] =	vst v0  }
0x2de: {  	v0 =	vld [tilespmem:s13+$0x8DC0]  }
0x2df: {  	v1 =	vld [tilespmem:s13+$0xD80]  }
0x2e0: {  	v2 =	vld [tilespmem:s13+$0x8DD0]  }
0x2e1: {  	v3 =	vld [tilespmem:s13+$0xD90]  }
0x2e2: {  	v4 =	vld [tilespmem:s13+$0xDA0]  }
0x2e3: {  	v5 =	vld [tilespmem:s13+$0x8DE0]  }
0x2e4: {  	v0 =	vmul.f32 v1, v0;
	v1 =	vld [tilespmem:s13+$0xDB0]  }
0x2e5: {  	v6 =	vld [tilespmem:s13+$0x8DF0]  }
0x2e6: {  	v2 =	vmul.f32 v3, v2;
	_ =	sdelay $0x1  }
0x2e7: {  	v0 =	vadd.f32 v2, v0;
	v2 =	vmul.f32 v4, v5;
	_ =	sdelay $0x1  }
0x2e8: {  	v0 =	vadd.f32 v2, v0;
	v1 =	vmul.f32 v1, v6;
	_ =	sdelay $0x1  }
0x2e9: {  	v0 =	vadd.f32 v1, v0;
	_ =	sdelay $0x1  }
0x2ea: {  	[tilespmem:s18+$0xFFFFFF90] =	vst v0  }
0x2eb: {  	v0 =	vld [tilespmem:s13+$0xE10]  }
0x2ec: {  	v1 =	vld [tilespmem:s13+$0x8E40]  }
0x2ed: {  	v2 =	vld [tilespmem:s13+$0xE00]  }
0x2ee: {  	v3 =	vld [tilespmem:s13+$0x8E50]  }
0x2ef: {  	v4 =	vld [tilespmem:s13+$0xE20]  }
0x2f0: {  	v5 =	vld [tilespmem:s13+$0x8E60]  }
0x2f1: {  	v6 =	vld [tilespmem:s13+$0xE30]  }
0x2f2: {  	v1 =	vmul.f32 v2, v1;
	v2 =	vld [tilespmem:s13+$0x8E70]  }
0x2f3: {  	v0 =	vmul.f32 v0, v3;
	_ =	sdelay $0x1  }
0x2f4: {  	v0 =	vadd.f32 v0, v1;
	v1 =	vmul.f32 v4, v5;
	_ =	sdelay $0x1  }
0x2f5: {  	v0 =	vadd.f32 v1, v0;
	v1 =	vmul.f32 v6, v2;
	_ =	sdelay $0x1  }
0x2f6: {  	v0 =	vadd.f32 v1, v0;
	_ =	sdelay $0x1  }
0x2f7: {  	[tilespmem:s18+$0xFFFFFFA0] =	vst v0  }
0x2f8: {  	v0 =	vld [tilespmem:s13+$0xE90]  }
0x2f9: {  	v1 =	vld [tilespmem:s13+$0x8EC0]  }
0x2fa: {  	v2 =	vld [tilespmem:s13+$0xE80]  }
0x2fb: {  	v3 =	vld [tilespmem:s13+$0x8ED0]  }
0x2fc: {  	v4 =	vld [tilespmem:s13+$0x8EE0]  }
0x2fd: {  	v5 =	vld [tilespmem:s13+$0xEA0]  }
0x2fe: {  	v6 =	vld [tilespmem:s13+$0xEB0]  }
0x2ff: {  	v1 =	vmul.f32 v2, v1;
	v2 =	vld [tilespmem:s13+$0x8EF0]  }
0x300: {  	v0 =	vmul.f32 v0, v3;
	_ =	sdelay $0x1  }
0x301: {  	v0 =	vadd.f32 v0, v1;
	v1 =	vmul.f32 v5, v4;
	_ =	sdelay $0x1  }
0x302: {  	v0 =	vadd.f32 v1, v0;
	v1 =	vmul.f32 v6, v2;
	_ =	sdelay $0x1  }
0x303: {  	v0 =	vadd.f32 v1, v0;
	_ =	sdelay $0x1  }
0x304: {  	[tilespmem:s18+$0xFFFFFFB0] =	vst v0  }
0x305: {  	v0 =	vld [tilespmem:s13+$0xF00]  }
0x306: {  	v1 =	vld [tilespmem:s13+$0xF10]  }
0x307: {  	v2 =	vld [tilespmem:s13+$0x8F40]  }
0x308: {  	v3 =	vld [tilespmem:s13+$0x8F50]  }
0x309: {  	v4 =	vld [tilespmem:s13+$0x8F60]  }
0x30a: {  	v5 =	vld [tilespmem:s13+$0xF20]  }
0x30b: {  	v6 =	vld [tilespmem:s13+$0xF30]  }
0x30c: {  	v0 =	vmul.f32 v0, v2;
	v2 =	vld [tilespmem:s13+$0x8F70]  }
0x30d: {  	v1 =	vmul.f32 v1, v3;
	_ =	sdelay $0x1  }
0x30e: {  	v0 =	vadd.f32 v1, v0;
	v1 =	vmul.f32 v5, v4;
	_ =	sdelay $0x1  }
0x30f: {  	v0 =	vadd.f32 v1, v0;
	v1 =	vmul.f32 v6, v2;
	_ =	sdelay $0x1  }
0x310: {  	v0 =	vadd.f32 v1, v0;
	_ =	sdelay $0x1  }
0x311: {  	[tilespmem:s18+$0xFFFFFFC0] =	vst v0  }
0x312: {  	v0 =	vld [tilespmem:s13+$0xF80]  }
0x313: {  	v1 =	vld [tilespmem:s13+$0xF90]  }
0x314: {  	v2 =	vld [tilespmem:s13+$0x8FC0]  }
0x315: {  	v3 =	vld [tilespmem:s13+$0x8FD0]  }
0x316: {  	v4 =	vld [tilespmem:s13+$0x8FE0]  }
0x317: {  	v5 =	vld [tilespmem:s13+$0xFA0]  }
0x318: {  	v6 =	vld [tilespmem:s13+$0xFB0]  }
0x319: {  	v0 =	vmul.f32 v0, v2;
	v2 =	vld [tilespmem:s13+$0x8FF0]  }
0x31a: {  	v1 =	vmul.f32 v1, v3;
	_ =	sdelay $0x1  }
0x31b: {  	v0 =	vadd.f32 v1, v0;
	v1 =	vmul.f32 v5, v4;
	_ =	sdelay $0x1  }
0x31c: {  	v0 =	vadd.f32 v1, v0;
	v1 =	vmul.f32 v6, v2;
	_ =	sdelay $0x1  }
0x31d: {  	v0 =	vadd.f32 v1, v0;
	_ =	sdelay $0x1  }
0x31e: {  	[tilespmem:s18+$0xFFFFFFD0] =	vst v0  }
0x31f: {  	v0 =	vld [tilespmem:s13+$0x1000]  }
0x320: {  	v1 =	vld [tilespmem:s13+$0x1010]  }
0x321: {  	v2 =	vld [tilespmem:s13+$0x9050]  }
0x322: {  	v3 =	vld [tilespmem:s13+$0x9040]  }
0x323: {  	v4 =	vld [tilespmem:s13+$0x9060]  }
0x324: {  	v5 =	vld [tilespmem:s13+$0x1020]  }
0x325: {  	v6 =	vld [tilespmem:s13+$0x1030]  }
0x326: {  	v1 =	vmul.f32 v1, v2;
	v2 =	vld [tilespmem:s13+$0x9070]  }
0x327: {  	v0 =	vmul.f32 v0, v3;
	_ =	sdelay $0x1  }
0x328: {  	v0 =	vadd.f32 v1, v0;
	v1 =	vmul.f32 v5, v4;
	_ =	sdelay $0x1  }
0x329: {  	v0 =	vadd.f32 v1, v0;
	v1 =	vmul.f32 v6, v2;
	_ =	sdelay $0x1  }
0x32a: {  	v0 =	vadd.f32 v1, v0;
	_ =	sdelay $0x1  }
0x32b: {  	[tilespmem:s18+$0xFFFFFFE0] =	vst v0  }
0x32c: {  	v0 =	vld [tilespmem:s13+$0x90C0]  }
0x32d: {  	v1 =	vld [tilespmem:s13+$0x1080]  }
0x32e: {  	v2 =	vld [tilespmem:s13+$0x1090]  }
0x32f: {  	v3 =	vld [tilespmem:s13+$0x90D0]  }
0x330: {  	v4 =	vld [tilespmem:s13+$0x90E0]  }
0x331: {  	v5 =	vld [tilespmem:s13+$0x10A0]  }
0x332: {  	v0 =	vmul.f32 v1, v0;
	v1 =	vld [tilespmem:s13+$0x10B0]  }
0x333: {  	v6 =	vld [tilespmem:s13+$0x90F0]  }
0x334: {  	v2 =	vmul.f32 v2, v3;
	_ =	sdelay $0x1  }
0x335: {  	v0 =	vadd.f32 v2, v0;
	v2 =	vmul.f32 v5, v4;
	_ =	sdelay $0x1  }
0x336: {  	v0 =	vadd.f32 v2, v0;
	v1 =	vmul.f32 v1, v6;
	_ =	sdelay $0x1  }
0x337: {  	v0 =	vadd.f32 v1, v0;
	_ =	sdelay $0x1  }
0x338: {  	[tilespmem:s18+$0xFFFFFFF0] =	vst v0  }
0x339: {  	v0 =	vld [tilespmem:s13+$0x1100]  }
0x33a: {  	v1 =	vld [tilespmem:s13+$0x1110]  }
0x33b: {  	v2 =	vld [tilespmem:s13+$0x9140]  }
0x33c: {  	v3 =	vld [tilespmem:s13+$0x9150]  }
0x33d: {  	v4 =	vld [tilespmem:s13+$0x9160]  }
0x33e: {  	v5 =	vld [tilespmem:s13+$0x1120]  }
0x33f: {  	v6 =	vld [tilespmem:s13+$0x9170]  }
0x340: {  	v0 =	vmul.f32 v0, v2;
	v2 =	vld [tilespmem:s13+$0x1130]  }
0x341: {  	v1 =	vmul.f32 v1, v3;
	_ =	sdelay $0x1  }
0x342: {  	v0 =	vadd.f32 v1, v0;
	v1 =	vmul.f32 v5, v4;
	_ =	sdelay $0x1  }
0x343: {  	v0 =	vadd.f32 v1, v0;
	v1 =	vmul.f32 v2, v6;
	_ =	sdelay $0x1  }
0x344: {  	v0 =	vadd.f32 v1, v0;
	_ =	sdelay $0x1  }
0x345: {  	[tilespmem:s18+$0x0] =	vst v0  }
0x346: {  	v0 =	vld [tilespmem:s13+$0x1180]  }
0x347: {  	v1 =	vld [tilespmem:s13+$0x1190]  }
0x348: {  	v2 =	vld [tilespmem:s13+$0x91D0]  }
0x349: {  	v3 =	vld [tilespmem:s13+$0x91C0]  }
0x34a: {  	v4 =	vld [tilespmem:s13+$0x91E0]  }
0x34b: {  	v5 =	vld [tilespmem:s13+$0x11A0]  }
0x34c: {  	v6 =	vld [tilespmem:s13+$0x91F0]  }
0x34d: {  	v1 =	vmul.f32 v1, v2;
	v2 =	vld [tilespmem:s13+$0x11B0]  }
0x34e: {  	v0 =	vmul.f32 v0, v3;
	_ =	sdelay $0x1  }
0x34f: {  	v0 =	vadd.f32 v1, v0;
	v1 =	vmul.f32 v5, v4;
	_ =	sdelay $0x1  }
0x350: {  	v0 =	vadd.f32 v1, v0;
	v1 =	vmul.f32 v2, v6;
	_ =	sdelay $0x1  }
0x351: {  	v0 =	vadd.f32 v1, v0;
	_ =	sdelay $0x1  }
0x352: {  	[tilespmem:s18+$0x10] =	vst v0  }
0x353: {  	v0 =	vld [tilespmem:s13+$0x1210]  }
0x354: {  	v1 =	vld [tilespmem:s13+$0x1200]  }
0x355: {  	v2 =	vld [tilespmem:s13+$0x9240]  }
0x356: {  	v3 =	vld [tilespmem:s13+$0x9250]  }
0x357: {  	v4 =	vld [tilespmem:s13+$0x9260]  }
0x358: {  	v5 =	vld [tilespmem:s13+$0x1220]  }
0x359: {  	v6 =	vld [tilespmem:s13+$0x9270]  }
0x35a: {  	v1 =	vmul.f32 v1, v2;
	v2 =	vld [tilespmem:s13+$0x1230]  }
0x35b: {  	v0 =	vmul.f32 v0, v3;
	_ =	sdelay $0x1  }
0x35c: {  	v0 =	vadd.f32 v0, v1;
	v1 =	vmul.f32 v5, v4;
	_ =	sdelay $0x1  }
0x35d: {  	v0 =	vadd.f32 v1, v0;
	v1 =	vmul.f32 v2, v6;
	_ =	sdelay $0x1  }
0x35e: {  	v0 =	vadd.f32 v1, v0;
	_ =	sdelay $0x1  }
0x35f: {  	[tilespmem:s18+$0x20] =	vst v0  }
0x360: {  	v0 =	vld [tilespmem:s13+$0x1280]  }
0x361: {  	v1 =	vld [tilespmem:s13+$0x1290]  }
0x362: {  	v2 =	vld [tilespmem:s13+$0x92C0]  }
0x363: {  	v3 =	vld [tilespmem:s13+$0x92D0]  }
0x364: {  	v4 =	vld [tilespmem:s13+$0x92E0]  }
0x365: {  	v5 =	vld [tilespmem:s13+$0x12A0]  }
0x366: {  	v6 =	vld [tilespmem:s13+$0x92F0]  }
0x367: {  	v0 =	vmul.f32 v0, v2;
	v2 =	vld [tilespmem:s13+$0x12B0]  }
0x368: {  	v1 =	vmul.f32 v1, v3;
	_ =	sdelay $0x1  }
0x369: {  	v0 =	vadd.f32 v1, v0;
	v1 =	vmul.f32 v5, v4;
	_ =	sdelay $0x1  }
0x36a: {  	v0 =	vadd.f32 v1, v0;
	v1 =	vmul.f32 v2, v6;
	_ =	sdelay $0x1  }
0x36b: {  	v0 =	vadd.f32 v1, v0;
	_ =	sdelay $0x1  }
0x36c: {  	[tilespmem:s18+$0x30] =	vst v0  }
0x36d: {  	v0 =	vld [tilespmem:s13+$0x1300]  }
0x36e: {  	v1 =	vld [tilespmem:s13+$0x1310]  }
0x36f: {  	v2 =	vld [tilespmem:s13+$0x9340]  }
0x370: {  	v3 =	vld [tilespmem:s13+$0x9350]  }
0x371: {  	v4 =	vld [tilespmem:s13+$0x9360]  }
0x372: {  	v5 =	vld [tilespmem:s13+$0x1320]  }
0x373: {  	v6 =	vld [tilespmem:s13+$0x9370]  }
0x374: {  	v0 =	vmul.f32 v0, v2;
	v2 =	vld [tilespmem:s13+$0x1330]  }
0x375: {  	v1 =	vmul.f32 v1, v3;
	_ =	sdelay $0x1  }
0x376: {  	v0 =	vadd.f32 v1, v0;
	v1 =	vmul.f32 v5, v4;
	_ =	sdelay $0x1  }
0x377: {  	v0 =	vadd.f32 v1, v0;
	v1 =	vmul.f32 v2, v6;
	_ =	sdelay $0x1  }
.Ltmp3:
0x378: {  	v0 =	vadd.f32 v1, v0;
	(pc) =	sbr.rel @p0 .LBB2_5-.Ltmp3, $4  }
0x379: {  	_ = 	snop  }
0x37a: {  	[tilespmem:s18+$0x40] =	vst v0  }
0x37b: {  	v0 =	vld [tilespmem:s13+$0x1380]  }
0x37c: {  	v1 =	vld [tilespmem:s13+$0x1390]  }
0x37d: {  	v2 =	vld [tilespmem:s13+$0x93C0]  }
0x37e: {  	v3 =	vld [tilespmem:s13+$0x93D0]  }
0x37f: {  	v4 =	vld [tilespmem:s13+$0x93E0]  }
0x380: {  	v5 =	vld [tilespmem:s13+$0x13A0]  }
0x381: {  	v6 =	vld [tilespmem:s13+$0x93F0]  }
0x382: {  	v7 =	vld [tilespmem:s13+$0x13B0]  }
0x383: {  	v0 =	vmul.f32 v0, v2;
	v1 =	vmul.f32 v1, v3;
	_ =	sdelay $0x1  }
0x384: {  	v0 =	vadd.f32 v1, v0;
	v1 =	vmul.f32 v5, v4;
	_ =	sdelay $0x1  }
0x385: {  	v0 =	vadd.f32 v1, v0;
	v1 =	vmul.f32 v7, v6;
	_ =	sdelay $0x1  }
0x386: {  	v0 =	vadd.f32 v1, v0;
	_ =	sdelay $0x1  }
0x387: {  	[tilespmem:s14+$0x50] =	vst v0  }
0x388: {  	v0 =	vld [tilespmem:s13+$0x1400]  }
0x389: {  	v1 =	vld [tilespmem:s13+$0x9440]  }
0x38a: {  	v2 =	vld [tilespmem:s13+$0x1410]  }
0x38b: {  	v3 =	vld [tilespmem:s13+$0x9450]  }
0x38c: {  	v59 =	vld [tilespmem:s13+$0x9460]  }
0x38d: {  	v60 =	vld [tilespmem:s13+$0x1420]  }
0x38e: {  	v61 =	vld [tilespmem:s13+$0x9470]  }
0x38f: {  	v62 =	vld [tilespmem:s13+$0x1430]  }
0x390: {  	v0 =	vmul.f32 v0, v1;
	v1 =	vmul.f32 v2, v3;
	_ =	sdelay $0x1  }
0x391: {  	v0 =	vadd.f32 v1, v0;
	v1 =	vmul.f32 v60, v59;
	_ =	sdelay $0x1  }
0x392: {  	v0 =	vadd.f32 v1, v0;
	v1 =	vmul.f32 v62, v61;
	_ =	sdelay $0x1  }
0x393: {  	v0 =	vadd.f32 v1, v0;
	_ =	sdelay $0x1  }
0x394: {  	[tilespmem:s14+$0x60] =	vst v0  }
0x395: {  	v0 =	vld [tilespmem:s13+$0x94C0]  }
0x396: {  	v1 =	vld [tilespmem:s13+$0x1490]  }
0x397: {  	v2 =	vld [tilespmem:s13+$0x1480]  }
0x398: {  	v3 =	vld [tilespmem:s13+$0x94D0]  }
0x399: {  	v63 =	vld [tilespmem:s13+$0x94E0]  }
0x39a: {  	v9 =	vld [tilespmem:s13+$0x14A0]  }
0x39b: {  	v10 =	vld [tilespmem:s13+$0x94F0]  }
0x39c: {  	v11 =	vld [tilespmem:s13+$0x14B0]  }
0x39d: {  	v0 =	vmul.f32 v2, v0;
	v1 =	vmul.f32 v1, v3;
	_ =	sdelay $0x1  }
0x39e: {  	v2 =	vmul.f32 v9, v63;
	v0 =	vadd.f32 v1, v0;
	_ =	sdelay $0x1  }
0x39f: {  	v1 =	vmul.f32 v11, v10;
	v0 =	vadd.f32 v2, v0;
	_ =	sdelay $0x1  }
0x3a0: {  	p0 =	seq.s32 s0, $0x9;
	s13 =	sshll.u32 s0, $0xA;
	v0 =	vadd.f32 v1, v0  }
0x3a1: {  	s12 =	sshrl.u32 @!p0 s13, $0x2  }
0x3a2: {  	s15 =	simm.s32 @!p0 $0x8D00;
	s12 =	sadd.s32 @!p0 $0x200, s12;
	[tilespmem:s14+$0x70] =	vst v0;
	s14 =	simm.s32 @!p0 $0x80  }
0x3a3: {  	[tilespmem:s15], [sflag:$0x3] =	stream.indirect.gather @!p0 [hbm4b:s1+s14], $0x80, s12, s14, $0xb8;
	[tilespmem:$0x1ED00] =	vst v63  }
0x3a4: {  	_ =	swait.ge [sflag:s25], $0x4000  }
0x3a5: {  	[sflag:s25] =	ssyncset.done $0x0  }
0x3a6: {  	s14 =	simm.s32 $0x0;
	[sflag:s25] =	ssyncadd.s32 $0xFFFFC000  }
0x3a7: {  	v0 =	vld [tilespmem:s14+$0xD10]  }
0x3a8: {  	v1 =	vld [tilespmem:s14+$0xCD40]  }
0x3a9: {  	v2 =	vld [tilespmem:s14+$0xCD50]  }
0x3aa: {  	v3 =	vld [tilespmem:s14+$0xD00]  }
0x3ab: {  	v12 =	vld [tilespmem:s14+$0xD20]  }
0x3ac: {  	v13 =	vld [tilespmem:s14+$0xCD60]  }
0x3ad: {  	v14 =	vld [tilespmem:s14+$0xD30]  }
0x3ae: {  	v15 =	vld [tilespmem:s14+$0xCD70]  }
0x3af: {  	v0 =	vmul.f32 v0, v2;
	v1 =	vmul.f32 v3, v1;
	_ =	sdelay $0x1  }
0x3b0: {  	v0 =	vadd.f32 v0, v1;
	v1 =	vmul.f32 v12, v13;
	_ =	sdelay $0x1  }
0x3b1: {  	v0 =	vadd.f32 v1, v0;
	v1 =	vmul.f32 v14, v15;
	_ =	sdelay $0x1  }
0x3b2: {  	v0 =	vadd.f32 v1, v0;
	_ =	sdelay $0x1  }
0x3b3: {  	[tilespmem:s19+$0xFFFFFF10] =	vst v0  }
0x3b4: {  	v0 =	vld [tilespmem:s14+$0xCDC0]  }
0x3b5: {  	v1 =	vld [tilespmem:s14+$0xD80]  }
0x3b6: {  	v2 =	vld [tilespmem:s14+$0xCDD0]  }
0x3b7: {  	v3 =	vld [tilespmem:s14+$0xD90]  }
0x3b8: {  	v16 =	vld [tilespmem:s14+$0xDA0]  }
0x3b9: {  	v17 =	vld [tilespmem:s14+$0xCDE0]  }
0x3ba: {  	v18 =	vld [tilespmem:s14+$0xDB0]  }
0x3bb: {  	v19 =	vld [tilespmem:s14+$0xCDF0]  }
0x3bc: {  	v0 =	vmul.f32 v1, v0;
	v1 =	vmul.f32 v3, v2;
	_ =	sdelay $0x1  }
0x3bd: {  	v0 =	vadd.f32 v1, v0;
	v1 =	vmul.f32 v16, v17;
	_ =	sdelay $0x1  }
0x3be: {  	v0 =	vadd.f32 v1, v0;
	v1 =	vmul.f32 v18, v19;
	_ =	sdelay $0x1  }
0x3bf: {  	v0 =	vadd.f32 v1, v0;
	_ =	sdelay $0x1  }
0x3c0: {  	[tilespmem:s19+$0xFFFFFF20] =	vst v0  }
0x3c1: {  	v0 =	vld [tilespmem:s14+$0xE10]  }
0x3c2: {  	v1 =	vld [tilespmem:s14+$0xCE40]  }
0x3c3: {  	v2 =	vld [tilespmem:s14+$0xE00]  }
0x3c4: {  	v3 =	vld [tilespmem:s14+$0xCE50]  }
0x3c5: {  	v20 =	vld [tilespmem:s14+$0xE20]  }
0x3c6: {  	v21 =	vld [tilespmem:s14+$0xCE60]  }
0x3c7: {  	v22 =	vld [tilespmem:s14+$0xE30]  }
0x3c8: {  	v23 =	vld [tilespmem:s14+$0xCE70]  }
0x3c9: {  	v1 =	vmul.f32 v2, v1;
	v0 =	vmul.f32 v0, v3;
	_ =	sdelay $0x1  }
0x3ca: {  	v0 =	vadd.f32 v0, v1;
	v1 =	vmul.f32 v20, v21;
	_ =	sdelay $0x1  }
0x3cb: {  	v0 =	vadd.f32 v1, v0;
	v1 =	vmul.f32 v22, v23;
	_ =	sdelay $0x1  }
0x3cc: {  	v0 =	vadd.f32 v1, v0;
	_ =	sdelay $0x1  }
0x3cd: {  	[tilespmem:s19+$0xFFFFFF30] =	vst v0  }
0x3ce: {  	v0 =	vld [tilespmem:s14+$0xE90]  }
0x3cf: {  	v1 =	vld [tilespmem:s14+$0xCEC0]  }
0x3d0: {  	v2 =	vld [tilespmem:s14+$0xE80]  }
0x3d1: {  	v3 =	vld [tilespmem:s14+$0xCED0]  }
0x3d2: {  	v24 =	vld [tilespmem:s14+$0xCEE0]  }
0x3d3: {  	v25 =	vld [tilespmem:s14+$0xEA0]  }
0x3d4: {  	v26 =	vld [tilespmem:s14+$0xEB0]  }
0x3d5: {  	v27 =	vld [tilespmem:s14+$0xCEF0]  }
0x3d6: {  	v1 =	vmul.f32 v2, v1;
	v0 =	vmul.f32 v0, v3;
	_ =	sdelay $0x1  }
0x3d7: {  	v0 =	vadd.f32 v0, v1;
	v1 =	vmul.f32 v25, v24;
	_ =	sdelay $0x1  }
0x3d8: {  	v0 =	vadd.f32 v1, v0;
	v1 =	vmul.f32 v26, v27;
	_ =	sdelay $0x1  }
0x3d9: {  	v0 =	vadd.f32 v1, v0;
	_ =	sdelay $0x1  }
0x3da: {  	[tilespmem:s19+$0xFFFFFF40] =	vst v0  }
0x3db: {  	v0 =	vld [tilespmem:s14+$0xF00]  }
0x3dc: {  	v1 =	vld [tilespmem:s14+$0xF10]  }
0x3dd: {  	v2 =	vld [tilespmem:s14+$0xCF40]  }
0x3de: {  	v3 =	vld [tilespmem:s14+$0xCF50]  }
0x3df: {  	v28 =	vld [tilespmem:s14+$0xCF60]  }
0x3e0: {  	v29 =	vld [tilespmem:s14+$0xF20]  }
0x3e1: {  	v30 =	vld [tilespmem:s14+$0xF30]  }
0x3e2: {  	v31 =	vld [tilespmem:s14+$0xCF70]  }
0x3e3: {  	v0 =	vmul.f32 v0, v2;
	v1 =	vmul.f32 v1, v3;
	_ =	sdelay $0x1  }
0x3e4: {  	v0 =	vadd.f32 v1, v0;
	v1 =	vmul.f32 v29, v28;
	_ =	sdelay $0x1  }
0x3e5: {  	v0 =	vadd.f32 v1, v0;
	v1 =	vmul.f32 v30, v31;
	_ =	sdelay $0x1  }
0x3e6: {  	v0 =	vadd.f32 v1, v0;
	_ =	sdelay $0x1  }
0x3e7: {  	[tilespmem:s19+$0xFFFFFF50] =	vst v0  }
0x3e8: {  	v0 =	vld [tilespmem:s14+$0xF80]  }
0x3e9: {  	v1 =	vld [tilespmem:s14+$0xF90]  }
0x3ea: {  	v2 =	vld [tilespmem:s14+$0xCFC0]  }
0x3eb: {  	v3 =	vld [tilespmem:s14+$0xCFD0]  }
0x3ec: {  	v32 =	vld [tilespmem:s14+$0xCFE0]  }
0x3ed: {  	v33 =	vld [tilespmem:s14+$0xFA0]  }
0x3ee: {  	v34 =	vld [tilespmem:s14+$0xFB0]  }
0x3ef: {  	v35 =	vld [tilespmem:s14+$0xCFF0]  }
0x3f0: {  	v0 =	vmul.f32 v0, v2;
	v1 =	vmul.f32 v1, v3;
	_ =	sdelay $0x1  }
0x3f1: {  	v0 =	vadd.f32 v1, v0;
	v1 =	vmul.f32 v33, v32;
	_ =	sdelay $0x1  }
0x3f2: {  	v0 =	vadd.f32 v1, v0;
	v1 =	vmul.f32 v34, v35;
	_ =	sdelay $0x1  }
0x3f3: {  	v0 =	vadd.f32 v1, v0;
	_ =	sdelay $0x1  }
0x3f4: {  	[tilespmem:s19+$0xFFFFFF60] =	vst v0  }
0x3f5: {  	v0 =	vld [tilespmem:s14+$0x1000]  }
0x3f6: {  	v1 =	vld [tilespmem:s14+$0x1010]  }
0x3f7: {  	v2 =	vld [tilespmem:s14+$0xD050]  }
0x3f8: {  	v3 =	vld [tilespmem:s14+$0xD040]  }
0x3f9: {  	v36 =	vld [tilespmem:s14+$0xD060]  }
0x3fa: {  	v37 =	vld [tilespmem:s14+$0x1020]  }
0x3fb: {  	v38 =	vld [tilespmem:s14+$0x1030]  }
0x3fc: {  	v39 =	vld [tilespmem:s14+$0xD070]  }
0x3fd: {  	v1 =	vmul.f32 v1, v2;
	v0 =	vmul.f32 v0, v3;
	_ =	sdelay $0x1  }
0x3fe: {  	v0 =	vadd.f32 v1, v0;
	v1 =	vmul.f32 v37, v36;
	_ =	sdelay $0x1  }
0x3ff: {  	v0 =	vadd.f32 v1, v0;
	v1 =	vmul.f32 v38, v39;
	_ =	sdelay $0x1  }
0x400: {  	v0 =	vadd.f32 v1, v0;
	_ =	sdelay $0x1  }
0x401: {  	[tilespmem:s19+$0xFFFFFF70] =	vst v0  }
0x402: {  	v0 =	vld [tilespmem:s14+$0xD0C0]  }
0x403: {  	v1 =	vld [tilespmem:s14+$0x1080]  }
0x404: {  	v2 =	vld [tilespmem:s14+$0x1090]  }
0x405: {  	v3 =	vld [tilespmem:s14+$0xD0D0]  }
0x406: {  	v40 =	vld [tilespmem:s14+$0xD0E0]  }
0x407: {  	v41 =	vld [tilespmem:s14+$0x10A0]  }
0x408: {  	v42 =	vld [tilespmem:s14+$0x10B0]  }
0x409: {  	v43 =	vld [tilespmem:s14+$0xD0F0]  }
0x40a: {  	v0 =	vmul.f32 v1, v0;
	v1 =	vmul.f32 v2, v3;
	_ =	sdelay $0x1  }
0x40b: {  	v0 =	vadd.f32 v1, v0;
	v1 =	vmul.f32 v41, v40;
	_ =	sdelay $0x1  }
0x40c: {  	v0 =	vadd.f32 v1, v0;
	v1 =	vmul.f32 v42, v43;
	_ =	sdelay $0x1  }
0x40d: {  	v0 =	vadd.f32 v1, v0;
	_ =	sdelay $0x1  }
0x40e: {  	[tilespmem:s19+$0xFFFFFF80] =	vst v0  }
0x40f: {  	v0 =	vld [tilespmem:s14+$0x1100]  }
0x410: {  	v1 =	vld [tilespmem:s14+$0x1110]  }
0x411: {  	v2 =	vld [tilespmem:s14+$0xD140]  }
0x412: {  	v3 =	vld [tilespmem:s14+$0xD150]  }
0x413: {  	v44 =	vld [tilespmem:s14+$0xD160]  }
0x414: {  	v45 =	vld [tilespmem:s14+$0x1120]  }
0x415: {  	v46 =	vld [tilespmem:s14+$0xD170]  }
0x416: {  	v47 =	vld [tilespmem:s14+$0x1130]  }
0x417: {  	v0 =	vmul.f32 v0, v2;
	v1 =	vmul.f32 v1, v3;
	_ =	sdelay $0x1  }
0x418: {  	v0 =	vadd.f32 v1, v0;
	v1 =	vmul.f32 v45, v44;
	_ =	sdelay $0x1  }
0x419: {  	v0 =	vadd.f32 v1, v0;
	v1 =	vmul.f32 v47, v46;
	_ =	sdelay $0x1  }
0x41a: {  	v0 =	vadd.f32 v1, v0;
	_ =	sdelay $0x1  }
0x41b: {  	[tilespmem:s19+$0xFFFFFF90] =	vst v0  }
0x41c: {  	v0 =	vld [tilespmem:s14+$0x1180]  }
0x41d: {  	v1 =	vld [tilespmem:s14+$0x1190]  }
0x41e: {  	v2 =	vld [tilespmem:s14+$0xD1D0]  }
0x41f: {  	v3 =	vld [tilespmem:s14+$0xD1C0]  }
0x420: {  	v48 =	vld [tilespmem:s14+$0xD1E0]  }
0x421: {  	v49 =	vld [tilespmem:s14+$0x11A0]  }
0x422: {  	v50 =	vld [tilespmem:s14+$0xD1F0]  }
0x423: {  	v51 =	vld [tilespmem:s14+$0x11B0]  }
0x424: {  	v1 =	vmul.f32 v1, v2;
	v0 =	vmul.f32 v0, v3;
	_ =	sdelay $0x1  }
0x425: {  	v0 =	vadd.f32 v1, v0;
	v1 =	vmul.f32 v49, v48;
	_ =	sdelay $0x1  }
0x426: {  	v0 =	vadd.f32 v1, v0;
	v1 =	vmul.f32 v51, v50;
	_ =	sdelay $0x1  }
0x427: {  	v0 =	vadd.f32 v1, v0;
	_ =	sdelay $0x1  }
0x428: {  	[tilespmem:s19+$0xFFFFFFA0] =	vst v0  }
0x429: {  	v0 =	vld [tilespmem:s14+$0x1210]  }
0x42a: {  	v1 =	vld [tilespmem:s14+$0x1200]  }
0x42b: {  	v2 =	vld [tilespmem:s14+$0xD240]  }
0x42c: {  	v3 =	vld [tilespmem:s14+$0xD250]  }
0x42d: {  	v52 =	vld [tilespmem:s14+$0xD260]  }
0x42e: {  	v53 =	vld [tilespmem:s14+$0x1220]  }
0x42f: {  	v54 =	vld [tilespmem:s14+$0xD270]  }
0x430: {  	v55 =	vld [tilespmem:s14+$0x1230]  }
0x431: {  	v1 =	vmul.f32 v1, v2;
	v0 =	vmul.f32 v0, v3;
	_ =	sdelay $0x1  }
0x432: {  	v0 =	vadd.f32 v0, v1;
	v1 =	vmul.f32 v53, v52;
	_ =	sdelay $0x1  }
0x433: {  	v0 =	vadd.f32 v1, v0;
	v1 =	vmul.f32 v55, v54;
	_ =	sdelay $0x1  }
0x434: {  	v0 =	vadd.f32 v1, v0;
	_ =	sdelay $0x1  }
0x435: {  	[tilespmem:s19+$0xFFFFFFB0] =	vst v0  }
0x436: {  	v0 =	vld [tilespmem:s14+$0x1280]  }
0x437: {  	v1 =	vld [tilespmem:s14+$0x1290]  }
0x438: {  	v2 =	vld [tilespmem:s14+$0xD2C0]  }
0x439: {  	v3 =	vld [tilespmem:s14+$0xD2D0]  }
0x43a: {  	v56 =	vld [tilespmem:s14+$0xD2E0]  }
0x43b: {  	v57 =	vld [tilespmem:s14+$0x12A0]  }
0x43c: {  	v58 =	vld [tilespmem:s14+$0xD2F0]  }
0x43d: {  	v59 =	vld [tilespmem:s14+$0x12B0]  }
0x43e: {  	v0 =	vmul.f32 v0, v2;
	v1 =	vmul.f32 v1, v3;
	_ =	sdelay $0x1  }
0x43f: {  	v0 =	vadd.f32 v1, v0;
	v1 =	vmul.f32 v57, v56;
	_ =	sdelay $0x1  }
0x440: {  	v0 =	vadd.f32 v1, v0;
	v1 =	vmul.f32 v59, v58;
	_ =	sdelay $0x1  }
0x441: {  	v0 =	vadd.f32 v1, v0;
	_ =	sdelay $0x1  }
0x442: {  	[tilespmem:s19+$0xFFFFFFC0] =	vst v0  }
0x443: {  	v0 =	vld [tilespmem:s14+$0x1300]  }
0x444: {  	v1 =	vld [tilespmem:s14+$0x1310]  }
0x445: {  	v2 =	vld [tilespmem:s14+$0xD340]  }
0x446: {  	v3 =	vld [tilespmem:s14+$0xD350]  }
0x447: {  	v60 =	vld [tilespmem:s14+$0xD360]  }
0x448: {  	v61 =	vld [tilespmem:s14+$0x1320]  }
0x449: {  	v62 =	vld [tilespmem:s14+$0xD370]  }
0x44a: {  	v63 =	vld [tilespmem:s14+$0x1330]  }
0x44b: {  	v0 =	vmul.f32 v0, v2;
	v1 =	vmul.f32 v1, v3;
	_ =	sdelay $0x1  }
0x44c: {  	v0 =	vadd.f32 v1, v0;
	v1 =	vmul.f32 v61, v60;
	_ =	sdelay $0x1  }
0x44d: {  	v0 =	vadd.f32 v1, v0;
	v1 =	vmul.f32 v63, v62;
	_ =	sdelay $0x1  }
0x44e: {  	v0 =	vadd.f32 v1, v0;
	_ =	sdelay $0x1  }
0x44f: {  	[tilespmem:s19+$0xFFFFFFD0] =	vst v0  }
0x450: {  	v0 =	vld [tilespmem:s14+$0x1380]  }
0x451: {  	s18 =	simm.s32 $0x2000;
	s15 =	smov.u32 s19;
	s12 =	smov.u32 s19;
	v1 =	vld [tilespmem:s14+$0x1390]  }
.LBB2_7:
0x452: {  	p1 =	sne.s32 s18, $0xE000  }
0x453: {  	v2 =	vld [tilespmem:s14+$0xD3C0];
	s15 =	sadd.s32 $0x100, s15;
	s20 =	smov.u32 s18;
	s18 =	sadd.s32 $0x2000, s18  }
0x454: {  	v3 =	vld [tilespmem:s14+$0xD3D0]  }
0x455: {  	v4 =	vld [tilespmem:s14+$0xD3E0]  }
0x456: {  	v5 =	vld [tilespmem:s14+$0x13A0]  }
0x457: {  	v6 =	vld [tilespmem:s14+$0xD3F0]  }
0x458: {  	v0 =	vmul.f32 v0, v2;
	v2 =	vld [tilespmem:s14+$0x13B0]  }
0x459: {  	v1 =	vmul.f32 v1, v3;
	_ =	sdelay $0x1  }
0x45a: {  	v0 =	vadd.f32 v1, v0;
	v1 =	vmul.f32 v5, v4;
	_ =	sdelay $0x1  }
0x45b: {  	v0 =	vadd.f32 v1, v0;
	v1 =	vmul.f32 v2, v6;
	_ =	sdelay $0x1  }
0x45c: {  	v0 =	vadd.f32 v1, v0;
	_ =	sdelay $0x1  }
0x45d: {  	[tilespmem:s12+$0xFFFFFFE0] =	vst v0  }
0x45e: {  	v0 =	vld [tilespmem:s14+$0x1400]  }
0x45f: {  	v1 =	vld [tilespmem:s14+$0xD440]  }
0x460: {  	v2 =	vld [tilespmem:s14+$0x1410]  }
0x461: {  	v3 =	vld [tilespmem:s14+$0xD450]  }
0x462: {  	v4 =	vld [tilespmem:s14+$0xD460]  }
0x463: {  	v5 =	vld [tilespmem:s14+$0x1420]  }
0x464: {  	v0 =	vmul.f32 v0, v1;
	v1 =	vld [tilespmem:s14+$0xD470]  }
0x465: {  	v6 =	vld [tilespmem:s14+$0x1430]  }
0x466: {  	v2 =	vmul.f32 v2, v3;
	_ =	sdelay $0x1  }
0x467: {  	v0 =	vadd.f32 v2, v0;
	v2 =	vmul.f32 v5, v4;
	_ =	sdelay $0x1  }
0x468: {  	v0 =	vadd.f32 v2, v0;
	v1 =	vmul.f32 v6, v1;
	_ =	sdelay $0x1  }
0x469: {  	v0 =	vadd.f32 v1, v0;
	_ =	sdelay $0x1  }
0x46a: {  	[tilespmem:s12+$0xFFFFFFF0] =	vst v0  }
0x46b: {  	v0 =	vld [tilespmem:s14+$0xD4E0]  }
0x46c: {  	v1 =	vld [tilespmem:s14+$0xD4C0]  }
0x46d: {  	v2 =	vld [tilespmem:s14+$0x14A0]  }
0x46e: {  	v3 =	vld [tilespmem:s14+$0x1490]  }
0x46f: {  	v4 =	vld [tilespmem:s14+$0x1480]  }
0x470: {  	v5 =	vld [tilespmem:s14+$0xD4D0]  }
0x471: {  	v6 =	vld [tilespmem:s14+$0xD4F0]  }
0x472: {  	v7 =	vld [tilespmem:s14+$0x14B0];
	_ =	sdelay $0x1  }
0x473: {  	v0 =	vmul.f32 v2, v0;
	v1 =	vmul.f32 v4, v1  }
0x474: {  	v2 =	vmul.f32 v3, v5;
	_ =	sdelay $0x1  }
0x475: {  	v1 =	vadd.f32 v2, v1;
	v2 =	vmul.f32 v7, v6;
	_ =	sdelay $0x1  }
0x476: {  	v0 =	vadd.f32 v0, v1;
	_ =	sdelay $0x1  }
0x477: {  	v0 =	vadd.f32 v2, v0;
	_ =	sdelay $0x1  }
0x478: {  	s14 =	sshra.s32 s20, $0x2;
	[tilespmem:s12+$0x0] =	vst v0;
	s12 =	smov.u32 s15  }
0x479: {  	v0 =	vld [tilespmem:s14+$0xD10]  }
0x47a: {  	v1 =	vld [tilespmem:s14+$0xCD40]  }
0x47b: {  	v2 =	vld [tilespmem:s14+$0xCD50]  }
0x47c: {  	v3 =	vld [tilespmem:s14+$0xD00]  }
0x47d: {  	v4 =	vld [tilespmem:s14+$0xD20]  }
0x47e: {  	v5 =	vld [tilespmem:s14+$0xCD60]  }
0x47f: {  	v6 =	vld [tilespmem:s14+$0xD30]  }
0x480: {  	v0 =	vmul.f32 v0, v2;
	v2 =	vld [tilespmem:s14+$0xCD70]  }
0x481: {  	v1 =	vmul.f32 v3, v1;
	_ =	sdelay $0x1  }
0x482: {  	v0 =	vadd.f32 v0, v1;
	v1 =	vmul.f32 v4, v5;
	_ =	sdelay $0x1  }
0x483: {  	v0 =	vadd.f32 v1, v0;
	v1 =	vmul.f32 v6, v2;
	_ =	sdelay $0x1  }
0x484: {  	v0 =	vadd.f32 v1, v0;
	_ =	sdelay $0x1  }
0x485: {  	[tilespmem:s15+$0xFFFFFF10] =	vst v0  }
0x486: {  	v0 =	vld [tilespmem:s14+$0xCDC0]  }
0x487: {  	v1 =	vld [tilespmem:s14+$0xD80]  }
0x488: {  	v2 =	vld [tilespmem:s14+$0xCDD0]  }
0x489: {  	v3 =	vld [tilespmem:s14+$0xD90]  }
0x48a: {  	v4 =	vld [tilespmem:s14+$0xDA0]  }
0x48b: {  	v5 =	vld [tilespmem:s14+$0xCDE0]  }
0x48c: {  	v0 =	vmul.f32 v1, v0;
	v1 =	vld [tilespmem:s14+$0xDB0]  }
0x48d: {  	v6 =	vld [tilespmem:s14+$0xCDF0]  }
0x48e: {  	v2 =	vmul.f32 v3, v2;
	_ =	sdelay $0x1  }
0x48f: {  	v0 =	vadd.f32 v2, v0;
	v2 =	vmul.f32 v4, v5;
	_ =	sdelay $0x1  }
0x490: {  	v0 =	vadd.f32 v2, v0;
	v1 =	vmul.f32 v1, v6;
	_ =	sdelay $0x1  }
0x491: {  	v0 =	vadd.f32 v1, v0;
	_ =	sdelay $0x1  }
0x492: {  	[tilespmem:s15+$0xFFFFFF20] =	vst v0  }
0x493: {  	v0 =	vld [tilespmem:s14+$0xE10]  }
0x494: {  	v1 =	vld [tilespmem:s14+$0xCE40]  }
0x495: {  	v2 =	vld [tilespmem:s14+$0xE00]  }
0x496: {  	v3 =	vld [tilespmem:s14+$0xCE50]  }
0x497: {  	v4 =	vld [tilespmem:s14+$0xE20]  }
0x498: {  	v5 =	vld [tilespmem:s14+$0xCE60]  }
0x499: {  	v6 =	vld [tilespmem:s14+$0xE30]  }
0x49a: {  	v1 =	vmul.f32 v2, v1;
	v2 =	vld [tilespmem:s14+$0xCE70]  }
0x49b: {  	v0 =	vmul.f32 v0, v3;
	_ =	sdelay $0x1  }
0x49c: {  	v0 =	vadd.f32 v0, v1;
	v1 =	vmul.f32 v4, v5;
	_ =	sdelay $0x1  }
0x49d: {  	v0 =	vadd.f32 v1, v0;
	v1 =	vmul.f32 v6, v2;
	_ =	sdelay $0x1  }
0x49e: {  	v0 =	vadd.f32 v1, v0;
	_ =	sdelay $0x1  }
0x49f: {  	[tilespmem:s15+$0xFFFFFF30] =	vst v0  }
0x4a0: {  	v0 =	vld [tilespmem:s14+$0xE90]  }
0x4a1: {  	v1 =	vld [tilespmem:s14+$0xCEC0]  }
0x4a2: {  	v2 =	vld [tilespmem:s14+$0xE80]  }
0x4a3: {  	v3 =	vld [tilespmem:s14+$0xCED0]  }
0x4a4: {  	v4 =	vld [tilespmem:s14+$0xCEE0]  }
0x4a5: {  	v5 =	vld [tilespmem:s14+$0xEA0]  }
0x4a6: {  	v6 =	vld [tilespmem:s14+$0xEB0]  }
0x4a7: {  	v1 =	vmul.f32 v2, v1;
	v2 =	vld [tilespmem:s14+$0xCEF0]  }
0x4a8: {  	v0 =	vmul.f32 v0, v3;
	_ =	sdelay $0x1  }
0x4a9: {  	v0 =	vadd.f32 v0, v1;
	v1 =	vmul.f32 v5, v4;
	_ =	sdelay $0x1  }
0x4aa: {  	v0 =	vadd.f32 v1, v0;
	v1 =	vmul.f32 v6, v2;
	_ =	sdelay $0x1  }
0x4ab: {  	v0 =	vadd.f32 v1, v0;
	_ =	sdelay $0x1  }
0x4ac: {  	[tilespmem:s15+$0xFFFFFF40] =	vst v0  }
0x4ad: {  	v0 =	vld [tilespmem:s14+$0xF00]  }
0x4ae: {  	v1 =	vld [tilespmem:s14+$0xF10]  }
0x4af: {  	v2 =	vld [tilespmem:s14+$0xCF40]  }
0x4b0: {  	v3 =	vld [tilespmem:s14+$0xCF50]  }
0x4b1: {  	v4 =	vld [tilespmem:s14+$0xCF60]  }
0x4b2: {  	v5 =	vld [tilespmem:s14+$0xF20]  }
0x4b3: {  	v6 =	vld [tilespmem:s14+$0xF30]  }
0x4b4: {  	v0 =	vmul.f32 v0, v2;
	v2 =	vld [tilespmem:s14+$0xCF70]  }
0x4b5: {  	v1 =	vmul.f32 v1, v3;
	_ =	sdelay $0x1  }
0x4b6: {  	v0 =	vadd.f32 v1, v0;
	v1 =	vmul.f32 v5, v4;
	_ =	sdelay $0x1  }
0x4b7: {  	v0 =	vadd.f32 v1, v0;
	v1 =	vmul.f32 v6, v2;
	_ =	sdelay $0x1  }
0x4b8: {  	v0 =	vadd.f32 v1, v0;
	_ =	sdelay $0x1  }
0x4b9: {  	[tilespmem:s15+$0xFFFFFF50] =	vst v0  }
0x4ba: {  	v0 =	vld [tilespmem:s14+$0xF80]  }
0x4bb: {  	v1 =	vld [tilespmem:s14+$0xF90]  }
0x4bc: {  	v2 =	vld [tilespmem:s14+$0xCFC0]  }
0x4bd: {  	v3 =	vld [tilespmem:s14+$0xCFD0]  }
0x4be: {  	v4 =	vld [tilespmem:s14+$0xCFE0]  }
0x4bf: {  	v5 =	vld [tilespmem:s14+$0xFA0]  }
0x4c0: {  	v6 =	vld [tilespmem:s14+$0xFB0]  }
0x4c1: {  	v0 =	vmul.f32 v0, v2;
	v2 =	vld [tilespmem:s14+$0xCFF0]  }
0x4c2: {  	v1 =	vmul.f32 v1, v3;
	_ =	sdelay $0x1  }
0x4c3: {  	v0 =	vadd.f32 v1, v0;
	v1 =	vmul.f32 v5, v4;
	_ =	sdelay $0x1  }
0x4c4: {  	v0 =	vadd.f32 v1, v0;
	v1 =	vmul.f32 v6, v2;
	_ =	sdelay $0x1  }
0x4c5: {  	v0 =	vadd.f32 v1, v0;
	_ =	sdelay $0x1  }
0x4c6: {  	[tilespmem:s15+$0xFFFFFF60] =	vst v0  }
0x4c7: {  	v0 =	vld [tilespmem:s14+$0x1000]  }
0x4c8: {  	v1 =	vld [tilespmem:s14+$0x1010]  }
0x4c9: {  	v2 =	vld [tilespmem:s14+$0xD050]  }
0x4ca: {  	v3 =	vld [tilespmem:s14+$0xD040]  }
0x4cb: {  	v4 =	vld [tilespmem:s14+$0xD060]  }
0x4cc: {  	v5 =	vld [tilespmem:s14+$0x1020]  }
0x4cd: {  	v6 =	vld [tilespmem:s14+$0x1030]  }
0x4ce: {  	v1 =	vmul.f32 v1, v2;
	v2 =	vld [tilespmem:s14+$0xD070]  }
0x4cf: {  	v0 =	vmul.f32 v0, v3;
	_ =	sdelay $0x1  }
0x4d0: {  	v0 =	vadd.f32 v1, v0;
	v1 =	vmul.f32 v5, v4;
	_ =	sdelay $0x1  }
0x4d1: {  	v0 =	vadd.f32 v1, v0;
	v1 =	vmul.f32 v6, v2;
	_ =	sdelay $0x1  }
0x4d2: {  	v0 =	vadd.f32 v1, v0;
	_ =	sdelay $0x1  }
0x4d3: {  	[tilespmem:s15+$0xFFFFFF70] =	vst v0  }
0x4d4: {  	v0 =	vld [tilespmem:s14+$0xD0C0]  }
0x4d5: {  	v1 =	vld [tilespmem:s14+$0x1080]  }
0x4d6: {  	v2 =	vld [tilespmem:s14+$0x1090]  }
0x4d7: {  	v3 =	vld [tilespmem:s14+$0xD0D0]  }
0x4d8: {  	v4 =	vld [tilespmem:s14+$0xD0E0]  }
0x4d9: {  	v5 =	vld [tilespmem:s14+$0x10A0]  }
0x4da: {  	v0 =	vmul.f32 v1, v0;
	v1 =	vld [tilespmem:s14+$0x10B0]  }
0x4db: {  	v6 =	vld [tilespmem:s14+$0xD0F0]  }
0x4dc: {  	v2 =	vmul.f32 v2, v3;
	_ =	sdelay $0x1  }
0x4dd: {  	v0 =	vadd.f32 v2, v0;
	v2 =	vmul.f32 v5, v4;
	_ =	sdelay $0x1  }
0x4de: {  	v0 =	vadd.f32 v2, v0;
	v1 =	vmul.f32 v1, v6;
	_ =	sdelay $0x1  }
0x4df: {  	v0 =	vadd.f32 v1, v0;
	_ =	sdelay $0x1  }
0x4e0: {  	[tilespmem:s15+$0xFFFFFF80] =	vst v0  }
0x4e1: {  	v0 =	vld [tilespmem:s14+$0x1100]  }
0x4e2: {  	v1 =	vld [tilespmem:s14+$0x1110]  }
0x4e3: {  	v2 =	vld [tilespmem:s14+$0xD140]  }
0x4e4: {  	v3 =	vld [tilespmem:s14+$0xD150]  }
0x4e5: {  	v4 =	vld [tilespmem:s14+$0xD160]  }
0x4e6: {  	v5 =	vld [tilespmem:s14+$0x1120]  }
0x4e7: {  	v6 =	vld [tilespmem:s14+$0xD170]  }
0x4e8: {  	v0 =	vmul.f32 v0, v2;
	v2 =	vld [tilespmem:s14+$0x1130]  }
0x4e9: {  	v1 =	vmul.f32 v1, v3;
	_ =	sdelay $0x1  }
0x4ea: {  	v0 =	vadd.f32 v1, v0;
	v1 =	vmul.f32 v5, v4;
	_ =	sdelay $0x1  }
0x4eb: {  	v0 =	vadd.f32 v1, v0;
	v1 =	vmul.f32 v2, v6;
	_ =	sdelay $0x1  }
0x4ec: {  	v0 =	vadd.f32 v1, v0;
	_ =	sdelay $0x1  }
0x4ed: {  	[tilespmem:s15+$0xFFFFFF90] =	vst v0  }
0x4ee: {  	v0 =	vld [tilespmem:s14+$0x1180]  }
0x4ef: {  	v1 =	vld [tilespmem:s14+$0x1190]  }
0x4f0: {  	v2 =	vld [tilespmem:s14+$0xD1D0]  }
0x4f1: {  	v3 =	vld [tilespmem:s14+$0xD1C0]  }
0x4f2: {  	v4 =	vld [tilespmem:s14+$0xD1E0]  }
0x4f3: {  	v5 =	vld [tilespmem:s14+$0x11A0]  }
0x4f4: {  	v6 =	vld [tilespmem:s14+$0xD1F0]  }
0x4f5: {  	v1 =	vmul.f32 v1, v2;
	v2 =	vld [tilespmem:s14+$0x11B0]  }
0x4f6: {  	v0 =	vmul.f32 v0, v3;
	_ =	sdelay $0x1  }
0x4f7: {  	v0 =	vadd.f32 v1, v0;
	v1 =	vmul.f32 v5, v4;
	_ =	sdelay $0x1  }
0x4f8: {  	v0 =	vadd.f32 v1, v0;
	v1 =	vmul.f32 v2, v6;
	_ =	sdelay $0x1  }
0x4f9: {  	v0 =	vadd.f32 v1, v0;
	_ =	sdelay $0x1  }
0x4fa: {  	[tilespmem:s15+$0xFFFFFFA0] =	vst v0  }
0x4fb: {  	v0 =	vld [tilespmem:s14+$0x1210]  }
0x4fc: {  	v1 =	vld [tilespmem:s14+$0x1200]  }
0x4fd: {  	v2 =	vld [tilespmem:s14+$0xD240]  }
0x4fe: {  	v3 =	vld [tilespmem:s14+$0xD250]  }
0x4ff: {  	v4 =	vld [tilespmem:s14+$0xD260]  }
0x500: {  	v5 =	vld [tilespmem:s14+$0x1220]  }
0x501: {  	v6 =	vld [tilespmem:s14+$0xD270]  }
0x502: {  	v1 =	vmul.f32 v1, v2;
	v2 =	vld [tilespmem:s14+$0x1230]  }
0x503: {  	v0 =	vmul.f32 v0, v3;
	_ =	sdelay $0x1  }
0x504: {  	v0 =	vadd.f32 v0, v1;
	v1 =	vmul.f32 v5, v4;
	_ =	sdelay $0x1  }
0x505: {  	v0 =	vadd.f32 v1, v0;
	v1 =	vmul.f32 v2, v6;
	_ =	sdelay $0x1  }
0x506: {  	v0 =	vadd.f32 v1, v0;
	_ =	sdelay $0x1  }
0x507: {  	[tilespmem:s15+$0xFFFFFFB0] =	vst v0  }
0x508: {  	v0 =	vld [tilespmem:s14+$0x1280]  }
0x509: {  	v1 =	vld [tilespmem:s14+$0x1290]  }
0x50a: {  	v2 =	vld [tilespmem:s14+$0xD2C0]  }
0x50b: {  	v3 =	vld [tilespmem:s14+$0xD2D0]  }
0x50c: {  	v4 =	vld [tilespmem:s14+$0xD2E0]  }
0x50d: {  	v5 =	vld [tilespmem:s14+$0x12A0]  }
0x50e: {  	v6 =	vld [tilespmem:s14+$0xD2F0]  }
0x50f: {  	v0 =	vmul.f32 v0, v2;
	v2 =	vld [tilespmem:s14+$0x12B0]  }
0x510: {  	v1 =	vmul.f32 v1, v3;
	_ =	sdelay $0x1  }
0x511: {  	v0 =	vadd.f32 v1, v0;
	v1 =	vmul.f32 v5, v4;
	_ =	sdelay $0x1  }
0x512: {  	v0 =	vadd.f32 v1, v0;
	v1 =	vmul.f32 v2, v6;
	_ =	sdelay $0x1  }
0x513: {  	v0 =	vadd.f32 v1, v0;
	_ =	sdelay $0x1  }
0x514: {  	[tilespmem:s15+$0xFFFFFFC0] =	vst v0  }
0x515: {  	v0 =	vld [tilespmem:s14+$0x1300]  }
0x516: {  	v1 =	vld [tilespmem:s14+$0x1310]  }
0x517: {  	v2 =	vld [tilespmem:s14+$0xD340]  }
0x518: {  	v3 =	vld [tilespmem:s14+$0xD350]  }
0x519: {  	v4 =	vld [tilespmem:s14+$0xD360]  }
0x51a: {  	v5 =	vld [tilespmem:s14+$0x1320]  }
0x51b: {  	v6 =	vld [tilespmem:s14+$0xD370]  }
0x51c: {  	v0 =	vmul.f32 v0, v2;
	v2 =	vld [tilespmem:s14+$0x1330]  }
0x51d: {  	v1 =	vmul.f32 v1, v3;
	_ =	sdelay $0x1  }
0x51e: {  	v0 =	vadd.f32 v1, v0;
	v1 =	vmul.f32 v5, v4;
	_ =	sdelay $0x1  }
0x51f: {  	v0 =	vadd.f32 v1, v0;
	v1 =	vmul.f32 v2, v6;
	_ =	sdelay $0x1  }
.Ltmp4:
0x520: {  	v0 =	vadd.f32 v1, v0;
	(pc) =	sbr.rel @p1 .LBB2_7-.Ltmp4, $4  }
0x521: {  	_ = 	snop  }
0x522: {  	[tilespmem:s15+$0xFFFFFFD0] =	vst v0  }
0x523: {  	v0 =	vld [tilespmem:s14+$0x1380]  }
0x524: {  	v1 =	vld [tilespmem:s14+$0x1390]  }
0x525: {  	v2 =	vld [tilespmem:s14+$0xD3C0]  }
0x526: {  	v3 =	vld [tilespmem:s14+$0xD3D0]  }
0x527: {  	v4 =	vld [tilespmem:s14+$0xD3E0]  }
0x528: {  	v5 =	vld [tilespmem:s14+$0x13A0]  }
0x529: {  	v6 =	vld [tilespmem:s14+$0xD3F0]  }
0x52a: {  	v7 =	vld [tilespmem:s14+$0x13B0]  }
0x52b: {  	v0 =	vmul.f32 v0, v2;
	v1 =	vmul.f32 v1, v3;
	_ =	sdelay $0x1  }
0x52c: {  	v43 =	vmul.f32 v5, v4;
	v0 =	vadd.f32 v1, v0;
	_ =	sdelay $0x1  }
0x52d: {  	v44 =	vmul.f32 v7, v6;
	v0 =	vadd.f32 v43, v0;
	_ =	sdelay $0x1  }
0x52e: {  	v0 =	vadd.f32 v44, v0;
	_ =	sdelay $0x1  }
0x52f: {  	[tilespmem:s12+$0xFFFFFFE0] =	vst v0  }
0x530: {  	v0 =	vld [tilespmem:s14+$0x1400]  }
0x531: {  	v45 =	vld [tilespmem:s14+$0xD440]  }
0x532: {  	v46 =	vld [tilespmem:s14+$0x1410]  }
0x533: {  	v47 =	vld [tilespmem:s14+$0xD450]  }
0x534: {  	v48 =	vld [tilespmem:s14+$0xD460]  }
0x535: {  	v49 =	vld [tilespmem:s14+$0x1420]  }
0x536: {  	v50 =	vld [tilespmem:s14+$0xD470]  }
0x537: {  	v51 =	vld [tilespmem:s14+$0x1430]  }
0x538: {  	v0 =	vmul.f32 v0, v45;
	v52 =	vmul.f32 v46, v47;
	_ =	sdelay $0x1  }
0x539: {  	v53 =	vmul.f32 v49, v48;
	v0 =	vadd.f32 v52, v0;
	_ =	sdelay $0x1  }
0x53a: {  	v54 =	vmul.f32 v51, v50;
	v0 =	vadd.f32 v53, v0;
	_ =	sdelay $0x1  }
0x53b: {  	v0 =	vadd.f32 v54, v0;
	_ =	sdelay $0x1  }
0x53c: {  	[tilespmem:s12+$0xFFFFFFF0] =	vst v0  }
0x53d: {  	v0 =	vld [tilespmem:s14+$0xD4C0]  }
0x53e: {  	v55 =	vld [tilespmem:s14+$0x1490]  }
0x53f: {  	v56 =	vld [tilespmem:s14+$0x1480]  }
0x540: {  	v57 =	vld [tilespmem:s14+$0xD4D0]  }
0x541: {  	v58 =	vld [tilespmem:s14+$0xD4E0]  }
0x542: {  	v59 =	vld [tilespmem:s14+$0x14A0]  }
0x543: {  	v60 =	vld [tilespmem:s14+$0xD4F0]  }
0x544: {  	v61 =	vld [tilespmem:s14+$0x14B0]  }
0x545: {  	v0 =	vmul.f32 v56, v0;
	v1 =	vmul.f32 v55, v57;
	_ =	sdelay $0x1  }
0x546: {  	v62 =	vmul.f32 v59, v58;
	v0 =	vadd.f32 v1, v0;
	_ =	sdelay $0x1  }
.Ltmp5:
0x547: {  	v63 =	vmul.f32 v61, v60;
	v0 =	vadd.f32 v62, v0;
	(pc) =	sbr.rel @p0 .LBB2_10-.Ltmp5, $3  }
0x548: {  	_ = 	snop  }
0x549: {  	v0 =	vadd.f32 v63, v0;
	_ =	sdelay $0x1  }
0x54a: {  	[tilespmem:s12+$0x0] =	vst v0  }
.Ltmp6:
0x54b: {  	(pc) =	sbr.rel .LBB2_4-.Ltmp6, $4  }
0x54c: {  	_ = 	snop  }
0x54d: {  	s12 =	sshrl.u32 s13, $0x2;
	s0 =	sadd.s32 $0x1, s0  }
0x54e: {  	s2 =	sadd.s32 $0x1000, s2;
	s19 =	sadd.s32 $0x1000, s19;
	s12 =	sadd.s32 $0x280, s12  }
0x54f: {  	[tilespmem:s21], [sflag:$0x4] =	stream.indirect.gather [hbm4b:s1+s11], $0x80, s12, s11, $0xb8;
	[tilespmem:$0x1ED00] =	vst v63  }
.LBB2_11:
0x550: {  	_ =	sfence.sel $0x180000  }
0x551: {  	[bflag:$0x0] =	sbarrier.arrive $0xFFFF  }
0x552: {  	_ =	strace $0x90000047  }
0x553: {  	s0 =	stileid.u32;
	[bflag:$0x2] =	sbarrier.arrive $0xFFFF  }
0x554: {  	p0 =	sne.s32 s0, $0x0;
	s0 =	rddreg [dreg:$0x5]  }
0x555: {  	s0 =	sadd.s32 @!p0 $0x100000, s0  }
0x556: {  	[sflag:s0] =	ssyncadd.tile.s32 @!p0 $0x1;
	_ =	shalt  }
.Lfunc_end2:
_tile_overlayer_lowered:
.L_overlay_start_2:
0x557: {  	(tag) =	ssettag $0x2  }
0x558: {  	s0 =	rddreg [dreg:$0x0];
	s2 =	stileid.u32  }
0x559: {  	s1 =	rddreg [dreg:$0x1];
	p0 =	sne.s32 s2, $0x0  }
0x55a: {  	s3 =	rddreg [dreg:$0x2];
	[bflag:$0x3] =	sbarrier.arrive $0xFFFF;
	s2 =	simm.s32 @!p0 $0x1C05  }
0x55b: {  	[timem:s3], [sflag:s2] =	dma.local @!p0 [hbm:s0], s1  }
0x55c: {  	s0 =	simm.s32 @!p0 $0x5  }
0x55d: {  	_ =	swait.ge @!p0 [sflag:s0], s1  }
0x55e: {  	s1 =	ssub.s32 @!p0 $0x0, s1;
	[sflag:s0] =	ssyncset.done @!p0 $0x0  }
0x55f: {  	[sflag:s0] =	ssyncadd.s32 @!p0 s1  }
0x560: {  	[bflag:$0x3] =	sbarrier.arrive $0xFFFF  }
0x561: {  	_ =	shalt  }

</sc_bundles>
